<compile_context>
chip_gen: v7x
topology: tpu7x:2x2x1
jax: 0.10.2.dev20260603
libtpu: 0.0.44.dev20260713+nightly
codegen_flags: <defaults>
</compile_context>

<pallas_src>
import functools

import jax
import jax.numpy as jnp
from jax import lax
from jax.experimental import pallas as pl
from jax.experimental.pallas import tpu as pltpu
from jax.experimental.pallas import tpu_sc as plsc

NC = 2
NS = 16
L = 16
NW = NC * NS

D = 128
C = 128


def _dist_mult_body(si_hbm, pi_hbm, oi_hbm, nodes_hbm, rel_hbm, out_hbm,
                    si_v, pi_v, oi_v, s0, p0, o0, s1, p1, o1, out_v,
                    sem0, sem1):
    bpw = out_v.shape[0]
    nchunk = bpw // C
    wid = lax.axis_index("s") * NC + lax.axis_index("c")
    base = wid * bpw
    row_ids = lax.iota(jnp.int32, L)
    bufs = ((s0, p0, o0, sem0), (s1, p1, o1, sem1))

    pltpu.sync_copy(si_hbm.at[pl.ds(base, bpw)], si_v)
    pltpu.sync_copy(pi_hbm.at[pl.ds(base, bpw)], pi_v)
    pltpu.sync_copy(oi_hbm.at[pl.ds(base, bpw)], oi_v)

    def fire(c):
        s_b, p_b, o_b, sem = bufs[c % 2]
        return (
            pltpu.async_copy(nodes_hbm.at[si_v.at[pl.ds(c * C, C)]], s_b, sem),
            pltpu.async_copy(rel_hbm.at[pi_v.at[pl.ds(c * C, C)]], p_b, sem),
            pltpu.async_copy(nodes_hbm.at[oi_v.at[pl.ds(c * C, C)]], o_b, sem),
        )

    inflight = fire(0)
    for c in range(nchunk):
        for cp in inflight:
            cp.wait()
        if c + 1 < nchunk:
            inflight = fire(c + 1)
        s_b, p_b, o_b, _ = bufs[c % 2]

        def group_body(g, carry, c=c, s_b=s_b, p_b=p_b, o_b=o_b):
            rows = row_ids + g * L

            def dblock(db, accs):
                accs = list(accs)
                dbase = db * 32
                for u in range(32):
                    cols = (row_ids + u + dbase) & (D - 1)
                    sv = plsc.load_gather(s_b, [rows, cols])
                    pv = plsc.load_gather(p_b, [rows, cols])
                    ov = plsc.load_gather(o_b, [rows, cols])
                    accs[u % 4] = accs[u % 4] + sv * pv * ov
                return tuple(accs)

            zero = jnp.zeros((L,), jnp.float32)
            accs = lax.fori_loop(0, D // 32, dblock,
                                 (zero, zero, zero, zero))
            acc = (accs[0] + accs[1]) + (accs[2] + accs[3])
            out_v[pl.ds(c * C + g * L, L)] = acc
            return carry

        lax.fori_loop(0, C // L, group_body, 0)

    pltpu.sync_copy(out_v, out_hbm.at[pl.ds(base, bpw)])


def kernel(triples, nodes, relations):
    b = triples.shape[0]
    bpw = b // NW
    si = triples[:, 0].astype(jnp.int32)
    pi = triples[:, 1].astype(jnp.int32)
    oi = triples[:, 2].astype(jnp.int32)

    mesh = plsc.VectorSubcoreMesh(core_axis_name="c", subcore_axis_name="s")
    run = pl.kernel(
        _dist_mult_body,
        out_type=jax.ShapeDtypeStruct((b,), jnp.float32),
        mesh=mesh,
        compiler_params=pltpu.CompilerParams(needs_layout_passes=False),
        scratch_types=[
            pltpu.VMEM((bpw,), jnp.int32),
            pltpu.VMEM((bpw,), jnp.int32),
            pltpu.VMEM((bpw,), jnp.int32),
            pltpu.VMEM((C, D), jnp.float32),
            pltpu.VMEM((C, D), jnp.float32),
            pltpu.VMEM((C, D), jnp.float32),
            pltpu.VMEM((C, D), jnp.float32),
            pltpu.VMEM((C, D), jnp.float32),
            pltpu.VMEM((C, D), jnp.float32),
            pltpu.VMEM((bpw,), jnp.float32),
            pltpu.SemaphoreType.DMA,
            pltpu.SemaphoreType.DMA,
        ],
    )
    return run(si, pi, oi, nodes, relations)

# --- scband reference (transcript-rebuilt; emitter-appended) ---
"""Pipeline reference for scband-dist-mult-57071525429462 (READ-ONLY COPY).

The authoritative reference and input builder live on the scoring server;
editing this copy changes nothing except your own understanding.
"""

import jax, jax.numpy as jnp
import numpy as np


def setup_inputs(seed: int = 0) -> dict:
    key = jax.random.key(seed)
    k1, k2, k3 = jax.random.split(key, 3)
    triples = jax.random.randint(k1, (16384, 3), 0, 1000, dtype=jnp.int64)
    nodes = jax.random.normal(k2, (100000, 128), dtype=jnp.float32)
    relations = jax.random.normal(k3, (1000, 128), dtype=jnp.float32)
    return {"triples": triples, "nodes": nodes, "relations": relations}


def reference(triples, nodes, relations):
    # DistMult score, forward=True: (s, p, o) = (col 0, col 1, col 2)
    si = triples[:, 0]
    pi = triples[:, 1]
    oi = triples[:, 2]
    s = jnp.take(nodes, si, axis=0)
    p = jnp.take(relations, pi, axis=0)
    o = jnp.take(nodes, oi, axis=0)
    return (s * p * o).sum(axis=1)

if __name__ == "__main__":
    import jax
    _d = setup_inputs()
    print(jax.jit(kernel)(*tuple(_d.values())))

</pallas_src>

<mosaic_0001>
#map = affine_map<(d0, d1) -> (0)>
#map1 = affine_map<(d0, d1) -> (0, 0)>
module attributes {stable_mosaic.version = 14 : i64} {
  func.func @_dist_mult_body(%arg0: i32, %arg1: i32, %arg2: memref<16384xi32, #tpu.memory_space<hbm>>, %arg3: memref<16384xi32, #tpu.memory_space<hbm>>, %arg4: memref<16384xi32, #tpu.memory_space<hbm>>, %arg5: memref<100000x128xf32, #tpu.memory_space<hbm>>, %arg6: memref<1000x128xf32, #tpu.memory_space<hbm>>, %arg7: memref<16384xf32, #tpu.memory_space<hbm>>, %arg8: memref<512xi32, #tpu.memory_space<vmem>>, %arg9: memref<512xi32, #tpu.memory_space<vmem>>, %arg10: memref<512xi32, #tpu.memory_space<vmem>>, %arg11: memref<128x128xf32, #tpu.memory_space<vmem>>, %arg12: memref<128x128xf32, #tpu.memory_space<vmem>>, %arg13: memref<128x128xf32, #tpu.memory_space<vmem>>, %arg14: memref<128x128xf32, #tpu.memory_space<vmem>>, %arg15: memref<128x128xf32, #tpu.memory_space<vmem>>, %arg16: memref<128x128xf32, #tpu.memory_space<vmem>>, %arg17: memref<512xf32, #tpu.memory_space<vmem>>, %arg18: memref<!tpu.dma_semaphore, #tpu.memory_space<semaphore_mem>>, %arg19: memref<!tpu.dma_semaphore, #tpu.memory_space<semaphore_mem>>) attributes {dimension_semantics = [#tpu.dimension_semantics<core_parallel>, #tpu.dimension_semantics<subcore_parallel>], iteration_bounds = array<i64: 2, 16>, scalar_prefetch = 0 : i64, scratch_operands = 12 : i64, tpu.core_type = #tpu.core_type<sc_vector_subcore>, window_params = [{transform_indices = #map}, {transform_indices = #map}, {transform_indices = #map}, {transform_indices = #map1}, {transform_indices = #map1}, {transform_indices = #map}]} {
    %mul3A = arith.constant 2 : i32
    %mul3A_0 = arith.muli %arg1, %mul3A : i32
    %add3A = arith.addi %mul3A_0, %arg0 : i32
    %mul3A_1 = arith.constant 512 : i32
    %mul3A_2 = arith.muli %add3A, %mul3A_1 : i32
    %iota3A = tpu.iota {dimensions = array<i32: 0>} : vector<16xi32>
    "tpu.region"() ({
      %run_scoped3A = tpu.sem_alloc : memref<!tpu.dma_semaphore, #tpu.memory_space<semaphore_mem>>
      %dma_start3A_144 = tpu.memref_slice %arg2[%mul3A_2] : memref<16384xi32, #tpu.memory_space<hbm>> -> memref<512xi32, #tpu.memory_space<hbm>>
      %dma_start3A_145 = tpu.memref_slice %arg2[%mul3A_2] : memref<16384xi32, #tpu.memory_space<hbm>> -> memref<512xi32, #tpu.memory_space<hbm>>
      tpu.enqueue_dma source(%dma_start3A_145 : memref<512xi32, #tpu.memory_space<hbm>>) target(%arg8 : memref<512xi32, #tpu.memory_space<vmem>>) target_semaphore(%run_scoped3A : memref<!tpu.dma_semaphore, #tpu.memory_space<semaphore_mem>>)
      %dma_wait3A_146 = tpu.memref_slice %arg2[%mul3A_2] : memref<16384xi32, #tpu.memory_space<hbm>> -> memref<512xi32, #tpu.memory_space<hbm>>
      %dma_wait3A_147 = tpu.memref_slice %arg2[%mul3A_2] : memref<16384xi32, #tpu.memory_space<hbm>> -> memref<512xi32, #tpu.memory_space<hbm>>
      tpu.wait_dma2 semaphore(%run_scoped3A : memref<!tpu.dma_semaphore, #tpu.memory_space<semaphore_mem>>) src(%dma_wait3A_147 : memref<512xi32, #tpu.memory_space<hbm>>) dst(%arg8 : memref<512xi32, #tpu.memory_space<vmem>>)
      tpu.yield
    }) : () -> ()
    "tpu.region"() ({
      %run_scoped3A = tpu.sem_alloc : memref<!tpu.dma_semaphore, #tpu.memory_space<semaphore_mem>>
      %dma_start3A_144 = tpu.memref_slice %arg3[%mul3A_2] : memref<16384xi32, #tpu.memory_space<hbm>> -> memref<512xi32, #tpu.memory_space<hbm>>
      %dma_start3A_145 = tpu.memref_slice %arg3[%mul3A_2] : memref<16384xi32, #tpu.memory_space<hbm>> -> memref<512xi32, #tpu.memory_space<hbm>>
      tpu.enqueue_dma source(%dma_start3A_145 : memref<512xi32, #tpu.memory_space<hbm>>) target(%arg9 : memref<512xi32, #tpu.memory_space<vmem>>) target_semaphore(%run_scoped3A : memref<!tpu.dma_semaphore, #tpu.memory_space<semaphore_mem>>)
      %dma_wait3A_146 = tpu.memref_slice %arg3[%mul3A_2] : memref<16384xi32, #tpu.memory_space<hbm>> -> memref<512xi32, #tpu.memory_space<hbm>>
      %dma_wait3A_147 = tpu.memref_slice %arg3[%mul3A_2] : memref<16384xi32, #tpu.memory_space<hbm>> -> memref<512xi32, #tpu.memory_space<hbm>>
      tpu.wait_dma2 semaphore(%run_scoped3A : memref<!tpu.dma_semaphore, #tpu.memory_space<semaphore_mem>>) src(%dma_wait3A_147 : memref<512xi32, #tpu.memory_space<hbm>>) dst(%arg9 : memref<512xi32, #tpu.memory_space<vmem>>)
      tpu.yield
    }) : () -> ()
    "tpu.region"() ({
      %run_scoped3A = tpu.sem_alloc : memref<!tpu.dma_semaphore, #tpu.memory_space<semaphore_mem>>
      %dma_start3A_144 = tpu.memref_slice %arg4[%mul3A_2] : memref<16384xi32, #tpu.memory_space<hbm>> -> memref<512xi32, #tpu.memory_space<hbm>>
      %dma_start3A_145 = tpu.memref_slice %arg4[%mul3A_2] : memref<16384xi32, #tpu.memory_space<hbm>> -> memref<512xi32, #tpu.memory_space<hbm>>
      tpu.enqueue_dma source(%dma_start3A_145 : memref<512xi32, #tpu.memory_space<hbm>>) target(%arg10 : memref<512xi32, #tpu.memory_space<vmem>>) target_semaphore(%run_scoped3A : memref<!tpu.dma_semaphore, #tpu.memory_space<semaphore_mem>>)
      %dma_wait3A_146 = tpu.memref_slice %arg4[%mul3A_2] : memref<16384xi32, #tpu.memory_space<hbm>> -> memref<512xi32, #tpu.memory_space<hbm>>
      %dma_wait3A_147 = tpu.memref_slice %arg4[%mul3A_2] : memref<16384xi32, #tpu.memory_space<hbm>> -> memref<512xi32, #tpu.memory_space<hbm>>
      tpu.wait_dma2 semaphore(%run_scoped3A : memref<!tpu.dma_semaphore, #tpu.memory_space<semaphore_mem>>) src(%dma_wait3A_147 : memref<512xi32, #tpu.memory_space<hbm>>) dst(%arg10 : memref<512xi32, #tpu.memory_space<vmem>>)
      tpu.yield
    }) : () -> ()
    %dma_start3A = arith.constant 0 : i32
    %dma_start3A_3 = tpu.memref_slice %arg8[%dma_start3A] : memref<512xi32, #tpu.memory_space<vmem>> -> memref<128xi32, #tpu.memory_space<vmem>>
    %dma_start3A_4 = arith.constant 0 : i32
    %dma_start3A_5 = arith.constant 0 : i32
    %dma_start3A_6 = tpu.memref_slice %arg5[%dma_start3A_4, %dma_start3A_5] : memref<100000x128xf32, #tpu.memory_space<hbm>> -> memref<100000x128xf32, #tpu.memory_space<hbm>>
    tpu.enqueue_indirect_dma source(%dma_start3A_6 : memref<100000x128xf32, #tpu.memory_space<hbm>>) target(%arg11 : memref<128x128xf32, #tpu.memory_space<vmem>>) offsets(%dma_start3A_3 : memref<128xi32, #tpu.memory_space<vmem>>) semaphore(%arg18 : memref<!tpu.dma_semaphore, #tpu.memory_space<semaphore_mem>>)
    %dma_start3A_7 = arith.constant 0 : i32
    %dma_start3A_8 = tpu.memref_slice %arg9[%dma_start3A_7] : memref<512xi32, #tpu.memory_space<vmem>> -> memref<128xi32, #tpu.memory_space<vmem>>
    %dma_start3A_9 = arith.constant 0 : i32
    %dma_start3A_10 = arith.constant 0 : i32
    %dma_start3A_11 = tpu.memref_slice %arg6[%dma_start3A_9, %dma_start3A_10] : memref<1000x128xf32, #tpu.memory_space<hbm>> -> memref<1000x128xf32, #tpu.memory_space<hbm>>
    tpu.enqueue_indirect_dma source(%dma_start3A_11 : memref<1000x128xf32, #tpu.memory_space<hbm>>) target(%arg12 : memref<128x128xf32, #tpu.memory_space<vmem>>) offsets(%dma_start3A_8 : memref<128xi32, #tpu.memory_space<vmem>>) semaphore(%arg18 : memref<!tpu.dma_semaphore, #tpu.memory_space<semaphore_mem>>)
    %dma_start3A_12 = arith.constant 0 : i32
    %dma_start3A_13 = tpu.memref_slice %arg10[%dma_start3A_12] : memref<512xi32, #tpu.memory_space<vmem>> -> memref<128xi32, #tpu.memory_space<vmem>>
    %dma_start3A_14 = arith.constant 0 : i32
    %dma_start3A_15 = arith.constant 0 : i32
    %dma_start3A_16 = tpu.memref_slice %arg5[%dma_start3A_14, %dma_start3A_15] : memref<100000x128xf32, #tpu.memory_space<hbm>> -> memref<100000x128xf32, #tpu.memory_space<hbm>>
    tpu.enqueue_indirect_dma source(%dma_start3A_16 : memref<100000x128xf32, #tpu.memory_space<hbm>>) target(%arg13 : memref<128x128xf32, #tpu.memory_space<vmem>>) offsets(%dma_start3A_13 : memref<128xi32, #tpu.memory_space<vmem>>) semaphore(%arg18 : memref<!tpu.dma_semaphore, #tpu.memory_space<semaphore_mem>>)
    %dma_wait3A = arith.constant 0 : i32
    %dma_wait3A_17 = tpu.memref_slice %arg8[%dma_wait3A] : memref<512xi32, #tpu.memory_space<vmem>> -> memref<128xi32, #tpu.memory_space<vmem>>
    %dma_wait3A_18 = arith.constant 0 : i32
    %dma_wait3A_19 = arith.constant 0 : i32
    %dma_wait3A_20 = tpu.memref_slice %arg5[%dma_wait3A_18, %dma_wait3A_19] : memref<100000x128xf32, #tpu.memory_space<hbm>> -> memref<100000x128xf32, #tpu.memory_space<hbm>>
    tpu.wait_indirect_dma semaphore(%arg18 : memref<!tpu.dma_semaphore, #tpu.memory_space<semaphore_mem>>) src(%dma_wait3A_20 : memref<100000x128xf32, #tpu.memory_space<hbm>>) dst(%arg11 : memref<128x128xf32, #tpu.memory_space<vmem>>)
    %dma_wait3A_21 = arith.constant 0 : i32
    %dma_wait3A_22 = tpu.memref_slice %arg9[%dma_wait3A_21] : memref<512xi32, #tpu.memory_space<vmem>> -> memref<128xi32, #tpu.memory_space<vmem>>
    %dma_wait3A_23 = arith.constant 0 : i32
    %dma_wait3A_24 = arith.constant 0 : i32
    %dma_wait3A_25 = tpu.memref_slice %arg6[%dma_wait3A_23, %dma_wait3A_24] : memref<1000x128xf32, #tpu.memory_space<hbm>> -> memref<1000x128xf32, #tpu.memory_space<hbm>>
    tpu.wait_indirect_dma semaphore(%arg18 : memref<!tpu.dma_semaphore, #tpu.memory_space<semaphore_mem>>) src(%dma_wait3A_25 : memref<1000x128xf32, #tpu.memory_space<hbm>>) dst(%arg12 : memref<128x128xf32, #tpu.memory_space<vmem>>)
    %dma_wait3A_26 = arith.constant 0 : i32
    %dma_wait3A_27 = tpu.memref_slice %arg10[%dma_wait3A_26] : memref<512xi32, #tpu.memory_space<vmem>> -> memref<128xi32, #tpu.memory_space<vmem>>
    %dma_wait3A_28 = arith.constant 0 : i32
    %dma_wait3A_29 = arith.constant 0 : i32
    %dma_wait3A_30 = tpu.memref_slice %arg5[%dma_wait3A_28, %dma_wait3A_29] : memref<100000x128xf32, #tpu.memory_space<hbm>> -> memref<100000x128xf32, #tpu.memory_space<hbm>>
    tpu.wait_indirect_dma semaphore(%arg18 : memref<!tpu.dma_semaphore, #tpu.memory_space<semaphore_mem>>) src(%dma_wait3A_30 : memref<100000x128xf32, #tpu.memory_space<hbm>>) dst(%arg13 : memref<128x128xf32, #tpu.memory_space<vmem>>)
    %dma_start3A_31 = arith.constant 128 : i32
    %dma_start3A_32 = tpu.memref_slice %arg8[%dma_start3A_31] : memref<512xi32, #tpu.memory_space<vmem>> -> memref<128xi32, #tpu.memory_space<vmem>>
    %dma_start3A_33 = arith.constant 0 : i32
    %dma_start3A_34 = arith.constant 0 : i32
    %dma_start3A_35 = tpu.memref_slice %arg5[%dma_start3A_33, %dma_start3A_34] : memref<100000x128xf32, #tpu.memory_space<hbm>> -> memref<100000x128xf32, #tpu.memory_space<hbm>>
    tpu.enqueue_indirect_dma source(%dma_start3A_35 : memref<100000x128xf32, #tpu.memory_space<hbm>>) target(%arg14 : memref<128x128xf32, #tpu.memory_space<vmem>>) offsets(%dma_start3A_32 : memref<128xi32, #tpu.memory_space<vmem>>) semaphore(%arg19 : memref<!tpu.dma_semaphore, #tpu.memory_space<semaphore_mem>>)
    %dma_start3A_36 = arith.constant 128 : i32
    %dma_start3A_37 = tpu.memref_slice %arg9[%dma_start3A_36] : memref<512xi32, #tpu.memory_space<vmem>> -> memref<128xi32, #tpu.memory_space<vmem>>
    %dma_start3A_38 = arith.constant 0 : i32
    %dma_start3A_39 = arith.constant 0 : i32
    %dma_start3A_40 = tpu.memref_slice %arg6[%dma_start3A_38, %dma_start3A_39] : memref<1000x128xf32, #tpu.memory_space<hbm>> -> memref<1000x128xf32, #tpu.memory_space<hbm>>
    tpu.enqueue_indirect_dma source(%dma_start3A_40 : memref<1000x128xf32, #tpu.memory_space<hbm>>) target(%arg15 : memref<128x128xf32, #tpu.memory_space<vmem>>) offsets(%dma_start3A_37 : memref<128xi32, #tpu.memory_space<vmem>>) semaphore(%arg19 : memref<!tpu.dma_semaphore, #tpu.memory_space<semaphore_mem>>)
    %dma_start3A_41 = arith.constant 128 : i32
    %dma_start3A_42 = tpu.memref_slice %arg10[%dma_start3A_41] : memref<512xi32, #tpu.memory_space<vmem>> -> memref<128xi32, #tpu.memory_space<vmem>>
    %dma_start3A_43 = arith.constant 0 : i32
    %dma_start3A_44 = arith.constant 0 : i32
    %dma_start3A_45 = tpu.memref_slice %arg5[%dma_start3A_43, %dma_start3A_44] : memref<100000x128xf32, #tpu.memory_space<hbm>> -> memref<100000x128xf32, #tpu.memory_space<hbm>>
    tpu.enqueue_indirect_dma source(%dma_start3A_45 : memref<100000x128xf32, #tpu.memory_space<hbm>>) target(%arg16 : memref<128x128xf32, #tpu.memory_space<vmem>>) offsets(%dma_start3A_42 : memref<128xi32, #tpu.memory_space<vmem>>) semaphore(%arg19 : memref<!tpu.dma_semaphore, #tpu.memory_space<semaphore_mem>>)
    %scan3A = arith.constant 0 : i32
    %scan3A_46 = arith.constant 0 : i32
    %scan3A_47 = arith.constant 8 : i32
    %scan3A_48 = arith.addi %scan3A_46, %scan3A_47 : i32
    %scan3A_49 = arith.constant 1 : i32
    scf.for %scan3A_144 = %scan3A_46 to %scan3A_48 step %scan3A_49  : i32 {
      %mul3A_145 = arith.constant 16 : i32
      %mul3A_146 = arith.muli %scan3A_144, %mul3A_145 : i32
      %add3A_147 = vector.broadcast %mul3A_146 : i32 to vector<16xi32>
      %add3A_148 = arith.addi %iota3A, %add3A_147 : vector<16xi32>
      %broadcast_in_dim3A = arith.constant 0.000000e+00 : f32
      %broadcast_in_dim3A_149 = vector.broadcast %broadcast_in_dim3A : f32 to vector<16xf32>
      %scan3A_150 = arith.constant 0 : i32
      %scan3A_151 = arith.constant 4 : i32
      %scan3A_152 = arith.addi %scan3A_150, %scan3A_151 : i32
      %scan3A_153 = arith.constant 1 : i32
      %scan3A_154:4 = scf.for %scan3A_164 = %scan3A_150 to %scan3A_152 step %scan3A_153 iter_args(%scan3A_165 = %broadcast_in_dim3A_149, %scan3A_166 = %broadcast_in_dim3A_149, %scan3A_167 = %broadcast_in_dim3A_149, %scan3A_168 = %broadcast_in_dim3A_149) -> (vector<16xf32>, vector<16xf32>, vector<16xf32>, vector<16xf32>)  : i32 {
        %mul3A_169 = arith.constant 32 : i32
        %mul3A_170 = arith.muli %scan3A_164, %mul3A_169 : i32
        %add3A_171 = arith.constant 0 : i32
        %add3A_172 = vector.broadcast %add3A_171 : i32 to vector<16xi32>
        %add3A_173 = arith.addi %iota3A, %add3A_172 : vector<16xi32>
        %add3A_174 = vector.broadcast %mul3A_170 : i32 to vector<16xi32>
        %add3A_175 = arith.addi %add3A_173, %add3A_174 : vector<16xi32>
        %and3A = arith.constant 127 : i32
        %and3A_176 = vector.broadcast %and3A : i32 to vector<16xi32>
        %and3A_177 = arith.andi %add3A_175, %and3A_176 : vector<16xi32>
        %gather3A = tpu.vector_load_idx %arg11[%add3A_148, %and3A_177] : memref<128x128xf32, #tpu.memory_space<vmem>>[vector<16xi32>, vector<16xi32>], vector<16xf32>,
        %gather3A_178 = tpu.vector_load_idx %arg12[%add3A_148, %and3A_177] : memref<128x128xf32, #tpu.memory_space<vmem>>[vector<16xi32>, vector<16xi32>], vector<16xf32>,
        %gather3A_179 = tpu.vector_load_idx %arg13[%add3A_148, %and3A_177] : memref<128x128xf32, #tpu.memory_space<vmem>>[vector<16xi32>, vector<16xi32>], vector<16xf32>,
        %mul3A_180 = arith.mulf %gather3A, %gather3A_178 : vector<16xf32>
        %mul3A_181 = arith.mulf %mul3A_180, %gather3A_179 : vector<16xf32>
        %add3A_182 = arith.addf %scan3A_165, %mul3A_181 : vector<16xf32>
        %add3A_183 = arith.constant 1 : i32
        %add3A_184 = vector.broadcast %add3A_183 : i32 to vector<16xi32>
        %add3A_185 = arith.addi %iota3A, %add3A_184 : vector<16xi32>
        %add3A_186 = vector.broadcast %mul3A_170 : i32 to vector<16xi32>
        %add3A_187 = arith.addi %add3A_185, %add3A_186 : vector<16xi32>
        %and3A_188 = arith.constant 127 : i32
        %and3A_189 = vector.broadcast %and3A_188 : i32 to vector<16xi32>
        %and3A_190 = arith.andi %add3A_187, %and3A_189 : vector<16xi32>
        %gather3A_191 = tpu.vector_load_idx %arg11[%add3A_148, %and3A_190] : memref<128x128xf32, #tpu.memory_space<vmem>>[vector<16xi32>, vector<16xi32>], vector<16xf32>,
        %gather3A_192 = tpu.vector_load_idx %arg12[%add3A_148, %and3A_190] : memref<128x128xf32, #tpu.memory_space<vmem>>[vector<16xi32>, vector<16xi32>], vector<16xf32>,
        %gather3A_193 = tpu.vector_load_idx %arg13[%add3A_148, %and3A_190] : memref<128x128xf32, #tpu.memory_space<vmem>>[vector<16xi32>, vector<16xi32>], vector<16xf32>,
        %mul3A_194 = arith.mulf %gather3A_191, %gather3A_192 : vector<16xf32>
        %mul3A_195 = arith.mulf %mul3A_194, %gather3A_193 : vector<16xf32>
        %add3A_196 = arith.addf %scan3A_166, %mul3A_195 : vector<16xf32>
        %add3A_197 = arith.constant 2 : i32
        %add3A_198 = vector.broadcast %add3A_197 : i32 to vector<16xi32>
        %add3A_199 = arith.addi %iota3A, %add3A_198 : vector<16xi32>
        %add3A_200 = vector.broadcast %mul3A_170 : i32 to vector<16xi32>
        %add3A_201 = arith.addi %add3A_199, %add3A_200 : vector<16xi32>
        %and3A_202 = arith.constant 127 : i32
        %and3A_203 = vector.broadcast %and3A_202 : i32 to vector<16xi32>
        %and3A_204 = arith.andi %add3A_201, %and3A_203 : vector<16xi32>
        %gather3A_205 = tpu.vector_load_idx %arg11[%add3A_148, %and3A_204] : memref<128x128xf32, #tpu.memory_space<vmem>>[vector<16xi32>, vector<16xi32>], vector<16xf32>,
        %gather3A_206 = tpu.vector_load_idx %arg12[%add3A_148, %and3A_204] : memref<128x128xf32, #tpu.memory_space<vmem>>[vector<16xi32>, vector<16xi32>], vector<16xf32>,
        %gather3A_207 = tpu.vector_load_idx %arg13[%add3A_148, %and3A_204] : memref<128x128xf32, #tpu.memory_space<vmem>>[vector<16xi32>, vector<16xi32>], vector<16xf32>,
        %mul3A_208 = arith.mulf %gather3A_205, %gather3A_206 : vector<16xf32>
        %mul3A_209 = arith.mulf %mul3A_208, %gather3A_207 : vector<16xf32>
        %add3A_210 = arith.addf %scan3A_167, %mul3A_209 : vector<16xf32>
        %add3A_211 = arith.constant 3 : i32
        %add3A_212 = vector.broadcast %add3A_211 : i32 to vector<16xi32>
        %add3A_213 = arith.addi %iota3A, %add3A_212 : vector<16xi32>
        %add3A_214 = vector.broadcast %mul3A_170 : i32 to vector<16xi32>
        %add3A_215 = arith.addi %add3A_213, %add3A_214 : vector<16xi32>
        %and3A_216 = arith.constant 127 : i32
        %and3A_217 = vector.broadcast %and3A_216 : i32 to vector<16xi32>
        %and3A_218 = arith.andi %add3A_215, %and3A_217 : vector<16xi32>
        %gather3A_219 = tpu.vector_load_idx %arg11[%add3A_148, %and3A_218] : memref<128x128xf32, #tpu.memory_space<vmem>>[vector<16xi32>, vector<16xi32>], vector<16xf32>,
        %gather3A_220 = tpu.vector_load_idx %arg12[%add3A_148, %and3A_218] : memref<128x128xf32, #tpu.memory_space<vmem>>[vector<16xi32>, vector<16xi32>], vector<16xf32>,
        %gather3A_221 = tpu.vector_load_idx %arg13[%add3A_148, %and3A_218] : memref<128x128xf32, #tpu.memory_space<vmem>>[vector<16xi32>, vector<16xi32>], vector<16xf32>,
        %mul3A_222 = arith.mulf %gather3A_219, %gather3A_220 : vector<16xf32>
        %mul3A_223 = arith.mulf %mul3A_222, %gather3A_221 : vector<16xf32>
        %add3A_224 = arith.addf %scan3A_168, %mul3A_223 : vector<16xf32>
        %add3A_225 = arith.constant 4 : i32
        %add3A_226 = vector.broadcast %add3A_225 : i32 to vector<16xi32>
        %add3A_227 = arith.addi %iota3A, %add3A_226 : vector<16xi32>
        %add3A_228 = vector.broadcast %mul3A_170 : i32 to vector<16xi32>
        %add3A_229 = arith.addi %add3A_227, %add3A_228 : vector<16xi32>
        %and3A_230 = arith.constant 127 : i32
        %and3A_231 = vector.broadcast %and3A_230 : i32 to vector<16xi32>
        %and3A_232 = arith.andi %add3A_229, %and3A_231 : vector<16xi32>
        %gather3A_233 = tpu.vector_load_idx %arg11[%add3A_148, %and3A_232] : memref<128x128xf32, #tpu.memory_space<vmem>>[vector<16xi32>, vector<16xi32>], vector<16xf32>,
        %gather3A_234 = tpu.vector_load_idx %arg12[%add3A_148, %and3A_232] : memref<128x128xf32, #tpu.memory_space<vmem>>[vector<16xi32>, vector<16xi32>], vector<16xf32>,
        %gather3A_235 = tpu.vector_load_idx %arg13[%add3A_148, %and3A_232] : memref<128x128xf32, #tpu.memory_space<vmem>>[vector<16xi32>, vector<16xi32>], vector<16xf32>,
        %mul3A_236 = arith.mulf %gather3A_233, %gather3A_234 : vector<16xf32>
        %mul3A_237 = arith.mulf %mul3A_236, %gather3A_235 : vector<16xf32>
        %add3A_238 = arith.addf %add3A_182, %mul3A_237 : vector<16xf32>
        %add3A_239 = arith.constant 5 : i32
        %add3A_240 = vector.broadcast %add3A_239 : i32 to vector<16xi32>
        %add3A_241 = arith.addi %iota3A, %add3A_240 : vector<16xi32>
        %add3A_242 = vector.broadcast %mul3A_170 : i32 to vector<16xi32>
        %add3A_243 = arith.addi %add3A_241, %add3A_242 : vector<16xi32>
        %and3A_244 = arith.constant 127 : i32
        %and3A_245 = vector.broadcast %and3A_244 : i32 to vector<16xi32>
        %and3A_246 = arith.andi %add3A_243, %and3A_245 : vector<16xi32>
        %gather3A_247 = tpu.vector_load_idx %arg11[%add3A_148, %and3A_246] : memref<128x128xf32, #tpu.memory_space<vmem>>[vector<16xi32>, vector<16xi32>], vector<16xf32>,
        %gather3A_248 = tpu.vector_load_idx %arg12[%add3A_148, %and3A_246] : memref<128x128xf32, #tpu.memory_space<vmem>>[vector<16xi32>, vector<16xi32>], vector<16xf32>,
        %gather3A_249 = tpu.vector_load_idx %arg13[%add3A_148, %and3A_246] : memref<128x128xf32, #tpu.memory_space<vmem>>[vector<16xi32>, vector<16xi32>], vector<16xf32>,
        %mul3A_250 = arith.mulf %gather3A_247, %gather3A_248 : vector<16xf32>
        %mul3A_251 = arith.mulf %mul3A_250, %gather3A_249 : vector<16xf32>
        %add3A_252 = arith.addf %add3A_196, %mul3A_251 : vector<16xf32>
        %add3A_253 = arith.constant 6 : i32
        %add3A_254 = vector.broadcast %add3A_253 : i32 to vector<16xi32>
        %add3A_255 = arith.addi %iota3A, %add3A_254 : vector<16xi32>
        %add3A_256 = vector.broadcast %mul3A_170 : i32 to vector<16xi32>
        %add3A_257 = arith.addi %add3A_255, %add3A_256 : vector<16xi32>
        %and3A_258 = arith.constant 127 : i32
        %and3A_259 = vector.broadcast %and3A_258 : i32 to vector<16xi32>
        %and3A_260 = arith.andi %add3A_257, %and3A_259 : vector<16xi32>
        %gather3A_261 = tpu.vector_load_idx %arg11[%add3A_148, %and3A_260] : memref<128x128xf32, #tpu.memory_space<vmem>>[vector<16xi32>, vector<16xi32>], vector<16xf32>,
        %gather3A_262 = tpu.vector_load_idx %arg12[%add3A_148, %and3A_260] : memref<128x128xf32, #tpu.memory_space<vmem>>[vector<16xi32>, vector<16xi32>], vector<16xf32>,
        %gather3A_263 = tpu.vector_load_idx %arg13[%add3A_148, %and3A_260] : memref<128x128xf32, #tpu.memory_space<vmem>>[vector<16xi32>, vector<16xi32>], vector<16xf32>,
        %mul3A_264 = arith.mulf %gather3A_261, %gather3A_262 : vector<16xf32>
        %mul3A_265 = arith.mulf %mul3A_264, %gather3A_263 : vector<16xf32>
        %add3A_266 = arith.addf %add3A_210, %mul3A_265 : vector<16xf32>
        %add3A_267 = arith.constant 7 : i32
        %add3A_268 = vector.broadcast %add3A_267 : i32 to vector<16xi32>
        %add3A_269 = arith.addi %iota3A, %add3A_268 : vector<16xi32>
        %add3A_270 = vector.broadcast %mul3A_170 : i32 to vector<16xi32>
        %add3A_271 = arith.addi %add3A_269, %add3A_270 : vector<16xi32>
        %and3A_272 = arith.constant 127 : i32
        %and3A_273 = vector.broadcast %and3A_272 : i32 to vector<16xi32>
        %and3A_274 = arith.andi %add3A_271, %and3A_273 : vector<16xi32>
        %gather3A_275 = tpu.vector_load_idx %arg11[%add3A_148, %and3A_274] : memref<128x128xf32, #tpu.memory_space<vmem>>[vector<16xi32>, vector<16xi32>], vector<16xf32>,
        %gather3A_276 = tpu.vector_load_idx %arg12[%add3A_148, %and3A_274] : memref<128x128xf32, #tpu.memory_space<vmem>>[vector<16xi32>, vector<16xi32>], vector<16xf32>,
        %gather3A_277 = tpu.vector_load_idx %arg13[%add3A_148, %and3A_274] : memref<128x128xf32, #tpu.memory_space<vmem>>[vector<16xi32>, vector<16xi32>], vector<16xf32>,
        %mul3A_278 = arith.mulf %gather3A_275, %gather3A_276 : vector<16xf32>
        %mul3A_279 = arith.mulf %mul3A_278, %gather3A_277 : vector<16xf32>
        %add3A_280 = arith.addf %add3A_224, %mul3A_279 : vector<16xf32>
        %add3A_281 = arith.constant 8 : i32
        %add3A_282 = vector.broadcast %add3A_281 : i32 to vector<16xi32>
        %add3A_283 = arith.addi %iota3A, %add3A_282 : vector<16xi32>
        %add3A_284 = vector.broadcast %mul3A_170 : i32 to vector<16xi32>
        %add3A_285 = arith.addi %add3A_283, %add3A_284 : vector<16xi32>
        %and3A_286 = arith.constant 127 : i32
        %and3A_287 = vector.broadcast %and3A_286 : i32 to vector<16xi32>
        %and3A_288 = arith.andi %add3A_285, %and3A_287 : vector<16xi32>
        %gather3A_289 = tpu.vector_load_idx %arg11[%add3A_148, %and3A_288] : memref<128x128xf32, #tpu.memory_space<vmem>>[vector<16xi32>, vector<16xi32>], vector<16xf32>,
        %gather3A_290 = tpu.vector_load_idx %arg12[%add3A_148, %and3A_288] : memref<128x128xf32, #tpu.memory_space<vmem>>[vector<16xi32>, vector<16xi32>], vector<16xf32>,
        %gather3A_291 = tpu.vector_load_idx %arg13[%add3A_148, %and3A_288] : memref<128x128xf32, #tpu.memory_space<vmem>>[vector<16xi32>, vector<16xi32>], vector<16xf32>,
        %mul3A_292 = arith.mulf %gather3A_289, %gather3A_290 : vector<16xf32>
        %mul3A_293 = arith.mulf %mul3A_292, %gather3A_291 : vector<16xf32>
        %add3A_294 = arith.addf %add3A_238, %mul3A_293 : vector<16xf32>
        %add3A_295 = arith.constant 9 : i32
        %add3A_296 = vector.broadcast %add3A_295 : i32 to vector<16xi32>
        %add3A_297 = arith.addi %iota3A, %add3A_296 : vector<16xi32>
        %add3A_298 = vector.broadcast %mul3A_170 : i32 to vector<16xi32>
        %add3A_299 = arith.addi %add3A_297, %add3A_298 : vector<16xi32>
        %and3A_300 = arith.constant 127 : i32
        %and3A_301 = vector.broadcast %and3A_300 : i32 to vector<16xi32>
        %and3A_302 = arith.andi %add3A_299, %and3A_301 : vector<16xi32>
        %gather3A_303 = tpu.vector_load_idx %arg11[%add3A_148, %and3A_302] : memref<128x128xf32, #tpu.memory_space<vmem>>[vector<16xi32>, vector<16xi32>], vector<16xf32>,
        %gather3A_304 = tpu.vector_load_idx %arg12[%add3A_148, %and3A_302] : memref<128x128xf32, #tpu.memory_space<vmem>>[vector<16xi32>, vector<16xi32>], vector<16xf32>,
        %gather3A_305 = tpu.vector_load_idx %arg13[%add3A_148, %and3A_302] : memref<128x128xf32, #tpu.memory_space<vmem>>[vector<16xi32>, vector<16xi32>], vector<16xf32>,
        %mul3A_306 = arith.mulf %gather3A_303, %gather3A_304 : vector<16xf32>
        %mul3A_307 = arith.mulf %mul3A_306, %gather3A_305 : vector<16xf32>
        %add3A_308 = arith.addf %add3A_252, %mul3A_307 : vector<16xf32>
        %add3A_309 = arith.constant 10 : i32
        %add3A_310 = vector.broadcast %add3A_309 : i32 to vector<16xi32>
        %add3A_311 = arith.addi %iota3A, %add3A_310 : vector<16xi32>
        %add3A_312 = vector.broadcast %mul3A_170 : i32 to vector<16xi32>
        %add3A_313 = arith.addi %add3A_311, %add3A_312 : vector<16xi32>
        %and3A_314 = arith.constant 127 : i32
        %and3A_315 = vector.broadcast %and3A_314 : i32 to vector<16xi32>
        %and3A_316 = arith.andi %add3A_313, %and3A_315 : vector<16xi32>
        %gather3A_317 = tpu.vector_load_idx %arg11[%add3A_148, %and3A_316] : memref<128x128xf32, #tpu.memory_space<vmem>>[vector<16xi32>, vector<16xi32>], vector<16xf32>,
        %gather3A_318 = tpu.vector_load_idx %arg12[%add3A_148, %and3A_316] : memref<128x128xf32, #tpu.memory_space<vmem>>[vector<16xi32>, vector<16xi32>], vector<16xf32>,
        %gather3A_319 = tpu.vector_load_idx %arg13[%add3A_148, %and3A_316] : memref<128x128xf32, #tpu.memory_space<vmem>>[vector<16xi32>, vector<16xi32>], vector<16xf32>,
        %mul3A_320 = arith.mulf %gather3A_317, %gather3A_318 : vector<16xf32>
        %mul3A_321 = arith.mulf %mul3A_320, %gather3A_319 : vector<16xf32>
        %add3A_322 = arith.addf %add3A_266, %mul3A_321 : vector<16xf32>
        %add3A_323 = arith.constant 11 : i32
        %add3A_324 = vector.broadcast %add3A_323 : i32 to vector<16xi32>
        %add3A_325 = arith.addi %iota3A, %add3A_324 : vector<16xi32>
        %add3A_326 = vector.broadcast %mul3A_170 : i32 to vector<16xi32>
        %add3A_327 = arith.addi %add3A_325, %add3A_326 : vector<16xi32>
        %and3A_328 = arith.constant 127 : i32
        %and3A_329 = vector.broadcast %and3A_328 : i32 to vector<16xi32>
        %and3A_330 = arith.andi %add3A_327, %and3A_329 : vector<16xi32>
        %gather3A_331 = tpu.vector_load_idx %arg11[%add3A_148, %and3A_330] : memref<128x128xf32, #tpu.memory_space<vmem>>[vector<16xi32>, vector<16xi32>], vector<16xf32>,
        %gather3A_332 = tpu.vector_load_idx %arg12[%add3A_148, %and3A_330] : memref<128x128xf32, #tpu.memory_space<vmem>>[vector<16xi32>, vector<16xi32>], vector<16xf32>,
        %gather3A_333 = tpu.vector_load_idx %arg13[%add3A_148, %and3A_330] : memref<128x128xf32, #tpu.memory_space<vmem>>[vector<16xi32>, vector<16xi32>], vector<16xf32>,
        %mul3A_334 = arith.mulf %gather3A_331, %gather3A_332 : vector<16xf32>
        %mul3A_335 = arith.mulf %mul3A_334, %gather3A_333 : vector<16xf32>
        %add3A_336 = arith.addf %add3A_280, %mul3A_335 : vector<16xf32>
        %add3A_337 = arith.constant 12 : i32
        %add3A_338 = vector.broadcast %add3A_337 : i32 to vector<16xi32>
        %add3A_339 = arith.addi %iota3A, %add3A_338 : vector<16xi32>
        %add3A_340 = vector.broadcast %mul3A_170 : i32 to vector<16xi32>
        %add3A_341 = arith.addi %add3A_339, %add3A_340 : vector<16xi32>
        %and3A_342 = arith.constant 127 : i32
        %and3A_343 = vector.broadcast %and3A_342 : i32 to vector<16xi32>
        %and3A_344 = arith.andi %add3A_341, %and3A_343 : vector<16xi32>
        %gather3A_345 = tpu.vector_load_idx %arg11[%add3A_148, %and3A_344] : memref<128x128xf32, #tpu.memory_space<vmem>>[vector<16xi32>, vector<16xi32>], vector<16xf32>,
        %gather3A_346 = tpu.vector_load_idx %arg12[%add3A_148, %and3A_344] : memref<128x128xf32, #tpu.memory_space<vmem>>[vector<16xi32>, vector<16xi32>], vector<16xf32>,
        %gather3A_347 = tpu.vector_load_idx %arg13[%add3A_148, %and3A_344] : memref<128x128xf32, #tpu.memory_space<vmem>>[vector<16xi32>, vector<16xi32>], vector<16xf32>,
        %mul3A_348 = arith.mulf %gather3A_345, %gather3A_346 : vector<16xf32>
        %mul3A_349 = arith.mulf %mul3A_348, %gather3A_347 : vector<16xf32>
        %add3A_350 = arith.addf %add3A_294, %mul3A_349 : vector<16xf32>
        %add3A_351 = arith.constant 13 : i32
        %add3A_352 = vector.broadcast %add3A_351 : i32 to vector<16xi32>
        %add3A_353 = arith.addi %iota3A, %add3A_352 : vector<16xi32>
        %add3A_354 = vector.broadcast %mul3A_170 : i32 to vector<16xi32>
        %add3A_355 = arith.addi %add3A_353, %add3A_354 : vector<16xi32>
        %and3A_356 = arith.constant 127 : i32
        %and3A_357 = vector.broadcast %and3A_356 : i32 to vector<16xi32>
        %and3A_358 = arith.andi %add3A_355, %and3A_357 : vector<16xi32>
        %gather3A_359 = tpu.vector_load_idx %arg11[%add3A_148, %and3A_358] : memref<128x128xf32, #tpu.memory_space<vmem>>[vector<16xi32>, vector<16xi32>], vector<16xf32>,
        %gather3A_360 = tpu.vector_load_idx %arg12[%add3A_148, %and3A_358] : memref<128x128xf32, #tpu.memory_space<vmem>>[vector<16xi32>, vector<16xi32>], vector<16xf32>,
        %gather3A_361 = tpu.vector_load_idx %arg13[%add3A_148, %and3A_358] : memref<128x128xf32, #tpu.memory_space<vmem>>[vector<16xi32>, vector<16xi32>], vector<16xf32>,
        %mul3A_362 = arith.mulf %gather3A_359, %gather3A_360 : vector<16xf32>
        %mul3A_363 = arith.mulf %mul3A_362, %gather3A_361 : vector<16xf32>
        %add3A_364 = arith.addf %add3A_308, %mul3A_363 : vector<16xf32>
        %add3A_365 = arith.constant 14 : i32
        %add3A_366 = vector.broadcast %add3A_365 : i32 to vector<16xi32>
        %add3A_367 = arith.addi %iota3A, %add3A_366 : vector<16xi32>
        %add3A_368 = vector.broadcast %mul3A_170 : i32 to vector<16xi32>
        %add3A_369 = arith.addi %add3A_367, %add3A_368 : vector<16xi32>
        %and3A_370 = arith.constant 127 : i32
        %and3A_371 = vector.broadcast %and3A_370 : i32 to vector<16xi32>
        %and3A_372 = arith.andi %add3A_369, %and3A_371 : vector<16xi32>
        %gather3A_373 = tpu.vector_load_idx %arg11[%add3A_148, %and3A_372] : memref<128x128xf32, #tpu.memory_space<vmem>>[vector<16xi32>, vector<16xi32>], vector<16xf32>,
        %gather3A_374 = tpu.vector_load_idx %arg12[%add3A_148, %and3A_372] : memref<128x128xf32, #tpu.memory_space<vmem>>[vector<16xi32>, vector<16xi32>], vector<16xf32>,
        %gather3A_375 = tpu.vector_load_idx %arg13[%add3A_148, %and3A_372] : memref<128x128xf32, #tpu.memory_space<vmem>>[vector<16xi32>, vector<16xi32>], vector<16xf32>,
        %mul3A_376 = arith.mulf %gather3A_373, %gather3A_374 : vector<16xf32>
        %mul3A_377 = arith.mulf %mul3A_376, %gather3A_375 : vector<16xf32>
        %add3A_378 = arith.addf %add3A_322, %mul3A_377 : vector<16xf32>
        %add3A_379 = arith.constant 15 : i32
        %add3A_380 = vector.broadcast %add3A_379 : i32 to vector<16xi32>
        %add3A_381 = arith.addi %iota3A, %add3A_380 : vector<16xi32>
        %add3A_382 = vector.broadcast %mul3A_170 : i32 to vector<16xi32>
        %add3A_383 = arith.addi %add3A_381, %add3A_382 : vector<16xi32>
        %and3A_384 = arith.constant 127 : i32
        %and3A_385 = vector.broadcast %and3A_384 : i32 to vector<16xi32>
        %and3A_386 = arith.andi %add3A_383, %and3A_385 : vector<16xi32>
        %gather3A_387 = tpu.vector_load_idx %arg11[%add3A_148, %and3A_386] : memref<128x128xf32, #tpu.memory_space<vmem>>[vector<16xi32>, vector<16xi32>], vector<16xf32>,
        %gather3A_388 = tpu.vector_load_idx %arg12[%add3A_148, %and3A_386] : memref<128x128xf32, #tpu.memory_space<vmem>>[vector<16xi32>, vector<16xi32>], vector<16xf32>,
        %gather3A_389 = tpu.vector_load_idx %arg13[%add3A_148, %and3A_386] : memref<128x128xf32, #tpu.memory_space<vmem>>[vector<16xi32>, vector<16xi32>], vector<16xf32>,
        %mul3A_390 = arith.mulf %gather3A_387, %gather3A_388 : vector<16xf32>
        %mul3A_391 = arith.mulf %mul3A_390, %gather3A_389 : vector<16xf32>
        %add3A_392 = arith.addf %add3A_336, %mul3A_391 : vector<16xf32>
        %add3A_393 = arith.constant 16 : i32
        %add3A_394 = vector.broadcast %add3A_393 : i32 to vector<16xi32>
        %add3A_395 = arith.addi %iota3A, %add3A_394 : vector<16xi32>
        %add3A_396 = vector.broadcast %mul3A_170 : i32 to vector<16xi32>
        %add3A_397 = arith.addi %add3A_395, %add3A_396 : vector<16xi32>
        %and3A_398 = arith.constant 127 : i32
        %and3A_399 = vector.broadcast %and3A_398 : i32 to vector<16xi32>
        %and3A_400 = arith.andi %add3A_397, %and3A_399 : vector<16xi32>
        %gather3A_401 = tpu.vector_load_idx %arg11[%add3A_148, %and3A_400] : memref<128x128xf32, #tpu.memory_space<vmem>>[vector<16xi32>, vector<16xi32>], vector<16xf32>,
        %gather3A_402 = tpu.vector_load_idx %arg12[%add3A_148, %and3A_400] : memref<128x128xf32, #tpu.memory_space<vmem>>[vector<16xi32>, vector<16xi32>], vector<16xf32>,
        %gather3A_403 = tpu.vector_load_idx %arg13[%add3A_148, %and3A_400] : memref<128x128xf32, #tpu.memory_space<vmem>>[vector<16xi32>, vector<16xi32>], vector<16xf32>,
        %mul3A_404 = arith.mulf %gather3A_401, %gather3A_402 : vector<16xf32>
        %mul3A_405 = arith.mulf %mul3A_404, %gather3A_403 : vector<16xf32>
        %add3A_406 = arith.addf %add3A_350, %mul3A_405 : vector<16xf32>
        %add3A_407 = arith.constant 17 : i32
        %add3A_408 = vector.broadcast %add3A_407 : i32 to vector<16xi32>
        %add3A_409 = arith.addi %iota3A, %add3A_408 : vector<16xi32>
        %add3A_410 = vector.broadcast %mul3A_170 : i32 to vector<16xi32>
        %add3A_411 = arith.addi %add3A_409, %add3A_410 : vector<16xi32>
        %and3A_412 = arith.constant 127 : i32
        %and3A_413 = vector.broadcast %and3A_412 : i32 to vector<16xi32>
        %and3A_414 = arith.andi %add3A_411, %and3A_413 : vector<16xi32>
        %gather3A_415 = tpu.vector_load_idx %arg11[%add3A_148, %and3A_414] : memref<128x128xf32, #tpu.memory_space<vmem>>[vector<16xi32>, vector<16xi32>], vector<16xf32>,
        %gather3A_416 = tpu.vector_load_idx %arg12[%add3A_148, %and3A_414] : memref<128x128xf32, #tpu.memory_space<vmem>>[vector<16xi32>, vector<16xi32>], vector<16xf32>,
        %gather3A_417 = tpu.vector_load_idx %arg13[%add3A_148, %and3A_414] : memref<128x128xf32, #tpu.memory_space<vmem>>[vector<16xi32>, vector<16xi32>], vector<16xf32>,
        %mul3A_418 = arith.mulf %gather3A_415, %gather3A_416 : vector<16xf32>
        %mul3A_419 = arith.mulf %mul3A_418, %gather3A_417 : vector<16xf32>
        %add3A_420 = arith.addf %add3A_364, %mul3A_419 : vector<16xf32>
        %add3A_421 = arith.constant 18 : i32
        %add3A_422 = vector.broadcast %add3A_421 : i32 to vector<16xi32>
        %add3A_423 = arith.addi %iota3A, %add3A_422 : vector<16xi32>
        %add3A_424 = vector.broadcast %mul3A_170 : i32 to vector<16xi32>
        %add3A_425 = arith.addi %add3A_423, %add3A_424 : vector<16xi32>
        %and3A_426 = arith.constant 127 : i32
        %and3A_427 = vector.broadcast %and3A_426 : i32 to vector<16xi32>
        %and3A_428 = arith.andi %add3A_425, %and3A_427 : vector<16xi32>
        %gather3A_429 = tpu.vector_load_idx %arg11[%add3A_148, %and3A_428] : memref<128x128xf32, #tpu.memory_space<vmem>>[vector<16xi32>, vector<16xi32>], vector<16xf32>,
        %gather3A_430 = tpu.vector_load_idx %arg12[%add3A_148, %and3A_428] : memref<128x128xf32, #tpu.memory_space<vmem>>[vector<16xi32>, vector<16xi32>], vector<16xf32>,
        %gather3A_431 = tpu.vector_load_idx %arg13[%add3A_148, %and3A_428] : memref<128x128xf32, #tpu.memory_space<vmem>>[vector<16xi32>, vector<16xi32>], vector<16xf32>,
        %mul3A_432 = arith.mulf %gather3A_429, %gather3A_430 : vector<16xf32>
        %mul3A_433 = arith.mulf %mul3A_432, %gather3A_431 : vector<16xf32>
        %add3A_434 = arith.addf %add3A_378, %mul3A_433 : vector<16xf32>
        %add3A_435 = arith.constant 19 : i32
        %add3A_436 = vector.broadcast %add3A_435 : i32 to vector<16xi32>
        %add3A_437 = arith.addi %iota3A, %add3A_436 : vector<16xi32>
        %add3A_438 = vector.broadcast %mul3A_170 : i32 to vector<16xi32>
        %add3A_439 = arith.addi %add3A_437, %add3A_438 : vector<16xi32>
        %and3A_440 = arith.constant 127 : i32
        %and3A_441 = vector.broadcast %and3A_440 : i32 to vector<16xi32>
        %and3A_442 = arith.andi %add3A_439, %and3A_441 : vector<16xi32>
        %gather3A_443 = tpu.vector_load_idx %arg11[%add3A_148, %and3A_442] : memref<128x128xf32, #tpu.memory_space<vmem>>[vector<16xi32>, vector<16xi32>], vector<16xf32>,
        %gather3A_444 = tpu.vector_load_idx %arg12[%add3A_148, %and3A_442] : memref<128x128xf32, #tpu.memory_space<vmem>>[vector<16xi32>, vector<16xi32>], vector<16xf32>,
        %gather3A_445 = tpu.vector_load_idx %arg13[%add3A_148, %and3A_442] : memref<128x128xf32, #tpu.memory_space<vmem>>[vector<16xi32>, vector<16xi32>], vector<16xf32>,
        %mul3A_446 = arith.mulf %gather3A_443, %gather3A_444 : vector<16xf32>
        %mul3A_447 = arith.mulf %mul3A_446, %gather3A_445 : vector<16xf32>
        %add3A_448 = arith.addf %add3A_392, %mul3A_447 : vector<16xf32>
        %add3A_449 = arith.constant 20 : i32
        %add3A_450 = vector.broadcast %add3A_449 : i32 to vector<16xi32>
        %add3A_451 = arith.addi %iota3A, %add3A_450 : vector<16xi32>
        %add3A_452 = vector.broadcast %mul3A_170 : i32 to vector<16xi32>
        %add3A_453 = arith.addi %add3A_451, %add3A_452 : vector<16xi32>
        %and3A_454 = arith.constant 127 : i32
        %and3A_455 = vector.broadcast %and3A_454 : i32 to vector<16xi32>
        %and3A_456 = arith.andi %add3A_453, %and3A_455 : vector<16xi32>
        %gather3A_457 = tpu.vector_load_idx %arg11[%add3A_148, %and3A_456] : memref<128x128xf32, #tpu.memory_space<vmem>>[vector<16xi32>, vector<16xi32>], vector<16xf32>,
        %gather3A_458 = tpu.vector_load_idx %arg12[%add3A_148, %and3A_456] : memref<128x128xf32, #tpu.memory_space<vmem>>[vector<16xi32>, vector<16xi32>], vector<16xf32>,
        %gather3A_459 = tpu.vector_load_idx %arg13[%add3A_148, %and3A_456] : memref<128x128xf32, #tpu.memory_space<vmem>>[vector<16xi32>, vector<16xi32>], vector<16xf32>,
        %mul3A_460 = arith.mulf %gather3A_457, %gather3A_458 : vector<16xf32>
        %mul3A_461 = arith.mulf %mul3A_460, %gather3A_459 : vector<16xf32>
        %add3A_462 = arith.addf %add3A_406, %mul3A_461 : vector<16xf32>
        %add3A_463 = arith.constant 21 : i32
        %add3A_464 = vector.broadcast %add3A_463 : i32 to vector<16xi32>
        %add3A_465 = arith.addi %iota3A, %add3A_464 : vector<16xi32>
        %add3A_466 = vector.broadcast %mul3A_170 : i32 to vector<16xi32>
        %add3A_467 = arith.addi %add3A_465, %add3A_466 : vector<16xi32>
        %and3A_468 = arith.constant 127 : i32
        %and3A_469 = vector.broadcast %and3A_468 : i32 to vector<16xi32>
        %and3A_470 = arith.andi %add3A_467, %and3A_469 : vector<16xi32>
        %gather3A_471 = tpu.vector_load_idx %arg11[%add3A_148, %and3A_470] : memref<128x128xf32, #tpu.memory_space<vmem>>[vector<16xi32>, vector<16xi32>], vector<16xf32>,
        %gather3A_472 = tpu.vector_load_idx %arg12[%add3A_148, %and3A_470] : memref<128x128xf32, #tpu.memory_space<vmem>>[vector<16xi32>, vector<16xi32>], vector<16xf32>,
        %gather3A_473 = tpu.vector_load_idx %arg13[%add3A_148, %and3A_470] : memref<128x128xf32, #tpu.memory_space<vmem>>[vector<16xi32>, vector<16xi32>], vector<16xf32>,
        %mul3A_474 = arith.mulf %gather3A_471, %gather3A_472 : vector<16xf32>
        %mul3A_475 = arith.mulf %mul3A_474, %gather3A_473 : vector<16xf32>
        %add3A_476 = arith.addf %add3A_420, %mul3A_475 : vector<16xf32>
        %add3A_477 = arith.constant 22 : i32
        %add3A_478 = vector.broadcast %add3A_477 : i32 to vector<16xi32>
        %add3A_479 = arith.addi %iota3A, %add3A_478 : vector<16xi32>
        %add3A_480 = vector.broadcast %mul3A_170 : i32 to vector<16xi32>
        %add3A_481 = arith.addi %add3A_479, %add3A_480 : vector<16xi32>
        %and3A_482 = arith.constant 127 : i32
        %and3A_483 = vector.broadcast %and3A_482 : i32 to vector<16xi32>
        %and3A_484 = arith.andi %add3A_481, %and3A_483 : vector<16xi32>
        %gather3A_485 = tpu.vector_load_idx %arg11[%add3A_148, %and3A_484] : memref<128x128xf32, #tpu.memory_space<vmem>>[vector<16xi32>, vector<16xi32>], vector<16xf32>,
        %gather3A_486 = tpu.vector_load_idx %arg12[%add3A_148, %and3A_484] : memref<128x128xf32, #tpu.memory_space<vmem>>[vector<16xi32>, vector<16xi32>], vector<16xf32>,
        %gather3A_487 = tpu.vector_load_idx %arg13[%add3A_148, %and3A_484] : memref<128x128xf32, #tpu.memory_space<vmem>>[vector<16xi32>, vector<16xi32>], vector<16xf32>,
        %mul3A_488 = arith.mulf %gather3A_485, %gather3A_486 : vector<16xf32>
        %mul3A_489 = arith.mulf %mul3A_488, %gather3A_487 : vector<16xf32>
        %add3A_490 = arith.addf %add3A_434, %mul3A_489 : vector<16xf32>
        %add3A_491 = arith.constant 23 : i32
        %add3A_492 = vector.broadcast %add3A_491 : i32 to vector<16xi32>
        %add3A_493 = arith.addi %iota3A, %add3A_492 : vector<16xi32>
        %add3A_494 = vector.broadcast %mul3A_170 : i32 to vector<16xi32>
        %add3A_495 = arith.addi %add3A_493, %add3A_494 : vector<16xi32>
        %and3A_496 = arith.constant 127 : i32
        %and3A_497 = vector.broadcast %and3A_496 : i32 to vector<16xi32>
        %and3A_498 = arith.andi %add3A_495, %and3A_497 : vector<16xi32>
        %gather3A_499 = tpu.vector_load_idx %arg11[%add3A_148, %and3A_498] : memref<128x128xf32, #tpu.memory_space<vmem>>[vector<16xi32>, vector<16xi32>], vector<16xf32>,
        %gather3A_500 = tpu.vector_load_idx %arg12[%add3A_148, %and3A_498] : memref<128x128xf32, #tpu.memory_space<vmem>>[vector<16xi32>, vector<16xi32>], vector<16xf32>,
        %gather3A_501 = tpu.vector_load_idx %arg13[%add3A_148, %and3A_498] : memref<128x128xf32, #tpu.memory_space<vmem>>[vector<16xi32>, vector<16xi32>], vector<16xf32>,
        %mul3A_502 = arith.mulf %gather3A_499, %gather3A_500 : vector<16xf32>
        %mul3A_503 = arith.mulf %mul3A_502, %gather3A_501 : vector<16xf32>
        %add3A_504 = arith.addf %add3A_448, %mul3A_503 : vector<16xf32>
        %add3A_505 = arith.constant 24 : i32
        %add3A_506 = vector.broadcast %add3A_505 : i32 to vector<16xi32>
        %add3A_507 = arith.addi %iota3A, %add3A_506 : vector<16xi32>
        %add3A_508 = vector.broadcast %mul3A_170 : i32 to vector<16xi32>
        %add3A_509 = arith.addi %add3A_507, %add3A_508 : vector<16xi32>
        %and3A_510 = arith.constant 127 : i32
        %and3A_511 = vector.broadcast %and3A_510 : i32 to vector<16xi32>
        %and3A_512 = arith.andi %add3A_509, %and3A_511 : vector<16xi32>
        %gather3A_513 = tpu.vector_load_idx %arg11[%add3A_148, %and3A_512] : memref<128x128xf32, #tpu.memory_space<vmem>>[vector<16xi32>, vector<16xi32>], vector<16xf32>,
        %gather3A_514 = tpu.vector_load_idx %arg12[%add3A_148, %and3A_512] : memref<128x128xf32, #tpu.memory_space<vmem>>[vector<16xi32>, vector<16xi32>], vector<16xf32>,
        %gather3A_515 = tpu.vector_load_idx %arg13[%add3A_148, %and3A_512] : memref<128x128xf32, #tpu.memory_space<vmem>>[vector<16xi32>, vector<16xi32>], vector<16xf32>,
        %mul3A_516 = arith.mulf %gather3A_513, %gather3A_514 : vector<16xf32>
        %mul3A_517 = arith.mulf %mul3A_516, %gather3A_515 : vector<16xf32>
        %add3A_518 = arith.addf %add3A_462, %mul3A_517 : vector<16xf32>
        %add3A_519 = arith.constant 25 : i32
        %add3A_520 = vector.broadcast %add3A_519 : i32 to vector<16xi32>
        %add3A_521 = arith.addi %iota3A, %add3A_520 : vector<16xi32>
        %add3A_522 = vector.broadcast %mul3A_170 : i32 to vector<16xi32>
        %add3A_523 = arith.addi %add3A_521, %add3A_522 : vector<16xi32>
        %and3A_524 = arith.constant 127 : i32
        %and3A_525 = vector.broadcast %and3A_524 : i32 to vector<16xi32>
        %and3A_526 = arith.andi %add3A_523, %and3A_525 : vector<16xi32>
        %gather3A_527 = tpu.vector_load_idx %arg11[%add3A_148, %and3A_526] : memref<128x128xf32, #tpu.memory_space<vmem>>[vector<16xi32>, vector<16xi32>], vector<16xf32>,
        %gather3A_528 = tpu.vector_load_idx %arg12[%add3A_148, %and3A_526] : memref<128x128xf32, #tpu.memory_space<vmem>>[vector<16xi32>, vector<16xi32>], vector<16xf32>,
        %gather3A_529 = tpu.vector_load_idx %arg13[%add3A_148, %and3A_526] : memref<128x128xf32, #tpu.memory_space<vmem>>[vector<16xi32>, vector<16xi32>], vector<16xf32>,
        %mul3A_530 = arith.mulf %gather3A_527, %gather3A_528 : vector<16xf32>
        %mul3A_531 = arith.mulf %mul3A_530, %gather3A_529 : vector<16xf32>
        %add3A_532 = arith.addf %add3A_476, %mul3A_531 : vector<16xf32>
        %add3A_533 = arith.constant 26 : i32
        %add3A_534 = vector.broadcast %add3A_533 : i32 to vector<16xi32>
        %add3A_535 = arith.addi %iota3A, %add3A_534 : vector<16xi32>
        %add3A_536 = vector.broadcast %mul3A_170 : i32 to vector<16xi32>
        %add3A_537 = arith.addi %add3A_535, %add3A_536 : vector<16xi32>
        %and3A_538 = arith.constant 127 : i32
        %and3A_539 = vector.broadcast %and3A_538 : i32 to vector<16xi32>
        %and3A_540 = arith.andi %add3A_537, %and3A_539 : vector<16xi32>
        %gather3A_541 = tpu.vector_load_idx %arg11[%add3A_148, %and3A_540] : memref<128x128xf32, #tpu.memory_space<vmem>>[vector<16xi32>, vector<16xi32>], vector<16xf32>,
        %gather3A_542 = tpu.vector_load_idx %arg12[%add3A_148, %and3A_540] : memref<128x128xf32, #tpu.memory_space<vmem>>[vector<16xi32>, vector<16xi32>], vector<16xf32>,
        %gather3A_543 = tpu.vector_load_idx %arg13[%add3A_148, %and3A_540] : memref<128x128xf32, #tpu.memory_space<vmem>>[vector<16xi32>, vector<16xi32>], vector<16xf32>,
        %mul3A_544 = arith.mulf %gather3A_541, %gather3A_542 : vector<16xf32>
        %mul3A_545 = arith.mulf %mul3A_544, %gather3A_543 : vector<16xf32>
        %add3A_546 = arith.addf %add3A_490, %mul3A_545 : vector<16xf32>
        %add3A_547 = arith.constant 27 : i32
        %add3A_548 = vector.broadcast %add3A_547 : i32 to vector<16xi32>
        %add3A_549 = arith.addi %iota3A, %add3A_548 : vector<16xi32>
        %add3A_550 = vector.broadcast %mul3A_170 : i32 to vector<16xi32>
        %add3A_551 = arith.addi %add3A_549, %add3A_550 : vector<16xi32>
        %and3A_552 = arith.constant 127 : i32
        %and3A_553 = vector.broadcast %and3A_552 : i32 to vector<16xi32>
        %and3A_554 = arith.andi %add3A_551, %and3A_553 : vector<16xi32>
        %gather3A_555 = tpu.vector_load_idx %arg11[%add3A_148, %and3A_554] : memref<128x128xf32, #tpu.memory_space<vmem>>[vector<16xi32>, vector<16xi32>], vector<16xf32>,
        %gather3A_556 = tpu.vector_load_idx %arg12[%add3A_148, %and3A_554] : memref<128x128xf32, #tpu.memory_space<vmem>>[vector<16xi32>, vector<16xi32>], vector<16xf32>,
        %gather3A_557 = tpu.vector_load_idx %arg13[%add3A_148, %and3A_554] : memref<128x128xf32, #tpu.memory_space<vmem>>[vector<16xi32>, vector<16xi32>], vector<16xf32>,
        %mul3A_558 = arith.mulf %gather3A_555, %gather3A_556 : vector<16xf32>
        %mul3A_559 = arith.mulf %mul3A_558, %gather3A_557 : vector<16xf32>
        %add3A_560 = arith.addf %add3A_504, %mul3A_559 : vector<16xf32>
        %add3A_561 = arith.constant 28 : i32
        %add3A_562 = vector.broadcast %add3A_561 : i32 to vector<16xi32>
        %add3A_563 = arith.addi %iota3A, %add3A_562 : vector<16xi32>
        %add3A_564 = vector.broadcast %mul3A_170 : i32 to vector<16xi32>
        %add3A_565 = arith.addi %add3A_563, %add3A_564 : vector<16xi32>
        %and3A_566 = arith.constant 127 : i32
        %and3A_567 = vector.broadcast %and3A_566 : i32 to vector<16xi32>
        %and3A_568 = arith.andi %add3A_565, %and3A_567 : vector<16xi32>
        %gather3A_569 = tpu.vector_load_idx %arg11[%add3A_148, %and3A_568] : memref<128x128xf32, #tpu.memory_space<vmem>>[vector<16xi32>, vector<16xi32>], vector<16xf32>,
        %gather3A_570 = tpu.vector_load_idx %arg12[%add3A_148, %and3A_568] : memref<128x128xf32, #tpu.memory_space<vmem>>[vector<16xi32>, vector<16xi32>], vector<16xf32>,
        %gather3A_571 = tpu.vector_load_idx %arg13[%add3A_148, %and3A_568] : memref<128x128xf32, #tpu.memory_space<vmem>>[vector<16xi32>, vector<16xi32>], vector<16xf32>,
        %mul3A_572 = arith.mulf %gather3A_569, %gather3A_570 : vector<16xf32>
        %mul3A_573 = arith.mulf %mul3A_572, %gather3A_571 : vector<16xf32>
        %add3A_574 = arith.addf %add3A_518, %mul3A_573 : vector<16xf32>
        %add3A_575 = arith.constant 29 : i32
        %add3A_576 = vector.broadcast %add3A_575 : i32 to vector<16xi32>
        %add3A_577 = arith.addi %iota3A, %add3A_576 : vector<16xi32>
        %add3A_578 = vector.broadcast %mul3A_170 : i32 to vector<16xi32>
        %add3A_579 = arith.addi %add3A_577, %add3A_578 : vector<16xi32>
        %and3A_580 = arith.constant 127 : i32
        %and3A_581 = vector.broadcast %and3A_580 : i32 to vector<16xi32>
        %and3A_582 = arith.andi %add3A_579, %and3A_581 : vector<16xi32>
        %gather3A_583 = tpu.vector_load_idx %arg11[%add3A_148, %and3A_582] : memref<128x128xf32, #tpu.memory_space<vmem>>[vector<16xi32>, vector<16xi32>], vector<16xf32>,
        %gather3A_584 = tpu.vector_load_idx %arg12[%add3A_148, %and3A_582] : memref<128x128xf32, #tpu.memory_space<vmem>>[vector<16xi32>, vector<16xi32>], vector<16xf32>,
        %gather3A_585 = tpu.vector_load_idx %arg13[%add3A_148, %and3A_582] : memref<128x128xf32, #tpu.memory_space<vmem>>[vector<16xi32>, vector<16xi32>], vector<16xf32>,
        %mul3A_586 = arith.mulf %gather3A_583, %gather3A_584 : vector<16xf32>
        %mul3A_587 = arith.mulf %mul3A_586, %gather3A_585 : vector<16xf32>
        %add3A_588 = arith.addf %add3A_532, %mul3A_587 : vector<16xf32>
        %add3A_589 = arith.constant 30 : i32
        %add3A_590 = vector.broadcast %add3A_589 : i32 to vector<16xi32>
        %add3A_591 = arith.addi %iota3A, %add3A_590 : vector<16xi32>
        %add3A_592 = vector.broadcast %mul3A_170 : i32 to vector<16xi32>
        %add3A_593 = arith.addi %add3A_591, %add3A_592 : vector<16xi32>
        %and3A_594 = arith.constant 127 : i32
        %and3A_595 = vector.broadcast %and3A_594 : i32 to vector<16xi32>
        %and3A_596 = arith.andi %add3A_593, %and3A_595 : vector<16xi32>
        %gather3A_597 = tpu.vector_load_idx %arg11[%add3A_148, %and3A_596] : memref<128x128xf32, #tpu.memory_space<vmem>>[vector<16xi32>, vector<16xi32>], vector<16xf32>,
        %gather3A_598 = tpu.vector_load_idx %arg12[%add3A_148, %and3A_596] : memref<128x128xf32, #tpu.memory_space<vmem>>[vector<16xi32>, vector<16xi32>], vector<16xf32>,
        %gather3A_599 = tpu.vector_load_idx %arg13[%add3A_148, %and3A_596] : memref<128x128xf32, #tpu.memory_space<vmem>>[vector<16xi32>, vector<16xi32>], vector<16xf32>,
        %mul3A_600 = arith.mulf %gather3A_597, %gather3A_598 : vector<16xf32>
        %mul3A_601 = arith.mulf %mul3A_600, %gather3A_599 : vector<16xf32>
        %add3A_602 = arith.addf %add3A_546, %mul3A_601 : vector<16xf32>
        %add3A_603 = arith.constant 31 : i32
        %add3A_604 = vector.broadcast %add3A_603 : i32 to vector<16xi32>
        %add3A_605 = arith.addi %iota3A, %add3A_604 : vector<16xi32>
        %add3A_606 = vector.broadcast %mul3A_170 : i32 to vector<16xi32>
        %add3A_607 = arith.addi %add3A_605, %add3A_606 : vector<16xi32>
        %and3A_608 = arith.constant 127 : i32
        %and3A_609 = vector.broadcast %and3A_608 : i32 to vector<16xi32>
        %and3A_610 = arith.andi %add3A_607, %and3A_609 : vector<16xi32>
        %gather3A_611 = tpu.vector_load_idx %arg11[%add3A_148, %and3A_610] : memref<128x128xf32, #tpu.memory_space<vmem>>[vector<16xi32>, vector<16xi32>], vector<16xf32>,
        %gather3A_612 = tpu.vector_load_idx %arg12[%add3A_148, %and3A_610] : memref<128x128xf32, #tpu.memory_space<vmem>>[vector<16xi32>, vector<16xi32>], vector<16xf32>,
        %gather3A_613 = tpu.vector_load_idx %arg13[%add3A_148, %and3A_610] : memref<128x128xf32, #tpu.memory_space<vmem>>[vector<16xi32>, vector<16xi32>], vector<16xf32>,
        %mul3A_614 = arith.mulf %gather3A_611, %gather3A_612 : vector<16xf32>
        %mul3A_615 = arith.mulf %mul3A_614, %gather3A_613 : vector<16xf32>
        %add3A_616 = arith.addf %add3A_560, %mul3A_615 : vector<16xf32>
        scf.yield %add3A_574, %add3A_588, %add3A_602, %add3A_616 : vector<16xf32>, vector<16xf32>, vector<16xf32>, vector<16xf32>
      }
      %scan3A_155 = arith.constant 4 : i32
      %add3A_156 = arith.addf %scan3A_154#0, %scan3A_154#1 : vector<16xf32>
      %add3A_157 = arith.addf %scan3A_154#2, %scan3A_154#3 : vector<16xf32>
      %add3A_158 = arith.addf %add3A_156, %add3A_157 : vector<16xf32>
      %mul3A_159 = arith.constant 16 : i32
      %mul3A_160 = arith.muli %scan3A_144, %mul3A_159 : i32
      %add3A_161 = arith.constant 0 : i32
      %add3A_162 = arith.addi %add3A_161, %mul3A_160 : i32
      %swap3A = arith.index_cast %add3A_162 : i32 to index
      %swap3A_163 = tpu.vector_load %arg17[%swap3A] {strides = array<i32>} : memref<512xf32, #tpu.memory_space<vmem>>, vector<16xf32>,
      tpu.vector_store %arg17[%swap3A], %add3A_158 {strides = array<i32>} : memref<512xf32, #tpu.memory_space<vmem>>, vector<16xf32>,
    }
    %scan3A_50 = arith.constant 8 : i32
    %dma_wait3A_51 = arith.constant 128 : i32
    %dma_wait3A_52 = tpu.memref_slice %arg8[%dma_wait3A_51] : memref<512xi32, #tpu.memory_space<vmem>> -> memref<128xi32, #tpu.memory_space<vmem>>
    %dma_wait3A_53 = arith.constant 0 : i32
    %dma_wait3A_54 = arith.constant 0 : i32
    %dma_wait3A_55 = tpu.memref_slice %arg5[%dma_wait3A_53, %dma_wait3A_54] : memref<100000x128xf32, #tpu.memory_space<hbm>> -> memref<100000x128xf32, #tpu.memory_space<hbm>>
    tpu.wait_indirect_dma semaphore(%arg19 : memref<!tpu.dma_semaphore, #tpu.memory_space<semaphore_mem>>) src(%dma_wait3A_55 : memref<100000x128xf32, #tpu.memory_space<hbm>>) dst(%arg14 : memref<128x128xf32, #tpu.memory_space<vmem>>)
    %dma_wait3A_56 = arith.constant 128 : i32
    %dma_wait3A_57 = tpu.memref_slice %arg9[%dma_wait3A_56] : memref<512xi32, #tpu.memory_space<vmem>> -> memref<128xi32, #tpu.memory_space<vmem>>
    %dma_wait3A_58 = arith.constant 0 : i32
    %dma_wait3A_59 = arith.constant 0 : i32
    %dma_wait3A_60 = tpu.memref_slice %arg6[%dma_wait3A_58, %dma_wait3A_59] : memref<1000x128xf32, #tpu.memory_space<hbm>> -> memref<1000x128xf32, #tpu.memory_space<hbm>>
    tpu.wait_indirect_dma semaphore(%arg19 : memref<!tpu.dma_semaphore, #tpu.memory_space<semaphore_mem>>) src(%dma_wait3A_60 : memref<1000x128xf32, #tpu.memory_space<hbm>>) dst(%arg15 : memref<128x128xf32, #tpu.memory_space<vmem>>)
    %dma_wait3A_61 = arith.constant 128 : i32
    %dma_wait3A_62 = tpu.memref_slice %arg10[%dma_wait3A_61] : memref<512xi32, #tpu.memory_space<vmem>> -> memref<128xi32, #tpu.memory_space<vmem>>
    %dma_wait3A_63 = arith.constant 0 : i32
    %dma_wait3A_64 = arith.constant 0 : i32
    %dma_wait3A_65 = tpu.memref_slice %arg5[%dma_wait3A_63, %dma_wait3A_64] : memref<100000x128xf32, #tpu.memory_space<hbm>> -> memref<100000x128xf32, #tpu.memory_space<hbm>>
    tpu.wait_indirect_dma semaphore(%arg19 : memref<!tpu.dma_semaphore, #tpu.memory_space<semaphore_mem>>) src(%dma_wait3A_65 : memref<100000x128xf32, #tpu.memory_space<hbm>>) dst(%arg16 : memref<128x128xf32, #tpu.memory_space<vmem>>)
    %dma_start3A_66 = arith.constant 256 : i32
    %dma_start3A_67 = tpu.memref_slice %arg8[%dma_start3A_66] : memref<512xi32, #tpu.memory_space<vmem>> -> memref<128xi32, #tpu.memory_space<vmem>>
    %dma_start3A_68 = arith.constant 0 : i32
    %dma_start3A_69 = arith.constant 0 : i32
    %dma_start3A_70 = tpu.memref_slice %arg5[%dma_start3A_68, %dma_start3A_69] : memref<100000x128xf32, #tpu.memory_space<hbm>> -> memref<100000x128xf32, #tpu.memory_space<hbm>>
    tpu.enqueue_indirect_dma source(%dma_start3A_70 : memref<100000x128xf32, #tpu.memory_space<hbm>>) target(%arg11 : memref<128x128xf32, #tpu.memory_space<vmem>>) offsets(%dma_start3A_67 : memref<128xi32, #tpu.memory_space<vmem>>) semaphore(%arg18 : memref<!tpu.dma_semaphore, #tpu.memory_space<semaphore_mem>>)
    %dma_start3A_71 = arith.constant 256 : i32
    %dma_start3A_72 = tpu.memref_slice %arg9[%dma_start3A_71] : memref<512xi32, #tpu.memory_space<vmem>> -> memref<128xi32, #tpu.memory_space<vmem>>
    %dma_start3A_73 = arith.constant 0 : i32
    %dma_start3A_74 = arith.constant 0 : i32
    %dma_start3A_75 = tpu.memref_slice %arg6[%dma_start3A_73, %dma_start3A_74] : memref<1000x128xf32, #tpu.memory_space<hbm>> -> memref<1000x128xf32, #tpu.memory_space<hbm>>
    tpu.enqueue_indirect_dma source(%dma_start3A_75 : memref<1000x128xf32, #tpu.memory_space<hbm>>) target(%arg12 : memref<128x128xf32, #tpu.memory_space<vmem>>) offsets(%dma_start3A_72 : memref<128xi32, #tpu.memory_space<vmem>>) semaphore(%arg18 : memref<!tpu.dma_semaphore, #tpu.memory_space<semaphore_mem>>)
    %dma_start3A_76 = arith.constant 256 : i32
    %dma_start3A_77 = tpu.memref_slice %arg10[%dma_start3A_76] : memref<512xi32, #tpu.memory_space<vmem>> -> memref<128xi32, #tpu.memory_space<vmem>>
    %dma_start3A_78 = arith.constant 0 : i32
    %dma_start3A_79 = arith.constant 0 : i32
    %dma_start3A_80 = tpu.memref_slice %arg5[%dma_start3A_78, %dma_start3A_79] : memref<100000x128xf32, #tpu.memory_space<hbm>> -> memref<100000x128xf32, #tpu.memory_space<hbm>>
    tpu.enqueue_indirect_dma source(%dma_start3A_80 : memref<100000x128xf32, #tpu.memory_space<hbm>>) target(%arg13 : memref<128x128xf32, #tpu.memory_space<vmem>>) offsets(%dma_start3A_77 : memref<128xi32, #tpu.memory_space<vmem>>) semaphore(%arg18 : memref<!tpu.dma_semaphore, #tpu.memory_space<semaphore_mem>>)
    %scan3A_81 = arith.constant 0 : i32
    %scan3A_82 = arith.constant 0 : i32
    %scan3A_83 = arith.constant 8 : i32
    %scan3A_84 = arith.addi %scan3A_82, %scan3A_83 : i32
    %scan3A_85 = arith.constant 1 : i32
    scf.for %scan3A_144 = %scan3A_82 to %scan3A_84 step %scan3A_85  : i32 {
      %mul3A_145 = arith.constant 16 : i32
      %mul3A_146 = arith.muli %scan3A_144, %mul3A_145 : i32
      %add3A_147 = vector.broadcast %mul3A_146 : i32 to vector<16xi32>
      %add3A_148 = arith.addi %iota3A, %add3A_147 : vector<16xi32>
      %broadcast_in_dim3A = arith.constant 0.000000e+00 : f32
      %broadcast_in_dim3A_149 = vector.broadcast %broadcast_in_dim3A : f32 to vector<16xf32>
      %scan3A_150 = arith.constant 0 : i32
      %scan3A_151 = arith.constant 4 : i32
      %scan3A_152 = arith.addi %scan3A_150, %scan3A_151 : i32
      %scan3A_153 = arith.constant 1 : i32
      %scan3A_154:4 = scf.for %scan3A_164 = %scan3A_150 to %scan3A_152 step %scan3A_153 iter_args(%scan3A_165 = %broadcast_in_dim3A_149, %scan3A_166 = %broadcast_in_dim3A_149, %scan3A_167 = %broadcast_in_dim3A_149, %scan3A_168 = %broadcast_in_dim3A_149) -> (vector<16xf32>, vector<16xf32>, vector<16xf32>, vector<16xf32>)  : i32 {
        %mul3A_169 = arith.constant 32 : i32
        %mul3A_170 = arith.muli %scan3A_164, %mul3A_169 : i32
        %add3A_171 = arith.constant 0 : i32
        %add3A_172 = vector.broadcast %add3A_171 : i32 to vector<16xi32>
        %add3A_173 = arith.addi %iota3A, %add3A_172 : vector<16xi32>
        %add3A_174 = vector.broadcast %mul3A_170 : i32 to vector<16xi32>
        %add3A_175 = arith.addi %add3A_173, %add3A_174 : vector<16xi32>
        %and3A = arith.constant 127 : i32
        %and3A_176 = vector.broadcast %and3A : i32 to vector<16xi32>
        %and3A_177 = arith.andi %add3A_175, %and3A_176 : vector<16xi32>
        %gather3A = tpu.vector_load_idx %arg14[%add3A_148, %and3A_177] : memref<128x128xf32, #tpu.memory_space<vmem>>[vector<16xi32>, vector<16xi32>], vector<16xf32>,
        %gather3A_178 = tpu.vector_load_idx %arg15[%add3A_148, %and3A_177] : memref<128x128xf32, #tpu.memory_space<vmem>>[vector<16xi32>, vector<16xi32>], vector<16xf32>,
        %gather3A_179 = tpu.vector_load_idx %arg16[%add3A_148, %and3A_177] : memref<128x128xf32, #tpu.memory_space<vmem>>[vector<16xi32>, vector<16xi32>], vector<16xf32>,
        %mul3A_180 = arith.mulf %gather3A, %gather3A_178 : vector<16xf32>
        %mul3A_181 = arith.mulf %mul3A_180, %gather3A_179 : vector<16xf32>
        %add3A_182 = arith.addf %scan3A_165, %mul3A_181 : vector<16xf32>
        %add3A_183 = arith.constant 1 : i32
        %add3A_184 = vector.broadcast %add3A_183 : i32 to vector<16xi32>
        %add3A_185 = arith.addi %iota3A, %add3A_184 : vector<16xi32>
        %add3A_186 = vector.broadcast %mul3A_170 : i32 to vector<16xi32>
        %add3A_187 = arith.addi %add3A_185, %add3A_186 : vector<16xi32>
        %and3A_188 = arith.constant 127 : i32
        %and3A_189 = vector.broadcast %and3A_188 : i32 to vector<16xi32>
        %and3A_190 = arith.andi %add3A_187, %and3A_189 : vector<16xi32>
        %gather3A_191 = tpu.vector_load_idx %arg14[%add3A_148, %and3A_190] : memref<128x128xf32, #tpu.memory_space<vmem>>[vector<16xi32>, vector<16xi32>], vector<16xf32>,
        %gather3A_192 = tpu.vector_load_idx %arg15[%add3A_148, %and3A_190] : memref<128x128xf32, #tpu.memory_space<vmem>>[vector<16xi32>, vector<16xi32>], vector<16xf32>,
        %gather3A_193 = tpu.vector_load_idx %arg16[%add3A_148, %and3A_190] : memref<128x128xf32, #tpu.memory_space<vmem>>[vector<16xi32>, vector<16xi32>], vector<16xf32>,
        %mul3A_194 = arith.mulf %gather3A_191, %gather3A_192 : vector<16xf32>
        %mul3A_195 = arith.mulf %mul3A_194, %gather3A_193 : vector<16xf32>
        %add3A_196 = arith.addf %scan3A_166, %mul3A_195 : vector<16xf32>
        %add3A_197 = arith.constant 2 : i32
        %add3A_198 = vector.broadcast %add3A_197 : i32 to vector<16xi32>
        %add3A_199 = arith.addi %iota3A, %add3A_198 : vector<16xi32>
        %add3A_200 = vector.broadcast %mul3A_170 : i32 to vector<16xi32>
        %add3A_201 = arith.addi %add3A_199, %add3A_200 : vector<16xi32>
        %and3A_202 = arith.constant 127 : i32
        %and3A_203 = vector.broadcast %and3A_202 : i32 to vector<16xi32>
        %and3A_204 = arith.andi %add3A_201, %and3A_203 : vector<16xi32>
        %gather3A_205 = tpu.vector_load_idx %arg14[%add3A_148, %and3A_204] : memref<128x128xf32, #tpu.memory_space<vmem>>[vector<16xi32>, vector<16xi32>], vector<16xf32>,
        %gather3A_206 = tpu.vector_load_idx %arg15[%add3A_148, %and3A_204] : memref<128x128xf32, #tpu.memory_space<vmem>>[vector<16xi32>, vector<16xi32>], vector<16xf32>,
        %gather3A_207 = tpu.vector_load_idx %arg16[%add3A_148, %and3A_204] : memref<128x128xf32, #tpu.memory_space<vmem>>[vector<16xi32>, vector<16xi32>], vector<16xf32>,
        %mul3A_208 = arith.mulf %gather3A_205, %gather3A_206 : vector<16xf32>
        %mul3A_209 = arith.mulf %mul3A_208, %gather3A_207 : vector<16xf32>
        %add3A_210 = arith.addf %scan3A_167, %mul3A_209 : vector<16xf32>
        %add3A_211 = arith.constant 3 : i32
        %add3A_212 = vector.broadcast %add3A_211 : i32 to vector<16xi32>
        %add3A_213 = arith.addi %iota3A, %add3A_212 : vector<16xi32>
        %add3A_214 = vector.broadcast %mul3A_170 : i32 to vector<16xi32>
        %add3A_215 = arith.addi %add3A_213, %add3A_214 : vector<16xi32>
        %and3A_216 = arith.constant 127 : i32
        %and3A_217 = vector.broadcast %and3A_216 : i32 to vector<16xi32>
        %and3A_218 = arith.andi %add3A_215, %and3A_217 : vector<16xi32>
        %gather3A_219 = tpu.vector_load_idx %arg14[%add3A_148, %and3A_218] : memref<128x128xf32, #tpu.memory_space<vmem>>[vector<16xi32>, vector<16xi32>], vector<16xf32>,
        %gather3A_220 = tpu.vector_load_idx %arg15[%add3A_148, %and3A_218] : memref<128x128xf32, #tpu.memory_space<vmem>>[vector<16xi32>, vector<16xi32>], vector<16xf32>,
        %gather3A_221 = tpu.vector_load_idx %arg16[%add3A_148, %and3A_218] : memref<128x128xf32, #tpu.memory_space<vmem>>[vector<16xi32>, vector<16xi32>], vector<16xf32>,
        %mul3A_222 = arith.mulf %gather3A_219, %gather3A_220 : vector<16xf32>
        %mul3A_223 = arith.mulf %mul3A_222, %gather3A_221 : vector<16xf32>
        %add3A_224 = arith.addf %scan3A_168, %mul3A_223 : vector<16xf32>
        %add3A_225 = arith.constant 4 : i32
        %add3A_226 = vector.broadcast %add3A_225 : i32 to vector<16xi32>
        %add3A_227 = arith.addi %iota3A, %add3A_226 : vector<16xi32>
        %add3A_228 = vector.broadcast %mul3A_170 : i32 to vector<16xi32>
        %add3A_229 = arith.addi %add3A_227, %add3A_228 : vector<16xi32>
        %and3A_230 = arith.constant 127 : i32
        %and3A_231 = vector.broadcast %and3A_230 : i32 to vector<16xi32>
        %and3A_232 = arith.andi %add3A_229, %and3A_231 : vector<16xi32>
        %gather3A_233 = tpu.vector_load_idx %arg14[%add3A_148, %and3A_232] : memref<128x128xf32, #tpu.memory_space<vmem>>[vector<16xi32>, vector<16xi32>], vector<16xf32>,
        %gather3A_234 = tpu.vector_load_idx %arg15[%add3A_148, %and3A_232] : memref<128x128xf32, #tpu.memory_space<vmem>>[vector<16xi32>, vector<16xi32>], vector<16xf32>,
        %gather3A_235 = tpu.vector_load_idx %arg16[%add3A_148, %and3A_232] : memref<128x128xf32, #tpu.memory_space<vmem>>[vector<16xi32>, vector<16xi32>], vector<16xf32>,
        %mul3A_236 = arith.mulf %gather3A_233, %gather3A_234 : vector<16xf32>
        %mul3A_237 = arith.mulf %mul3A_236, %gather3A_235 : vector<16xf32>
        %add3A_238 = arith.addf %add3A_182, %mul3A_237 : vector<16xf32>
        %add3A_239 = arith.constant 5 : i32
        %add3A_240 = vector.broadcast %add3A_239 : i32 to vector<16xi32>
        %add3A_241 = arith.addi %iota3A, %add3A_240 : vector<16xi32>
        %add3A_242 = vector.broadcast %mul3A_170 : i32 to vector<16xi32>
        %add3A_243 = arith.addi %add3A_241, %add3A_242 : vector<16xi32>
        %and3A_244 = arith.constant 127 : i32
        %and3A_245 = vector.broadcast %and3A_244 : i32 to vector<16xi32>
        %and3A_246 = arith.andi %add3A_243, %and3A_245 : vector<16xi32>
        %gather3A_247 = tpu.vector_load_idx %arg14[%add3A_148, %and3A_246] : memref<128x128xf32, #tpu.memory_space<vmem>>[vector<16xi32>, vector<16xi32>], vector<16xf32>,
        %gather3A_248 = tpu.vector_load_idx %arg15[%add3A_148, %and3A_246] : memref<128x128xf32, #tpu.memory_space<vmem>>[vector<16xi32>, vector<16xi32>], vector<16xf32>,
        %gather3A_249 = tpu.vector_load_idx %arg16[%add3A_148, %and3A_246] : memref<128x128xf32, #tpu.memory_space<vmem>>[vector<16xi32>, vector<16xi32>], vector<16xf32>,
        %mul3A_250 = arith.mulf %gather3A_247, %gather3A_248 : vector<16xf32>
        %mul3A_251 = arith.mulf %mul3A_250, %gather3A_249 : vector<16xf32>
        %add3A_252 = arith.addf %add3A_196, %mul3A_251 : vector<16xf32>
        %add3A_253 = arith.constant 6 : i32
        %add3A_254 = vector.broadcast %add3A_253 : i32 to vector<16xi32>
        %add3A_255 = arith.addi %iota3A, %add3A_254 : vector<16xi32>
        %add3A_256 = vector.broadcast %mul3A_170 : i32 to vector<16xi32>
        %add3A_257 = arith.addi %add3A_255, %add3A_256 : vector<16xi32>
        %and3A_258 = arith.constant 127 : i32
        %and3A_259 = vector.broadcast %and3A_258 : i32 to vector<16xi32>
        %and3A_260 = arith.andi %add3A_257, %and3A_259 : vector<16xi32>
        %gather3A_261 = tpu.vector_load_idx %arg14[%add3A_148, %and3A_260] : memref<128x128xf32, #tpu.memory_space<vmem>>[vector<16xi32>, vector<16xi32>], vector<16xf32>,
        %gather3A_262 = tpu.vector_load_idx %arg15[%add3A_148, %and3A_260] : memref<128x128xf32, #tpu.memory_space<vmem>>[vector<16xi32>, vector<16xi32>], vector<16xf32>,
        %gather3A_263 = tpu.vector_load_idx %arg16[%add3A_148, %and3A_260] : memref<128x128xf32, #tpu.memory_space<vmem>>[vector<16xi32>, vector<16xi32>], vector<16xf32>,
        %mul3A_264 = arith.mulf %gather3A_261, %gather3A_262 : vector<16xf32>
        %mul3A_265 = arith.mulf %mul3A_264, %gather3A_263 : vector<16xf32>
        %add3A_266 = arith.addf %add3A_210, %mul3A_265 : vector<16xf32>
        %add3A_267 = arith.constant 7 : i32
        %add3A_268 = vector.broadcast %add3A_267 : i32 to vector<16xi32>
        %add3A_269 = arith.addi %iota3A, %add3A_268 : vector<16xi32>
        %add3A_270 = vector.broadcast %mul3A_170 : i32 to vector<16xi32>
        %add3A_271 = arith.addi %add3A_269, %add3A_270 : vector<16xi32>
        %and3A_272 = arith.constant 127 : i32
        %and3A_273 = vector.broadcast %and3A_272 : i32 to vector<16xi32>
        %and3A_274 = arith.andi %add3A_271, %and3A_273 : vector<16xi32>
        %gather3A_275 = tpu.vector_load_idx %arg14[%add3A_148, %and3A_274] : memref<128x128xf32, #tpu.memory_space<vmem>>[vector<16xi32>, vector<16xi32>], vector<16xf32>,
        %gather3A_276 = tpu.vector_load_idx %arg15[%add3A_148, %and3A_274] : memref<128x128xf32, #tpu.memory_space<vmem>>[vector<16xi32>, vector<16xi32>], vector<16xf32>,
        %gather3A_277 = tpu.vector_load_idx %arg16[%add3A_148, %and3A_274] : memref<128x128xf32, #tpu.memory_space<vmem>>[vector<16xi32>, vector<16xi32>], vector<16xf32>,
        %mul3A_278 = arith.mulf %gather3A_275, %gather3A_276 : vector<16xf32>
        %mul3A_279 = arith.mulf %mul3A_278, %gather3A_277 : vector<16xf32>
        %add3A_280 = arith.addf %add3A_224, %mul3A_279 : vector<16xf32>
        %add3A_281 = arith.constant 8 : i32
        %add3A_282 = vector.broadcast %add3A_281 : i32 to vector<16xi32>
        %add3A_283 = arith.addi %iota3A, %add3A_282 : vector<16xi32>
        %add3A_284 = vector.broadcast %mul3A_170 : i32 to vector<16xi32>
        %add3A_285 = arith.addi %add3A_283, %add3A_284 : vector<16xi32>
        %and3A_286 = arith.constant 127 : i32
        %and3A_287 = vector.broadcast %and3A_286 : i32 to vector<16xi32>
        %and3A_288 = arith.andi %add3A_285, %and3A_287 : vector<16xi32>
        %gather3A_289 = tpu.vector_load_idx %arg14[%add3A_148, %and3A_288] : memref<128x128xf32, #tpu.memory_space<vmem>>[vector<16xi32>, vector<16xi32>], vector<16xf32>,
        %gather3A_290 = tpu.vector_load_idx %arg15[%add3A_148, %and3A_288] : memref<128x128xf32, #tpu.memory_space<vmem>>[vector<16xi32>, vector<16xi32>], vector<16xf32>,
        %gather3A_291 = tpu.vector_load_idx %arg16[%add3A_148, %and3A_288] : memref<128x128xf32, #tpu.memory_space<vmem>>[vector<16xi32>, vector<16xi32>], vector<16xf32>,
        %mul3A_292 = arith.mulf %gather3A_289, %gather3A_290 : vector<16xf32>
        %mul3A_293 = arith.mulf %mul3A_292, %gather3A_291 : vector<16xf32>
        %add3A_294 = arith.addf %add3A_238, %mul3A_293 : vector<16xf32>
        %add3A_295 = arith.constant 9 : i32
        %add3A_296 = vector.broadcast %add3A_295 : i32 to vector<16xi32>
        %add3A_297 = arith.addi %iota3A, %add3A_296 : vector<16xi32>
        %add3A_298 = vector.broadcast %mul3A_170 : i32 to vector<16xi32>
        %add3A_299 = arith.addi %add3A_297, %add3A_298 : vector<16xi32>
        %and3A_300 = arith.constant 127 : i32
        %and3A_301 = vector.broadcast %and3A_300 : i32 to vector<16xi32>
        %and3A_302 = arith.andi %add3A_299, %and3A_301 : vector<16xi32>
        %gather3A_303 = tpu.vector_load_idx %arg14[%add3A_148, %and3A_302] : memref<128x128xf32, #tpu.memory_space<vmem>>[vector<16xi32>, vector<16xi32>], vector<16xf32>,
        %gather3A_304 = tpu.vector_load_idx %arg15[%add3A_148, %and3A_302] : memref<128x128xf32, #tpu.memory_space<vmem>>[vector<16xi32>, vector<16xi32>], vector<16xf32>,
        %gather3A_305 = tpu.vector_load_idx %arg16[%add3A_148, %and3A_302] : memref<128x128xf32, #tpu.memory_space<vmem>>[vector<16xi32>, vector<16xi32>], vector<16xf32>,
        %mul3A_306 = arith.mulf %gather3A_303, %gather3A_304 : vector<16xf32>
        %mul3A_307 = arith.mulf %mul3A_306, %gather3A_305 : vector<16xf32>
        %add3A_308 = arith.addf %add3A_252, %mul3A_307 : vector<16xf32>
        %add3A_309 = arith.constant 10 : i32
        %add3A_310 = vector.broadcast %add3A_309 : i32 to vector<16xi32>
        %add3A_311 = arith.addi %iota3A, %add3A_310 : vector<16xi32>
        %add3A_312 = vector.broadcast %mul3A_170 : i32 to vector<16xi32>
        %add3A_313 = arith.addi %add3A_311, %add3A_312 : vector<16xi32>
        %and3A_314 = arith.constant 127 : i32
        %and3A_315 = vector.broadcast %and3A_314 : i32 to vector<16xi32>
        %and3A_316 = arith.andi %add3A_313, %and3A_315 : vector<16xi32>
        %gather3A_317 = tpu.vector_load_idx %arg14[%add3A_148, %and3A_316] : memref<128x128xf32, #tpu.memory_space<vmem>>[vector<16xi32>, vector<16xi32>], vector<16xf32>,
        %gather3A_318 = tpu.vector_load_idx %arg15[%add3A_148, %and3A_316] : memref<128x128xf32, #tpu.memory_space<vmem>>[vector<16xi32>, vector<16xi32>], vector<16xf32>,
        %gather3A_319 = tpu.vector_load_idx %arg16[%add3A_148, %and3A_316] : memref<128x128xf32, #tpu.memory_space<vmem>>[vector<16xi32>, vector<16xi32>], vector<16xf32>,
        %mul3A_320 = arith.mulf %gather3A_317, %gather3A_318 : vector<16xf32>
        %mul3A_321 = arith.mulf %mul3A_320, %gather3A_319 : vector<16xf32>
        %add3A_322 = arith.addf %add3A_266, %mul3A_321 : vector<16xf32>
        %add3A_323 = arith.constant 11 : i32
        %add3A_324 = vector.broadcast %add3A_323 : i32 to vector<16xi32>
        %add3A_325 = arith.addi %iota3A, %add3A_324 : vector<16xi32>
        %add3A_326 = vector.broadcast %mul3A_170 : i32 to vector<16xi32>
        %add3A_327 = arith.addi %add3A_325, %add3A_326 : vector<16xi32>
        %and3A_328 = arith.constant 127 : i32
        %and3A_329 = vector.broadcast %and3A_328 : i32 to vector<16xi32>
        %and3A_330 = arith.andi %add3A_327, %and3A_329 : vector<16xi32>
        %gather3A_331 = tpu.vector_load_idx %arg14[%add3A_148, %and3A_330] : memref<128x128xf32, #tpu.memory_space<vmem>>[vector<16xi32>, vector<16xi32>], vector<16xf32>,
        %gather3A_332 = tpu.vector_load_idx %arg15[%add3A_148, %and3A_330] : memref<128x128xf32, #tpu.memory_space<vmem>>[vector<16xi32>, vector<16xi32>], vector<16xf32>,
        %gather3A_333 = tpu.vector_load_idx %arg16[%add3A_148, %and3A_330] : memref<128x128xf32, #tpu.memory_space<vmem>>[vector<16xi32>, vector<16xi32>], vector<16xf32>,
        %mul3A_334 = arith.mulf %gather3A_331, %gather3A_332 : vector<16xf32>
        %mul3A_335 = arith.mulf %mul3A_334, %gather3A_333 : vector<16xf32>
        %add3A_336 = arith.addf %add3A_280, %mul3A_335 : vector<16xf32>
        %add3A_337 = arith.constant 12 : i32
        %add3A_338 = vector.broadcast %add3A_337 : i32 to vector<16xi32>
        %add3A_339 = arith.addi %iota3A, %add3A_338 : vector<16xi32>
        %add3A_340 = vector.broadcast %mul3A_170 : i32 to vector<16xi32>
        %add3A_341 = arith.addi %add3A_339, %add3A_340 : vector<16xi32>
        %and3A_342 = arith.constant 127 : i32
        %and3A_343 = vector.broadcast %and3A_342 : i32 to vector<16xi32>
        %and3A_344 = arith.andi %add3A_341, %and3A_343 : vector<16xi32>
        %gather3A_345 = tpu.vector_load_idx %arg14[%add3A_148, %and3A_344] : memref<128x128xf32, #tpu.memory_space<vmem>>[vector<16xi32>, vector<16xi32>], vector<16xf32>,
        %gather3A_346 = tpu.vector_load_idx %arg15[%add3A_148, %and3A_344] : memref<128x128xf32, #tpu.memory_space<vmem>>[vector<16xi32>, vector<16xi32>], vector<16xf32>,
        %gather3A_347 = tpu.vector_load_idx %arg16[%add3A_148, %and3A_344] : memref<128x128xf32, #tpu.memory_space<vmem>>[vector<16xi32>, vector<16xi32>], vector<16xf32>,
        %mul3A_348 = arith.mulf %gather3A_345, %gather3A_346 : vector<16xf32>
        %mul3A_349 = arith.mulf %mul3A_348, %gather3A_347 : vector<16xf32>
        %add3A_350 = arith.addf %add3A_294, %mul3A_349 : vector<16xf32>
        %add3A_351 = arith.constant 13 : i32
        %add3A_352 = vector.broadcast %add3A_351 : i32 to vector<16xi32>
        %add3A_353 = arith.addi %iota3A, %add3A_352 : vector<16xi32>
        %add3A_354 = vector.broadcast %mul3A_170 : i32 to vector<16xi32>
        %add3A_355 = arith.addi %add3A_353, %add3A_354 : vector<16xi32>
        %and3A_356 = arith.constant 127 : i32
        %and3A_357 = vector.broadcast %and3A_356 : i32 to vector<16xi32>
        %and3A_358 = arith.andi %add3A_355, %and3A_357 : vector<16xi32>
        %gather3A_359 = tpu.vector_load_idx %arg14[%add3A_148, %and3A_358] : memref<128x128xf32, #tpu.memory_space<vmem>>[vector<16xi32>, vector<16xi32>], vector<16xf32>,
        %gather3A_360 = tpu.vector_load_idx %arg15[%add3A_148, %and3A_358] : memref<128x128xf32, #tpu.memory_space<vmem>>[vector<16xi32>, vector<16xi32>], vector<16xf32>,
        %gather3A_361 = tpu.vector_load_idx %arg16[%add3A_148, %and3A_358] : memref<128x128xf32, #tpu.memory_space<vmem>>[vector<16xi32>, vector<16xi32>], vector<16xf32>,
        %mul3A_362 = arith.mulf %gather3A_359, %gather3A_360 : vector<16xf32>
        %mul3A_363 = arith.mulf %mul3A_362, %gather3A_361 : vector<16xf32>
        %add3A_364 = arith.addf %add3A_308, %mul3A_363 : vector<16xf32>
        %add3A_365 = arith.constant 14 : i32
        %add3A_366 = vector.broadcast %add3A_365 : i32 to vector<16xi32>
        %add3A_367 = arith.addi %iota3A, %add3A_366 : vector<16xi32>
        %add3A_368 = vector.broadcast %mul3A_170 : i32 to vector<16xi32>
        %add3A_369 = arith.addi %add3A_367, %add3A_368 : vector<16xi32>
        %and3A_370 = arith.constant 127 : i32
        %and3A_371 = vector.broadcast %and3A_370 : i32 to vector<16xi32>
        %and3A_372 = arith.andi %add3A_369, %and3A_371 : vector<16xi32>
        %gather3A_373 = tpu.vector_load_idx %arg14[%add3A_148, %and3A_372] : memref<128x128xf32, #tpu.memory_space<vmem>>[vector<16xi32>, vector<16xi32>], vector<16xf32>,
        %gather3A_374 = tpu.vector_load_idx %arg15[%add3A_148, %and3A_372] : memref<128x128xf32, #tpu.memory_space<vmem>>[vector<16xi32>, vector<16xi32>], vector<16xf32>,
        %gather3A_375 = tpu.vector_load_idx %arg16[%add3A_148, %and3A_372] : memref<128x128xf32, #tpu.memory_space<vmem>>[vector<16xi32>, vector<16xi32>], vector<16xf32>,
        %mul3A_376 = arith.mulf %gather3A_373, %gather3A_374 : vector<16xf32>
        %mul3A_377 = arith.mulf %mul3A_376, %gather3A_375 : vector<16xf32>
        %add3A_378 = arith.addf %add3A_322, %mul3A_377 : vector<16xf32>
        %add3A_379 = arith.constant 15 : i32
        %add3A_380 = vector.broadcast %add3A_379 : i32 to vector<16xi32>
        %add3A_381 = arith.addi %iota3A, %add3A_380 : vector<16xi32>
        %add3A_382 = vector.broadcast %mul3A_170 : i32 to vector<16xi32>
        %add3A_383 = arith.addi %add3A_381, %add3A_382 : vector<16xi32>
        %and3A_384 = arith.constant 127 : i32
        %and3A_385 = vector.broadcast %and3A_384 : i32 to vector<16xi32>
        %and3A_386 = arith.andi %add3A_383, %and3A_385 : vector<16xi32>
        %gather3A_387 = tpu.vector_load_idx %arg14[%add3A_148, %and3A_386] : memref<128x128xf32, #tpu.memory_space<vmem>>[vector<16xi32>, vector<16xi32>], vector<16xf32>,
        %gather3A_388 = tpu.vector_load_idx %arg15[%add3A_148, %and3A_386] : memref<128x128xf32, #tpu.memory_space<vmem>>[vector<16xi32>, vector<16xi32>], vector<16xf32>,
        %gather3A_389 = tpu.vector_load_idx %arg16[%add3A_148, %and3A_386] : memref<128x128xf32, #tpu.memory_space<vmem>>[vector<16xi32>, vector<16xi32>], vector<16xf32>,
        %mul3A_390 = arith.mulf %gather3A_387, %gather3A_388 : vector<16xf32>
        %mul3A_391 = arith.mulf %mul3A_390, %gather3A_389 : vector<16xf32>
        %add3A_392 = arith.addf %add3A_336, %mul3A_391 : vector<16xf32>
        %add3A_393 = arith.constant 16 : i32
        %add3A_394 = vector.broadcast %add3A_393 : i32 to vector<16xi32>
        %add3A_395 = arith.addi %iota3A, %add3A_394 : vector<16xi32>
        %add3A_396 = vector.broadcast %mul3A_170 : i32 to vector<16xi32>
        %add3A_397 = arith.addi %add3A_395, %add3A_396 : vector<16xi32>
        %and3A_398 = arith.constant 127 : i32
        %and3A_399 = vector.broadcast %and3A_398 : i32 to vector<16xi32>
        %and3A_400 = arith.andi %add3A_397, %and3A_399 : vector<16xi32>
        %gather3A_401 = tpu.vector_load_idx %arg14[%add3A_148, %and3A_400] : memref<128x128xf32, #tpu.memory_space<vmem>>[vector<16xi32>, vector<16xi32>], vector<16xf32>,
        %gather3A_402 = tpu.vector_load_idx %arg15[%add3A_148, %and3A_400] : memref<128x128xf32, #tpu.memory_space<vmem>>[vector<16xi32>, vector<16xi32>], vector<16xf32>,
        %gather3A_403 = tpu.vector_load_idx %arg16[%add3A_148, %and3A_400] : memref<128x128xf32, #tpu.memory_space<vmem>>[vector<16xi32>, vector<16xi32>], vector<16xf32>,
        %mul3A_404 = arith.mulf %gather3A_401, %gather3A_402 : vector<16xf32>
        %mul3A_405 = arith.mulf %mul3A_404, %gather3A_403 : vector<16xf32>
        %add3A_406 = arith.addf %add3A_350, %mul3A_405 : vector<16xf32>
        %add3A_407 = arith.constant 17 : i32
        %add3A_408 = vector.broadcast %add3A_407 : i32 to vector<16xi32>
        %add3A_409 = arith.addi %iota3A, %add3A_408 : vector<16xi32>
        %add3A_410 = vector.broadcast %mul3A_170 : i32 to vector<16xi32>
        %add3A_411 = arith.addi %add3A_409, %add3A_410 : vector<16xi32>
        %and3A_412 = arith.constant 127 : i32
        %and3A_413 = vector.broadcast %and3A_412 : i32 to vector<16xi32>
        %and3A_414 = arith.andi %add3A_411, %and3A_413 : vector<16xi32>
        %gather3A_415 = tpu.vector_load_idx %arg14[%add3A_148, %and3A_414] : memref<128x128xf32, #tpu.memory_space<vmem>>[vector<16xi32>, vector<16xi32>], vector<16xf32>,
        %gather3A_416 = tpu.vector_load_idx %arg15[%add3A_148, %and3A_414] : memref<128x128xf32, #tpu.memory_space<vmem>>[vector<16xi32>, vector<16xi32>], vector<16xf32>,
        %gather3A_417 = tpu.vector_load_idx %arg16[%add3A_148, %and3A_414] : memref<128x128xf32, #tpu.memory_space<vmem>>[vector<16xi32>, vector<16xi32>], vector<16xf32>,
        %mul3A_418 = arith.mulf %gather3A_415, %gather3A_416 : vector<16xf32>
        %mul3A_419 = arith.mulf %mul3A_418, %gather3A_417 : vector<16xf32>
        %add3A_420 = arith.addf %add3A_364, %mul3A_419 : vector<16xf32>
        %add3A_421 = arith.constant 18 : i32
        %add3A_422 = vector.broadcast %add3A_421 : i32 to vector<16xi32>
        %add3A_423 = arith.addi %iota3A, %add3A_422 : vector<16xi32>
        %add3A_424 = vector.broadcast %mul3A_170 : i32 to vector<16xi32>
        %add3A_425 = arith.addi %add3A_423, %add3A_424 : vector<16xi32>
        %and3A_426 = arith.constant 127 : i32
        %and3A_427 = vector.broadcast %and3A_426 : i32 to vector<16xi32>
        %and3A_428 = arith.andi %add3A_425, %and3A_427 : vector<16xi32>
        %gather3A_429 = tpu.vector_load_idx %arg14[%add3A_148, %and3A_428] : memref<128x128xf32, #tpu.memory_space<vmem>>[vector<16xi32>, vector<16xi32>], vector<16xf32>,
        %gather3A_430 = tpu.vector_load_idx %arg15[%add3A_148, %and3A_428] : memref<128x128xf32, #tpu.memory_space<vmem>>[vector<16xi32>, vector<16xi32>], vector<16xf32>,
        %gather3A_431 = tpu.vector_load_idx %arg16[%add3A_148, %and3A_428] : memref<128x128xf32, #tpu.memory_space<vmem>>[vector<16xi32>, vector<16xi32>], vector<16xf32>,
        %mul3A_432 = arith.mulf %gather3A_429, %gather3A_430 : vector<16xf32>
        %mul3A_433 = arith.mulf %mul3A_432, %gather3A_431 : vector<16xf32>
        %add3A_434 = arith.addf %add3A_378, %mul3A_433 : vector<16xf32>
        %add3A_435 = arith.constant 19 : i32
        %add3A_436 = vector.broadcast %add3A_435 : i32 to vector<16xi32>
        %add3A_437 = arith.addi %iota3A, %add3A_436 : vector<16xi32>
        %add3A_438 = vector.broadcast %mul3A_170 : i32 to vector<16xi32>
        %add3A_439 = arith.addi %add3A_437, %add3A_438 : vector<16xi32>
        %and3A_440 = arith.constant 127 : i32
        %and3A_441 = vector.broadcast %and3A_440 : i32 to vector<16xi32>
        %and3A_442 = arith.andi %add3A_439, %and3A_441 : vector<16xi32>
        %gather3A_443 = tpu.vector_load_idx %arg14[%add3A_148, %and3A_442] : memref<128x128xf32, #tpu.memory_space<vmem>>[vector<16xi32>, vector<16xi32>], vector<16xf32>,
        %gather3A_444 = tpu.vector_load_idx %arg15[%add3A_148, %and3A_442] : memref<128x128xf32, #tpu.memory_space<vmem>>[vector<16xi32>, vector<16xi32>], vector<16xf32>,
        %gather3A_445 = tpu.vector_load_idx %arg16[%add3A_148, %and3A_442] : memref<128x128xf32, #tpu.memory_space<vmem>>[vector<16xi32>, vector<16xi32>], vector<16xf32>,
        %mul3A_446 = arith.mulf %gather3A_443, %gather3A_444 : vector<16xf32>
        %mul3A_447 = arith.mulf %mul3A_446, %gather3A_445 : vector<16xf32>
        %add3A_448 = arith.addf %add3A_392, %mul3A_447 : vector<16xf32>
        %add3A_449 = arith.constant 20 : i32
        %add3A_450 = vector.broadcast %add3A_449 : i32 to vector<16xi32>
        %add3A_451 = arith.addi %iota3A, %add3A_450 : vector<16xi32>
        %add3A_452 = vector.broadcast %mul3A_170 : i32 to vector<16xi32>
        %add3A_453 = arith.addi %add3A_451, %add3A_452 : vector<16xi32>
        %and3A_454 = arith.constant 127 : i32
        %and3A_455 = vector.broadcast %and3A_454 : i32 to vector<16xi32>
        %and3A_456 = arith.andi %add3A_453, %and3A_455 : vector<16xi32>
        %gather3A_457 = tpu.vector_load_idx %arg14[%add3A_148, %and3A_456] : memref<128x128xf32, #tpu.memory_space<vmem>>[vector<16xi32>, vector<16xi32>], vector<16xf32>,
        %gather3A_458 = tpu.vector_load_idx %arg15[%add3A_148, %and3A_456] : memref<128x128xf32, #tpu.memory_space<vmem>>[vector<16xi32>, vector<16xi32>], vector<16xf32>,
        %gather3A_459 = tpu.vector_load_idx %arg16[%add3A_148, %and3A_456] : memref<128x128xf32, #tpu.memory_space<vmem>>[vector<16xi32>, vector<16xi32>], vector<16xf32>,
        %mul3A_460 = arith.mulf %gather3A_457, %gather3A_458 : vector<16xf32>
        %mul3A_461 = arith.mulf %mul3A_460, %gather3A_459 : vector<16xf32>
        %add3A_462 = arith.addf %add3A_406, %mul3A_461 : vector<16xf32>
        %add3A_463 = arith.constant 21 : i32
        %add3A_464 = vector.broadcast %add3A_463 : i32 to vector<16xi32>
        %add3A_465 = arith.addi %iota3A, %add3A_464 : vector<16xi32>
        %add3A_466 = vector.broadcast %mul3A_170 : i32 to vector<16xi32>
        %add3A_467 = arith.addi %add3A_465, %add3A_466 : vector<16xi32>
        %and3A_468 = arith.constant 127 : i32
        %and3A_469 = vector.broadcast %and3A_468 : i32 to vector<16xi32>
        %and3A_470 = arith.andi %add3A_467, %and3A_469 : vector<16xi32>
        %gather3A_471 = tpu.vector_load_idx %arg14[%add3A_148, %and3A_470] : memref<128x128xf32, #tpu.memory_space<vmem>>[vector<16xi32>, vector<16xi32>], vector<16xf32>,
        %gather3A_472 = tpu.vector_load_idx %arg15[%add3A_148, %and3A_470] : memref<128x128xf32, #tpu.memory_space<vmem>>[vector<16xi32>, vector<16xi32>], vector<16xf32>,
        %gather3A_473 = tpu.vector_load_idx %arg16[%add3A_148, %and3A_470] : memref<128x128xf32, #tpu.memory_space<vmem>>[vector<16xi32>, vector<16xi32>], vector<16xf32>,
        %mul3A_474 = arith.mulf %gather3A_471, %gather3A_472 : vector<16xf32>
        %mul3A_475 = arith.mulf %mul3A_474, %gather3A_473 : vector<16xf32>
        %add3A_476 = arith.addf %add3A_420, %mul3A_475 : vector<16xf32>
        %add3A_477 = arith.constant 22 : i32
        %add3A_478 = vector.broadcast %add3A_477 : i32 to vector<16xi32>
        %add3A_479 = arith.addi %iota3A, %add3A_478 : vector<16xi32>
        %add3A_480 = vector.broadcast %mul3A_170 : i32 to vector<16xi32>
        %add3A_481 = arith.addi %add3A_479, %add3A_480 : vector<16xi32>
        %and3A_482 = arith.constant 127 : i32
        %and3A_483 = vector.broadcast %and3A_482 : i32 to vector<16xi32>
        %and3A_484 = arith.andi %add3A_481, %and3A_483 : vector<16xi32>
        %gather3A_485 = tpu.vector_load_idx %arg14[%add3A_148, %and3A_484] : memref<128x128xf32, #tpu.memory_space<vmem>>[vector<16xi32>, vector<16xi32>], vector<16xf32>,
        %gather3A_486 = tpu.vector_load_idx %arg15[%add3A_148, %and3A_484] : memref<128x128xf32, #tpu.memory_space<vmem>>[vector<16xi32>, vector<16xi32>], vector<16xf32>,
        %gather3A_487 = tpu.vector_load_idx %arg16[%add3A_148, %and3A_484] : memref<128x128xf32, #tpu.memory_space<vmem>>[vector<16xi32>, vector<16xi32>], vector<16xf32>,
        %mul3A_488 = arith.mulf %gather3A_485, %gather3A_486 : vector<16xf32>
        %mul3A_489 = arith.mulf %mul3A_488, %gather3A_487 : vector<16xf32>
        %add3A_490 = arith.addf %add3A_434, %mul3A_489 : vector<16xf32>
        %add3A_491 = arith.constant 23 : i32
        %add3A_492 = vector.broadcast %add3A_491 : i32 to vector<16xi32>
        %add3A_493 = arith.addi %iota3A, %add3A_492 : vector<16xi32>
        %add3A_494 = vector.broadcast %mul3A_170 : i32 to vector<16xi32>
        %add3A_495 = arith.addi %add3A_493, %add3A_494 : vector<16xi32>
        %and3A_496 = arith.constant 127 : i32
        %and3A_497 = vector.broadcast %and3A_496 : i32 to vector<16xi32>
        %and3A_498 = arith.andi %add3A_495, %and3A_497 : vector<16xi32>
        %gather3A_499 = tpu.vector_load_idx %arg14[%add3A_148, %and3A_498] : memref<128x128xf32, #tpu.memory_space<vmem>>[vector<16xi32>, vector<16xi32>], vector<16xf32>,
        %gather3A_500 = tpu.vector_load_idx %arg15[%add3A_148, %and3A_498] : memref<128x128xf32, #tpu.memory_space<vmem>>[vector<16xi32>, vector<16xi32>], vector<16xf32>,
        %gather3A_501 = tpu.vector_load_idx %arg16[%add3A_148, %and3A_498] : memref<128x128xf32, #tpu.memory_space<vmem>>[vector<16xi32>, vector<16xi32>], vector<16xf32>,
        %mul3A_502 = arith.mulf %gather3A_499, %gather3A_500 : vector<16xf32>
        %mul3A_503 = arith.mulf %mul3A_502, %gather3A_501 : vector<16xf32>
        %add3A_504 = arith.addf %add3A_448, %mul3A_503 : vector<16xf32>
        %add3A_505 = arith.constant 24 : i32
        %add3A_506 = vector.broadcast %add3A_505 : i32 to vector<16xi32>
        %add3A_507 = arith.addi %iota3A, %add3A_506 : vector<16xi32>
        %add3A_508 = vector.broadcast %mul3A_170 : i32 to vector<16xi32>
        %add3A_509 = arith.addi %add3A_507, %add3A_508 : vector<16xi32>
        %and3A_510 = arith.constant 127 : i32
        %and3A_511 = vector.broadcast %and3A_510 : i32 to vector<16xi32>
        %and3A_512 = arith.andi %add3A_509, %and3A_511 : vector<16xi32>
        %gather3A_513 = tpu.vector_load_idx %arg14[%add3A_148, %and3A_512] : memref<128x128xf32, #tpu.memory_space<vmem>>[vector<16xi32>, vector<16xi32>], vector<16xf32>,
        %gather3A_514 = tpu.vector_load_idx %arg15[%add3A_148, %and3A_512] : memref<128x128xf32, #tpu.memory_space<vmem>>[vector<16xi32>, vector<16xi32>], vector<16xf32>,
        %gather3A_515 = tpu.vector_load_idx %arg16[%add3A_148, %and3A_512] : memref<128x128xf32, #tpu.memory_space<vmem>>[vector<16xi32>, vector<16xi32>], vector<16xf32>,
        %mul3A_516 = arith.mulf %gather3A_513, %gather3A_514 : vector<16xf32>
        %mul3A_517 = arith.mulf %mul3A_516, %gather3A_515 : vector<16xf32>
        %add3A_518 = arith.addf %add3A_462, %mul3A_517 : vector<16xf32>
        %add3A_519 = arith.constant 25 : i32
        %add3A_520 = vector.broadcast %add3A_519 : i32 to vector<16xi32>
        %add3A_521 = arith.addi %iota3A, %add3A_520 : vector<16xi32>
        %add3A_522 = vector.broadcast %mul3A_170 : i32 to vector<16xi32>
        %add3A_523 = arith.addi %add3A_521, %add3A_522 : vector<16xi32>
        %and3A_524 = arith.constant 127 : i32
        %and3A_525 = vector.broadcast %and3A_524 : i32 to vector<16xi32>
        %and3A_526 = arith.andi %add3A_523, %and3A_525 : vector<16xi32>
        %gather3A_527 = tpu.vector_load_idx %arg14[%add3A_148, %and3A_526] : memref<128x128xf32, #tpu.memory_space<vmem>>[vector<16xi32>, vector<16xi32>], vector<16xf32>,
        %gather3A_528 = tpu.vector_load_idx %arg15[%add3A_148, %and3A_526] : memref<128x128xf32, #tpu.memory_space<vmem>>[vector<16xi32>, vector<16xi32>], vector<16xf32>,
        %gather3A_529 = tpu.vector_load_idx %arg16[%add3A_148, %and3A_526] : memref<128x128xf32, #tpu.memory_space<vmem>>[vector<16xi32>, vector<16xi32>], vector<16xf32>,
        %mul3A_530 = arith.mulf %gather3A_527, %gather3A_528 : vector<16xf32>
        %mul3A_531 = arith.mulf %mul3A_530, %gather3A_529 : vector<16xf32>
        %add3A_532 = arith.addf %add3A_476, %mul3A_531 : vector<16xf32>
        %add3A_533 = arith.constant 26 : i32
        %add3A_534 = vector.broadcast %add3A_533 : i32 to vector<16xi32>
        %add3A_535 = arith.addi %iota3A, %add3A_534 : vector<16xi32>
        %add3A_536 = vector.broadcast %mul3A_170 : i32 to vector<16xi32>
        %add3A_537 = arith.addi %add3A_535, %add3A_536 : vector<16xi32>
        %and3A_538 = arith.constant 127 : i32
        %and3A_539 = vector.broadcast %and3A_538 : i32 to vector<16xi32>
        %and3A_540 = arith.andi %add3A_537, %and3A_539 : vector<16xi32>
        %gather3A_541 = tpu.vector_load_idx %arg14[%add3A_148, %and3A_540] : memref<128x128xf32, #tpu.memory_space<vmem>>[vector<16xi32>, vector<16xi32>], vector<16xf32>,
        %gather3A_542 = tpu.vector_load_idx %arg15[%add3A_148, %and3A_540] : memref<128x128xf32, #tpu.memory_space<vmem>>[vector<16xi32>, vector<16xi32>], vector<16xf32>,
        %gather3A_543 = tpu.vector_load_idx %arg16[%add3A_148, %and3A_540] : memref<128x128xf32, #tpu.memory_space<vmem>>[vector<16xi32>, vector<16xi32>], vector<16xf32>,
        %mul3A_544 = arith.mulf %gather3A_541, %gather3A_542 : vector<16xf32>
        %mul3A_545 = arith.mulf %mul3A_544, %gather3A_543 : vector<16xf32>
        %add3A_546 = arith.addf %add3A_490, %mul3A_545 : vector<16xf32>
        %add3A_547 = arith.constant 27 : i32
        %add3A_548 = vector.broadcast %add3A_547 : i32 to vector<16xi32>
        %add3A_549 = arith.addi %iota3A, %add3A_548 : vector<16xi32>
        %add3A_550 = vector.broadcast %mul3A_170 : i32 to vector<16xi32>
        %add3A_551 = arith.addi %add3A_549, %add3A_550 : vector<16xi32>
        %and3A_552 = arith.constant 127 : i32
        %and3A_553 = vector.broadcast %and3A_552 : i32 to vector<16xi32>
        %and3A_554 = arith.andi %add3A_551, %and3A_553 : vector<16xi32>
        %gather3A_555 = tpu.vector_load_idx %arg14[%add3A_148, %and3A_554] : memref<128x128xf32, #tpu.memory_space<vmem>>[vector<16xi32>, vector<16xi32>], vector<16xf32>,
        %gather3A_556 = tpu.vector_load_idx %arg15[%add3A_148, %and3A_554] : memref<128x128xf32, #tpu.memory_space<vmem>>[vector<16xi32>, vector<16xi32>], vector<16xf32>,
        %gather3A_557 = tpu.vector_load_idx %arg16[%add3A_148, %and3A_554] : memref<128x128xf32, #tpu.memory_space<vmem>>[vector<16xi32>, vector<16xi32>], vector<16xf32>,
        %mul3A_558 = arith.mulf %gather3A_555, %gather3A_556 : vector<16xf32>
        %mul3A_559 = arith.mulf %mul3A_558, %gather3A_557 : vector<16xf32>
        %add3A_560 = arith.addf %add3A_504, %mul3A_559 : vector<16xf32>
        %add3A_561 = arith.constant 28 : i32
        %add3A_562 = vector.broadcast %add3A_561 : i32 to vector<16xi32>
        %add3A_563 = arith.addi %iota3A, %add3A_562 : vector<16xi32>
        %add3A_564 = vector.broadcast %mul3A_170 : i32 to vector<16xi32>
        %add3A_565 = arith.addi %add3A_563, %add3A_564 : vector<16xi32>
        %and3A_566 = arith.constant 127 : i32
        %and3A_567 = vector.broadcast %and3A_566 : i32 to vector<16xi32>
        %and3A_568 = arith.andi %add3A_565, %and3A_567 : vector<16xi32>
        %gather3A_569 = tpu.vector_load_idx %arg14[%add3A_148, %and3A_568] : memref<128x128xf32, #tpu.memory_space<vmem>>[vector<16xi32>, vector<16xi32>], vector<16xf32>,
        %gather3A_570 = tpu.vector_load_idx %arg15[%add3A_148, %and3A_568] : memref<128x128xf32, #tpu.memory_space<vmem>>[vector<16xi32>, vector<16xi32>], vector<16xf32>,
        %gather3A_571 = tpu.vector_load_idx %arg16[%add3A_148, %and3A_568] : memref<128x128xf32, #tpu.memory_space<vmem>>[vector<16xi32>, vector<16xi32>], vector<16xf32>,
        %mul3A_572 = arith.mulf %gather3A_569, %gather3A_570 : vector<16xf32>
        %mul3A_573 = arith.mulf %mul3A_572, %gather3A_571 : vector<16xf32>
        %add3A_574 = arith.addf %add3A_518, %mul3A_573 : vector<16xf32>
        %add3A_575 = arith.constant 29 : i32
        %add3A_576 = vector.broadcast %add3A_575 : i32 to vector<16xi32>
        %add3A_577 = arith.addi %iota3A, %add3A_576 : vector<16xi32>
        %add3A_578 = vector.broadcast %mul3A_170 : i32 to vector<16xi32>
        %add3A_579 = arith.addi %add3A_577, %add3A_578 : vector<16xi32>
        %and3A_580 = arith.constant 127 : i32
        %and3A_581 = vector.broadcast %and3A_580 : i32 to vector<16xi32>
        %and3A_582 = arith.andi %add3A_579, %and3A_581 : vector<16xi32>
        %gather3A_583 = tpu.vector_load_idx %arg14[%add3A_148, %and3A_582] : memref<128x128xf32, #tpu.memory_space<vmem>>[vector<16xi32>, vector<16xi32>], vector<16xf32>,
        %gather3A_584 = tpu.vector_load_idx %arg15[%add3A_148, %and3A_582] : memref<128x128xf32, #tpu.memory_space<vmem>>[vector<16xi32>, vector<16xi32>], vector<16xf32>,
        %gather3A_585 = tpu.vector_load_idx %arg16[%add3A_148, %and3A_582] : memref<128x128xf32, #tpu.memory_space<vmem>>[vector<16xi32>, vector<16xi32>], vector<16xf32>,
        %mul3A_586 = arith.mulf %gather3A_583, %gather3A_584 : vector<16xf32>
        %mul3A_587 = arith.mulf %mul3A_586, %gather3A_585 : vector<16xf32>
        %add3A_588 = arith.addf %add3A_532, %mul3A_587 : vector<16xf32>
        %add3A_589 = arith.constant 30 : i32
        %add3A_590 = vector.broadcast %add3A_589 : i32 to vector<16xi32>
        %add3A_591 = arith.addi %iota3A, %add3A_590 : vector<16xi32>
        %add3A_592 = vector.broadcast %mul3A_170 : i32 to vector<16xi32>
        %add3A_593 = arith.addi %add3A_591, %add3A_592 : vector<16xi32>
        %and3A_594 = arith.constant 127 : i32
        %and3A_595 = vector.broadcast %and3A_594 : i32 to vector<16xi32>
        %and3A_596 = arith.andi %add3A_593, %and3A_595 : vector<16xi32>
        %gather3A_597 = tpu.vector_load_idx %arg14[%add3A_148, %and3A_596] : memref<128x128xf32, #tpu.memory_space<vmem>>[vector<16xi32>, vector<16xi32>], vector<16xf32>,
        %gather3A_598 = tpu.vector_load_idx %arg15[%add3A_148, %and3A_596] : memref<128x128xf32, #tpu.memory_space<vmem>>[vector<16xi32>, vector<16xi32>], vector<16xf32>,
        %gather3A_599 = tpu.vector_load_idx %arg16[%add3A_148, %and3A_596] : memref<128x128xf32, #tpu.memory_space<vmem>>[vector<16xi32>, vector<16xi32>], vector<16xf32>,
        %mul3A_600 = arith.mulf %gather3A_597, %gather3A_598 : vector<16xf32>
        %mul3A_601 = arith.mulf %mul3A_600, %gather3A_599 : vector<16xf32>
        %add3A_602 = arith.addf %add3A_546, %mul3A_601 : vector<16xf32>
        %add3A_603 = arith.constant 31 : i32
        %add3A_604 = vector.broadcast %add3A_603 : i32 to vector<16xi32>
        %add3A_605 = arith.addi %iota3A, %add3A_604 : vector<16xi32>
        %add3A_606 = vector.broadcast %mul3A_170 : i32 to vector<16xi32>
        %add3A_607 = arith.addi %add3A_605, %add3A_606 : vector<16xi32>
        %and3A_608 = arith.constant 127 : i32
        %and3A_609 = vector.broadcast %and3A_608 : i32 to vector<16xi32>
        %and3A_610 = arith.andi %add3A_607, %and3A_609 : vector<16xi32>
        %gather3A_611 = tpu.vector_load_idx %arg14[%add3A_148, %and3A_610] : memref<128x128xf32, #tpu.memory_space<vmem>>[vector<16xi32>, vector<16xi32>], vector<16xf32>,
        %gather3A_612 = tpu.vector_load_idx %arg15[%add3A_148, %and3A_610] : memref<128x128xf32, #tpu.memory_space<vmem>>[vector<16xi32>, vector<16xi32>], vector<16xf32>,
        %gather3A_613 = tpu.vector_load_idx %arg16[%add3A_148, %and3A_610] : memref<128x128xf32, #tpu.memory_space<vmem>>[vector<16xi32>, vector<16xi32>], vector<16xf32>,
        %mul3A_614 = arith.mulf %gather3A_611, %gather3A_612 : vector<16xf32>
        %mul3A_615 = arith.mulf %mul3A_614, %gather3A_613 : vector<16xf32>
        %add3A_616 = arith.addf %add3A_560, %mul3A_615 : vector<16xf32>
        scf.yield %add3A_574, %add3A_588, %add3A_602, %add3A_616 : vector<16xf32>, vector<16xf32>, vector<16xf32>, vector<16xf32>
      }
      %scan3A_155 = arith.constant 4 : i32
      %add3A_156 = arith.addf %scan3A_154#0, %scan3A_154#1 : vector<16xf32>
      %add3A_157 = arith.addf %scan3A_154#2, %scan3A_154#3 : vector<16xf32>
      %add3A_158 = arith.addf %add3A_156, %add3A_157 : vector<16xf32>
      %mul3A_159 = arith.constant 16 : i32
      %mul3A_160 = arith.muli %scan3A_144, %mul3A_159 : i32
      %add3A_161 = arith.constant 128 : i32
      %add3A_162 = arith.addi %add3A_161, %mul3A_160 : i32
      %swap3A = arith.index_cast %add3A_162 : i32 to index
      %swap3A_163 = tpu.vector_load %arg17[%swap3A] {strides = array<i32>} : memref<512xf32, #tpu.memory_space<vmem>>, vector<16xf32>,
      tpu.vector_store %arg17[%swap3A], %add3A_158 {strides = array<i32>} : memref<512xf32, #tpu.memory_space<vmem>>, vector<16xf32>,
    }
    %scan3A_86 = arith.constant 8 : i32
    %dma_wait3A_87 = arith.constant 256 : i32
    %dma_wait3A_88 = tpu.memref_slice %arg8[%dma_wait3A_87] : memref<512xi32, #tpu.memory_space<vmem>> -> memref<128xi32, #tpu.memory_space<vmem>>
    %dma_wait3A_89 = arith.constant 0 : i32
    %dma_wait3A_90 = arith.constant 0 : i32
    %dma_wait3A_91 = tpu.memref_slice %arg5[%dma_wait3A_89, %dma_wait3A_90] : memref<100000x128xf32, #tpu.memory_space<hbm>> -> memref<100000x128xf32, #tpu.memory_space<hbm>>
    tpu.wait_indirect_dma semaphore(%arg18 : memref<!tpu.dma_semaphore, #tpu.memory_space<semaphore_mem>>) src(%dma_wait3A_91 : memref<100000x128xf32, #tpu.memory_space<hbm>>) dst(%arg11 : memref<128x128xf32, #tpu.memory_space<vmem>>)
    %dma_wait3A_92 = arith.constant 256 : i32
    %dma_wait3A_93 = tpu.memref_slice %arg9[%dma_wait3A_92] : memref<512xi32, #tpu.memory_space<vmem>> -> memref<128xi32, #tpu.memory_space<vmem>>
    %dma_wait3A_94 = arith.constant 0 : i32
    %dma_wait3A_95 = arith.constant 0 : i32
    %dma_wait3A_96 = tpu.memref_slice %arg6[%dma_wait3A_94, %dma_wait3A_95] : memref<1000x128xf32, #tpu.memory_space<hbm>> -> memref<1000x128xf32, #tpu.memory_space<hbm>>
    tpu.wait_indirect_dma semaphore(%arg18 : memref<!tpu.dma_semaphore, #tpu.memory_space<semaphore_mem>>) src(%dma_wait3A_96 : memref<1000x128xf32, #tpu.memory_space<hbm>>) dst(%arg12 : memref<128x128xf32, #tpu.memory_space<vmem>>)
    %dma_wait3A_97 = arith.constant 256 : i32
    %dma_wait3A_98 = tpu.memref_slice %arg10[%dma_wait3A_97] : memref<512xi32, #tpu.memory_space<vmem>> -> memref<128xi32, #tpu.memory_space<vmem>>
    %dma_wait3A_99 = arith.constant 0 : i32
    %dma_wait3A_100 = arith.constant 0 : i32
    %dma_wait3A_101 = tpu.memref_slice %arg5[%dma_wait3A_99, %dma_wait3A_100] : memref<100000x128xf32, #tpu.memory_space<hbm>> -> memref<100000x128xf32, #tpu.memory_space<hbm>>
    tpu.wait_indirect_dma semaphore(%arg18 : memref<!tpu.dma_semaphore, #tpu.memory_space<semaphore_mem>>) src(%dma_wait3A_101 : memref<100000x128xf32, #tpu.memory_space<hbm>>) dst(%arg13 : memref<128x128xf32, #tpu.memory_space<vmem>>)
    %dma_start3A_102 = arith.constant 384 : i32
    %dma_start3A_103 = tpu.memref_slice %arg8[%dma_start3A_102] : memref<512xi32, #tpu.memory_space<vmem>> -> memref<128xi32, #tpu.memory_space<vmem>>
    %dma_start3A_104 = arith.constant 0 : i32
    %dma_start3A_105 = arith.constant 0 : i32
    %dma_start3A_106 = tpu.memref_slice %arg5[%dma_start3A_104, %dma_start3A_105] : memref<100000x128xf32, #tpu.memory_space<hbm>> -> memref<100000x128xf32, #tpu.memory_space<hbm>>
    tpu.enqueue_indirect_dma source(%dma_start3A_106 : memref<100000x128xf32, #tpu.memory_space<hbm>>) target(%arg14 : memref<128x128xf32, #tpu.memory_space<vmem>>) offsets(%dma_start3A_103 : memref<128xi32, #tpu.memory_space<vmem>>) semaphore(%arg19 : memref<!tpu.dma_semaphore, #tpu.memory_space<semaphore_mem>>)
    %dma_start3A_107 = arith.constant 384 : i32
    %dma_start3A_108 = tpu.memref_slice %arg9[%dma_start3A_107] : memref<512xi32, #tpu.memory_space<vmem>> -> memref<128xi32, #tpu.memory_space<vmem>>
    %dma_start3A_109 = arith.constant 0 : i32
    %dma_start3A_110 = arith.constant 0 : i32
    %dma_start3A_111 = tpu.memref_slice %arg6[%dma_start3A_109, %dma_start3A_110] : memref<1000x128xf32, #tpu.memory_space<hbm>> -> memref<1000x128xf32, #tpu.memory_space<hbm>>
    tpu.enqueue_indirect_dma source(%dma_start3A_111 : memref<1000x128xf32, #tpu.memory_space<hbm>>) target(%arg15 : memref<128x128xf32, #tpu.memory_space<vmem>>) offsets(%dma_start3A_108 : memref<128xi32, #tpu.memory_space<vmem>>) semaphore(%arg19 : memref<!tpu.dma_semaphore, #tpu.memory_space<semaphore_mem>>)
    %dma_start3A_112 = arith.constant 384 : i32
    %dma_start3A_113 = tpu.memref_slice %arg10[%dma_start3A_112] : memref<512xi32, #tpu.memory_space<vmem>> -> memref<128xi32, #tpu.memory_space<vmem>>
    %dma_start3A_114 = arith.constant 0 : i32
    %dma_start3A_115 = arith.constant 0 : i32
    %dma_start3A_116 = tpu.memref_slice %arg5[%dma_start3A_114, %dma_start3A_115] : memref<100000x128xf32, #tpu.memory_space<hbm>> -> memref<100000x128xf32, #tpu.memory_space<hbm>>
    tpu.enqueue_indirect_dma source(%dma_start3A_116 : memref<100000x128xf32, #tpu.memory_space<hbm>>) target(%arg16 : memref<128x128xf32, #tpu.memory_space<vmem>>) offsets(%dma_start3A_113 : memref<128xi32, #tpu.memory_space<vmem>>) semaphore(%arg19 : memref<!tpu.dma_semaphore, #tpu.memory_space<semaphore_mem>>)
    %scan3A_117 = arith.constant 0 : i32
    %scan3A_118 = arith.constant 0 : i32
    %scan3A_119 = arith.constant 8 : i32
    %scan3A_120 = arith.addi %scan3A_118, %scan3A_119 : i32
    %scan3A_121 = arith.constant 1 : i32
    scf.for %scan3A_144 = %scan3A_118 to %scan3A_120 step %scan3A_121  : i32 {
      %mul3A_145 = arith.constant 16 : i32
      %mul3A_146 = arith.muli %scan3A_144, %mul3A_145 : i32
      %add3A_147 = vector.broadcast %mul3A_146 : i32 to vector<16xi32>
      %add3A_148 = arith.addi %iota3A, %add3A_147 : vector<16xi32>
      %broadcast_in_dim3A = arith.constant 0.000000e+00 : f32
      %broadcast_in_dim3A_149 = vector.broadcast %broadcast_in_dim3A : f32 to vector<16xf32>
      %scan3A_150 = arith.constant 0 : i32
      %scan3A_151 = arith.constant 4 : i32
      %scan3A_152 = arith.addi %scan3A_150, %scan3A_151 : i32
      %scan3A_153 = arith.constant 1 : i32
      %scan3A_154:4 = scf.for %scan3A_164 = %scan3A_150 to %scan3A_152 step %scan3A_153 iter_args(%scan3A_165 = %broadcast_in_dim3A_149, %scan3A_166 = %broadcast_in_dim3A_149, %scan3A_167 = %broadcast_in_dim3A_149, %scan3A_168 = %broadcast_in_dim3A_149) -> (vector<16xf32>, vector<16xf32>, vector<16xf32>, vector<16xf32>)  : i32 {
        %mul3A_169 = arith.constant 32 : i32
        %mul3A_170 = arith.muli %scan3A_164, %mul3A_169 : i32
        %add3A_171 = arith.constant 0 : i32
        %add3A_172 = vector.broadcast %add3A_171 : i32 to vector<16xi32>
        %add3A_173 = arith.addi %iota3A, %add3A_172 : vector<16xi32>
        %add3A_174 = vector.broadcast %mul3A_170 : i32 to vector<16xi32>
        %add3A_175 = arith.addi %add3A_173, %add3A_174 : vector<16xi32>
        %and3A = arith.constant 127 : i32
        %and3A_176 = vector.broadcast %and3A : i32 to vector<16xi32>
        %and3A_177 = arith.andi %add3A_175, %and3A_176 : vector<16xi32>
        %gather3A = tpu.vector_load_idx %arg11[%add3A_148, %and3A_177] : memref<128x128xf32, #tpu.memory_space<vmem>>[vector<16xi32>, vector<16xi32>], vector<16xf32>,
        %gather3A_178 = tpu.vector_load_idx %arg12[%add3A_148, %and3A_177] : memref<128x128xf32, #tpu.memory_space<vmem>>[vector<16xi32>, vector<16xi32>], vector<16xf32>,
        %gather3A_179 = tpu.vector_load_idx %arg13[%add3A_148, %and3A_177] : memref<128x128xf32, #tpu.memory_space<vmem>>[vector<16xi32>, vector<16xi32>], vector<16xf32>,
        %mul3A_180 = arith.mulf %gather3A, %gather3A_178 : vector<16xf32>
        %mul3A_181 = arith.mulf %mul3A_180, %gather3A_179 : vector<16xf32>
        %add3A_182 = arith.addf %scan3A_165, %mul3A_181 : vector<16xf32>
        %add3A_183 = arith.constant 1 : i32
        %add3A_184 = vector.broadcast %add3A_183 : i32 to vector<16xi32>
        %add3A_185 = arith.addi %iota3A, %add3A_184 : vector<16xi32>
        %add3A_186 = vector.broadcast %mul3A_170 : i32 to vector<16xi32>
        %add3A_187 = arith.addi %add3A_185, %add3A_186 : vector<16xi32>
        %and3A_188 = arith.constant 127 : i32
        %and3A_189 = vector.broadcast %and3A_188 : i32 to vector<16xi32>
        %and3A_190 = arith.andi %add3A_187, %and3A_189 : vector<16xi32>
        %gather3A_191 = tpu.vector_load_idx %arg11[%add3A_148, %and3A_190] : memref<128x128xf32, #tpu.memory_space<vmem>>[vector<16xi32>, vector<16xi32>], vector<16xf32>,
        %gather3A_192 = tpu.vector_load_idx %arg12[%add3A_148, %and3A_190] : memref<128x128xf32, #tpu.memory_space<vmem>>[vector<16xi32>, vector<16xi32>], vector<16xf32>,
        %gather3A_193 = tpu.vector_load_idx %arg13[%add3A_148, %and3A_190] : memref<128x128xf32, #tpu.memory_space<vmem>>[vector<16xi32>, vector<16xi32>], vector<16xf32>,
        %mul3A_194 = arith.mulf %gather3A_191, %gather3A_192 : vector<16xf32>
        %mul3A_195 = arith.mulf %mul3A_194, %gather3A_193 : vector<16xf32>
        %add3A_196 = arith.addf %scan3A_166, %mul3A_195 : vector<16xf32>
        %add3A_197 = arith.constant 2 : i32
        %add3A_198 = vector.broadcast %add3A_197 : i32 to vector<16xi32>
        %add3A_199 = arith.addi %iota3A, %add3A_198 : vector<16xi32>
        %add3A_200 = vector.broadcast %mul3A_170 : i32 to vector<16xi32>
        %add3A_201 = arith.addi %add3A_199, %add3A_200 : vector<16xi32>
        %and3A_202 = arith.constant 127 : i32
        %and3A_203 = vector.broadcast %and3A_202 : i32 to vector<16xi32>
        %and3A_204 = arith.andi %add3A_201, %and3A_203 : vector<16xi32>
        %gather3A_205 = tpu.vector_load_idx %arg11[%add3A_148, %and3A_204] : memref<128x128xf32, #tpu.memory_space<vmem>>[vector<16xi32>, vector<16xi32>], vector<16xf32>,
        %gather3A_206 = tpu.vector_load_idx %arg12[%add3A_148, %and3A_204] : memref<128x128xf32, #tpu.memory_space<vmem>>[vector<16xi32>, vector<16xi32>], vector<16xf32>,
        %gather3A_207 = tpu.vector_load_idx %arg13[%add3A_148, %and3A_204] : memref<128x128xf32, #tpu.memory_space<vmem>>[vector<16xi32>, vector<16xi32>], vector<16xf32>,
        %mul3A_208 = arith.mulf %gather3A_205, %gather3A_206 : vector<16xf32>
        %mul3A_209 = arith.mulf %mul3A_208, %gather3A_207 : vector<16xf32>
        %add3A_210 = arith.addf %scan3A_167, %mul3A_209 : vector<16xf32>
        %add3A_211 = arith.constant 3 : i32
        %add3A_212 = vector.broadcast %add3A_211 : i32 to vector<16xi32>
        %add3A_213 = arith.addi %iota3A, %add3A_212 : vector<16xi32>
        %add3A_214 = vector.broadcast %mul3A_170 : i32 to vector<16xi32>
        %add3A_215 = arith.addi %add3A_213, %add3A_214 : vector<16xi32>
        %and3A_216 = arith.constant 127 : i32
        %and3A_217 = vector.broadcast %and3A_216 : i32 to vector<16xi32>
        %and3A_218 = arith.andi %add3A_215, %and3A_217 : vector<16xi32>
        %gather3A_219 = tpu.vector_load_idx %arg11[%add3A_148, %and3A_218] : memref<128x128xf32, #tpu.memory_space<vmem>>[vector<16xi32>, vector<16xi32>], vector<16xf32>,
        %gather3A_220 = tpu.vector_load_idx %arg12[%add3A_148, %and3A_218] : memref<128x128xf32, #tpu.memory_space<vmem>>[vector<16xi32>, vector<16xi32>], vector<16xf32>,
        %gather3A_221 = tpu.vector_load_idx %arg13[%add3A_148, %and3A_218] : memref<128x128xf32, #tpu.memory_space<vmem>>[vector<16xi32>, vector<16xi32>], vector<16xf32>,
        %mul3A_222 = arith.mulf %gather3A_219, %gather3A_220 : vector<16xf32>
        %mul3A_223 = arith.mulf %mul3A_222, %gather3A_221 : vector<16xf32>
        %add3A_224 = arith.addf %scan3A_168, %mul3A_223 : vector<16xf32>
        %add3A_225 = arith.constant 4 : i32
        %add3A_226 = vector.broadcast %add3A_225 : i32 to vector<16xi32>
        %add3A_227 = arith.addi %iota3A, %add3A_226 : vector<16xi32>
        %add3A_228 = vector.broadcast %mul3A_170 : i32 to vector<16xi32>
        %add3A_229 = arith.addi %add3A_227, %add3A_228 : vector<16xi32>
        %and3A_230 = arith.constant 127 : i32
        %and3A_231 = vector.broadcast %and3A_230 : i32 to vector<16xi32>
        %and3A_232 = arith.andi %add3A_229, %and3A_231 : vector<16xi32>
        %gather3A_233 = tpu.vector_load_idx %arg11[%add3A_148, %and3A_232] : memref<128x128xf32, #tpu.memory_space<vmem>>[vector<16xi32>, vector<16xi32>], vector<16xf32>,
        %gather3A_234 = tpu.vector_load_idx %arg12[%add3A_148, %and3A_232] : memref<128x128xf32, #tpu.memory_space<vmem>>[vector<16xi32>, vector<16xi32>], vector<16xf32>,
        %gather3A_235 = tpu.vector_load_idx %arg13[%add3A_148, %and3A_232] : memref<128x128xf32, #tpu.memory_space<vmem>>[vector<16xi32>, vector<16xi32>], vector<16xf32>,
        %mul3A_236 = arith.mulf %gather3A_233, %gather3A_234 : vector<16xf32>
        %mul3A_237 = arith.mulf %mul3A_236, %gather3A_235 : vector<16xf32>
        %add3A_238 = arith.addf %add3A_182, %mul3A_237 : vector<16xf32>
        %add3A_239 = arith.constant 5 : i32
        %add3A_240 = vector.broadcast %add3A_239 : i32 to vector<16xi32>
        %add3A_241 = arith.addi %iota3A, %add3A_240 : vector<16xi32>
        %add3A_242 = vector.broadcast %mul3A_170 : i32 to vector<16xi32>
        %add3A_243 = arith.addi %add3A_241, %add3A_242 : vector<16xi32>
        %and3A_244 = arith.constant 127 : i32
        %and3A_245 = vector.broadcast %and3A_244 : i32 to vector<16xi32>
        %and3A_246 = arith.andi %add3A_243, %and3A_245 : vector<16xi32>
        %gather3A_247 = tpu.vector_load_idx %arg11[%add3A_148, %and3A_246] : memref<128x128xf32, #tpu.memory_space<vmem>>[vector<16xi32>, vector<16xi32>], vector<16xf32>,
        %gather3A_248 = tpu.vector_load_idx %arg12[%add3A_148, %and3A_246] : memref<128x128xf32, #tpu.memory_space<vmem>>[vector<16xi32>, vector<16xi32>], vector<16xf32>,
        %gather3A_249 = tpu.vector_load_idx %arg13[%add3A_148, %and3A_246] : memref<128x128xf32, #tpu.memory_space<vmem>>[vector<16xi32>, vector<16xi32>], vector<16xf32>,
        %mul3A_250 = arith.mulf %gather3A_247, %gather3A_248 : vector<16xf32>
        %mul3A_251 = arith.mulf %mul3A_250, %gather3A_249 : vector<16xf32>
        %add3A_252 = arith.addf %add3A_196, %mul3A_251 : vector<16xf32>
        %add3A_253 = arith.constant 6 : i32
        %add3A_254 = vector.broadcast %add3A_253 : i32 to vector<16xi32>
        %add3A_255 = arith.addi %iota3A, %add3A_254 : vector<16xi32>
        %add3A_256 = vector.broadcast %mul3A_170 : i32 to vector<16xi32>
        %add3A_257 = arith.addi %add3A_255, %add3A_256 : vector<16xi32>
        %and3A_258 = arith.constant 127 : i32
        %and3A_259 = vector.broadcast %and3A_258 : i32 to vector<16xi32>
        %and3A_260 = arith.andi %add3A_257, %and3A_259 : vector<16xi32>
        %gather3A_261 = tpu.vector_load_idx %arg11[%add3A_148, %and3A_260] : memref<128x128xf32, #tpu.memory_space<vmem>>[vector<16xi32>, vector<16xi32>], vector<16xf32>,
        %gather3A_262 = tpu.vector_load_idx %arg12[%add3A_148, %and3A_260] : memref<128x128xf32, #tpu.memory_space<vmem>>[vector<16xi32>, vector<16xi32>], vector<16xf32>,
        %gather3A_263 = tpu.vector_load_idx %arg13[%add3A_148, %and3A_260] : memref<128x128xf32, #tpu.memory_space<vmem>>[vector<16xi32>, vector<16xi32>], vector<16xf32>,
        %mul3A_264 = arith.mulf %gather3A_261, %gather3A_262 : vector<16xf32>
        %mul3A_265 = arith.mulf %mul3A_264, %gather3A_263 : vector<16xf32>
        %add3A_266 = arith.addf %add3A_210, %mul3A_265 : vector<16xf32>
        %add3A_267 = arith.constant 7 : i32
        %add3A_268 = vector.broadcast %add3A_267 : i32 to vector<16xi32>
        %add3A_269 = arith.addi %iota3A, %add3A_268 : vector<16xi32>
        %add3A_270 = vector.broadcast %mul3A_170 : i32 to vector<16xi32>
        %add3A_271 = arith.addi %add3A_269, %add3A_270 : vector<16xi32>
        %and3A_272 = arith.constant 127 : i32
        %and3A_273 = vector.broadcast %and3A_272 : i32 to vector<16xi32>
        %and3A_274 = arith.andi %add3A_271, %and3A_273 : vector<16xi32>
        %gather3A_275 = tpu.vector_load_idx %arg11[%add3A_148, %and3A_274] : memref<128x128xf32, #tpu.memory_space<vmem>>[vector<16xi32>, vector<16xi32>], vector<16xf32>,
        %gather3A_276 = tpu.vector_load_idx %arg12[%add3A_148, %and3A_274] : memref<128x128xf32, #tpu.memory_space<vmem>>[vector<16xi32>, vector<16xi32>], vector<16xf32>,
        %gather3A_277 = tpu.vector_load_idx %arg13[%add3A_148, %and3A_274] : memref<128x128xf32, #tpu.memory_space<vmem>>[vector<16xi32>, vector<16xi32>], vector<16xf32>,
        %mul3A_278 = arith.mulf %gather3A_275, %gather3A_276 : vector<16xf32>
        %mul3A_279 = arith.mulf %mul3A_278, %gather3A_277 : vector<16xf32>
        %add3A_280 = arith.addf %add3A_224, %mul3A_279 : vector<16xf32>
        %add3A_281 = arith.constant 8 : i32
        %add3A_282 = vector.broadcast %add3A_281 : i32 to vector<16xi32>
        %add3A_283 = arith.addi %iota3A, %add3A_282 : vector<16xi32>
        %add3A_284 = vector.broadcast %mul3A_170 : i32 to vector<16xi32>
        %add3A_285 = arith.addi %add3A_283, %add3A_284 : vector<16xi32>
        %and3A_286 = arith.constant 127 : i32
        %and3A_287 = vector.broadcast %and3A_286 : i32 to vector<16xi32>
        %and3A_288 = arith.andi %add3A_285, %and3A_287 : vector<16xi32>
        %gather3A_289 = tpu.vector_load_idx %arg11[%add3A_148, %and3A_288] : memref<128x128xf32, #tpu.memory_space<vmem>>[vector<16xi32>, vector<16xi32>], vector<16xf32>,
        %gather3A_290 = tpu.vector_load_idx %arg12[%add3A_148, %and3A_288] : memref<128x128xf32, #tpu.memory_space<vmem>>[vector<16xi32>, vector<16xi32>], vector<16xf32>,
        %gather3A_291 = tpu.vector_load_idx %arg13[%add3A_148, %and3A_288] : memref<128x128xf32, #tpu.memory_space<vmem>>[vector<16xi32>, vector<16xi32>], vector<16xf32>,
        %mul3A_292 = arith.mulf %gather3A_289, %gather3A_290 : vector<16xf32>
        %mul3A_293 = arith.mulf %mul3A_292, %gather3A_291 : vector<16xf32>
        %add3A_294 = arith.addf %add3A_238, %mul3A_293 : vector<16xf32>
        %add3A_295 = arith.constant 9 : i32
        %add3A_296 = vector.broadcast %add3A_295 : i32 to vector<16xi32>
        %add3A_297 = arith.addi %iota3A, %add3A_296 : vector<16xi32>
        %add3A_298 = vector.broadcast %mul3A_170 : i32 to vector<16xi32>
        %add3A_299 = arith.addi %add3A_297, %add3A_298 : vector<16xi32>
        %and3A_300 = arith.constant 127 : i32
        %and3A_301 = vector.broadcast %and3A_300 : i32 to vector<16xi32>
        %and3A_302 = arith.andi %add3A_299, %and3A_301 : vector<16xi32>
        %gather3A_303 = tpu.vector_load_idx %arg11[%add3A_148, %and3A_302] : memref<128x128xf32, #tpu.memory_space<vmem>>[vector<16xi32>, vector<16xi32>], vector<16xf32>,
        %gather3A_304 = tpu.vector_load_idx %arg12[%add3A_148, %and3A_302] : memref<128x128xf32, #tpu.memory_space<vmem>>[vector<16xi32>, vector<16xi32>], vector<16xf32>,
        %gather3A_305 = tpu.vector_load_idx %arg13[%add3A_148, %and3A_302] : memref<128x128xf32, #tpu.memory_space<vmem>>[vector<16xi32>, vector<16xi32>], vector<16xf32>,
        %mul3A_306 = arith.mulf %gather3A_303, %gather3A_304 : vector<16xf32>
        %mul3A_307 = arith.mulf %mul3A_306, %gather3A_305 : vector<16xf32>
        %add3A_308 = arith.addf %add3A_252, %mul3A_307 : vector<16xf32>
        %add3A_309 = arith.constant 10 : i32
        %add3A_310 = vector.broadcast %add3A_309 : i32 to vector<16xi32>
        %add3A_311 = arith.addi %iota3A, %add3A_310 : vector<16xi32>
        %add3A_312 = vector.broadcast %mul3A_170 : i32 to vector<16xi32>
        %add3A_313 = arith.addi %add3A_311, %add3A_312 : vector<16xi32>
        %and3A_314 = arith.constant 127 : i32
        %and3A_315 = vector.broadcast %and3A_314 : i32 to vector<16xi32>
        %and3A_316 = arith.andi %add3A_313, %and3A_315 : vector<16xi32>
        %gather3A_317 = tpu.vector_load_idx %arg11[%add3A_148, %and3A_316] : memref<128x128xf32, #tpu.memory_space<vmem>>[vector<16xi32>, vector<16xi32>], vector<16xf32>,
        %gather3A_318 = tpu.vector_load_idx %arg12[%add3A_148, %and3A_316] : memref<128x128xf32, #tpu.memory_space<vmem>>[vector<16xi32>, vector<16xi32>], vector<16xf32>,
        %gather3A_319 = tpu.vector_load_idx %arg13[%add3A_148, %and3A_316] : memref<128x128xf32, #tpu.memory_space<vmem>>[vector<16xi32>, vector<16xi32>], vector<16xf32>,
        %mul3A_320 = arith.mulf %gather3A_317, %gather3A_318 : vector<16xf32>
        %mul3A_321 = arith.mulf %mul3A_320, %gather3A_319 : vector<16xf32>
        %add3A_322 = arith.addf %add3A_266, %mul3A_321 : vector<16xf32>
        %add3A_323 = arith.constant 11 : i32
        %add3A_324 = vector.broadcast %add3A_323 : i32 to vector<16xi32>
        %add3A_325 = arith.addi %iota3A, %add3A_324 : vector<16xi32>
        %add3A_326 = vector.broadcast %mul3A_170 : i32 to vector<16xi32>
        %add3A_327 = arith.addi %add3A_325, %add3A_326 : vector<16xi32>
        %and3A_328 = arith.constant 127 : i32
        %and3A_329 = vector.broadcast %and3A_328 : i32 to vector<16xi32>
        %and3A_330 = arith.andi %add3A_327, %and3A_329 : vector<16xi32>
        %gather3A_331 = tpu.vector_load_idx %arg11[%add3A_148, %and3A_330] : memref<128x128xf32, #tpu.memory_space<vmem>>[vector<16xi32>, vector<16xi32>], vector<16xf32>,
        %gather3A_332 = tpu.vector_load_idx %arg12[%add3A_148, %and3A_330] : memref<128x128xf32, #tpu.memory_space<vmem>>[vector<16xi32>, vector<16xi32>], vector<16xf32>,
        %gather3A_333 = tpu.vector_load_idx %arg13[%add3A_148, %and3A_330] : memref<128x128xf32, #tpu.memory_space<vmem>>[vector<16xi32>, vector<16xi32>], vector<16xf32>,
        %mul3A_334 = arith.mulf %gather3A_331, %gather3A_332 : vector<16xf32>
        %mul3A_335 = arith.mulf %mul3A_334, %gather3A_333 : vector<16xf32>
        %add3A_336 = arith.addf %add3A_280, %mul3A_335 : vector<16xf32>
        %add3A_337 = arith.constant 12 : i32
        %add3A_338 = vector.broadcast %add3A_337 : i32 to vector<16xi32>
        %add3A_339 = arith.addi %iota3A, %add3A_338 : vector<16xi32>
        %add3A_340 = vector.broadcast %mul3A_170 : i32 to vector<16xi32>
        %add3A_341 = arith.addi %add3A_339, %add3A_340 : vector<16xi32>
        %and3A_342 = arith.constant 127 : i32
        %and3A_343 = vector.broadcast %and3A_342 : i32 to vector<16xi32>
        %and3A_344 = arith.andi %add3A_341, %and3A_343 : vector<16xi32>
        %gather3A_345 = tpu.vector_load_idx %arg11[%add3A_148, %and3A_344] : memref<128x128xf32, #tpu.memory_space<vmem>>[vector<16xi32>, vector<16xi32>], vector<16xf32>,
        %gather3A_346 = tpu.vector_load_idx %arg12[%add3A_148, %and3A_344] : memref<128x128xf32, #tpu.memory_space<vmem>>[vector<16xi32>, vector<16xi32>], vector<16xf32>,
        %gather3A_347 = tpu.vector_load_idx %arg13[%add3A_148, %and3A_344] : memref<128x128xf32, #tpu.memory_space<vmem>>[vector<16xi32>, vector<16xi32>], vector<16xf32>,
        %mul3A_348 = arith.mulf %gather3A_345, %gather3A_346 : vector<16xf32>
        %mul3A_349 = arith.mulf %mul3A_348, %gather3A_347 : vector<16xf32>
        %add3A_350 = arith.addf %add3A_294, %mul3A_349 : vector<16xf32>
        %add3A_351 = arith.constant 13 : i32
        %add3A_352 = vector.broadcast %add3A_351 : i32 to vector<16xi32>
        %add3A_353 = arith.addi %iota3A, %add3A_352 : vector<16xi32>
        %add3A_354 = vector.broadcast %mul3A_170 : i32 to vector<16xi32>
        %add3A_355 = arith.addi %add3A_353, %add3A_354 : vector<16xi32>
        %and3A_356 = arith.constant 127 : i32
        %and3A_357 = vector.broadcast %and3A_356 : i32 to vector<16xi32>
        %and3A_358 = arith.andi %add3A_355, %and3A_357 : vector<16xi32>
        %gather3A_359 = tpu.vector_load_idx %arg11[%add3A_148, %and3A_358] : memref<128x128xf32, #tpu.memory_space<vmem>>[vector<16xi32>, vector<16xi32>], vector<16xf32>,
        %gather3A_360 = tpu.vector_load_idx %arg12[%add3A_148, %and3A_358] : memref<128x128xf32, #tpu.memory_space<vmem>>[vector<16xi32>, vector<16xi32>], vector<16xf32>,
        %gather3A_361 = tpu.vector_load_idx %arg13[%add3A_148, %and3A_358] : memref<128x128xf32, #tpu.memory_space<vmem>>[vector<16xi32>, vector<16xi32>], vector<16xf32>,
        %mul3A_362 = arith.mulf %gather3A_359, %gather3A_360 : vector<16xf32>
        %mul3A_363 = arith.mulf %mul3A_362, %gather3A_361 : vector<16xf32>
        %add3A_364 = arith.addf %add3A_308, %mul3A_363 : vector<16xf32>
        %add3A_365 = arith.constant 14 : i32
        %add3A_366 = vector.broadcast %add3A_365 : i32 to vector<16xi32>
        %add3A_367 = arith.addi %iota3A, %add3A_366 : vector<16xi32>
        %add3A_368 = vector.broadcast %mul3A_170 : i32 to vector<16xi32>
        %add3A_369 = arith.addi %add3A_367, %add3A_368 : vector<16xi32>
        %and3A_370 = arith.constant 127 : i32
        %and3A_371 = vector.broadcast %and3A_370 : i32 to vector<16xi32>
        %and3A_372 = arith.andi %add3A_369, %and3A_371 : vector<16xi32>
        %gather3A_373 = tpu.vector_load_idx %arg11[%add3A_148, %and3A_372] : memref<128x128xf32, #tpu.memory_space<vmem>>[vector<16xi32>, vector<16xi32>], vector<16xf32>,
        %gather3A_374 = tpu.vector_load_idx %arg12[%add3A_148, %and3A_372] : memref<128x128xf32, #tpu.memory_space<vmem>>[vector<16xi32>, vector<16xi32>], vector<16xf32>,
        %gather3A_375 = tpu.vector_load_idx %arg13[%add3A_148, %and3A_372] : memref<128x128xf32, #tpu.memory_space<vmem>>[vector<16xi32>, vector<16xi32>], vector<16xf32>,
        %mul3A_376 = arith.mulf %gather3A_373, %gather3A_374 : vector<16xf32>
        %mul3A_377 = arith.mulf %mul3A_376, %gather3A_375 : vector<16xf32>
        %add3A_378 = arith.addf %add3A_322, %mul3A_377 : vector<16xf32>
        %add3A_379 = arith.constant 15 : i32
        %add3A_380 = vector.broadcast %add3A_379 : i32 to vector<16xi32>
        %add3A_381 = arith.addi %iota3A, %add3A_380 : vector<16xi32>
        %add3A_382 = vector.broadcast %mul3A_170 : i32 to vector<16xi32>
        %add3A_383 = arith.addi %add3A_381, %add3A_382 : vector<16xi32>
        %and3A_384 = arith.constant 127 : i32
        %and3A_385 = vector.broadcast %and3A_384 : i32 to vector<16xi32>
        %and3A_386 = arith.andi %add3A_383, %and3A_385 : vector<16xi32>
        %gather3A_387 = tpu.vector_load_idx %arg11[%add3A_148, %and3A_386] : memref<128x128xf32, #tpu.memory_space<vmem>>[vector<16xi32>, vector<16xi32>], vector<16xf32>,
        %gather3A_388 = tpu.vector_load_idx %arg12[%add3A_148, %and3A_386] : memref<128x128xf32, #tpu.memory_space<vmem>>[vector<16xi32>, vector<16xi32>], vector<16xf32>,
        %gather3A_389 = tpu.vector_load_idx %arg13[%add3A_148, %and3A_386] : memref<128x128xf32, #tpu.memory_space<vmem>>[vector<16xi32>, vector<16xi32>], vector<16xf32>,
        %mul3A_390 = arith.mulf %gather3A_387, %gather3A_388 : vector<16xf32>
        %mul3A_391 = arith.mulf %mul3A_390, %gather3A_389 : vector<16xf32>
        %add3A_392 = arith.addf %add3A_336, %mul3A_391 : vector<16xf32>
        %add3A_393 = arith.constant 16 : i32
        %add3A_394 = vector.broadcast %add3A_393 : i32 to vector<16xi32>
        %add3A_395 = arith.addi %iota3A, %add3A_394 : vector<16xi32>
        %add3A_396 = vector.broadcast %mul3A_170 : i32 to vector<16xi32>
        %add3A_397 = arith.addi %add3A_395, %add3A_396 : vector<16xi32>
        %and3A_398 = arith.constant 127 : i32
        %and3A_399 = vector.broadcast %and3A_398 : i32 to vector<16xi32>
        %and3A_400 = arith.andi %add3A_397, %and3A_399 : vector<16xi32>
        %gather3A_401 = tpu.vector_load_idx %arg11[%add3A_148, %and3A_400] : memref<128x128xf32, #tpu.memory_space<vmem>>[vector<16xi32>, vector<16xi32>], vector<16xf32>,
        %gather3A_402 = tpu.vector_load_idx %arg12[%add3A_148, %and3A_400] : memref<128x128xf32, #tpu.memory_space<vmem>>[vector<16xi32>, vector<16xi32>], vector<16xf32>,
        %gather3A_403 = tpu.vector_load_idx %arg13[%add3A_148, %and3A_400] : memref<128x128xf32, #tpu.memory_space<vmem>>[vector<16xi32>, vector<16xi32>], vector<16xf32>,
        %mul3A_404 = arith.mulf %gather3A_401, %gather3A_402 : vector<16xf32>
        %mul3A_405 = arith.mulf %mul3A_404, %gather3A_403 : vector<16xf32>
        %add3A_406 = arith.addf %add3A_350, %mul3A_405 : vector<16xf32>
        %add3A_407 = arith.constant 17 : i32
        %add3A_408 = vector.broadcast %add3A_407 : i32 to vector<16xi32>
        %add3A_409 = arith.addi %iota3A, %add3A_408 : vector<16xi32>
        %add3A_410 = vector.broadcast %mul3A_170 : i32 to vector<16xi32>
        %add3A_411 = arith.addi %add3A_409, %add3A_410 : vector<16xi32>
        %and3A_412 = arith.constant 127 : i32
        %and3A_413 = vector.broadcast %and3A_412 : i32 to vector<16xi32>
        %and3A_414 = arith.andi %add3A_411, %and3A_413 : vector<16xi32>
        %gather3A_415 = tpu.vector_load_idx %arg11[%add3A_148, %and3A_414] : memref<128x128xf32, #tpu.memory_space<vmem>>[vector<16xi32>, vector<16xi32>], vector<16xf32>,
        %gather3A_416 = tpu.vector_load_idx %arg12[%add3A_148, %and3A_414] : memref<128x128xf32, #tpu.memory_space<vmem>>[vector<16xi32>, vector<16xi32>], vector<16xf32>,
        %gather3A_417 = tpu.vector_load_idx %arg13[%add3A_148, %and3A_414] : memref<128x128xf32, #tpu.memory_space<vmem>>[vector<16xi32>, vector<16xi32>], vector<16xf32>,
        %mul3A_418 = arith.mulf %gather3A_415, %gather3A_416 : vector<16xf32>
        %mul3A_419 = arith.mulf %mul3A_418, %gather3A_417 : vector<16xf32>
        %add3A_420 = arith.addf %add3A_364, %mul3A_419 : vector<16xf32>
        %add3A_421 = arith.constant 18 : i32
        %add3A_422 = vector.broadcast %add3A_421 : i32 to vector<16xi32>
        %add3A_423 = arith.addi %iota3A, %add3A_422 : vector<16xi32>
        %add3A_424 = vector.broadcast %mul3A_170 : i32 to vector<16xi32>
        %add3A_425 = arith.addi %add3A_423, %add3A_424 : vector<16xi32>
        %and3A_426 = arith.constant 127 : i32
        %and3A_427 = vector.broadcast %and3A_426 : i32 to vector<16xi32>
        %and3A_428 = arith.andi %add3A_425, %and3A_427 : vector<16xi32>
        %gather3A_429 = tpu.vector_load_idx %arg11[%add3A_148, %and3A_428] : memref<128x128xf32, #tpu.memory_space<vmem>>[vector<16xi32>, vector<16xi32>], vector<16xf32>,
        %gather3A_430 = tpu.vector_load_idx %arg12[%add3A_148, %and3A_428] : memref<128x128xf32, #tpu.memory_space<vmem>>[vector<16xi32>, vector<16xi32>], vector<16xf32>,
        %gather3A_431 = tpu.vector_load_idx %arg13[%add3A_148, %and3A_428] : memref<128x128xf32, #tpu.memory_space<vmem>>[vector<16xi32>, vector<16xi32>], vector<16xf32>,
        %mul3A_432 = arith.mulf %gather3A_429, %gather3A_430 : vector<16xf32>
        %mul3A_433 = arith.mulf %mul3A_432, %gather3A_431 : vector<16xf32>
        %add3A_434 = arith.addf %add3A_378, %mul3A_433 : vector<16xf32>
        %add3A_435 = arith.constant 19 : i32
        %add3A_436 = vector.broadcast %add3A_435 : i32 to vector<16xi32>
        %add3A_437 = arith.addi %iota3A, %add3A_436 : vector<16xi32>
        %add3A_438 = vector.broadcast %mul3A_170 : i32 to vector<16xi32>
        %add3A_439 = arith.addi %add3A_437, %add3A_438 : vector<16xi32>
        %and3A_440 = arith.constant 127 : i32
        %and3A_441 = vector.broadcast %and3A_440 : i32 to vector<16xi32>
        %and3A_442 = arith.andi %add3A_439, %and3A_441 : vector<16xi32>
        %gather3A_443 = tpu.vector_load_idx %arg11[%add3A_148, %and3A_442] : memref<128x128xf32, #tpu.memory_space<vmem>>[vector<16xi32>, vector<16xi32>], vector<16xf32>,
        %gather3A_444 = tpu.vector_load_idx %arg12[%add3A_148, %and3A_442] : memref<128x128xf32, #tpu.memory_space<vmem>>[vector<16xi32>, vector<16xi32>], vector<16xf32>,
        %gather3A_445 = tpu.vector_load_idx %arg13[%add3A_148, %and3A_442] : memref<128x128xf32, #tpu.memory_space<vmem>>[vector<16xi32>, vector<16xi32>], vector<16xf32>,
        %mul3A_446 = arith.mulf %gather3A_443, %gather3A_444 : vector<16xf32>
        %mul3A_447 = arith.mulf %mul3A_446, %gather3A_445 : vector<16xf32>
        %add3A_448 = arith.addf %add3A_392, %mul3A_447 : vector<16xf32>
        %add3A_449 = arith.constant 20 : i32
        %add3A_450 = vector.broadcast %add3A_449 : i32 to vector<16xi32>
        %add3A_451 = arith.addi %iota3A, %add3A_450 : vector<16xi32>
        %add3A_452 = vector.broadcast %mul3A_170 : i32 to vector<16xi32>
        %add3A_453 = arith.addi %add3A_451, %add3A_452 : vector<16xi32>
        %and3A_454 = arith.constant 127 : i32
        %and3A_455 = vector.broadcast %and3A_454 : i32 to vector<16xi32>
        %and3A_456 = arith.andi %add3A_453, %and3A_455 : vector<16xi32>
        %gather3A_457 = tpu.vector_load_idx %arg11[%add3A_148, %and3A_456] : memref<128x128xf32, #tpu.memory_space<vmem>>[vector<16xi32>, vector<16xi32>], vector<16xf32>,
        %gather3A_458 = tpu.vector_load_idx %arg12[%add3A_148, %and3A_456] : memref<128x128xf32, #tpu.memory_space<vmem>>[vector<16xi32>, vector<16xi32>], vector<16xf32>,
        %gather3A_459 = tpu.vector_load_idx %arg13[%add3A_148, %and3A_456] : memref<128x128xf32, #tpu.memory_space<vmem>>[vector<16xi32>, vector<16xi32>], vector<16xf32>,
        %mul3A_460 = arith.mulf %gather3A_457, %gather3A_458 : vector<16xf32>
        %mul3A_461 = arith.mulf %mul3A_460, %gather3A_459 : vector<16xf32>
        %add3A_462 = arith.addf %add3A_406, %mul3A_461 : vector<16xf32>
        %add3A_463 = arith.constant 21 : i32
        %add3A_464 = vector.broadcast %add3A_463 : i32 to vector<16xi32>
        %add3A_465 = arith.addi %iota3A, %add3A_464 : vector<16xi32>
        %add3A_466 = vector.broadcast %mul3A_170 : i32 to vector<16xi32>
        %add3A_467 = arith.addi %add3A_465, %add3A_466 : vector<16xi32>
        %and3A_468 = arith.constant 127 : i32
        %and3A_469 = vector.broadcast %and3A_468 : i32 to vector<16xi32>
        %and3A_470 = arith.andi %add3A_467, %and3A_469 : vector<16xi32>
        %gather3A_471 = tpu.vector_load_idx %arg11[%add3A_148, %and3A_470] : memref<128x128xf32, #tpu.memory_space<vmem>>[vector<16xi32>, vector<16xi32>], vector<16xf32>,
        %gather3A_472 = tpu.vector_load_idx %arg12[%add3A_148, %and3A_470] : memref<128x128xf32, #tpu.memory_space<vmem>>[vector<16xi32>, vector<16xi32>], vector<16xf32>,
        %gather3A_473 = tpu.vector_load_idx %arg13[%add3A_148, %and3A_470] : memref<128x128xf32, #tpu.memory_space<vmem>>[vector<16xi32>, vector<16xi32>], vector<16xf32>,
        %mul3A_474 = arith.mulf %gather3A_471, %gather3A_472 : vector<16xf32>
        %mul3A_475 = arith.mulf %mul3A_474, %gather3A_473 : vector<16xf32>
        %add3A_476 = arith.addf %add3A_420, %mul3A_475 : vector<16xf32>
        %add3A_477 = arith.constant 22 : i32
        %add3A_478 = vector.broadcast %add3A_477 : i32 to vector<16xi32>
        %add3A_479 = arith.addi %iota3A, %add3A_478 : vector<16xi32>
        %add3A_480 = vector.broadcast %mul3A_170 : i32 to vector<16xi32>
        %add3A_481 = arith.addi %add3A_479, %add3A_480 : vector<16xi32>
        %and3A_482 = arith.constant 127 : i32
        %and3A_483 = vector.broadcast %and3A_482 : i32 to vector<16xi32>
        %and3A_484 = arith.andi %add3A_481, %and3A_483 : vector<16xi32>
        %gather3A_485 = tpu.vector_load_idx %arg11[%add3A_148, %and3A_484] : memref<128x128xf32, #tpu.memory_space<vmem>>[vector<16xi32>, vector<16xi32>], vector<16xf32>,
        %gather3A_486 = tpu.vector_load_idx %arg12[%add3A_148, %and3A_484] : memref<128x128xf32, #tpu.memory_space<vmem>>[vector<16xi32>, vector<16xi32>], vector<16xf32>,
        %gather3A_487 = tpu.vector_load_idx %arg13[%add3A_148, %and3A_484] : memref<128x128xf32, #tpu.memory_space<vmem>>[vector<16xi32>, vector<16xi32>], vector<16xf32>,
        %mul3A_488 = arith.mulf %gather3A_485, %gather3A_486 : vector<16xf32>
        %mul3A_489 = arith.mulf %mul3A_488, %gather3A_487 : vector<16xf32>
        %add3A_490 = arith.addf %add3A_434, %mul3A_489 : vector<16xf32>
        %add3A_491 = arith.constant 23 : i32
        %add3A_492 = vector.broadcast %add3A_491 : i32 to vector<16xi32>
        %add3A_493 = arith.addi %iota3A, %add3A_492 : vector<16xi32>
        %add3A_494 = vector.broadcast %mul3A_170 : i32 to vector<16xi32>
        %add3A_495 = arith.addi %add3A_493, %add3A_494 : vector<16xi32>
        %and3A_496 = arith.constant 127 : i32
        %and3A_497 = vector.broadcast %and3A_496 : i32 to vector<16xi32>
        %and3A_498 = arith.andi %add3A_495, %and3A_497 : vector<16xi32>
        %gather3A_499 = tpu.vector_load_idx %arg11[%add3A_148, %and3A_498] : memref<128x128xf32, #tpu.memory_space<vmem>>[vector<16xi32>, vector<16xi32>], vector<16xf32>,
        %gather3A_500 = tpu.vector_load_idx %arg12[%add3A_148, %and3A_498] : memref<128x128xf32, #tpu.memory_space<vmem>>[vector<16xi32>, vector<16xi32>], vector<16xf32>,
        %gather3A_501 = tpu.vector_load_idx %arg13[%add3A_148, %and3A_498] : memref<128x128xf32, #tpu.memory_space<vmem>>[vector<16xi32>, vector<16xi32>], vector<16xf32>,
        %mul3A_502 = arith.mulf %gather3A_499, %gather3A_500 : vector<16xf32>
        %mul3A_503 = arith.mulf %mul3A_502, %gather3A_501 : vector<16xf32>
        %add3A_504 = arith.addf %add3A_448, %mul3A_503 : vector<16xf32>
        %add3A_505 = arith.constant 24 : i32
        %add3A_506 = vector.broadcast %add3A_505 : i32 to vector<16xi32>
        %add3A_507 = arith.addi %iota3A, %add3A_506 : vector<16xi32>
        %add3A_508 = vector.broadcast %mul3A_170 : i32 to vector<16xi32>
        %add3A_509 = arith.addi %add3A_507, %add3A_508 : vector<16xi32>
        %and3A_510 = arith.constant 127 : i32
        %and3A_511 = vector.broadcast %and3A_510 : i32 to vector<16xi32>
        %and3A_512 = arith.andi %add3A_509, %and3A_511 : vector<16xi32>
        %gather3A_513 = tpu.vector_load_idx %arg11[%add3A_148, %and3A_512] : memref<128x128xf32, #tpu.memory_space<vmem>>[vector<16xi32>, vector<16xi32>], vector<16xf32>,
        %gather3A_514 = tpu.vector_load_idx %arg12[%add3A_148, %and3A_512] : memref<128x128xf32, #tpu.memory_space<vmem>>[vector<16xi32>, vector<16xi32>], vector<16xf32>,
        %gather3A_515 = tpu.vector_load_idx %arg13[%add3A_148, %and3A_512] : memref<128x128xf32, #tpu.memory_space<vmem>>[vector<16xi32>, vector<16xi32>], vector<16xf32>,
        %mul3A_516 = arith.mulf %gather3A_513, %gather3A_514 : vector<16xf32>
        %mul3A_517 = arith.mulf %mul3A_516, %gather3A_515 : vector<16xf32>
        %add3A_518 = arith.addf %add3A_462, %mul3A_517 : vector<16xf32>
        %add3A_519 = arith.constant 25 : i32
        %add3A_520 = vector.broadcast %add3A_519 : i32 to vector<16xi32>
        %add3A_521 = arith.addi %iota3A, %add3A_520 : vector<16xi32>
        %add3A_522 = vector.broadcast %mul3A_170 : i32 to vector<16xi32>
        %add3A_523 = arith.addi %add3A_521, %add3A_522 : vector<16xi32>
        %and3A_524 = arith.constant 127 : i32
        %and3A_525 = vector.broadcast %and3A_524 : i32 to vector<16xi32>
        %and3A_526 = arith.andi %add3A_523, %and3A_525 : vector<16xi32>
        %gather3A_527 = tpu.vector_load_idx %arg11[%add3A_148, %and3A_526] : memref<128x128xf32, #tpu.memory_space<vmem>>[vector<16xi32>, vector<16xi32>], vector<16xf32>,
        %gather3A_528 = tpu.vector_load_idx %arg12[%add3A_148, %and3A_526] : memref<128x128xf32, #tpu.memory_space<vmem>>[vector<16xi32>, vector<16xi32>], vector<16xf32>,
        %gather3A_529 = tpu.vector_load_idx %arg13[%add3A_148, %and3A_526] : memref<128x128xf32, #tpu.memory_space<vmem>>[vector<16xi32>, vector<16xi32>], vector<16xf32>,
        %mul3A_530 = arith.mulf %gather3A_527, %gather3A_528 : vector<16xf32>
        %mul3A_531 = arith.mulf %mul3A_530, %gather3A_529 : vector<16xf32>
        %add3A_532 = arith.addf %add3A_476, %mul3A_531 : vector<16xf32>
        %add3A_533 = arith.constant 26 : i32
        %add3A_534 = vector.broadcast %add3A_533 : i32 to vector<16xi32>
        %add3A_535 = arith.addi %iota3A, %add3A_534 : vector<16xi32>
        %add3A_536 = vector.broadcast %mul3A_170 : i32 to vector<16xi32>
        %add3A_537 = arith.addi %add3A_535, %add3A_536 : vector<16xi32>
        %and3A_538 = arith.constant 127 : i32
        %and3A_539 = vector.broadcast %and3A_538 : i32 to vector<16xi32>
        %and3A_540 = arith.andi %add3A_537, %and3A_539 : vector<16xi32>
        %gather3A_541 = tpu.vector_load_idx %arg11[%add3A_148, %and3A_540] : memref<128x128xf32, #tpu.memory_space<vmem>>[vector<16xi32>, vector<16xi32>], vector<16xf32>,
        %gather3A_542 = tpu.vector_load_idx %arg12[%add3A_148, %and3A_540] : memref<128x128xf32, #tpu.memory_space<vmem>>[vector<16xi32>, vector<16xi32>], vector<16xf32>,
        %gather3A_543 = tpu.vector_load_idx %arg13[%add3A_148, %and3A_540] : memref<128x128xf32, #tpu.memory_space<vmem>>[vector<16xi32>, vector<16xi32>], vector<16xf32>,
        %mul3A_544 = arith.mulf %gather3A_541, %gather3A_542 : vector<16xf32>
        %mul3A_545 = arith.mulf %mul3A_544, %gather3A_543 : vector<16xf32>
        %add3A_546 = arith.addf %add3A_490, %mul3A_545 : vector<16xf32>
        %add3A_547 = arith.constant 27 : i32
        %add3A_548 = vector.broadcast %add3A_547 : i32 to vector<16xi32>
        %add3A_549 = arith.addi %iota3A, %add3A_548 : vector<16xi32>
        %add3A_550 = vector.broadcast %mul3A_170 : i32 to vector<16xi32>
        %add3A_551 = arith.addi %add3A_549, %add3A_550 : vector<16xi32>
        %and3A_552 = arith.constant 127 : i32
        %and3A_553 = vector.broadcast %and3A_552 : i32 to vector<16xi32>
        %and3A_554 = arith.andi %add3A_551, %and3A_553 : vector<16xi32>
        %gather3A_555 = tpu.vector_load_idx %arg11[%add3A_148, %and3A_554] : memref<128x128xf32, #tpu.memory_space<vmem>>[vector<16xi32>, vector<16xi32>], vector<16xf32>,
        %gather3A_556 = tpu.vector_load_idx %arg12[%add3A_148, %and3A_554] : memref<128x128xf32, #tpu.memory_space<vmem>>[vector<16xi32>, vector<16xi32>], vector<16xf32>,
        %gather3A_557 = tpu.vector_load_idx %arg13[%add3A_148, %and3A_554] : memref<128x128xf32, #tpu.memory_space<vmem>>[vector<16xi32>, vector<16xi32>], vector<16xf32>,
        %mul3A_558 = arith.mulf %gather3A_555, %gather3A_556 : vector<16xf32>
        %mul3A_559 = arith.mulf %mul3A_558, %gather3A_557 : vector<16xf32>
        %add3A_560 = arith.addf %add3A_504, %mul3A_559 : vector<16xf32>
        %add3A_561 = arith.constant 28 : i32
        %add3A_562 = vector.broadcast %add3A_561 : i32 to vector<16xi32>
        %add3A_563 = arith.addi %iota3A, %add3A_562 : vector<16xi32>
        %add3A_564 = vector.broadcast %mul3A_170 : i32 to vector<16xi32>
        %add3A_565 = arith.addi %add3A_563, %add3A_564 : vector<16xi32>
        %and3A_566 = arith.constant 127 : i32
        %and3A_567 = vector.broadcast %and3A_566 : i32 to vector<16xi32>
        %and3A_568 = arith.andi %add3A_565, %and3A_567 : vector<16xi32>
        %gather3A_569 = tpu.vector_load_idx %arg11[%add3A_148, %and3A_568] : memref<128x128xf32, #tpu.memory_space<vmem>>[vector<16xi32>, vector<16xi32>], vector<16xf32>,
        %gather3A_570 = tpu.vector_load_idx %arg12[%add3A_148, %and3A_568] : memref<128x128xf32, #tpu.memory_space<vmem>>[vector<16xi32>, vector<16xi32>], vector<16xf32>,
        %gather3A_571 = tpu.vector_load_idx %arg13[%add3A_148, %and3A_568] : memref<128x128xf32, #tpu.memory_space<vmem>>[vector<16xi32>, vector<16xi32>], vector<16xf32>,
        %mul3A_572 = arith.mulf %gather3A_569, %gather3A_570 : vector<16xf32>
        %mul3A_573 = arith.mulf %mul3A_572, %gather3A_571 : vector<16xf32>
        %add3A_574 = arith.addf %add3A_518, %mul3A_573 : vector<16xf32>
        %add3A_575 = arith.constant 29 : i32
        %add3A_576 = vector.broadcast %add3A_575 : i32 to vector<16xi32>
        %add3A_577 = arith.addi %iota3A, %add3A_576 : vector<16xi32>
        %add3A_578 = vector.broadcast %mul3A_170 : i32 to vector<16xi32>
        %add3A_579 = arith.addi %add3A_577, %add3A_578 : vector<16xi32>
        %and3A_580 = arith.constant 127 : i32
        %and3A_581 = vector.broadcast %and3A_580 : i32 to vector<16xi32>
        %and3A_582 = arith.andi %add3A_579, %and3A_581 : vector<16xi32>
        %gather3A_583 = tpu.vector_load_idx %arg11[%add3A_148, %and3A_582] : memref<128x128xf32, #tpu.memory_space<vmem>>[vector<16xi32>, vector<16xi32>], vector<16xf32>,
        %gather3A_584 = tpu.vector_load_idx %arg12[%add3A_148, %and3A_582] : memref<128x128xf32, #tpu.memory_space<vmem>>[vector<16xi32>, vector<16xi32>], vector<16xf32>,
        %gather3A_585 = tpu.vector_load_idx %arg13[%add3A_148, %and3A_582] : memref<128x128xf32, #tpu.memory_space<vmem>>[vector<16xi32>, vector<16xi32>], vector<16xf32>,
        %mul3A_586 = arith.mulf %gather3A_583, %gather3A_584 : vector<16xf32>
        %mul3A_587 = arith.mulf %mul3A_586, %gather3A_585 : vector<16xf32>
        %add3A_588 = arith.addf %add3A_532, %mul3A_587 : vector<16xf32>
        %add3A_589 = arith.constant 30 : i32
        %add3A_590 = vector.broadcast %add3A_589 : i32 to vector<16xi32>
        %add3A_591 = arith.addi %iota3A, %add3A_590 : vector<16xi32>
        %add3A_592 = vector.broadcast %mul3A_170 : i32 to vector<16xi32>
        %add3A_593 = arith.addi %add3A_591, %add3A_592 : vector<16xi32>
        %and3A_594 = arith.constant 127 : i32
        %and3A_595 = vector.broadcast %and3A_594 : i32 to vector<16xi32>
        %and3A_596 = arith.andi %add3A_593, %and3A_595 : vector<16xi32>
        %gather3A_597 = tpu.vector_load_idx %arg11[%add3A_148, %and3A_596] : memref<128x128xf32, #tpu.memory_space<vmem>>[vector<16xi32>, vector<16xi32>], vector<16xf32>,
        %gather3A_598 = tpu.vector_load_idx %arg12[%add3A_148, %and3A_596] : memref<128x128xf32, #tpu.memory_space<vmem>>[vector<16xi32>, vector<16xi32>], vector<16xf32>,
        %gather3A_599 = tpu.vector_load_idx %arg13[%add3A_148, %and3A_596] : memref<128x128xf32, #tpu.memory_space<vmem>>[vector<16xi32>, vector<16xi32>], vector<16xf32>,
        %mul3A_600 = arith.mulf %gather3A_597, %gather3A_598 : vector<16xf32>
        %mul3A_601 = arith.mulf %mul3A_600, %gather3A_599 : vector<16xf32>
        %add3A_602 = arith.addf %add3A_546, %mul3A_601 : vector<16xf32>
        %add3A_603 = arith.constant 31 : i32
        %add3A_604 = vector.broadcast %add3A_603 : i32 to vector<16xi32>
        %add3A_605 = arith.addi %iota3A, %add3A_604 : vector<16xi32>
        %add3A_606 = vector.broadcast %mul3A_170 : i32 to vector<16xi32>
        %add3A_607 = arith.addi %add3A_605, %add3A_606 : vector<16xi32>
        %and3A_608 = arith.constant 127 : i32
        %and3A_609 = vector.broadcast %and3A_608 : i32 to vector<16xi32>
        %and3A_610 = arith.andi %add3A_607, %and3A_609 : vector<16xi32>
        %gather3A_611 = tpu.vector_load_idx %arg11[%add3A_148, %and3A_610] : memref<128x128xf32, #tpu.memory_space<vmem>>[vector<16xi32>, vector<16xi32>], vector<16xf32>,
        %gather3A_612 = tpu.vector_load_idx %arg12[%add3A_148, %and3A_610] : memref<128x128xf32, #tpu.memory_space<vmem>>[vector<16xi32>, vector<16xi32>], vector<16xf32>,
        %gather3A_613 = tpu.vector_load_idx %arg13[%add3A_148, %and3A_610] : memref<128x128xf32, #tpu.memory_space<vmem>>[vector<16xi32>, vector<16xi32>], vector<16xf32>,
        %mul3A_614 = arith.mulf %gather3A_611, %gather3A_612 : vector<16xf32>
        %mul3A_615 = arith.mulf %mul3A_614, %gather3A_613 : vector<16xf32>
        %add3A_616 = arith.addf %add3A_560, %mul3A_615 : vector<16xf32>
        scf.yield %add3A_574, %add3A_588, %add3A_602, %add3A_616 : vector<16xf32>, vector<16xf32>, vector<16xf32>, vector<16xf32>
      }
      %scan3A_155 = arith.constant 4 : i32
      %add3A_156 = arith.addf %scan3A_154#0, %scan3A_154#1 : vector<16xf32>
      %add3A_157 = arith.addf %scan3A_154#2, %scan3A_154#3 : vector<16xf32>
      %add3A_158 = arith.addf %add3A_156, %add3A_157 : vector<16xf32>
      %mul3A_159 = arith.constant 16 : i32
      %mul3A_160 = arith.muli %scan3A_144, %mul3A_159 : i32
      %add3A_161 = arith.constant 256 : i32
      %add3A_162 = arith.addi %add3A_161, %mul3A_160 : i32
      %swap3A = arith.index_cast %add3A_162 : i32 to index
      %swap3A_163 = tpu.vector_load %arg17[%swap3A] {strides = array<i32>} : memref<512xf32, #tpu.memory_space<vmem>>, vector<16xf32>,
      tpu.vector_store %arg17[%swap3A], %add3A_158 {strides = array<i32>} : memref<512xf32, #tpu.memory_space<vmem>>, vector<16xf32>,
    }
    %scan3A_122 = arith.constant 8 : i32
    %dma_wait3A_123 = arith.constant 384 : i32
    %dma_wait3A_124 = tpu.memref_slice %arg8[%dma_wait3A_123] : memref<512xi32, #tpu.memory_space<vmem>> -> memref<128xi32, #tpu.memory_space<vmem>>
    %dma_wait3A_125 = arith.constant 0 : i32
    %dma_wait3A_126 = arith.constant 0 : i32
    %dma_wait3A_127 = tpu.memref_slice %arg5[%dma_wait3A_125, %dma_wait3A_126] : memref<100000x128xf32, #tpu.memory_space<hbm>> -> memref<100000x128xf32, #tpu.memory_space<hbm>>
    tpu.wait_indirect_dma semaphore(%arg19 : memref<!tpu.dma_semaphore, #tpu.memory_space<semaphore_mem>>) src(%dma_wait3A_127 : memref<100000x128xf32, #tpu.memory_space<hbm>>) dst(%arg14 : memref<128x128xf32, #tpu.memory_space<vmem>>)
    %dma_wait3A_128 = arith.constant 384 : i32
    %dma_wait3A_129 = tpu.memref_slice %arg9[%dma_wait3A_128] : memref<512xi32, #tpu.memory_space<vmem>> -> memref<128xi32, #tpu.memory_space<vmem>>
    %dma_wait3A_130 = arith.constant 0 : i32
    %dma_wait3A_131 = arith.constant 0 : i32
    %dma_wait3A_132 = tpu.memref_slice %arg6[%dma_wait3A_130, %dma_wait3A_131] : memref<1000x128xf32, #tpu.memory_space<hbm>> -> memref<1000x128xf32, #tpu.memory_space<hbm>>
    tpu.wait_indirect_dma semaphore(%arg19 : memref<!tpu.dma_semaphore, #tpu.memory_space<semaphore_mem>>) src(%dma_wait3A_132 : memref<1000x128xf32, #tpu.memory_space<hbm>>) dst(%arg15 : memref<128x128xf32, #tpu.memory_space<vmem>>)
    %dma_wait3A_133 = arith.constant 384 : i32
    %dma_wait3A_134 = tpu.memref_slice %arg10[%dma_wait3A_133] : memref<512xi32, #tpu.memory_space<vmem>> -> memref<128xi32, #tpu.memory_space<vmem>>
    %dma_wait3A_135 = arith.constant 0 : i32
    %dma_wait3A_136 = arith.constant 0 : i32
    %dma_wait3A_137 = tpu.memref_slice %arg5[%dma_wait3A_135, %dma_wait3A_136] : memref<100000x128xf32, #tpu.memory_space<hbm>> -> memref<100000x128xf32, #tpu.memory_space<hbm>>
    tpu.wait_indirect_dma semaphore(%arg19 : memref<!tpu.dma_semaphore, #tpu.memory_space<semaphore_mem>>) src(%dma_wait3A_137 : memref<100000x128xf32, #tpu.memory_space<hbm>>) dst(%arg16 : memref<128x128xf32, #tpu.memory_space<vmem>>)
    %scan3A_138 = arith.constant 0 : i32
    %scan3A_139 = arith.constant 0 : i32
    %scan3A_140 = arith.constant 8 : i32
    %scan3A_141 = arith.addi %scan3A_139, %scan3A_140 : i32
    %scan3A_142 = arith.constant 1 : i32
    scf.for %scan3A_144 = %scan3A_139 to %scan3A_141 step %scan3A_142  : i32 {
      %mul3A_145 = arith.constant 16 : i32
      %mul3A_146 = arith.muli %scan3A_144, %mul3A_145 : i32
      %add3A_147 = vector.broadcast %mul3A_146 : i32 to vector<16xi32>
      %add3A_148 = arith.addi %iota3A, %add3A_147 : vector<16xi32>
      %broadcast_in_dim3A = arith.constant 0.000000e+00 : f32
      %broadcast_in_dim3A_149 = vector.broadcast %broadcast_in_dim3A : f32 to vector<16xf32>
      %scan3A_150 = arith.constant 0 : i32
      %scan3A_151 = arith.constant 4 : i32
      %scan3A_152 = arith.addi %scan3A_150, %scan3A_151 : i32
      %scan3A_153 = arith.constant 1 : i32
      %scan3A_154:4 = scf.for %scan3A_164 = %scan3A_150 to %scan3A_152 step %scan3A_153 iter_args(%scan3A_165 = %broadcast_in_dim3A_149, %scan3A_166 = %broadcast_in_dim3A_149, %scan3A_167 = %broadcast_in_dim3A_149, %scan3A_168 = %broadcast_in_dim3A_149) -> (vector<16xf32>, vector<16xf32>, vector<16xf32>, vector<16xf32>)  : i32 {
        %mul3A_169 = arith.constant 32 : i32
        %mul3A_170 = arith.muli %scan3A_164, %mul3A_169 : i32
        %add3A_171 = arith.constant 0 : i32
        %add3A_172 = vector.broadcast %add3A_171 : i32 to vector<16xi32>
        %add3A_173 = arith.addi %iota3A, %add3A_172 : vector<16xi32>
        %add3A_174 = vector.broadcast %mul3A_170 : i32 to vector<16xi32>
        %add3A_175 = arith.addi %add3A_173, %add3A_174 : vector<16xi32>
        %and3A = arith.constant 127 : i32
        %and3A_176 = vector.broadcast %and3A : i32 to vector<16xi32>
        %and3A_177 = arith.andi %add3A_175, %and3A_176 : vector<16xi32>
        %gather3A = tpu.vector_load_idx %arg14[%add3A_148, %and3A_177] : memref<128x128xf32, #tpu.memory_space<vmem>>[vector<16xi32>, vector<16xi32>], vector<16xf32>,
        %gather3A_178 = tpu.vector_load_idx %arg15[%add3A_148, %and3A_177] : memref<128x128xf32, #tpu.memory_space<vmem>>[vector<16xi32>, vector<16xi32>], vector<16xf32>,
        %gather3A_179 = tpu.vector_load_idx %arg16[%add3A_148, %and3A_177] : memref<128x128xf32, #tpu.memory_space<vmem>>[vector<16xi32>, vector<16xi32>], vector<16xf32>,
        %mul3A_180 = arith.mulf %gather3A, %gather3A_178 : vector<16xf32>
        %mul3A_181 = arith.mulf %mul3A_180, %gather3A_179 : vector<16xf32>
        %add3A_182 = arith.addf %scan3A_165, %mul3A_181 : vector<16xf32>
        %add3A_183 = arith.constant 1 : i32
        %add3A_184 = vector.broadcast %add3A_183 : i32 to vector<16xi32>
        %add3A_185 = arith.addi %iota3A, %add3A_184 : vector<16xi32>
        %add3A_186 = vector.broadcast %mul3A_170 : i32 to vector<16xi32>
        %add3A_187 = arith.addi %add3A_185, %add3A_186 : vector<16xi32>
        %and3A_188 = arith.constant 127 : i32
        %and3A_189 = vector.broadcast %and3A_188 : i32 to vector<16xi32>
        %and3A_190 = arith.andi %add3A_187, %and3A_189 : vector<16xi32>
        %gather3A_191 = tpu.vector_load_idx %arg14[%add3A_148, %and3A_190] : memref<128x128xf32, #tpu.memory_space<vmem>>[vector<16xi32>, vector<16xi32>], vector<16xf32>,
        %gather3A_192 = tpu.vector_load_idx %arg15[%add3A_148, %and3A_190] : memref<128x128xf32, #tpu.memory_space<vmem>>[vector<16xi32>, vector<16xi32>], vector<16xf32>,
        %gather3A_193 = tpu.vector_load_idx %arg16[%add3A_148, %and3A_190] : memref<128x128xf32, #tpu.memory_space<vmem>>[vector<16xi32>, vector<16xi32>], vector<16xf32>,
        %mul3A_194 = arith.mulf %gather3A_191, %gather3A_192 : vector<16xf32>
        %mul3A_195 = arith.mulf %mul3A_194, %gather3A_193 : vector<16xf32>
        %add3A_196 = arith.addf %scan3A_166, %mul3A_195 : vector<16xf32>
        %add3A_197 = arith.constant 2 : i32
        %add3A_198 = vector.broadcast %add3A_197 : i32 to vector<16xi32>
        %add3A_199 = arith.addi %iota3A, %add3A_198 : vector<16xi32>
        %add3A_200 = vector.broadcast %mul3A_170 : i32 to vector<16xi32>
        %add3A_201 = arith.addi %add3A_199, %add3A_200 : vector<16xi32>
        %and3A_202 = arith.constant 127 : i32
        %and3A_203 = vector.broadcast %and3A_202 : i32 to vector<16xi32>
        %and3A_204 = arith.andi %add3A_201, %and3A_203 : vector<16xi32>
        %gather3A_205 = tpu.vector_load_idx %arg14[%add3A_148, %and3A_204] : memref<128x128xf32, #tpu.memory_space<vmem>>[vector<16xi32>, vector<16xi32>], vector<16xf32>,
        %gather3A_206 = tpu.vector_load_idx %arg15[%add3A_148, %and3A_204] : memref<128x128xf32, #tpu.memory_space<vmem>>[vector<16xi32>, vector<16xi32>], vector<16xf32>,
        %gather3A_207 = tpu.vector_load_idx %arg16[%add3A_148, %and3A_204] : memref<128x128xf32, #tpu.memory_space<vmem>>[vector<16xi32>, vector<16xi32>], vector<16xf32>,
        %mul3A_208 = arith.mulf %gather3A_205, %gather3A_206 : vector<16xf32>
        %mul3A_209 = arith.mulf %mul3A_208, %gather3A_207 : vector<16xf32>
        %add3A_210 = arith.addf %scan3A_167, %mul3A_209 : vector<16xf32>
        %add3A_211 = arith.constant 3 : i32
        %add3A_212 = vector.broadcast %add3A_211 : i32 to vector<16xi32>
        %add3A_213 = arith.addi %iota3A, %add3A_212 : vector<16xi32>
        %add3A_214 = vector.broadcast %mul3A_170 : i32 to vector<16xi32>
        %add3A_215 = arith.addi %add3A_213, %add3A_214 : vector<16xi32>
        %and3A_216 = arith.constant 127 : i32
        %and3A_217 = vector.broadcast %and3A_216 : i32 to vector<16xi32>
        %and3A_218 = arith.andi %add3A_215, %and3A_217 : vector<16xi32>
        %gather3A_219 = tpu.vector_load_idx %arg14[%add3A_148, %and3A_218] : memref<128x128xf32, #tpu.memory_space<vmem>>[vector<16xi32>, vector<16xi32>], vector<16xf32>,
        %gather3A_220 = tpu.vector_load_idx %arg15[%add3A_148, %and3A_218] : memref<128x128xf32, #tpu.memory_space<vmem>>[vector<16xi32>, vector<16xi32>], vector<16xf32>,
        %gather3A_221 = tpu.vector_load_idx %arg16[%add3A_148, %and3A_218] : memref<128x128xf32, #tpu.memory_space<vmem>>[vector<16xi32>, vector<16xi32>], vector<16xf32>,
        %mul3A_222 = arith.mulf %gather3A_219, %gather3A_220 : vector<16xf32>
        %mul3A_223 = arith.mulf %mul3A_222, %gather3A_221 : vector<16xf32>
        %add3A_224 = arith.addf %scan3A_168, %mul3A_223 : vector<16xf32>
        %add3A_225 = arith.constant 4 : i32
        %add3A_226 = vector.broadcast %add3A_225 : i32 to vector<16xi32>
        %add3A_227 = arith.addi %iota3A, %add3A_226 : vector<16xi32>
        %add3A_228 = vector.broadcast %mul3A_170 : i32 to vector<16xi32>
        %add3A_229 = arith.addi %add3A_227, %add3A_228 : vector<16xi32>
        %and3A_230 = arith.constant 127 : i32
        %and3A_231 = vector.broadcast %and3A_230 : i32 to vector<16xi32>
        %and3A_232 = arith.andi %add3A_229, %and3A_231 : vector<16xi32>
        %gather3A_233 = tpu.vector_load_idx %arg14[%add3A_148, %and3A_232] : memref<128x128xf32, #tpu.memory_space<vmem>>[vector<16xi32>, vector<16xi32>], vector<16xf32>,
        %gather3A_234 = tpu.vector_load_idx %arg15[%add3A_148, %and3A_232] : memref<128x128xf32, #tpu.memory_space<vmem>>[vector<16xi32>, vector<16xi32>], vector<16xf32>,
        %gather3A_235 = tpu.vector_load_idx %arg16[%add3A_148, %and3A_232] : memref<128x128xf32, #tpu.memory_space<vmem>>[vector<16xi32>, vector<16xi32>], vector<16xf32>,
        %mul3A_236 = arith.mulf %gather3A_233, %gather3A_234 : vector<16xf32>
        %mul3A_237 = arith.mulf %mul3A_236, %gather3A_235 : vector<16xf32>
        %add3A_238 = arith.addf %add3A_182, %mul3A_237 : vector<16xf32>
        %add3A_239 = arith.constant 5 : i32
        %add3A_240 = vector.broadcast %add3A_239 : i32 to vector<16xi32>
        %add3A_241 = arith.addi %iota3A, %add3A_240 : vector<16xi32>
        %add3A_242 = vector.broadcast %mul3A_170 : i32 to vector<16xi32>
        %add3A_243 = arith.addi %add3A_241, %add3A_242 : vector<16xi32>
        %and3A_244 = arith.constant 127 : i32
        %and3A_245 = vector.broadcast %and3A_244 : i32 to vector<16xi32>
        %and3A_246 = arith.andi %add3A_243, %and3A_245 : vector<16xi32>
        %gather3A_247 = tpu.vector_load_idx %arg14[%add3A_148, %and3A_246] : memref<128x128xf32, #tpu.memory_space<vmem>>[vector<16xi32>, vector<16xi32>], vector<16xf32>,
        %gather3A_248 = tpu.vector_load_idx %arg15[%add3A_148, %and3A_246] : memref<128x128xf32, #tpu.memory_space<vmem>>[vector<16xi32>, vector<16xi32>], vector<16xf32>,
        %gather3A_249 = tpu.vector_load_idx %arg16[%add3A_148, %and3A_246] : memref<128x128xf32, #tpu.memory_space<vmem>>[vector<16xi32>, vector<16xi32>], vector<16xf32>,
        %mul3A_250 = arith.mulf %gather3A_247, %gather3A_248 : vector<16xf32>
        %mul3A_251 = arith.mulf %mul3A_250, %gather3A_249 : vector<16xf32>
        %add3A_252 = arith.addf %add3A_196, %mul3A_251 : vector<16xf32>
        %add3A_253 = arith.constant 6 : i32
        %add3A_254 = vector.broadcast %add3A_253 : i32 to vector<16xi32>
        %add3A_255 = arith.addi %iota3A, %add3A_254 : vector<16xi32>
        %add3A_256 = vector.broadcast %mul3A_170 : i32 to vector<16xi32>
        %add3A_257 = arith.addi %add3A_255, %add3A_256 : vector<16xi32>
        %and3A_258 = arith.constant 127 : i32
        %and3A_259 = vector.broadcast %and3A_258 : i32 to vector<16xi32>
        %and3A_260 = arith.andi %add3A_257, %and3A_259 : vector<16xi32>
        %gather3A_261 = tpu.vector_load_idx %arg14[%add3A_148, %and3A_260] : memref<128x128xf32, #tpu.memory_space<vmem>>[vector<16xi32>, vector<16xi32>], vector<16xf32>,
        %gather3A_262 = tpu.vector_load_idx %arg15[%add3A_148, %and3A_260] : memref<128x128xf32, #tpu.memory_space<vmem>>[vector<16xi32>, vector<16xi32>], vector<16xf32>,
        %gather3A_263 = tpu.vector_load_idx %arg16[%add3A_148, %and3A_260] : memref<128x128xf32, #tpu.memory_space<vmem>>[vector<16xi32>, vector<16xi32>], vector<16xf32>,
        %mul3A_264 = arith.mulf %gather3A_261, %gather3A_262 : vector<16xf32>
        %mul3A_265 = arith.mulf %mul3A_264, %gather3A_263 : vector<16xf32>
        %add3A_266 = arith.addf %add3A_210, %mul3A_265 : vector<16xf32>
        %add3A_267 = arith.constant 7 : i32
        %add3A_268 = vector.broadcast %add3A_267 : i32 to vector<16xi32>
        %add3A_269 = arith.addi %iota3A, %add3A_268 : vector<16xi32>
        %add3A_270 = vector.broadcast %mul3A_170 : i32 to vector<16xi32>
        %add3A_271 = arith.addi %add3A_269, %add3A_270 : vector<16xi32>
        %and3A_272 = arith.constant 127 : i32
        %and3A_273 = vector.broadcast %and3A_272 : i32 to vector<16xi32>
        %and3A_274 = arith.andi %add3A_271, %and3A_273 : vector<16xi32>
        %gather3A_275 = tpu.vector_load_idx %arg14[%add3A_148, %and3A_274] : memref<128x128xf32, #tpu.memory_space<vmem>>[vector<16xi32>, vector<16xi32>], vector<16xf32>,
        %gather3A_276 = tpu.vector_load_idx %arg15[%add3A_148, %and3A_274] : memref<128x128xf32, #tpu.memory_space<vmem>>[vector<16xi32>, vector<16xi32>], vector<16xf32>,
        %gather3A_277 = tpu.vector_load_idx %arg16[%add3A_148, %and3A_274] : memref<128x128xf32, #tpu.memory_space<vmem>>[vector<16xi32>, vector<16xi32>], vector<16xf32>,
        %mul3A_278 = arith.mulf %gather3A_275, %gather3A_276 : vector<16xf32>
        %mul3A_279 = arith.mulf %mul3A_278, %gather3A_277 : vector<16xf32>
        %add3A_280 = arith.addf %add3A_224, %mul3A_279 : vector<16xf32>
        %add3A_281 = arith.constant 8 : i32
        %add3A_282 = vector.broadcast %add3A_281 : i32 to vector<16xi32>
        %add3A_283 = arith.addi %iota3A, %add3A_282 : vector<16xi32>
        %add3A_284 = vector.broadcast %mul3A_170 : i32 to vector<16xi32>
        %add3A_285 = arith.addi %add3A_283, %add3A_284 : vector<16xi32>
        %and3A_286 = arith.constant 127 : i32
        %and3A_287 = vector.broadcast %and3A_286 : i32 to vector<16xi32>
        %and3A_288 = arith.andi %add3A_285, %and3A_287 : vector<16xi32>
        %gather3A_289 = tpu.vector_load_idx %arg14[%add3A_148, %and3A_288] : memref<128x128xf32, #tpu.memory_space<vmem>>[vector<16xi32>, vector<16xi32>], vector<16xf32>,
        %gather3A_290 = tpu.vector_load_idx %arg15[%add3A_148, %and3A_288] : memref<128x128xf32, #tpu.memory_space<vmem>>[vector<16xi32>, vector<16xi32>], vector<16xf32>,
        %gather3A_291 = tpu.vector_load_idx %arg16[%add3A_148, %and3A_288] : memref<128x128xf32, #tpu.memory_space<vmem>>[vector<16xi32>, vector<16xi32>], vector<16xf32>,
        %mul3A_292 = arith.mulf %gather3A_289, %gather3A_290 : vector<16xf32>
        %mul3A_293 = arith.mulf %mul3A_292, %gather3A_291 : vector<16xf32>
        %add3A_294 = arith.addf %add3A_238, %mul3A_293 : vector<16xf32>
        %add3A_295 = arith.constant 9 : i32
        %add3A_296 = vector.broadcast %add3A_295 : i32 to vector<16xi32>
        %add3A_297 = arith.addi %iota3A, %add3A_296 : vector<16xi32>
        %add3A_298 = vector.broadcast %mul3A_170 : i32 to vector<16xi32>
        %add3A_299 = arith.addi %add3A_297, %add3A_298 : vector<16xi32>
        %and3A_300 = arith.constant 127 : i32
        %and3A_301 = vector.broadcast %and3A_300 : i32 to vector<16xi32>
        %and3A_302 = arith.andi %add3A_299, %and3A_301 : vector<16xi32>
        %gather3A_303 = tpu.vector_load_idx %arg14[%add3A_148, %and3A_302] : memref<128x128xf32, #tpu.memory_space<vmem>>[vector<16xi32>, vector<16xi32>], vector<16xf32>,
        %gather3A_304 = tpu.vector_load_idx %arg15[%add3A_148, %and3A_302] : memref<128x128xf32, #tpu.memory_space<vmem>>[vector<16xi32>, vector<16xi32>], vector<16xf32>,
        %gather3A_305 = tpu.vector_load_idx %arg16[%add3A_148, %and3A_302] : memref<128x128xf32, #tpu.memory_space<vmem>>[vector<16xi32>, vector<16xi32>], vector<16xf32>,
        %mul3A_306 = arith.mulf %gather3A_303, %gather3A_304 : vector<16xf32>
        %mul3A_307 = arith.mulf %mul3A_306, %gather3A_305 : vector<16xf32>
        %add3A_308 = arith.addf %add3A_252, %mul3A_307 : vector<16xf32>
        %add3A_309 = arith.constant 10 : i32
        %add3A_310 = vector.broadcast %add3A_309 : i32 to vector<16xi32>
        %add3A_311 = arith.addi %iota3A, %add3A_310 : vector<16xi32>
        %add3A_312 = vector.broadcast %mul3A_170 : i32 to vector<16xi32>
        %add3A_313 = arith.addi %add3A_311, %add3A_312 : vector<16xi32>
        %and3A_314 = arith.constant 127 : i32
        %and3A_315 = vector.broadcast %and3A_314 : i32 to vector<16xi32>
        %and3A_316 = arith.andi %add3A_313, %and3A_315 : vector<16xi32>
        %gather3A_317 = tpu.vector_load_idx %arg14[%add3A_148, %and3A_316] : memref<128x128xf32, #tpu.memory_space<vmem>>[vector<16xi32>, vector<16xi32>], vector<16xf32>,
        %gather3A_318 = tpu.vector_load_idx %arg15[%add3A_148, %and3A_316] : memref<128x128xf32, #tpu.memory_space<vmem>>[vector<16xi32>, vector<16xi32>], vector<16xf32>,
        %gather3A_319 = tpu.vector_load_idx %arg16[%add3A_148, %and3A_316] : memref<128x128xf32, #tpu.memory_space<vmem>>[vector<16xi32>, vector<16xi32>], vector<16xf32>,
        %mul3A_320 = arith.mulf %gather3A_317, %gather3A_318 : vector<16xf32>
        %mul3A_321 = arith.mulf %mul3A_320, %gather3A_319 : vector<16xf32>
        %add3A_322 = arith.addf %add3A_266, %mul3A_321 : vector<16xf32>
        %add3A_323 = arith.constant 11 : i32
        %add3A_324 = vector.broadcast %add3A_323 : i32 to vector<16xi32>
        %add3A_325 = arith.addi %iota3A, %add3A_324 : vector<16xi32>
        %add3A_326 = vector.broadcast %mul3A_170 : i32 to vector<16xi32>
        %add3A_327 = arith.addi %add3A_325, %add3A_326 : vector<16xi32>
        %and3A_328 = arith.constant 127 : i32
        %and3A_329 = vector.broadcast %and3A_328 : i32 to vector<16xi32>
        %and3A_330 = arith.andi %add3A_327, %and3A_329 : vector<16xi32>
        %gather3A_331 = tpu.vector_load_idx %arg14[%add3A_148, %and3A_330] : memref<128x128xf32, #tpu.memory_space<vmem>>[vector<16xi32>, vector<16xi32>], vector<16xf32>,
        %gather3A_332 = tpu.vector_load_idx %arg15[%add3A_148, %and3A_330] : memref<128x128xf32, #tpu.memory_space<vmem>>[vector<16xi32>, vector<16xi32>], vector<16xf32>,
        %gather3A_333 = tpu.vector_load_idx %arg16[%add3A_148, %and3A_330] : memref<128x128xf32, #tpu.memory_space<vmem>>[vector<16xi32>, vector<16xi32>], vector<16xf32>,
        %mul3A_334 = arith.mulf %gather3A_331, %gather3A_332 : vector<16xf32>
        %mul3A_335 = arith.mulf %mul3A_334, %gather3A_333 : vector<16xf32>
        %add3A_336 = arith.addf %add3A_280, %mul3A_335 : vector<16xf32>
        %add3A_337 = arith.constant 12 : i32
        %add3A_338 = vector.broadcast %add3A_337 : i32 to vector<16xi32>
        %add3A_339 = arith.addi %iota3A, %add3A_338 : vector<16xi32>
        %add3A_340 = vector.broadcast %mul3A_170 : i32 to vector<16xi32>
        %add3A_341 = arith.addi %add3A_339, %add3A_340 : vector<16xi32>
        %and3A_342 = arith.constant 127 : i32
        %and3A_343 = vector.broadcast %and3A_342 : i32 to vector<16xi32>
        %and3A_344 = arith.andi %add3A_341, %and3A_343 : vector<16xi32>
        %gather3A_345 = tpu.vector_load_idx %arg14[%add3A_148, %and3A_344] : memref<128x128xf32, #tpu.memory_space<vmem>>[vector<16xi32>, vector<16xi32>], vector<16xf32>,
        %gather3A_346 = tpu.vector_load_idx %arg15[%add3A_148, %and3A_344] : memref<128x128xf32, #tpu.memory_space<vmem>>[vector<16xi32>, vector<16xi32>], vector<16xf32>,
        %gather3A_347 = tpu.vector_load_idx %arg16[%add3A_148, %and3A_344] : memref<128x128xf32, #tpu.memory_space<vmem>>[vector<16xi32>, vector<16xi32>], vector<16xf32>,
        %mul3A_348 = arith.mulf %gather3A_345, %gather3A_346 : vector<16xf32>
        %mul3A_349 = arith.mulf %mul3A_348, %gather3A_347 : vector<16xf32>
        %add3A_350 = arith.addf %add3A_294, %mul3A_349 : vector<16xf32>
        %add3A_351 = arith.constant 13 : i32
        %add3A_352 = vector.broadcast %add3A_351 : i32 to vector<16xi32>
        %add3A_353 = arith.addi %iota3A, %add3A_352 : vector<16xi32>
        %add3A_354 = vector.broadcast %mul3A_170 : i32 to vector<16xi32>
        %add3A_355 = arith.addi %add3A_353, %add3A_354 : vector<16xi32>
        %and3A_356 = arith.constant 127 : i32
        %and3A_357 = vector.broadcast %and3A_356 : i32 to vector<16xi32>
        %and3A_358 = arith.andi %add3A_355, %and3A_357 : vector<16xi32>
        %gather3A_359 = tpu.vector_load_idx %arg14[%add3A_148, %and3A_358] : memref<128x128xf32, #tpu.memory_space<vmem>>[vector<16xi32>, vector<16xi32>], vector<16xf32>,
        %gather3A_360 = tpu.vector_load_idx %arg15[%add3A_148, %and3A_358] : memref<128x128xf32, #tpu.memory_space<vmem>>[vector<16xi32>, vector<16xi32>], vector<16xf32>,
        %gather3A_361 = tpu.vector_load_idx %arg16[%add3A_148, %and3A_358] : memref<128x128xf32, #tpu.memory_space<vmem>>[vector<16xi32>, vector<16xi32>], vector<16xf32>,
        %mul3A_362 = arith.mulf %gather3A_359, %gather3A_360 : vector<16xf32>
        %mul3A_363 = arith.mulf %mul3A_362, %gather3A_361 : vector<16xf32>
        %add3A_364 = arith.addf %add3A_308, %mul3A_363 : vector<16xf32>
        %add3A_365 = arith.constant 14 : i32
        %add3A_366 = vector.broadcast %add3A_365 : i32 to vector<16xi32>
        %add3A_367 = arith.addi %iota3A, %add3A_366 : vector<16xi32>
        %add3A_368 = vector.broadcast %mul3A_170 : i32 to vector<16xi32>
        %add3A_369 = arith.addi %add3A_367, %add3A_368 : vector<16xi32>
        %and3A_370 = arith.constant 127 : i32
        %and3A_371 = vector.broadcast %and3A_370 : i32 to vector<16xi32>
        %and3A_372 = arith.andi %add3A_369, %and3A_371 : vector<16xi32>
        %gather3A_373 = tpu.vector_load_idx %arg14[%add3A_148, %and3A_372] : memref<128x128xf32, #tpu.memory_space<vmem>>[vector<16xi32>, vector<16xi32>], vector<16xf32>,
        %gather3A_374 = tpu.vector_load_idx %arg15[%add3A_148, %and3A_372] : memref<128x128xf32, #tpu.memory_space<vmem>>[vector<16xi32>, vector<16xi32>], vector<16xf32>,
        %gather3A_375 = tpu.vector_load_idx %arg16[%add3A_148, %and3A_372] : memref<128x128xf32, #tpu.memory_space<vmem>>[vector<16xi32>, vector<16xi32>], vector<16xf32>,
        %mul3A_376 = arith.mulf %gather3A_373, %gather3A_374 : vector<16xf32>
        %mul3A_377 = arith.mulf %mul3A_376, %gather3A_375 : vector<16xf32>
        %add3A_378 = arith.addf %add3A_322, %mul3A_377 : vector<16xf32>
        %add3A_379 = arith.constant 15 : i32
        %add3A_380 = vector.broadcast %add3A_379 : i32 to vector<16xi32>
        %add3A_381 = arith.addi %iota3A, %add3A_380 : vector<16xi32>
        %add3A_382 = vector.broadcast %mul3A_170 : i32 to vector<16xi32>
        %add3A_383 = arith.addi %add3A_381, %add3A_382 : vector<16xi32>
        %and3A_384 = arith.constant 127 : i32
        %and3A_385 = vector.broadcast %and3A_384 : i32 to vector<16xi32>
        %and3A_386 = arith.andi %add3A_383, %and3A_385 : vector<16xi32>
        %gather3A_387 = tpu.vector_load_idx %arg14[%add3A_148, %and3A_386] : memref<128x128xf32, #tpu.memory_space<vmem>>[vector<16xi32>, vector<16xi32>], vector<16xf32>,
        %gather3A_388 = tpu.vector_load_idx %arg15[%add3A_148, %and3A_386] : memref<128x128xf32, #tpu.memory_space<vmem>>[vector<16xi32>, vector<16xi32>], vector<16xf32>,
        %gather3A_389 = tpu.vector_load_idx %arg16[%add3A_148, %and3A_386] : memref<128x128xf32, #tpu.memory_space<vmem>>[vector<16xi32>, vector<16xi32>], vector<16xf32>,
        %mul3A_390 = arith.mulf %gather3A_387, %gather3A_388 : vector<16xf32>
        %mul3A_391 = arith.mulf %mul3A_390, %gather3A_389 : vector<16xf32>
        %add3A_392 = arith.addf %add3A_336, %mul3A_391 : vector<16xf32>
        %add3A_393 = arith.constant 16 : i32
        %add3A_394 = vector.broadcast %add3A_393 : i32 to vector<16xi32>
        %add3A_395 = arith.addi %iota3A, %add3A_394 : vector<16xi32>
        %add3A_396 = vector.broadcast %mul3A_170 : i32 to vector<16xi32>
        %add3A_397 = arith.addi %add3A_395, %add3A_396 : vector<16xi32>
        %and3A_398 = arith.constant 127 : i32
        %and3A_399 = vector.broadcast %and3A_398 : i32 to vector<16xi32>
        %and3A_400 = arith.andi %add3A_397, %and3A_399 : vector<16xi32>
        %gather3A_401 = tpu.vector_load_idx %arg14[%add3A_148, %and3A_400] : memref<128x128xf32, #tpu.memory_space<vmem>>[vector<16xi32>, vector<16xi32>], vector<16xf32>,
        %gather3A_402 = tpu.vector_load_idx %arg15[%add3A_148, %and3A_400] : memref<128x128xf32, #tpu.memory_space<vmem>>[vector<16xi32>, vector<16xi32>], vector<16xf32>,
        %gather3A_403 = tpu.vector_load_idx %arg16[%add3A_148, %and3A_400] : memref<128x128xf32, #tpu.memory_space<vmem>>[vector<16xi32>, vector<16xi32>], vector<16xf32>,
        %mul3A_404 = arith.mulf %gather3A_401, %gather3A_402 : vector<16xf32>
        %mul3A_405 = arith.mulf %mul3A_404, %gather3A_403 : vector<16xf32>
        %add3A_406 = arith.addf %add3A_350, %mul3A_405 : vector<16xf32>
        %add3A_407 = arith.constant 17 : i32
        %add3A_408 = vector.broadcast %add3A_407 : i32 to vector<16xi32>
        %add3A_409 = arith.addi %iota3A, %add3A_408 : vector<16xi32>
        %add3A_410 = vector.broadcast %mul3A_170 : i32 to vector<16xi32>
        %add3A_411 = arith.addi %add3A_409, %add3A_410 : vector<16xi32>
        %and3A_412 = arith.constant 127 : i32
        %and3A_413 = vector.broadcast %and3A_412 : i32 to vector<16xi32>
        %and3A_414 = arith.andi %add3A_411, %and3A_413 : vector<16xi32>
        %gather3A_415 = tpu.vector_load_idx %arg14[%add3A_148, %and3A_414] : memref<128x128xf32, #tpu.memory_space<vmem>>[vector<16xi32>, vector<16xi32>], vector<16xf32>,
        %gather3A_416 = tpu.vector_load_idx %arg15[%add3A_148, %and3A_414] : memref<128x128xf32, #tpu.memory_space<vmem>>[vector<16xi32>, vector<16xi32>], vector<16xf32>,
        %gather3A_417 = tpu.vector_load_idx %arg16[%add3A_148, %and3A_414] : memref<128x128xf32, #tpu.memory_space<vmem>>[vector<16xi32>, vector<16xi32>], vector<16xf32>,
        %mul3A_418 = arith.mulf %gather3A_415, %gather3A_416 : vector<16xf32>
        %mul3A_419 = arith.mulf %mul3A_418, %gather3A_417 : vector<16xf32>
        %add3A_420 = arith.addf %add3A_364, %mul3A_419 : vector<16xf32>
        %add3A_421 = arith.constant 18 : i32
        %add3A_422 = vector.broadcast %add3A_421 : i32 to vector<16xi32>
        %add3A_423 = arith.addi %iota3A, %add3A_422 : vector<16xi32>
        %add3A_424 = vector.broadcast %mul3A_170 : i32 to vector<16xi32>
        %add3A_425 = arith.addi %add3A_423, %add3A_424 : vector<16xi32>
        %and3A_426 = arith.constant 127 : i32
        %and3A_427 = vector.broadcast %and3A_426 : i32 to vector<16xi32>
        %and3A_428 = arith.andi %add3A_425, %and3A_427 : vector<16xi32>
        %gather3A_429 = tpu.vector_load_idx %arg14[%add3A_148, %and3A_428] : memref<128x128xf32, #tpu.memory_space<vmem>>[vector<16xi32>, vector<16xi32>], vector<16xf32>,
        %gather3A_430 = tpu.vector_load_idx %arg15[%add3A_148, %and3A_428] : memref<128x128xf32, #tpu.memory_space<vmem>>[vector<16xi32>, vector<16xi32>], vector<16xf32>,
        %gather3A_431 = tpu.vector_load_idx %arg16[%add3A_148, %and3A_428] : memref<128x128xf32, #tpu.memory_space<vmem>>[vector<16xi32>, vector<16xi32>], vector<16xf32>,
        %mul3A_432 = arith.mulf %gather3A_429, %gather3A_430 : vector<16xf32>
        %mul3A_433 = arith.mulf %mul3A_432, %gather3A_431 : vector<16xf32>
        %add3A_434 = arith.addf %add3A_378, %mul3A_433 : vector<16xf32>
        %add3A_435 = arith.constant 19 : i32
        %add3A_436 = vector.broadcast %add3A_435 : i32 to vector<16xi32>
        %add3A_437 = arith.addi %iota3A, %add3A_436 : vector<16xi32>
        %add3A_438 = vector.broadcast %mul3A_170 : i32 to vector<16xi32>
        %add3A_439 = arith.addi %add3A_437, %add3A_438 : vector<16xi32>
        %and3A_440 = arith.constant 127 : i32
        %and3A_441 = vector.broadcast %and3A_440 : i32 to vector<16xi32>
        %and3A_442 = arith.andi %add3A_439, %and3A_441 : vector<16xi32>
        %gather3A_443 = tpu.vector_load_idx %arg14[%add3A_148, %and3A_442] : memref<128x128xf32, #tpu.memory_space<vmem>>[vector<16xi32>, vector<16xi32>], vector<16xf32>,
        %gather3A_444 = tpu.vector_load_idx %arg15[%add3A_148, %and3A_442] : memref<128x128xf32, #tpu.memory_space<vmem>>[vector<16xi32>, vector<16xi32>], vector<16xf32>,
        %gather3A_445 = tpu.vector_load_idx %arg16[%add3A_148, %and3A_442] : memref<128x128xf32, #tpu.memory_space<vmem>>[vector<16xi32>, vector<16xi32>], vector<16xf32>,
        %mul3A_446 = arith.mulf %gather3A_443, %gather3A_444 : vector<16xf32>
        %mul3A_447 = arith.mulf %mul3A_446, %gather3A_445 : vector<16xf32>
        %add3A_448 = arith.addf %add3A_392, %mul3A_447 : vector<16xf32>
        %add3A_449 = arith.constant 20 : i32
        %add3A_450 = vector.broadcast %add3A_449 : i32 to vector<16xi32>
        %add3A_451 = arith.addi %iota3A, %add3A_450 : vector<16xi32>
        %add3A_452 = vector.broadcast %mul3A_170 : i32 to vector<16xi32>
        %add3A_453 = arith.addi %add3A_451, %add3A_452 : vector<16xi32>
        %and3A_454 = arith.constant 127 : i32
        %and3A_455 = vector.broadcast %and3A_454 : i32 to vector<16xi32>
        %and3A_456 = arith.andi %add3A_453, %and3A_455 : vector<16xi32>
        %gather3A_457 = tpu.vector_load_idx %arg14[%add3A_148, %and3A_456] : memref<128x128xf32, #tpu.memory_space<vmem>>[vector<16xi32>, vector<16xi32>], vector<16xf32>,
        %gather3A_458 = tpu.vector_load_idx %arg15[%add3A_148, %and3A_456] : memref<128x128xf32, #tpu.memory_space<vmem>>[vector<16xi32>, vector<16xi32>], vector<16xf32>,
        %gather3A_459 = tpu.vector_load_idx %arg16[%add3A_148, %and3A_456] : memref<128x128xf32, #tpu.memory_space<vmem>>[vector<16xi32>, vector<16xi32>], vector<16xf32>,
        %mul3A_460 = arith.mulf %gather3A_457, %gather3A_458 : vector<16xf32>
        %mul3A_461 = arith.mulf %mul3A_460, %gather3A_459 : vector<16xf32>
        %add3A_462 = arith.addf %add3A_406, %mul3A_461 : vector<16xf32>
        %add3A_463 = arith.constant 21 : i32
        %add3A_464 = vector.broadcast %add3A_463 : i32 to vector<16xi32>
        %add3A_465 = arith.addi %iota3A, %add3A_464 : vector<16xi32>
        %add3A_466 = vector.broadcast %mul3A_170 : i32 to vector<16xi32>
        %add3A_467 = arith.addi %add3A_465, %add3A_466 : vector<16xi32>
        %and3A_468 = arith.constant 127 : i32
        %and3A_469 = vector.broadcast %and3A_468 : i32 to vector<16xi32>
        %and3A_470 = arith.andi %add3A_467, %and3A_469 : vector<16xi32>
        %gather3A_471 = tpu.vector_load_idx %arg14[%add3A_148, %and3A_470] : memref<128x128xf32, #tpu.memory_space<vmem>>[vector<16xi32>, vector<16xi32>], vector<16xf32>,
        %gather3A_472 = tpu.vector_load_idx %arg15[%add3A_148, %and3A_470] : memref<128x128xf32, #tpu.memory_space<vmem>>[vector<16xi32>, vector<16xi32>], vector<16xf32>,
        %gather3A_473 = tpu.vector_load_idx %arg16[%add3A_148, %and3A_470] : memref<128x128xf32, #tpu.memory_space<vmem>>[vector<16xi32>, vector<16xi32>], vector<16xf32>,
        %mul3A_474 = arith.mulf %gather3A_471, %gather3A_472 : vector<16xf32>
        %mul3A_475 = arith.mulf %mul3A_474, %gather3A_473 : vector<16xf32>
        %add3A_476 = arith.addf %add3A_420, %mul3A_475 : vector<16xf32>
        %add3A_477 = arith.constant 22 : i32
        %add3A_478 = vector.broadcast %add3A_477 : i32 to vector<16xi32>
        %add3A_479 = arith.addi %iota3A, %add3A_478 : vector<16xi32>
        %add3A_480 = vector.broadcast %mul3A_170 : i32 to vector<16xi32>
        %add3A_481 = arith.addi %add3A_479, %add3A_480 : vector<16xi32>
        %and3A_482 = arith.constant 127 : i32
        %and3A_483 = vector.broadcast %and3A_482 : i32 to vector<16xi32>
        %and3A_484 = arith.andi %add3A_481, %and3A_483 : vector<16xi32>
        %gather3A_485 = tpu.vector_load_idx %arg14[%add3A_148, %and3A_484] : memref<128x128xf32, #tpu.memory_space<vmem>>[vector<16xi32>, vector<16xi32>], vector<16xf32>,
        %gather3A_486 = tpu.vector_load_idx %arg15[%add3A_148, %and3A_484] : memref<128x128xf32, #tpu.memory_space<vmem>>[vector<16xi32>, vector<16xi32>], vector<16xf32>,
        %gather3A_487 = tpu.vector_load_idx %arg16[%add3A_148, %and3A_484] : memref<128x128xf32, #tpu.memory_space<vmem>>[vector<16xi32>, vector<16xi32>], vector<16xf32>,
        %mul3A_488 = arith.mulf %gather3A_485, %gather3A_486 : vector<16xf32>
        %mul3A_489 = arith.mulf %mul3A_488, %gather3A_487 : vector<16xf32>
        %add3A_490 = arith.addf %add3A_434, %mul3A_489 : vector<16xf32>
        %add3A_491 = arith.constant 23 : i32
        %add3A_492 = vector.broadcast %add3A_491 : i32 to vector<16xi32>
        %add3A_493 = arith.addi %iota3A, %add3A_492 : vector<16xi32>
        %add3A_494 = vector.broadcast %mul3A_170 : i32 to vector<16xi32>
        %add3A_495 = arith.addi %add3A_493, %add3A_494 : vector<16xi32>
        %and3A_496 = arith.constant 127 : i32
        %and3A_497 = vector.broadcast %and3A_496 : i32 to vector<16xi32>
        %and3A_498 = arith.andi %add3A_495, %and3A_497 : vector<16xi32>
        %gather3A_499 = tpu.vector_load_idx %arg14[%add3A_148, %and3A_498] : memref<128x128xf32, #tpu.memory_space<vmem>>[vector<16xi32>, vector<16xi32>], vector<16xf32>,
        %gather3A_500 = tpu.vector_load_idx %arg15[%add3A_148, %and3A_498] : memref<128x128xf32, #tpu.memory_space<vmem>>[vector<16xi32>, vector<16xi32>], vector<16xf32>,
        %gather3A_501 = tpu.vector_load_idx %arg16[%add3A_148, %and3A_498] : memref<128x128xf32, #tpu.memory_space<vmem>>[vector<16xi32>, vector<16xi32>], vector<16xf32>,
        %mul3A_502 = arith.mulf %gather3A_499, %gather3A_500 : vector<16xf32>
        %mul3A_503 = arith.mulf %mul3A_502, %gather3A_501 : vector<16xf32>
        %add3A_504 = arith.addf %add3A_448, %mul3A_503 : vector<16xf32>
        %add3A_505 = arith.constant 24 : i32
        %add3A_506 = vector.broadcast %add3A_505 : i32 to vector<16xi32>
        %add3A_507 = arith.addi %iota3A, %add3A_506 : vector<16xi32>
        %add3A_508 = vector.broadcast %mul3A_170 : i32 to vector<16xi32>
        %add3A_509 = arith.addi %add3A_507, %add3A_508 : vector<16xi32>
        %and3A_510 = arith.constant 127 : i32
        %and3A_511 = vector.broadcast %and3A_510 : i32 to vector<16xi32>
        %and3A_512 = arith.andi %add3A_509, %and3A_511 : vector<16xi32>
        %gather3A_513 = tpu.vector_load_idx %arg14[%add3A_148, %and3A_512] : memref<128x128xf32, #tpu.memory_space<vmem>>[vector<16xi32>, vector<16xi32>], vector<16xf32>,
        %gather3A_514 = tpu.vector_load_idx %arg15[%add3A_148, %and3A_512] : memref<128x128xf32, #tpu.memory_space<vmem>>[vector<16xi32>, vector<16xi32>], vector<16xf32>,
        %gather3A_515 = tpu.vector_load_idx %arg16[%add3A_148, %and3A_512] : memref<128x128xf32, #tpu.memory_space<vmem>>[vector<16xi32>, vector<16xi32>], vector<16xf32>,
        %mul3A_516 = arith.mulf %gather3A_513, %gather3A_514 : vector<16xf32>
        %mul3A_517 = arith.mulf %mul3A_516, %gather3A_515 : vector<16xf32>
        %add3A_518 = arith.addf %add3A_462, %mul3A_517 : vector<16xf32>
        %add3A_519 = arith.constant 25 : i32
        %add3A_520 = vector.broadcast %add3A_519 : i32 to vector<16xi32>
        %add3A_521 = arith.addi %iota3A, %add3A_520 : vector<16xi32>
        %add3A_522 = vector.broadcast %mul3A_170 : i32 to vector<16xi32>
        %add3A_523 = arith.addi %add3A_521, %add3A_522 : vector<16xi32>
        %and3A_524 = arith.constant 127 : i32
        %and3A_525 = vector.broadcast %and3A_524 : i32 to vector<16xi32>
        %and3A_526 = arith.andi %add3A_523, %and3A_525 : vector<16xi32>
        %gather3A_527 = tpu.vector_load_idx %arg14[%add3A_148, %and3A_526] : memref<128x128xf32, #tpu.memory_space<vmem>>[vector<16xi32>, vector<16xi32>], vector<16xf32>,
        %gather3A_528 = tpu.vector_load_idx %arg15[%add3A_148, %and3A_526] : memref<128x128xf32, #tpu.memory_space<vmem>>[vector<16xi32>, vector<16xi32>], vector<16xf32>,
        %gather3A_529 = tpu.vector_load_idx %arg16[%add3A_148, %and3A_526] : memref<128x128xf32, #tpu.memory_space<vmem>>[vector<16xi32>, vector<16xi32>], vector<16xf32>,
        %mul3A_530 = arith.mulf %gather3A_527, %gather3A_528 : vector<16xf32>
        %mul3A_531 = arith.mulf %mul3A_530, %gather3A_529 : vector<16xf32>
        %add3A_532 = arith.addf %add3A_476, %mul3A_531 : vector<16xf32>
        %add3A_533 = arith.constant 26 : i32
        %add3A_534 = vector.broadcast %add3A_533 : i32 to vector<16xi32>
        %add3A_535 = arith.addi %iota3A, %add3A_534 : vector<16xi32>
        %add3A_536 = vector.broadcast %mul3A_170 : i32 to vector<16xi32>
        %add3A_537 = arith.addi %add3A_535, %add3A_536 : vector<16xi32>
        %and3A_538 = arith.constant 127 : i32
        %and3A_539 = vector.broadcast %and3A_538 : i32 to vector<16xi32>
        %and3A_540 = arith.andi %add3A_537, %and3A_539 : vector<16xi32>
        %gather3A_541 = tpu.vector_load_idx %arg14[%add3A_148, %and3A_540] : memref<128x128xf32, #tpu.memory_space<vmem>>[vector<16xi32>, vector<16xi32>], vector<16xf32>,
        %gather3A_542 = tpu.vector_load_idx %arg15[%add3A_148, %and3A_540] : memref<128x128xf32, #tpu.memory_space<vmem>>[vector<16xi32>, vector<16xi32>], vector<16xf32>,
        %gather3A_543 = tpu.vector_load_idx %arg16[%add3A_148, %and3A_540] : memref<128x128xf32, #tpu.memory_space<vmem>>[vector<16xi32>, vector<16xi32>], vector<16xf32>,
        %mul3A_544 = arith.mulf %gather3A_541, %gather3A_542 : vector<16xf32>
        %mul3A_545 = arith.mulf %mul3A_544, %gather3A_543 : vector<16xf32>
        %add3A_546 = arith.addf %add3A_490, %mul3A_545 : vector<16xf32>
        %add3A_547 = arith.constant 27 : i32
        %add3A_548 = vector.broadcast %add3A_547 : i32 to vector<16xi32>
        %add3A_549 = arith.addi %iota3A, %add3A_548 : vector<16xi32>
        %add3A_550 = vector.broadcast %mul3A_170 : i32 to vector<16xi32>
        %add3A_551 = arith.addi %add3A_549, %add3A_550 : vector<16xi32>
        %and3A_552 = arith.constant 127 : i32
        %and3A_553 = vector.broadcast %and3A_552 : i32 to vector<16xi32>
        %and3A_554 = arith.andi %add3A_551, %and3A_553 : vector<16xi32>
        %gather3A_555 = tpu.vector_load_idx %arg14[%add3A_148, %and3A_554] : memref<128x128xf32, #tpu.memory_space<vmem>>[vector<16xi32>, vector<16xi32>], vector<16xf32>,
        %gather3A_556 = tpu.vector_load_idx %arg15[%add3A_148, %and3A_554] : memref<128x128xf32, #tpu.memory_space<vmem>>[vector<16xi32>, vector<16xi32>], vector<16xf32>,
        %gather3A_557 = tpu.vector_load_idx %arg16[%add3A_148, %and3A_554] : memref<128x128xf32, #tpu.memory_space<vmem>>[vector<16xi32>, vector<16xi32>], vector<16xf32>,
        %mul3A_558 = arith.mulf %gather3A_555, %gather3A_556 : vector<16xf32>
        %mul3A_559 = arith.mulf %mul3A_558, %gather3A_557 : vector<16xf32>
        %add3A_560 = arith.addf %add3A_504, %mul3A_559 : vector<16xf32>
        %add3A_561 = arith.constant 28 : i32
        %add3A_562 = vector.broadcast %add3A_561 : i32 to vector<16xi32>
        %add3A_563 = arith.addi %iota3A, %add3A_562 : vector<16xi32>
        %add3A_564 = vector.broadcast %mul3A_170 : i32 to vector<16xi32>
        %add3A_565 = arith.addi %add3A_563, %add3A_564 : vector<16xi32>
        %and3A_566 = arith.constant 127 : i32
        %and3A_567 = vector.broadcast %and3A_566 : i32 to vector<16xi32>
        %and3A_568 = arith.andi %add3A_565, %and3A_567 : vector<16xi32>
        %gather3A_569 = tpu.vector_load_idx %arg14[%add3A_148, %and3A_568] : memref<128x128xf32, #tpu.memory_space<vmem>>[vector<16xi32>, vector<16xi32>], vector<16xf32>,
        %gather3A_570 = tpu.vector_load_idx %arg15[%add3A_148, %and3A_568] : memref<128x128xf32, #tpu.memory_space<vmem>>[vector<16xi32>, vector<16xi32>], vector<16xf32>,
        %gather3A_571 = tpu.vector_load_idx %arg16[%add3A_148, %and3A_568] : memref<128x128xf32, #tpu.memory_space<vmem>>[vector<16xi32>, vector<16xi32>], vector<16xf32>,
        %mul3A_572 = arith.mulf %gather3A_569, %gather3A_570 : vector<16xf32>
        %mul3A_573 = arith.mulf %mul3A_572, %gather3A_571 : vector<16xf32>
        %add3A_574 = arith.addf %add3A_518, %mul3A_573 : vector<16xf32>
        %add3A_575 = arith.constant 29 : i32
        %add3A_576 = vector.broadcast %add3A_575 : i32 to vector<16xi32>
        %add3A_577 = arith.addi %iota3A, %add3A_576 : vector<16xi32>
        %add3A_578 = vector.broadcast %mul3A_170 : i32 to vector<16xi32>
        %add3A_579 = arith.addi %add3A_577, %add3A_578 : vector<16xi32>
        %and3A_580 = arith.constant 127 : i32
        %and3A_581 = vector.broadcast %and3A_580 : i32 to vector<16xi32>
        %and3A_582 = arith.andi %add3A_579, %and3A_581 : vector<16xi32>
        %gather3A_583 = tpu.vector_load_idx %arg14[%add3A_148, %and3A_582] : memref<128x128xf32, #tpu.memory_space<vmem>>[vector<16xi32>, vector<16xi32>], vector<16xf32>,
        %gather3A_584 = tpu.vector_load_idx %arg15[%add3A_148, %and3A_582] : memref<128x128xf32, #tpu.memory_space<vmem>>[vector<16xi32>, vector<16xi32>], vector<16xf32>,
        %gather3A_585 = tpu.vector_load_idx %arg16[%add3A_148, %and3A_582] : memref<128x128xf32, #tpu.memory_space<vmem>>[vector<16xi32>, vector<16xi32>], vector<16xf32>,
        %mul3A_586 = arith.mulf %gather3A_583, %gather3A_584 : vector<16xf32>
        %mul3A_587 = arith.mulf %mul3A_586, %gather3A_585 : vector<16xf32>
        %add3A_588 = arith.addf %add3A_532, %mul3A_587 : vector<16xf32>
        %add3A_589 = arith.constant 30 : i32
        %add3A_590 = vector.broadcast %add3A_589 : i32 to vector<16xi32>
        %add3A_591 = arith.addi %iota3A, %add3A_590 : vector<16xi32>
        %add3A_592 = vector.broadcast %mul3A_170 : i32 to vector<16xi32>
        %add3A_593 = arith.addi %add3A_591, %add3A_592 : vector<16xi32>
        %and3A_594 = arith.constant 127 : i32
        %and3A_595 = vector.broadcast %and3A_594 : i32 to vector<16xi32>
        %and3A_596 = arith.andi %add3A_593, %and3A_595 : vector<16xi32>
        %gather3A_597 = tpu.vector_load_idx %arg14[%add3A_148, %and3A_596] : memref<128x128xf32, #tpu.memory_space<vmem>>[vector<16xi32>, vector<16xi32>], vector<16xf32>,
        %gather3A_598 = tpu.vector_load_idx %arg15[%add3A_148, %and3A_596] : memref<128x128xf32, #tpu.memory_space<vmem>>[vector<16xi32>, vector<16xi32>], vector<16xf32>,
        %gather3A_599 = tpu.vector_load_idx %arg16[%add3A_148, %and3A_596] : memref<128x128xf32, #tpu.memory_space<vmem>>[vector<16xi32>, vector<16xi32>], vector<16xf32>,
        %mul3A_600 = arith.mulf %gather3A_597, %gather3A_598 : vector<16xf32>
        %mul3A_601 = arith.mulf %mul3A_600, %gather3A_599 : vector<16xf32>
        %add3A_602 = arith.addf %add3A_546, %mul3A_601 : vector<16xf32>
        %add3A_603 = arith.constant 31 : i32
        %add3A_604 = vector.broadcast %add3A_603 : i32 to vector<16xi32>
        %add3A_605 = arith.addi %iota3A, %add3A_604 : vector<16xi32>
        %add3A_606 = vector.broadcast %mul3A_170 : i32 to vector<16xi32>
        %add3A_607 = arith.addi %add3A_605, %add3A_606 : vector<16xi32>
        %and3A_608 = arith.constant 127 : i32
        %and3A_609 = vector.broadcast %and3A_608 : i32 to vector<16xi32>
        %and3A_610 = arith.andi %add3A_607, %and3A_609 : vector<16xi32>
        %gather3A_611 = tpu.vector_load_idx %arg14[%add3A_148, %and3A_610] : memref<128x128xf32, #tpu.memory_space<vmem>>[vector<16xi32>, vector<16xi32>], vector<16xf32>,
        %gather3A_612 = tpu.vector_load_idx %arg15[%add3A_148, %and3A_610] : memref<128x128xf32, #tpu.memory_space<vmem>>[vector<16xi32>, vector<16xi32>], vector<16xf32>,
        %gather3A_613 = tpu.vector_load_idx %arg16[%add3A_148, %and3A_610] : memref<128x128xf32, #tpu.memory_space<vmem>>[vector<16xi32>, vector<16xi32>], vector<16xf32>,
        %mul3A_614 = arith.mulf %gather3A_611, %gather3A_612 : vector<16xf32>
        %mul3A_615 = arith.mulf %mul3A_614, %gather3A_613 : vector<16xf32>
        %add3A_616 = arith.addf %add3A_560, %mul3A_615 : vector<16xf32>
        scf.yield %add3A_574, %add3A_588, %add3A_602, %add3A_616 : vector<16xf32>, vector<16xf32>, vector<16xf32>, vector<16xf32>
      }
      %scan3A_155 = arith.constant 4 : i32
      %add3A_156 = arith.addf %scan3A_154#0, %scan3A_154#1 : vector<16xf32>
      %add3A_157 = arith.addf %scan3A_154#2, %scan3A_154#3 : vector<16xf32>
      %add3A_158 = arith.addf %add3A_156, %add3A_157 : vector<16xf32>
      %mul3A_159 = arith.constant 16 : i32
      %mul3A_160 = arith.muli %scan3A_144, %mul3A_159 : i32
      %add3A_161 = arith.constant 384 : i32
      %add3A_162 = arith.addi %add3A_161, %mul3A_160 : i32
      %swap3A = arith.index_cast %add3A_162 : i32 to index
      %swap3A_163 = tpu.vector_load %arg17[%swap3A] {strides = array<i32>} : memref<512xf32, #tpu.memory_space<vmem>>, vector<16xf32>,
      tpu.vector_store %arg17[%swap3A], %add3A_158 {strides = array<i32>} : memref<512xf32, #tpu.memory_space<vmem>>, vector<16xf32>,
    }
    %scan3A_143 = arith.constant 8 : i32
    "tpu.region"() ({
      %run_scoped3A = tpu.sem_alloc : memref<!tpu.dma_semaphore, #tpu.memory_space<semaphore_mem>>
      %dma_start3A_144 = tpu.memref_slice %arg7[%mul3A_2] : memref<16384xf32, #tpu.memory_space<hbm>> -> memref<512xf32, #tpu.memory_space<hbm>>
      %dma_start3A_145 = tpu.memref_slice %arg7[%mul3A_2] : memref<16384xf32, #tpu.memory_space<hbm>> -> memref<512xf32, #tpu.memory_space<hbm>>
      tpu.enqueue_dma source(%arg17 : memref<512xf32, #tpu.memory_space<vmem>>) target(%dma_start3A_145 : memref<512xf32, #tpu.memory_space<hbm>>) target_semaphore(%run_scoped3A : memref<!tpu.dma_semaphore, #tpu.memory_space<semaphore_mem>>)
      %dma_wait3A_146 = tpu.memref_slice %arg7[%mul3A_2] : memref<16384xf32, #tpu.memory_space<hbm>> -> memref<512xf32, #tpu.memory_space<hbm>>
      %dma_wait3A_147 = tpu.memref_slice %arg7[%mul3A_2] : memref<16384xf32, #tpu.memory_space<hbm>> -> memref<512xf32, #tpu.memory_space<hbm>>
      tpu.wait_dma2 semaphore(%run_scoped3A : memref<!tpu.dma_semaphore, #tpu.memory_space<semaphore_mem>>) src(%arg17 : memref<512xf32, #tpu.memory_space<vmem>>) dst(%dma_wait3A_147 : memref<512xf32, #tpu.memory_space<hbm>>)
      tpu.yield
    }) : () -> ()
    return
  }
}

</mosaic_0001>

<sc_bundles>
// kernel: kernel.3.cloned.1.call-start
scs
__scs_entry_jumppad:
0x0: {  	(pc) =	sbr.rel $0x88, $3  }
0x1: {  	(tag) =	ssettag $0x0;
	lr =	simm.s32 $0x1  }
0x2: {  	[smem:$0x3F9E] =	sst lr;
	_ =	strace $0xD0000000  }
0x3: {  	_ = 	snop  }
0x4: {  	_ = 	snop  }
0x5: {  	_ = 	snop  }
0x6: {  	_ = 	snop  }
0x7: {  	_ = 	snop  }
__scs_overlays_trampoline_lowered:
0x8: {  	[smem:$0x3FAD] =	sst s0  }
0x9: {  	[smem:$0x3FAE] =	sst s1  }
0xa: {  	[smem:$0x3FAF] =	sst s2  }
0xb: {  	[smem:$0x3FB0] =	sst s3  }
0xc: {  	[smem:$0x3FB1] =	sst s4  }
0xd: {  	[smem:$0x3FB2] =	sst s5  }
0xe: {  	[smem:$0x3FB3] =	sst s6  }
0xf: {  	[smem:$0x3FB4] =	sst s7  }
0x10: {  	[smem:$0x3FB5] =	sst s8  }
0x11: {  	[smem:$0x3FB6] =	sst s9;
	s0 =	simm.s32 @!p0 $0x0  }
0x12: {  	s1 =	sld [smem:$0x3F9C];
	s0 =	simm.s32 @p0 $0x1  }
0x13: {  	[smem:$0x3FB7] =	sst s0;
	s0 =	simm.s32 @!p1 $0x0  }
0x14: {  	s2 =	sld [smem:$0x3F9B];
	s0 =	simm.s32 @p1 $0x1  }
0x15: {  	[smem:$0x3FB8] =	sst s0;
	s0 =	simm.s32 @!p2 $0x0  }
0x16: {  	s3 =	sld [smem:$0x3FDB];
	s0 =	simm.s32 @p2 $0x1  }
0x17: {  	s4 =	simm.s32 $0x1BF5;
	[smem:$0x3FBA] =	sst s0  }
0x18: {  	s0 =	sld [smem:$0x3F9D];
	_ =	swait.ge [sflag:s4], $0x0  }
0x19: {  	s7 =	sld [smem:$0x3F9E]  }
0x1a: {  	s8 =	sadd.s32 $0xFFFFE003, lr  }
0x1b: {  	s9 =	sadd.s32 $0xFFFFFEF7, lr;
	s5 =	simm.s32 $0xFFFFFFFF;
	p2 =	slt.u32 s8, $0xFFFFF086  }
0x1c: {  	p1 =	slt.u32 s9, $0xF7A;
	s5 =	simm.s32 @!p2 $0x0  }
0x1d: {  	s5 =	simm.s32 @p1 $0x1;
	p0 =	seq.s32 s7, s2  }
0x1e: {  	s7 =	smul.u32 @!p0 $0xF7A, s2;
	p2 =	seq.s32 @!p0 s5, $0x0  }
0x1f: {  	s9 =	smul.u32 $0xF7A, s1;
	s8 =	simm.s32 @!p0 $0x1BF5;
	p2 =	por !p2, p0  }
0x20: {  	[sflag:s8] =	ssyncset.s32 @!p0 $0xFFFFF086;
	s6 =	sadd.s32 @!p0 s3, s7;
	s7 =	simm.s32 @!p0 $0x108  }
0x21: {  	s3 =	sadd.s32 s3, s9;
	s6 =	sadd.s32 @!p0 $0x88, s6;
	s7 =	simm.s32 @p2 $0x1082  }
0x22: {  	[simem:s7], [sflag:s8] =	dma.local @!p0 [hbm:s6], $0xF7A  }
0x23: {  	s9 =	sor.u32 $0xD0000000, s2;
	s6 =	simm.s32 $0x108;
	_ =	swait.ge @!p0 [sflag:s8], $0x0  }
0x24: {  	s3 =	sadd.s32 $0x88, s3;
	s6 =	simm.s32 @!p1 $0x1082;
	[sflag:s4] =	ssyncset.s32 $0xFFFFF086  }
0x25: {  	[simem:s6], [sflag:s4] =	dma.local [hbm:s3], $0xF7A  }
0x26: {  	[smem:$0x3F9E] =	sst s1;
	(tag) =	ssettag s2;
	_ =	strace s9  }
0x27: {  	s1 =	sld [smem:$0x3FAE]  }
0x28: {  	s2 =	sld [smem:$0x3FAF]  }
0x29: {  	s4 =	sld [smem:$0x3FB1]  }
0x2a: {  	p0 =	seq.s32 s5, $0x0;
	s5 =	sld [smem:$0x3FB2]  }
0x2b: {  	s6 =	sld [smem:$0x3FB3]  }
0x2c: {  	s7 =	sld [smem:$0x3FB4]  }
0x2d: {  	s3 =	simm.s32 $0x108;
	s8 =	sld [smem:$0x3FB5]  }
0x2e: {  	s3 =	simm.s32 @!p0 $0x1082;
	s9 =	sld [smem:$0x3FB6]  }
0x2f: {  	lr =	sadd.s32 s0, s3;
	s0 =	sld [smem:$0x3FAD]  }
0x30: {  	s3 =	sld [smem:$0x3FB0]  }
0x31: {  	[smem:$0x3FB9] =	sst s10  }
0x32: {  	s10 =	sld [smem:$0x3FB7];
	_ =	sdelay $0x3  }
0x33: {  	p0 =	seq.s32 s10, $0x1;
	s10 =	sld [smem:$0x3FB9];
	_ =	sdelay $0x3  }
0x34: {  	[smem:$0x3FB9] =	sst s10  }
0x35: {  	s10 =	sld [smem:$0x3FB8];
	_ =	sdelay $0x3  }
0x36: {  	p1 =	seq.s32 s10, $0x1;
	s10 =	sld [smem:$0x3FB9];
	_ =	sdelay $0x3  }
0x37: {  	[smem:$0x3FB9] =	sst s10  }
0x38: {  	s10 =	sld [smem:$0x3FBA]  }
0x39: {  	_ = 	snop;
	(pc) =	sbr.ind lr, $3  }
0x3a: {  	_ = 	snop  }
0x3b: {  	_ = 	snop  }
0x3c: {  	p2 =	seq.s32 s10, $0x1;
	s10 =	sld [smem:$0x3FB9]  }
0x3d: {  	_ =	shalt  }
0x3e: {  	_ =	shalt  }
0x3f: {  	_ =	shalt  }
0x40: {  	_ =	shalt  }
0x41: {  	_ =	shalt  }
0x42: {  	_ =	shalt  }
0x43: {  	_ =	shalt  }
0x44: {  	_ =	shalt  }
0x45: {  	_ =	shalt  }
0x46: {  	_ =	shalt  }
0x47: {  	_ =	shalt  }
0x48: {  	_ =	shalt  }
0x49: {  	_ =	shalt  }
0x4a: {  	_ =	shalt  }
0x4b: {  	_ =	shalt  }
0x4c: {  	_ =	shalt  }
0x4d: {  	_ =	shalt  }
0x4e: {  	_ =	shalt  }
0x4f: {  	_ =	shalt  }
0x50: {  	_ =	shalt  }
0x51: {  	_ =	shalt  }
0x52: {  	_ =	shalt  }
0x53: {  	_ =	shalt  }
0x54: {  	_ =	shalt  }
0x55: {  	_ =	shalt  }
0x56: {  	_ =	shalt  }
0x57: {  	_ =	shalt  }
0x58: {  	_ =	shalt  }
0x59: {  	_ =	shalt  }
0x5a: {  	_ =	shalt  }
0x5b: {  	_ =	shalt  }
0x5c: {  	_ =	shalt  }
0x5d: {  	_ =	shalt  }
0x5e: {  	_ =	shalt  }
0x5f: {  	_ =	shalt  }
0x60: {  	_ =	shalt  }
0x61: {  	_ =	shalt  }
0x62: {  	_ =	shalt  }
0x63: {  	_ =	shalt  }
0x64: {  	_ =	shalt  }
0x65: {  	_ =	shalt  }
0x66: {  	_ =	shalt  }
0x67: {  	_ =	shalt  }
0x68: {  	_ =	shalt  }
0x69: {  	_ =	shalt  }
0x6a: {  	_ =	shalt  }
0x6b: {  	_ =	shalt  }
0x6c: {  	_ =	shalt  }
0x6d: {  	_ =	shalt  }
0x6e: {  	_ =	shalt  }
0x6f: {  	_ =	shalt  }
0x70: {  	_ =	shalt  }
0x71: {  	_ =	shalt  }
0x72: {  	_ =	shalt  }
0x73: {  	_ =	shalt  }
0x74: {  	_ =	shalt  }
0x75: {  	_ =	shalt  }
0x76: {  	_ =	shalt  }
0x77: {  	_ =	shalt  }
0x78: {  	_ =	shalt  }
0x79: {  	_ =	shalt  }
0x7a: {  	_ =	shalt  }
0x7b: {  	_ =	shalt  }
0x7c: {  	_ =	shalt  }
0x7d: {  	_ =	shalt  }
0x7e: {  	_ =	shalt  }
0x7f: {  	_ =	shalt  }
0x80: {  	_ =	shalt  }
0x81: {  	_ =	shalt  }
0x82: {  	_ =	shalt  }
0x83: {  	_ =	shalt  }
0x84: {  	_ =	shalt  }
0x85: {  	_ =	shalt  }
0x86: {  	_ =	shalt  }
0x87: {  	_ =	shalt  }
.Lfunc_end0:
.L_simem_size_0:
called_computation_lowered:
.L_overlay_start_0:
0x88: {  	s2 =	sld [smem:$0x3FD9]  }
0x89: {  	s3 =	sld [smem:$0x3FFE];
	_ =	sdelay $0x1  }
0x8a: {  	s1 =	srdreg.scid  }
0x8b: {  	s0 =	sand.u32 $0x1, s1  }
0x8c: {  	s17 =	sshll.u32 s0, $0xA;
	s2 =	sadd.s32 s3, s2  }
0x8d: {  	s2 =	sadd.s32 s2, s17  }
0x8e: {  	[smem:$0x3FC5] =	sst s2  }
0x8f: {  	_ = 	snop  }
0x90: {  	s2 =	sld [smem:$0x3FC8]  }
0x91: {  	s18 =	sld [smem:$0x3FC7]  }
0x92: {  	s4 =	sld [smem:$0x3FD0];
	(tm) =	ssettm $0x1  }
0x93: {  	s5 =	sld [smem:$0x3FFB];
	_ =	sdelay $0x3  }
0x94: {  	_ =	strace s5  }
0x95: {  	s5 =	sld [smem:$0x3FFC];
	_ =	sdelay $0x3  }
0x96: {  	_ =	strace s5  }
0x97: {  	s5 =	sld [smem:$0x3FFD];
	_ =	sdelay $0x3  }
0x98: {  	_ =	strace s5  }
0x99: {  	_ =	strace $0x8FFFFFFF  }
0x9a: {  	s19 =	sld [smem:$0x3FDB];
	_ =	sdelay $0x1  }
0x9b: {  	s6 =	simm.s32 $_scs_section_size  }
0x9c: {  	s7 =	simm.s32 $_size__tile_overlayer_lowered;
	s8 =	simm.s32 $_tile_overlayer_lowered  }
0x9d: {  	s22 =	simm.s32 $0x1BFF;
	s21 =	sshll.u32 s8, $0x1;
	s5 =	sadd.s32 s6, s19  }
0x9e: {  	s9 =	simm.s32 $0x0;
	s20 =	sshll.u32 s7, $0x1;
	s7 =	sadd.s32 s21, s5  }
0x9f: {  	[timem:s9], [sflag:s22] =	dma.local [hbm:s7], s20  }
0xa0: {  	_ =	swait.ge [sflag:s22], s20  }
0xa1: {  	s6 =	ssub.s32 $0x0, s20;
	[sflag:s22] =	ssyncset.done $0x0  }
0xa2: {  	[sflag:s22] =	ssyncadd.s32 s6;
	_ =	sdelay $0x1  }
0xa3: {  	s23 =	simm.s32 $0x1B8B  }
0xa4: {  	_ =	swait.ge [sflag:s23], $0x1  }
0xa5: {  	[sflag:s23] =	ssyncset.done $0x0  }
0xa6: {  	s25 =	simm.s32 $0x1B8E;
	s24 =	sld [smem:$0x3FFE];
	[sflag:s23] =	ssyncadd.s32 $0xFFFFFFFF  }
0xa7: {  	s26 =	simm.s32 $execute0_lowered;
	[smem:$0x3FD2] =	sst s25  }
0xa8: {  	s7 =	sshll.u32 s26, $0x1;
	_ =	strace $0x80000046;
	[dreg:$0x1] =	wrdreg $0xFFFFFFFF  }
0xa9: {  	s28 =	simm.s32 $_size_execute0_lowered;
	s5 =	sadd.s32 s5, s7;
	[dreg:$0x0] =	wrdreg $0x0  }
0xaa: {  	s7 =	sshll.u32 s28, $0x1;
	[dreg:$0x2] =	wrdreg s5  }
0xab: {  	[dreg:$0x3] =	wrdreg s7  }
0xac: {  	[dreg:$0x4] =	wrdreg $0xC0  }
0xad: {  	_ =	task [dreg:s9], $0x5FFFF  }
0xae: {  	[dreg:$0x1] =	wrdreg $0xFFFFFFFF  }
0xaf: {  	[dreg:$0x0] =	wrdreg $0x60  }
0xb0: {  	[dreg:$0x2] =	wrdreg s24  }
0xb1: {  	[dreg:$0x3] =	wrdreg s2  }
0xb2: {  	[dreg:$0x4] =	wrdreg s18  }
0xb3: {  	[dreg:$0x5] =	wrdreg s4  }
0xb4: {  	[dreg:$0x6] =	wrdreg $0x9  }
0xb5: {  	_ =	task.clear_ibuf [dreg:s9], $0x7FFFF;
	_ =	strace $0x90000046  }
0xb6: {  	s29 =	simm.s32 $0x9;
	_ =	strace $0x80000048  }
0xb7: {  	_ =	swait.ge [sflag:s29], $0x1  }
0xb8: {  	[sflag:s29] =	ssyncadd.s32 $0xFFFFFFFF  }
0xb9: {  	_ =	strace $0x90000048  }
0xba: {  	_ =	sfence  }
0xbb: {  	s30 =	sld [smem:$0x0];
	_ =	sdelay $0x2  }
0xbc: {  	s31 =	sshll.u32 s1, $0xD;
	s1 =	sshrl.u32 s1, $0x2  }
0xbd: {  	s3 =	sand.u32 $0x4000, s31;
	s1 =	sadd.s32 s1, s30  }
0xbe: {  	s0 =	sor.u32 s3, s0;
	s1 =	sshll.u32 s1, $0x11  }
0xbf: {  	s0 =	sor.u32 s1, s0  }
0xc0: {  	s0 =	sadd.s32 $0x8F2B, s0  }
0xc1: {  	[sflag:s0] =	ssyncadd.remote.s32 $0x1  }
0xc2: {  	_ =	sfence.sel $0xFFFF  }
0xc3: {  	[dreg:$0x0] =	wrdreg $0xFFFFFFFF;
	(pc) =	sbr.abs _section_cstart, $3  }
0xc4: {  	[dreg:$0x1] =	wrdreg $0xFFFFFFFF  }
0xc5: {  	_ =	task.clear_ibuf [dreg:s9], $0x2FFFF;
	_ =	strace $0x9FFFFFFF  }
0xc6: {  	(tm) =	ssettm $0x7FFFFFFF  }
0xc7: {  	_ =	shalt  }
tec
execute0_lowered:
.L_overlay_start_1:
0x0: {  	(tag) =	ssettag $0x1  }
0x1: {  	s0 =	rddreg [dreg:$0x0];
	v0 =	vlaneseq.u32  }
0x2: {  	s1 =	rddreg [dreg:$0x1];
	v1 =	vmul.u32 $0x80, v0;
	v46 =	vadd.s32 $0x1, v0  }
0x3: {  	s2 =	rddreg [dreg:$0x2];
	s4 =	simm.s32 $0x0;
	[tilespmem:$0x1FE10] =	vst v46  }
0x4: {  	[smem:$0x7FF] =	sst s4;
	v47 =	vadd.s32 $0x2, v0;
	[tilespmem:$0x1FE00] =	vst v1  }
0x5: {  	s3 =	rddreg [dreg:$0x3];
	v48 =	vadd.s32 $0x3, v0;
	_ =	strace $0x80000047;
	[tilespmem:$0x1FE20] =	vst v47  }
0x6: {  	v49 =	vadd.s32 $0x4, v0;
	[tilespmem:$0x1FE30] =	vst v48  }
0x7: {  	v50 =	vadd.s32 $0x5, v0;
	[tilespmem:$0x1FE40] =	vst v49  }
0x8: {  	v51 =	vadd.s32 $0x6, v0;
	[tilespmem:$0x1FE50] =	vst v50  }
0x9: {  	v52 =	vadd.s32 $0x7, v0;
	[tilespmem:$0x1FE60] =	vst v51  }
0xa: {  	v53 =	vadd.s32 $0x8, v0;
	[tilespmem:$0x1FE70] =	vst v52  }
0xb: {  	v54 =	vadd.s32 $0x9, v0;
	[tilespmem:$0x1FE80] =	vst v53  }
0xc: {  	v55 =	vadd.s32 $0xA, v0;
	[tilespmem:$0x1FE90] =	vst v54  }
0xd: {  	v56 =	vadd.s32 $0xB, v0;
	[tilespmem:$0x1FEA0] =	vst v55  }
0xe: {  	v57 =	vadd.s32 $0xC, v0;
	[tilespmem:$0x1FEB0] =	vst v56  }
0xf: {  	v58 =	vadd.s32 $0xD, v0;
	[tilespmem:$0x1FEC0] =	vst v57  }
0x10: {  	v59 =	vadd.s32 $0xE, v0;
	[tilespmem:$0x1FED0] =	vst v58  }
0x11: {  	v60 =	vadd.s32 $0xF, v0;
	[tilespmem:$0x1FEE0] =	vst v59  }
0x12: {  	v61 =	vor.u32 $0x10, v0;
	[tilespmem:$0x1FEF0] =	vst v60  }
0x13: {  	v62 =	vadd.s32 $0x13, v0;
	[tilespmem:$0x1FF00] =	vst v61  }
0x14: {  	v63 =	vadd.s32 $0x1E, v0;
	[tilespmem:$0x1FF10] =	vst v62  }
0x15: {  	v46 =	vadd.s32 $0x11, v0;
	[tilespmem:$0x1FF20] =	vst v63  }
0x16: {  	v44 =	vadd.s32 $0x15, v0;
	[tilespmem:$0x1FF30] =	vst v46  }
0x17: {  	v45 =	vadd.s32 $0x19, v0;
	[tilespmem:$0x1FF40] =	vst v44  }
0x18: {  	s5 =	srdreg.scid;
	s6 =	stileid.u32;
	s10 =	simm.s32 $0x3;
	v2 =	vadd.s32 $0x1D, v0;
	[tilespmem:$0x1FF50] =	vst v45  }
0x19: {  	s11 =	simm.s32 $0x200;
	s12 =	simm.s32 $0x400;
	s13 =	simm.s32 $0x80;
	v5 =	vadd.s32 $0x18, v0;
	[tilespmem:$0x1FF60] =	vst v2  }
0x1a: {  	s14 =	simm.s32 $0x600;
	s15 =	simm.s32 $0x4600;
	s16 =	simm.s32 $0x8600;
	v6 =	vadd.s32 $0x1C, v0;
	[tilespmem:$0x1FF70] =	vst v5  }
0x1b: {  	s17 =	simm.s32 $0x1;
	s18 =	simm.s32 $0xC600;
	s20 =	simm.s32 $0x10600;
	v9 =	vadd.s32 $0x1B, v0;
	[tilespmem:$0x1FF80] =	vst v6  }
0x1c: {  	s22 =	simm.s32 $0x14600;
	s23 =	simm.s32 $0x2;
	s28 =	simm.s32 $0x180;
	v8 =	vadd.s32 $0x17, v0;
	[tilespmem:$0x1FF90] =	vst v9  }
0x1d: {  	s29 =	simm.s32 $0x380;
	s30 =	simm.s32 $0x580;
	s5 =	sand.u32 $0x1, s5;
	v10 =	vadd.s32 $0x1F, v0;
	[tilespmem:$0x1FFA0] =	vst v8  }
0x1e: {  	s6 =	sshll.u32 s6, $0x7;
	v4 =	vadd.s32 $0x14, v0;
	s7 =	sshll.u32 s5, $0x6;
	s5 =	ssub.s32 $0x2, s5;
	[tilespmem:$0x1FFB0] =	vst v10  }
0x1f: {  	s31 =	simm.s32 $0x18600;
	v11 =	vadd.s32 $0x16, v0;
	s8 =	sor.u32 s7, s6;
	s26 =	sshrl.u32 s5, $0x1;
	[tilespmem:$0x1FFC0] =	vst v4  }
0x20: {  	v7 =	vadd.s32 $0x12, v0;
	s0 =	sadd.s32 s8, s0;
	s9 =	ssub.s32 s5, s26;
	s8 =	sadd.s32 s3, s8;
	[tilespmem:$0x1FFD0] =	vst v11  }
0x21: {  	v55 =	vadd.s32 $0x1A, v0;
	s26 =	simm.s32 $0x500;
	[tilespmem:$0x1FFE0] =	vst v7;
	s5 =	sadd.s32 $0x1600, s0;
	s6 =	sadd.s32 $0xE00, s0  }
0x22: {  	s7 =	sadd.s32 $0x600, s0;
	s9 =	smax.u32 s9, $0x1;
	s0 =	simm.s32 $0x0;
	[tilespmem:$0x1FFF0] =	vst v55  }
.LBB2_1:
0x23: {  	[tilespmem:s4], [sflag:$0x3] =	stream.linear.gather [hbm4b:s5+s4], $0x200, $0x38;
	[tilespmem:$0x18800] =	vst v63  }
0x24: {  	_ =	swait.ge [sflag:s10], $0x200  }
0x25: {  	[sflag:s10] =	ssyncset.done $0x0  }
0x26: {  	[sflag:s10] =	ssyncadd.s32 $0xFFFFFE00  }
0x27: {  	[tilespmem:s11], [sflag:$0x3] =	stream.linear.gather [hbm4b:s6+s4], $0x200, $0x38;
	[tilespmem:$0x18800] =	vst v63  }
0x28: {  	_ =	swait.ge [sflag:s10], $0x200  }
0x29: {  	[sflag:s10] =	ssyncset.done $0x0  }
0x2a: {  	[sflag:s10] =	ssyncadd.s32 $0xFFFFFE00  }
0x2b: {  	[tilespmem:s12], [sflag:$0x3] =	stream.linear.gather [hbm4b:s7+s4], $0x200, $0x38;
	[tilespmem:$0x18800] =	vst v63  }
0x2c: {  	_ =	swait.ge [sflag:s10], $0x200  }
0x2d: {  	[sflag:s10] =	ssyncset.done $0x0  }
0x2e: {  	[sflag:s10] =	ssyncadd.s32 $0xFFFFFE00  }
0x2f: {  	[tilespmem:s14], [sflag:$0x1] =	stream.indirect.gather [hbm4b:s1+s13], $0x80, s4, s13, $0xb8;
	[tilespmem:$0x18800] =	vst v63  }
0x30: {  	_ = 	snop  }
0x31: {  	[tilespmem:s15], [sflag:$0x1] =	stream.indirect.gather [hbm4b:s2+s13], $0x80, s11, s13, $0xb8;
	[tilespmem:$0x18800] =	vst v63  }
0x32: {  	_ = 	snop  }
0x33: {  	[tilespmem:s16], [sflag:$0x1] =	stream.indirect.gather [hbm4b:s1+s13], $0x80, s12, s13, $0xb8;
	[tilespmem:$0x18800] =	vst v63  }
0x34: {  	_ =	swait.ge [sflag:s17], $0x4000  }
0x35: {  	[sflag:s17] =	ssyncset.done $0x0  }
0x36: {  	[sflag:s17] =	ssyncadd.s32 $0xFFFFC000  }
0x37: {  	_ =	swait.ge [sflag:s17], $0x4000  }
0x38: {  	[sflag:s17] =	ssyncset.done $0x0  }
0x39: {  	[sflag:s17] =	ssyncadd.s32 $0xFFFFC000  }
0x3a: {  	_ =	swait.ge [sflag:s17], $0x4000  }
0x3b: {  	[sflag:s17] =	ssyncset.done $0x0  }
0x3c: {  	[sflag:s17] =	ssyncadd.s32 $0xFFFFC000  }
0x3d: {  	[tilespmem:s18], [sflag:$0x2] =	stream.indirect.gather [hbm4b:s1+s13], $0x80, s13, s13, $0xb8;
	[tilespmem:$0x18800] =	vst v63  }
0x3e: {  	s3 =	simm.s32 $0x280  }
0x3f: {  	[tilespmem:s20], [sflag:$0x2] =	stream.indirect.gather [hbm4b:s2+s13], $0x80, s3, s13, $0xb8;
	[tilespmem:$0x18800] =	vst v63  }
0x40: {  	s25 =	simm.s32 $0x480;
	s3 =	simm.s32 $0x0  }
0x41: {  	[tilespmem:s22], [sflag:$0x2] =	stream.indirect.gather [hbm4b:s1+s13], $0x80, s25, s13, $0xb8;
	[tilespmem:$0x18800] =	vst v63  }
.LBB2_2:
0x42: {  	v1 =	vld [tilespmem:$0x1FE00];
	_ =	sdelay $0x1  }
0x43: {  	s19 =	sshll.u32 s3, $0x4  }
0x44: {  	v0 =	vmov s19  }
0x45: {  	v0 =	vshll.u32 v0, $0x7  }
0x46: {  	v33 =	vor.u32 v1, v0;
	v0 =	vld [tilespmem:$0x1FF00];
	_ =	sdelay $0x4  }
0x47: {  	v1 =	vor.u32 v0, v33;
	v0 =	vld [tilespmem:$0x1FEC0];
	_ =	sdelay $0x3  }
0x48: {  	s21 =	simm.s32 $0x0  }
0x49: {  	[tilespmem:$0x1FCB0] =	vst v1;
	v2 =	vor.u32 v0, v33;
	v0 =	vor.u32 s21, v1  }
0x4a: {  	[tilespmem:$0x1FCC0] =	vst v2;
	v1 =	vor.u32 s21, v2;
	v2 =	vld [tilespmem:$0x1FE80];
	_ =	sdelay $0x3  }
0x4b: {  	v3 =	vld.idx.msk [tilespmem:v0+s16+$0x0], $0xffff  }
0x4c: {  	v2 =	vor.u32 v2, v33;
	v12 =	vld.idx.msk [tilespmem:v1+s16+$0x0], $0xffff  }
0x4d: {  	v47 =	vld.idx.msk [tilespmem:v0+s14+$0x0], $0xffff;
	[tilespmem:$0x1FCD0] =	vst v2;
	v2 =	vor.u32 s21, v2  }
0x4e: {  	v15 =	vld.idx.msk [tilespmem:v1+s14+$0x0], $0xffff  }
0x4f: {  	v17 =	vld.idx.msk [tilespmem:v1+s15+$0x0], $0xffff;
	v1 =	vadd.s32 s21, v6  }
0x50: {  	v1 =	vand.u32 $0x7F, v1;
	[tilespmem:$0x1FD80] =	vst v3;
	v3 =	vld [tilespmem:$0x1FE40]  }
0x51: {  	v1 =	vor.u32 v33, v1;
	[tilespmem:$0x1FD90] =	vst v12;
	v12 =	vld.idx.msk [tilespmem:v0+s15+$0x0], $0xffff  }
0x52: {  	v13 =	vld.idx.msk [tilespmem:v2+s16+$0x0], $0xffff  }
0x53: {  	v0 =	vlaneseq.u32;
	v21 =	vld.idx.msk [tilespmem:v2+s14+$0x0], $0xffff  }
0x54: {  	v0 =	vor.u32 v0, v33;
	v57 =	vld.idx.msk [tilespmem:v2+s15+$0x0], $0xffff  }
0x55: {  	v2 =	vld [tilespmem:$0x1FEF0];
	[tilespmem:$0x1FCF0] =	vst v0;
	v0 =	vor.u32 s21, v0;
	v3 =	vor.u32 v3, v33  }
0x56: {  	v56 =	vld.idx.msk [tilespmem:v1+s16+$0x0], $0xffff;
	[tilespmem:$0x1FCE0] =	vst v3;
	v3 =	vor.u32 s21, v3  }
0x57: {  	v27 =	vld.idx.msk [tilespmem:v1+s14+$0x0], $0xffff  }
0x58: {  	v60 =	vld.idx.msk [tilespmem:v1+s15+$0x0], $0xffff  }
0x59: {  	v1 =	vld [tilespmem:$0x1FEB0]  }
0x5a: {  	v5 =	vadd.s32 s21, v5;
	v50 =	vld.idx.msk [tilespmem:v0+s16+$0x0], $0xffff  }
0x5b: {  	v5 =	vand.u32 $0x7F, v5;
	v62 =	vld.idx.msk [tilespmem:v3+s16+$0x0], $0xffff  }
0x5c: {  	v5 =	vor.u32 v33, v5;
	v20 =	vld.idx.msk [tilespmem:v3+s14+$0x0], $0xffff  }
0x5d: {  	v59 =	vld.idx.msk [tilespmem:v3+s15+$0x0], $0xffff;
	v3 =	vadd.s32 s21, v4  }
0x5e: {  	v24 =	vld.idx.msk [tilespmem:v0+s14+$0x0], $0xffff;
	v3 =	vand.u32 $0x7F, v3  }
0x5f: {  	v2 =	vor.u32 v2, v33;
	v25 =	vld.idx.msk [tilespmem:v0+s15+$0x0], $0xffff;
	v0 =	vor.u32 v33, v3  }
0x60: {  	[tilespmem:$0x1FD00] =	vst v2;
	v3 =	vor.u32 v1, v33;
	v1 =	vor.u32 s21, v2;
	v2 =	vld [tilespmem:$0x1FE70]  }
0x61: {  	v43 =	vld.idx.msk [tilespmem:v5+s16+$0x0], $0xffff  }
0x62: {  	v19 =	vld.idx.msk [tilespmem:v5+s14+$0x0], $0xffff  }
0x63: {  	v6 =	vld.idx.msk [tilespmem:v5+s15+$0x0], $0xffff  }
0x64: {  	v22 =	vld.idx.msk [tilespmem:v0+s16+$0x0], $0xffff  }
0x65: {  	v2 =	vor.u32 v2, v33;
	v34 =	vld.idx.msk [tilespmem:v0+s14+$0x0], $0xffff  }
0x66: {  	v14 =	vld.idx.msk [tilespmem:v0+s15+$0x0], $0xffff;
	v5 =	vor.u32 s21, v2  }
0x67: {  	v36 =	vld.idx.msk [tilespmem:v1+s16+$0x0], $0xffff  }
0x68: {  	v0 =	vld [tilespmem:$0x1FE30]  }
0x69: {  	v38 =	vld.idx.msk [tilespmem:v1+s14+$0x0], $0xffff  }
0x6a: {  	v61 =	vld.idx.msk [tilespmem:v1+s15+$0x0], $0xffff  }
0x6b: {  	[tilespmem:$0x1FD10] =	vst v3;
	v3 =	vor.u32 s21, v3;
	v1 =	vld.idx.msk [tilespmem:v5+s16+$0x0], $0xffff;
	_ =	sdelay $0x4  }
0x6c: {  	v37 =	vld.idx.msk [tilespmem:v3+s16+$0x0], $0xffff;
	v0 =	vor.u32 v0, v33;
	[tilespmem:$0x1FDE0] =	vst v1;
	v1 =	vadd.s32 s21, v10  }
0x6d: {  	v40 =	vld.idx.msk [tilespmem:v3+s14+$0x0], $0xffff;
	[tilespmem:$0x1FD30] =	vst v0;
	v0 =	vor.u32 s21, v0;
	v1 =	vand.u32 $0x7F, v1  }
0x6e: {  	v41 =	vld.idx.msk [tilespmem:v3+s15+$0x0], $0xffff;
	v1 =	vor.u32 v33, v1  }
0x6f: {  	[tilespmem:$0x1FD20] =	vst v2;
	v2 =	vld [tilespmem:$0x1FF10]  }
0x70: {  	v48 =	vld.idx.msk [tilespmem:v5+s14+$0x0], $0xffff  }
0x71: {  	v49 =	vld.idx.msk [tilespmem:v5+s15+$0x0], $0xffff  }
0x72: {  	v51 =	vld.idx.msk [tilespmem:v0+s16+$0x0], $0xffff  }
0x73: {  	v54 =	vld.idx.msk [tilespmem:v1+s16+$0x0], $0xffff  }
0x74: {  	v3 =	vadd.s32 s21, v9;
	v35 =	vld.idx.msk [tilespmem:v1+s14+$0x0], $0xffff  }
0x75: {  	v3 =	vand.u32 $0x7F, v3;
	v30 =	vld.idx.msk [tilespmem:v1+s15+$0x0], $0xffff  }
0x76: {  	v3 =	vor.u32 v33, v3;
	v5 =	vadd.s32 s21, v8;
	v1 =	vld [tilespmem:$0x1FEE0]  }
0x77: {  	v5 =	vand.u32 $0x7F, v5;
	v52 =	vld.idx.msk [tilespmem:v0+s14+$0x0], $0xffff  }
0x78: {  	v53 =	vld.idx.msk [tilespmem:v0+s15+$0x0], $0xffff;
	v0 =	vor.u32 v33, v5;
	_ =	sdelay $0x2  }
0x79: {  	v42 =	vld.idx.msk [tilespmem:v3+s16+$0x0], $0xffff;
	v5 =	vadd.s32 s21, v2;
	v1 =	vor.u32 v1, v33  }
0x7a: {  	v2 =	vld [tilespmem:$0x1FEA0];
	v5 =	vand.u32 $0x7F, v5;
	[tilespmem:$0x1FD40] =	vst v1;
	v1 =	vor.u32 s21, v1  }
0x7b: {  	v9 =	vor.u32 v33, v5;
	v5 =	vld.idx.msk [tilespmem:v0+s16+$0x0], $0xffff  }
0x7c: {  	v32 =	vld.idx.msk [tilespmem:v0+s14+$0x0], $0xffff  }
0x7d: {  	v39 =	vld.idx.msk [tilespmem:v0+s15+$0x0], $0xffff  }
0x7e: {  	v0 =	vld [tilespmem:$0x1FE60]  }
0x7f: {  	v63 =	vld.idx.msk [tilespmem:v1+s16+$0x0], $0xffff  }
0x80: {  	v16 =	vld.idx.msk [tilespmem:v1+s14+$0x0], $0xffff  }
0x81: {  	v18 =	vld.idx.msk [tilespmem:v1+s15+$0x0], $0xffff  }
0x82: {  	v1 =	vld [tilespmem:$0x1FE20]  }
0x83: {  	v23 =	vld.idx.msk [tilespmem:v3+s14+$0x0], $0xffff;
	v2 =	vor.u32 v2, v33  }
0x84: {  	v26 =	vld.idx.msk [tilespmem:v3+s15+$0x0], $0xffff;
	v3 =	vor.u32 s21, v2  }
0x85: {  	v8 =	vld.idx.msk [tilespmem:v9+s16+$0x0], $0xffff  }
0x86: {  	[tilespmem:$0x1FDB0] =	vst v13;
	v28 =	vld.idx.msk [tilespmem:v9+s14+$0x0], $0xffff  }
0x87: {  	[tilespmem:$0x1FD50] =	vst v2;
	v2 =	vor.u32 v0, v33;
	v0 =	vld [tilespmem:$0x1FD80];
	v1 =	vor.u32 v1, v33  }
0x88: {  	v29 =	vld.idx.msk [tilespmem:v9+s15+$0x0], $0xffff;
	[tilespmem:$0x1FD60] =	vst v2;
	v13 =	vor.u32 s21, v2;
	v2 =	vor.u32 s21, v1  }
0x89: {  	v58 =	vld.idx.msk [tilespmem:v3+s16+$0x0], $0xffff  }
0x8a: {  	v12 =	vmul.f32 v12, v47;
	v9 =	vld.idx.msk [tilespmem:v3+s14+$0x0], $0xffff;
	[tilespmem:$0x1FD70] =	vst v1;
	v1 =	vadd.s32 s21, v11  }
0x8b: {  	v31 =	vmul.f32 v60, v27;
	v10 =	vld.idx.msk [tilespmem:v3+s15+$0x0], $0xffff;
	v3 =	vand.u32 $0x7F, v1  }
0x8c: {  	v60 =	vmul.f32 v0, v12;
	v0 =	vld [tilespmem:$0x1FD90];
	v4 =	vor.u32 v33, v3;
	v3 =	vadd.s32 s21, v7  }
0x8d: {  	v15 =	vmul.f32 v17, v15;
	v17 =	vand.u32 $0x7F, v3;
	v3 =	vld.idx.msk [tilespmem:v2+s16+$0x0], $0xffff  }
0x8e: {  	v47 =	vmul.f32 v59, v20;
	v20 =	vld.idx.msk [tilespmem:v2+s14+$0x0], $0xffff  }
0x8f: {  	v7 =	vor.u32 v33, v17;
	v17 =	vmul.f32 v57, v21;
	v21 =	vld.idx.msk [tilespmem:v2+s15+$0x0], $0xffff  }
0x90: {  	v2 =	vld [tilespmem:$0x1FED0]  }
0x91: {  	v12 =	vld.idx.msk [tilespmem:v4+s16+$0x0], $0xffff  }
0x92: {  	v24 =	vmul.f32 v25, v24;
	v25 =	vld.idx.msk [tilespmem:v4+s14+$0x0], $0xffff  }
0x93: {  	v27 =	vld.idx.msk [tilespmem:v4+s15+$0x0], $0xffff  }
0x94: {  	v4 =	vld [tilespmem:$0x1FF20];
	_ =	sdelay $0x2  }
0x95: {  	v19 =	vmul.f32 v6, v19  }
0x96: {  	v6 =	vmul.f32 v62, v47;
	v59 =	vmul.f32 v0, v15;
	v0 =	vld [tilespmem:$0x1FDB0];
	v2 =	vor.u32 v2, v33  }
0x97: {  	v15 =	vmul.f32 v14, v34;
	[tilespmem:$0x1FDA0] =	vst v2;
	v2 =	vor.u32 s21, v2;
	v62 =	vadd.s32 s21, v4  }
0x98: {  	v14 =	vmul.f32 v50, v24;
	v57 =	vmul.f32 v56, v31;
	v31 =	vld.idx.msk [tilespmem:v7+s14+$0x0], $0xffff;
	v24 =	vand.u32 $0x7F, v62  }
0x99: {  	v56 =	vor.u32 v33, v24;
	v24 =	vadd.s32 s21, v55;
	v55 =	vmul.f32 v22, v15;
	v22 =	vld [tilespmem:$0x1FE90]  }
0x9a: {  	v34 =	vld.idx.msk [tilespmem:v7+s15+$0x0], $0xffff  }
0x9b: {  	v4 =	vmul.f32 v0, v17;
	v17 =	vld.idx.msk [tilespmem:v7+s16+$0x0], $0xffff;
	v15 =	vand.u32 $0x7F, v24  }
0x9c: {  	v7 =	vmul.f32 v61, v38;
	v61 =	vor.u32 v33, v15;
	v15 =	vld.idx.msk [tilespmem:v2+s16+$0x0], $0xffff  }
0x9d: {  	v24 =	vld.idx.msk [tilespmem:v2+s15+$0x0], $0xffff  }
0x9e: {  	v47 =	vmul.f32 v49, v48;
	v48 =	vor.u32 v22, v33;
	v22 =	vld.idx.msk [tilespmem:v2+s14+$0x0], $0xffff  }
0x9f: {  	v2 =	vld [tilespmem:$0x1FE50];
	_ =	sdelay $0x2  }
0xa0: {  	v11 =	vld.idx.msk [tilespmem:v13+s14+$0x0], $0xffff  }
0xa1: {  	v26 =	vmul.f32 v26, v23;
	v1 =	vld.idx.msk [tilespmem:v13+s16+$0x0], $0xffff  }
0xa2: {  	v13 =	vld.idx.msk [tilespmem:v13+s15+$0x0], $0xffff;
	v2 =	vor.u32 v2, v33  }
0xa3: {  	v49 =	vmul.f32 v30, v35;
	[tilespmem:$0x1FDD0] =	vst v2;
	v35 =	vor.u32 s21, v2;
	v2 =	vmul.f32 v42, v26;
	v26 =	vld [tilespmem:$0x1FE10]  }
0xa4: {  	v0 =	vld [tilespmem:$0x1FDE0]  }
0xa5: {  	v62 =	vmul.f32 v43, v19;
	v19 =	vmul.f32 v41, v40;
	v30 =	vld.idx.msk [tilespmem:v56+s14+$0x0], $0xffff;
	v38 =	vor.u32 s21, v48  }
0xa6: {  	v44 =	vmul.f32 v53, v52;
	v40 =	vmul.f32 v39, v32;
	v32 =	vld.idx.msk [tilespmem:v56+s15+$0x0], $0xffff  }
0xa7: {  	v53 =	vmul.f32 v54, v49;
	v49 =	vimm.f32 $0.0e+00;
	v19 =	vmul.f32 v37, v19;
	v37 =	vld.idx.msk [tilespmem:v61+s14+$0x0], $0xffff  }
0xa8: {  	v50 =	vimm.f32 $0.0e+00;
	v41 =	vmul.f32 v29, v28;
	v39 =	vld.idx.msk [tilespmem:v61+s15+$0x0], $0xffff;
	v26 =	vor.u32 v26, v33  }
0xa9: {  	v29 =	vmul.f32 v51, v44;
	v7 =	vmul.f32 v36, v7;
	[tilespmem:$0x1FDC0] =	vst v48;
	v28 =	vld.idx.msk [tilespmem:v35+s16+$0x0], $0xffff;
	v36 =	vor.u32 s21, v26  }
0xaa: {  	s24 =	simm.s32 $0x20;
	v51 =	vimm.f32 $0.0e+00;
	v23 =	vmul.f32 v0, v47;
	v48 =	vimm.f32 $0.0e+00;
	[tilespmem:$0x1FDF0] =	vst v26;
	v26 =	vld.idx.msk [tilespmem:v38+s16+$0x0], $0xffff  }
.LBB2_3:
0xab: {  	v52 =	vld [tilespmem:$0x1FF10]  }
0xac: {  	v42 =	vld.idx.msk [tilespmem:v38+s14+$0x0], $0xffff  }
0xad: {  	v47 =	vld [tilespmem:$0x1FF60]  }
0xae: {  	v43 =	vld.idx.msk [tilespmem:v36+s14+$0x0], $0xffff  }
0xaf: {  	v44 =	vld [tilespmem:$0x1FF40]  }
0xb0: {  	v54 =	vld.idx.msk [tilespmem:v35+s14+$0x0], $0xffff  }
0xb1: {  	v8 =	vmul.f32 v8, v41;
	v41 =	vld.idx.msk [tilespmem:v36+s16+$0x0], $0xffff  }
0xb2: {  	v36 =	vld.idx.msk [tilespmem:v36+s15+$0x0], $0xffff;
	v16 =	vmul.f32 v18, v16  }
0xb3: {  	v18 =	vadd.s32 s21, v45;
	v45 =	vadd.s32 s21, v46;
	v20 =	vmul.f32 v21, v20;
	v21 =	vld.idx.msk [tilespmem:v35+s15+$0x0], $0xffff  }
0xb4: {  	v9 =	vmul.f32 v10, v9;
	v11 =	vmul.f32 v13, v11;
	v13 =	vld.idx.msk [tilespmem:v38+s15+$0x0], $0xffff;
	v18 =	vand.u32 $0x7F, v18  }
0xb5: {  	v35 =	vmul.f32 v39, v37;
	v39 =	vld [tilespmem:$0x1FCC0];
	v10 =	vand.u32 $0x7F, v45;
	v18 =	vor.u32 v33, v18  }
0xb6: {  	v45 =	vld [tilespmem:$0x1FCD0];
	v10 =	vor.u32 v33, v10  }
0xb7: {  	v0 =	vmul.f32 v63, v16;
	v16 =	vmul.f32 v27, v25;
	v27 =	vld [tilespmem:$0x1FCB0]  }
0xb8: {  	v44 =	vadd.s32 s21, v44;
	v9 =	vmul.f32 v58, v9;
	v58 =	vld [tilespmem:$0x1FCF0]  }
0xb9: {  	v44 =	vand.u32 $0x7F, v44;
	v16 =	vmul.f32 v12, v16;
	v12 =	vld [tilespmem:$0x1FCE0]  }
0xba: {  	v5 =	vmul.f32 v5, v40;
	v40 =	vadd.s32 s21, v47;
	v44 =	vor.u32 v33, v44;
	v63 =	vld.idx.msk [tilespmem:v18+s14+$0x0], $0xffff  }
0xbb: {  	v40 =	vand.u32 $0x7F, v40;
	v3 =	vmul.f32 v3, v20;
	v20 =	vld.idx.msk [tilespmem:v10+s14+$0x0], $0xffff  }
0xbc: {  	v40 =	vor.u32 v33, v40;
	v21 =	vmul.f32 v21, v54;
	v54 =	vld.idx.msk [tilespmem:v10+s15+$0x0], $0xffff  }
0xbd: {  	v31 =	vmul.f32 v34, v31;
	v22 =	vmul.f32 v24, v22;
	v10 =	vld.idx.msk [tilespmem:v10+s16+$0x0], $0xffff  }
0xbe: {  	v14 =	vadd.f32 v14, v48;
	v36 =	vmul.f32 v36, v43;
	v1 =	vmul.f32 v1, v11;
	v24 =	vld.idx.msk [tilespmem:v18+s15+$0x0], $0xffff  }
0xbf: {  	v3 =	vadd.f32 v3, v49;
	v21 =	vmul.f32 v28, v21;
	v28 =	vadd.f32 v29, v50;
	v11 =	vld.idx.msk [tilespmem:v44+s14+$0x0], $0xffff  }
0xc0: {  	v17 =	vmul.f32 v17, v31;
	v31 =	vld.idx.msk [tilespmem:v44+s15+$0x0], $0xffff;
	v47 =	vor.u32 s24, v12;
	v12 =	vmul.f32 v41, v36  }
0xc1: {  	v1 =	vadd.f32 v1, v3;
	v25 =	vld.idx.msk [tilespmem:v40+s14+$0x0], $0xffff;
	v3 =	vadd.f32 v23, v28  }
0xc2: {  	v6 =	vadd.f32 v6, v14;
	v14 =	vld.idx.msk [tilespmem:v44+s16+$0x0], $0xffff;
	v12 =	vadd.f32 v12, v51  }
0xc3: {  	v3 =	vadd.f32 v19, v3;
	v19 =	vld.idx.msk [tilespmem:v56+s16+$0x0], $0xffff  }
0xc4: {  	v13 =	vmul.f32 v13, v42;
	v12 =	vadd.f32 v21, v12;
	v21 =	vld.idx.msk [tilespmem:v40+s15+$0x0], $0xffff  }
0xc5: {  	v27 =	vor.u32 s24, v27;
	v1 =	vadd.f32 v9, v1;
	v9 =	vmul.f32 v31, v11;
	v11 =	vld.idx.msk [tilespmem:v61+s16+$0x0], $0xffff  }
0xc6: {  	v34 =	vor.u32 s24, v39;
	v61 =	vld [tilespmem:$0x1FFE0]  }
0xc7: {  	v13 =	vmul.f32 v26, v13;
	v31 =	vld.idx.msk [tilespmem:v47+s14+$0x0], $0xffff  }
0xc8: {  	v30 =	vmul.f32 v32, v30;
	v4 =	vadd.f32 v4, v6;
	v32 =	vld.idx.msk [tilespmem:v47+s15+$0x0], $0xffff  }
0xc9: {  	v6 =	vadd.f32 v13, v12;
	v13 =	vld.idx.msk [tilespmem:v18+s16+$0x0], $0xffff  }
0xca: {  	v18 =	vadd.f32 v59, v4;
	v59 =	vld.idx.msk [tilespmem:v27+s16+$0x0], $0xffff  }
0xcb: {  	v37 =	vor.u32 s24, v45;
	v4 =	vld.idx.msk [tilespmem:v34+s16+$0x0], $0xffff  }
0xcc: {  	v15 =	vmul.f32 v15, v22;
	v0 =	vadd.f32 v0, v1;
	v9 =	vmul.f32 v14, v9;
	v14 =	vld.idx.msk [tilespmem:v27+s15+$0x0], $0xffff  }
0xcd: {  	v1 =	vadd.f32 v7, v3;
	v12 =	vmul.f32 v54, v20;
	v20 =	vld [tilespmem:$0x1FFD0]  }
0xce: {  	v0 =	vadd.f32 v17, v0;
	v6 =	vadd.f32 v15, v6;
	v15 =	vld.idx.msk [tilespmem:v40+s16+$0x0], $0xffff  }
0xcf: {  	v39 =	vor.u32 s24, v58;
	v1 =	vadd.f32 v8, v1;
	v10 =	vmul.f32 v10, v12;
	v12 =	vld.idx.msk [tilespmem:v27+s14+$0x0], $0xffff  }
0xd0: {  	v0 =	vadd.f32 v16, v0;
	v7 =	vadd.f32 v60, v18;
	v8 =	vmul.f32 v21, v25;
	v25 =	vld.idx.msk [tilespmem:v37+s15+$0x0], $0xffff  }
0xd1: {  	v1 =	vadd.f32 v5, v1;
	v5 =	vmul.f32 v11, v35;
	v10 =	vadd.f32 v10, v6;
	v6 =	vld.idx.msk [tilespmem:v47+s16+$0x0], $0xffff  }
0xd2: {  	v3 =	vmul.f32 v24, v63;
	[tilespmem:$0x1FC40] =	vst v4;
	v4 =	vld.idx.msk [tilespmem:v37+s16+$0x0], $0xffff  }
0xd3: {  	v17 =	vadd.f32 v55, v7;
	v0 =	vadd.f32 v5, v0;
	v5 =	vmul.f32 v19, v30;
	v19 =	vld.idx.msk [tilespmem:v34+s15+$0x0], $0xffff  }
0xd4: {  	v1 =	vadd.f32 v2, v1;
	v3 =	vmul.f32 v13, v3;
	v30 =	vld [tilespmem:$0x1FFF0];
	v9 =	vadd.f32 v9, v10  }
0xd5: {  	v10 =	vadd.f32 v62, v17;
	v17 =	vld.idx.msk [tilespmem:v34+s14+$0x0], $0xffff;
	v0 =	vadd.f32 v5, v0  }
0xd6: {  	v34 =	vld.idx.msk [tilespmem:v39+s14+$0x0], $0xffff;
	v3 =	vadd.f32 v3, v9  }
0xd7: {  	v8 =	vmul.f32 v15, v8;
	v2 =	vadd.f32 v57, v10;
	[tilespmem:$0x1FCA0] =	vst v0;
	v0 =	vadd.f32 v53, v1;
	v1 =	vld [tilespmem:$0x1FF70]  }
0xd8: {  	v20 =	vadd.s32 s24, v20;
	[tilespmem:$0x1FC50] =	vst v4;
	v4 =	vld.idx.msk [tilespmem:v39+s15+$0x0], $0xffff  }
0xd9: {  	v20 =	vand.u32 $0x7F, v20;
	v15 =	vld.idx.msk [tilespmem:v39+s16+$0x0], $0xffff;
	[tilespmem:$0x1FC60] =	vst v2;
	v2 =	vadd.f32 v8, v3;
	v30 =	vadd.s32 s24, v30  }
0xda: {  	v55 =	vadd.s32 s24, v61;
	v62 =	vor.u32 v33, v20;
	v57 =	vld.idx.msk [tilespmem:v37+s14+$0x0], $0xffff;
	v30 =	vand.u32 $0x7F, v30  }
0xdb: {  	[tilespmem:$0x1FC70] =	vst v2;
	v2 =	vld [tilespmem:$0x1FFC0];
	v61 =	vor.u32 v33, v30;
	v30 =	vand.u32 $0x7F, v55  }
0xdc: {  	v14 =	vmul.f32 v14, v12;
	[tilespmem:$0x1FC90] =	vst v0;
	v0 =	vld [tilespmem:$0x1FF80];
	v17 =	vmul.f32 v19, v17;
	v19 =	vor.u32 v33, v30  }
0xdd: {  	v1 =	vadd.s32 s24, v1;
	v34 =	vmul.f32 v4, v34;
	v4 =	vld [tilespmem:$0x1FC40]  }
0xde: {  	v60 =	vmul.f32 v59, v14;
	v14 =	vld [tilespmem:$0x1FDA0];
	v1 =	vand.u32 $0x7F, v1  }
0xdf: {  	v31 =	vmul.f32 v32, v31;
	v12 =	vld.idx.msk [tilespmem:v62+s16+$0x0], $0xffff;
	v1 =	vor.u32 v33, v1  }
0xe0: {  	v3 =	vadd.s32 s24, v2;
	v2 =	vld [tilespmem:$0x1FD10]  }
0xe1: {  	v6 =	vmul.f32 v6, v31;
	v0 =	vadd.s32 s24, v0;
	v31 =	vld.idx.msk [tilespmem:v19+s14+$0x0], $0xffff  }
0xe2: {  	v0 =	vand.u32 $0x7F, v0;
	v59 =	vmul.f32 v4, v17;
	v4 =	vld [tilespmem:$0x1FC50]  }
0xe3: {  	v0 =	vor.u32 v33, v0;
	v17 =	vld.idx.msk [tilespmem:v19+s16+$0x0], $0xffff  }
0xe4: {  	v22 =	vld.idx.msk [tilespmem:v1+s16+$0x0], $0xffff  }
0xe5: {  	v39 =	vld.idx.msk [tilespmem:v1+s14+$0x0], $0xffff  }
0xe6: {  	v3 =	vand.u32 $0x7F, v3;
	v40 =	vld.idx.msk [tilespmem:v1+s15+$0x0], $0xffff  }
0xe7: {  	v3 =	vor.u32 v33, v3;
	v1 =	vld [tilespmem:$0x1FD20]  }
0xe8: {  	v26 =	vld.idx.msk [tilespmem:v0+s16+$0x0], $0xffff  }
0xe9: {  	v37 =	vld.idx.msk [tilespmem:v0+s14+$0x0], $0xffff  }
0xea: {  	v38 =	vld.idx.msk [tilespmem:v0+s15+$0x0], $0xffff  }
0xeb: {  	v0 =	vld [tilespmem:$0x1FD00]  }
0xec: {  	v5 =	vor.u32 s24, v2;
	v27 =	vld.idx.msk [tilespmem:v3+s16+$0x0], $0xffff  }
0xed: {  	v25 =	vmul.f32 v25, v57;
	v41 =	vld.idx.msk [tilespmem:v3+s14+$0x0], $0xffff  }
0xee: {  	v42 =	vld.idx.msk [tilespmem:v3+s15+$0x0], $0xffff  }
0xef: {  	v4 =	vmul.f32 v4, v25;
	v25 =	vld.idx.msk [tilespmem:v62+s14+$0x0], $0xffff  }
0xf0: {  	v40 =	vmul.f32 v40, v39;
	v39 =	vld.idx.msk [tilespmem:v61+s15+$0x0], $0xffff  }
0xf1: {  	v2 =	vld.idx.msk [tilespmem:v5+s16+$0x0], $0xffff  }
0xf2: {  	v1 =	vor.u32 s24, v1;
	v43 =	vld.idx.msk [tilespmem:v5+s14+$0x0], $0xffff  }
0xf3: {  	v44 =	vld.idx.msk [tilespmem:v5+s15+$0x0], $0xffff  }
0xf4: {  	v55 =	vmul.f32 v38, v37;
	v37 =	vld.idx.msk [tilespmem:v61+s14+$0x0], $0xffff  }
0xf5: {  	v41 =	vmul.f32 v42, v41;
	v42 =	vor.u32 s24, v14;
	v14 =	vmul.f32 v15, v34;
	v15 =	vld [tilespmem:$0x1FDC0]  }
0xf6: {  	v34 =	vld.idx.msk [tilespmem:v19+s15+$0x0], $0xffff  }
0xf7: {  	v28 =	vld.idx.msk [tilespmem:v1+s16+$0x0], $0xffff  }
0xf8: {  	v0 =	vor.u32 s24, v0;
	v45 =	vld.idx.msk [tilespmem:v1+s14+$0x0], $0xffff  }
0xf9: {  	v46 =	vld.idx.msk [tilespmem:v1+s15+$0x0], $0xffff  }
0xfa: {  	v1 =	vld [tilespmem:$0x1FFA0]  }
0xfb: {  	v57 =	vmul.f32 v26, v55;
	v55 =	vmul.f32 v27, v41;
	v27 =	vld.idx.msk [tilespmem:v62+s15+$0x0], $0xffff  }
0xfc: {  	[tilespmem:$0x1FC80] =	vst v2;
	v2 =	vld [tilespmem:$0x1FD30]  }
0xfd: {  	v35 =	vld.idx.msk [tilespmem:v0+s14+$0x0], $0xffff  }
0xfe: {  	v36 =	vld.idx.msk [tilespmem:v0+s15+$0x0], $0xffff  }
0xff: {  	v38 =	vor.u32 s24, v15;
	v15 =	vld [tilespmem:$0x1FDD0]  }
0x100: {  	v23 =	vld.idx.msk [tilespmem:v0+s16+$0x0], $0xffff  }
0x101: {  	v62 =	vmul.f32 v22, v40;
	v0 =	vld [tilespmem:$0x1FFB0];
	v3 =	vor.u32 s24, v2  }
0x102: {  	v22 =	vmul.f32 v44, v43;
	v1 =	vadd.s32 s24, v1;
	v44 =	vmul.f32 v46, v45;
	v46 =	vld [tilespmem:$0x1FF30]  }
0x103: {  	v2 =	vld [tilespmem:$0x1FF90];
	v1 =	vand.u32 $0x7F, v1  }
0x104: {  	v1 =	vor.u32 v33, v1;
	v40 =	vmul.f32 v36, v35;
	v35 =	vor.u32 s24, v15;
	v15 =	vld.idx.msk [tilespmem:v42+s16+$0x0], $0xffff  }
0x105: {  	v26 =	vld.idx.msk [tilespmem:v38+s16+$0x0], $0xffff  }
0x106: {  	v0 =	vadd.s32 s24, v0;
	v29 =	vld.idx.msk [tilespmem:v3+s16+$0x0], $0xffff  }
0x107: {  	v0 =	vand.u32 $0x7F, v0;
	v47 =	vld.idx.msk [tilespmem:v3+s14+$0x0], $0xffff  }
0x108: {  	v0 =	vor.u32 v33, v0;
	v48 =	vld.idx.msk [tilespmem:v3+s15+$0x0], $0xffff  }
0x109: {  	v5 =	vadd.s32 s24, v2;
	v53 =	vld.idx.msk [tilespmem:v1+s14+$0x0], $0xffff  }
0x10a: {  	v5 =	vand.u32 $0x7F, v5;
	v54 =	vld.idx.msk [tilespmem:v1+s15+$0x0], $0xffff  }
0x10b: {  	v8 =	vor.u32 v33, v5;
	v5 =	vld.idx.msk [tilespmem:v1+s16+$0x0], $0xffff  }
0x10c: {  	v1 =	vld [tilespmem:$0x1FD70]  }
0x10d: {  	v49 =	vld.idx.msk [tilespmem:v0+s16+$0x0], $0xffff  }
0x10e: {  	v3 =	vadd.s32 s24, v52;
	v7 =	vld.idx.msk [tilespmem:v0+s14+$0x0], $0xffff  }
0x10f: {  	v3 =	vand.u32 $0x7F, v3;
	v2 =	vld.idx.msk [tilespmem:v0+s15+$0x0], $0xffff  }
0x110: {  	v3 =	vor.u32 v33, v3;
	v0 =	vld [tilespmem:$0x1FD40]  }
0x111: {  	v43 =	vmul.f32 v48, v47;
	v48 =	vld [tilespmem:$0x1FC60]  }
0x112: {  	v50 =	vld.idx.msk [tilespmem:v8+s16+$0x0], $0xffff  }
0x113: {  	v51 =	vld.idx.msk [tilespmem:v8+s14+$0x0], $0xffff;
	v21 =	vor.u32 s24, v1  }
0x114: {  	v52 =	vld.idx.msk [tilespmem:v8+s15+$0x0], $0xffff  }
0x115: {  	v8 =	vld.idx.msk [tilespmem:v3+s16+$0x0], $0xffff  }
0x116: {  	v24 =	vld.idx.msk [tilespmem:v3+s14+$0x0], $0xffff  }
0x117: {  	v9 =	vor.u32 s24, v0;
	v0 =	vld [tilespmem:$0x1FD50]  }
0x118: {  	v20 =	vld.idx.msk [tilespmem:v21+s14+$0x0], $0xffff  }
0x119: {  	v45 =	vmul.f32 v52, v51;
	v51 =	vld [tilespmem:$0x1FC70]  }
0x11a: {  	v52 =	vmul.f32 v2, v7;
	v2 =	vld [tilespmem:$0x1FDF0]  }
0x11b: {  	v7 =	vmul.f32 v23, v40;
	v23 =	vmul.f32 v28, v44;
	v44 =	vld [tilespmem:$0x1FF40]  }
0x11c: {  	v28 =	vld.idx.msk [tilespmem:v35+s16+$0x0], $0xffff  }
0x11d: {  	v10 =	vor.u32 s24, v0;
	v0 =	vld [tilespmem:$0x1FD60]  }
0x11e: {  	v63 =	vld.idx.msk [tilespmem:v9+s16+$0x0], $0xffff  }
0x11f: {  	v16 =	vld.idx.msk [tilespmem:v9+s14+$0x0], $0xffff  }
0x120: {  	v18 =	vld.idx.msk [tilespmem:v9+s15+$0x0], $0xffff  }
0x121: {  	v40 =	vmul.f32 v54, v53;
	v53 =	vmul.f32 v49, v52;
	v49 =	vld [tilespmem:$0x1FCA0]  }
0x122: {  	v36 =	vor.u32 s24, v2;
	v2 =	vld [tilespmem:$0x1FC80]  }
0x123: {  	v13 =	vor.u32 s24, v0;
	v0 =	vld.idx.msk [tilespmem:v3+s15+$0x0], $0xffff  }
0x124: {  	v58 =	vld.idx.msk [tilespmem:v10+s16+$0x0], $0xffff  }
0x125: {  	v3 =	vld [tilespmem:$0x1FF20]  }
0x126: {  	v9 =	vld.idx.msk [tilespmem:v10+s14+$0x0], $0xffff  }
0x127: {  	v10 =	vld.idx.msk [tilespmem:v10+s15+$0x0], $0xffff  }
0x128: {  	v19 =	vmul.f32 v2, v22;
	v22 =	vld.idx.msk [tilespmem:v42+s14+$0x0], $0xffff  }
0x129: {  	v2 =	vmul.f32 v50, v45;
	v50 =	vld [tilespmem:$0x1FC90]  }
0x12a: {  	v45 =	vld [tilespmem:$0x1FF50];
	v3 =	vadd.s32 s24, v3  }
0x12b: {  	v1 =	vld.idx.msk [tilespmem:v13+s16+$0x0], $0xffff;
	v11 =	vand.u32 $0x7F, v3  }
0x12c: {  	v41 =	vmul.f32 v0, v24;
	v24 =	vld.idx.msk [tilespmem:v42+s15+$0x0], $0xffff;
	v56 =	vor.u32 v33, v11  }
0x12d: {  	p0 =	sne.s32 s24, $0x60;
	v3 =	vld.idx.msk [tilespmem:v21+s16+$0x0], $0xffff  }
.Ltmp0:
0x12e: {  	v21 =	vld.idx.msk [tilespmem:v21+s15+$0x0], $0xffff;
	(pc) =	sbr.rel @p0 .LBB2_3-.Ltmp0, $4  }
0x12f: {  	v11 =	vld.idx.msk [tilespmem:v13+s14+$0x0], $0xffff  }
0x130: {  	v13 =	vld.idx.msk [tilespmem:v13+s15+$0x0], $0xffff  }
0x131: {  	v30 =	vld.idx.msk [tilespmem:v56+s14+$0x0], $0xffff  }
0x132: {  	s21 =	smov.u32 s24;
	v29 =	vmul.f32 v29, v43;
	s24 =	sadd.s32 $0x20, s24;
	v32 =	vld.idx.msk [tilespmem:v56+s15+$0x0], $0xffff  }
0x133: {  	_ =	sdelay $0x3  }
0x134: {  	v5 =	vmul.f32 v5, v40;
	v40 =	vld.idx.msk [tilespmem:v38+s14+$0x0], $0xffff  }
0x135: {  	v47 =	vld [tilespmem:$0x1FF60];
	v54 =	vadd.s32 s21, v45  }
0x136: {  	v16 =	vmul.f32 v18, v16;
	v42 =	vld.idx.msk [tilespmem:v36+s16+$0x0], $0xffff;
	v43 =	vadd.s32 s21, v44;
	v18 =	vand.u32 $0x7F, v54  }
0x137: {  	v44 =	vld.idx.msk [tilespmem:v36+s14+$0x0], $0xffff;
	v0 =	vadd.s32 s21, v46;
	v43 =	vand.u32 $0x7F, v43;
	v18 =	vor.u32 v33, v18  }
0x138: {  	v36 =	vld.idx.msk [tilespmem:v36+s15+$0x0], $0xffff;
	v9 =	vmul.f32 v10, v9;
	v10 =	vand.u32 $0x7F, v0;
	v43 =	vor.u32 v33, v43  }
0x139: {  	v8 =	vmul.f32 v8, v41;
	v45 =	vld.idx.msk [tilespmem:v35+s14+$0x0], $0xffff;
	v10 =	vor.u32 v33, v10  }
0x13a: {  	v20 =	vmul.f32 v21, v20;
	v21 =	vmul.f32 v39, v37;
	v52 =	vadd.s32 s21, v47;
	v47 =	vld.idx.msk [tilespmem:v35+s15+$0x0], $0xffff  }
0x13b: {  	v22 =	vmul.f32 v24, v22;
	v11 =	vmul.f32 v13, v11;
	v41 =	vand.u32 $0x7F, v52;
	v52 =	vld.idx.msk [tilespmem:v38+s15+$0x0], $0xffff  }
0x13c: {  	v54 =	vmul.f32 v27, v25;
	v0 =	vmul.f32 v63, v16;
	v37 =	vld.idx.msk [tilespmem:v18+s14+$0x0], $0xffff  }
0x13d: {  	v14 =	vadd.f32 v14, v48;
	v9 =	vmul.f32 v58, v9;
	v1 =	vmul.f32 v1, v11;
	v11 =	vld.idx.msk [tilespmem:v43+s14+$0x0], $0xffff  }
0x13e: {  	v48 =	vadd.f32 v29, v50;
	v63 =	vmul.f32 v34, v31;
	v38 =	vmul.f32 v36, v44;
	v39 =	vld.idx.msk [tilespmem:v10+s14+$0x0], $0xffff  }
0x13f: {  	v3 =	vmul.f32 v3, v20;
	v6 =	vadd.f32 v6, v14;
	v15 =	vmul.f32 v15, v22;
	v44 =	vld.idx.msk [tilespmem:v10+s15+$0x0], $0xffff  }
0x140: {  	v41 =	vor.u32 v33, v41;
	v10 =	vld.idx.msk [tilespmem:v10+s16+$0x0], $0xffff;
	v42 =	vmul.f32 v42, v38;
	v13 =	vmul.f32 v47, v45  }
0x141: {  	v30 =	vmul.f32 v32, v30;
	v3 =	vadd.f32 v3, v49;
	v4 =	vadd.f32 v4, v6;
	v49 =	vld.idx.msk [tilespmem:v18+s15+$0x0], $0xffff  }
0x142: {  	v47 =	vld.idx.msk [tilespmem:v43+s15+$0x0], $0xffff;
	v20 =	vadd.f32 v42, v51;
	v32 =	vmul.f32 v52, v40;
	v13 =	vmul.f32 v28, v13  }
0x143: {  	v12 =	vmul.f32 v12, v54;
	v1 =	vadd.f32 v1, v3;
	v3 =	vadd.f32 v23, v48;
	v58 =	vld.idx.msk [tilespmem:v18+s16+$0x0], $0xffff  }
0x144: {  	v4 =	vadd.f32 v59, v4;
	v51 =	vld.idx.msk [tilespmem:v43+s16+$0x0], $0xffff;
	v50 =	vmul.f32 v26, v32;
	v13 =	vadd.f32 v13, v20  }
0x145: {  	v17 =	vmul.f32 v17, v63;
	v1 =	vadd.f32 v9, v1;
	v3 =	vadd.f32 v19, v3;
	v25 =	vld.idx.msk [tilespmem:v41+s14+$0x0], $0xffff  }
0x146: {  	v4 =	vadd.f32 v60, v4;
	v52 =	vld.idx.msk [tilespmem:v41+s15+$0x0], $0xffff;
	v54 =	vmul.f32 v44, v39;
	v6 =	vadd.f32 v50, v13  }
0x147: {  	v0 =	vadd.f32 v0, v1;
	v9 =	vmul.f32 v47, v11;
	v11 =	vld.idx.msk [tilespmem:v61+s16+$0x0], $0xffff;
	v61 =	vadd.f32 v7, v3  }
0x148: {  	v4 =	vadd.f32 v55, v4;
	v10 =	vmul.f32 v10, v54;
	v7 =	vld.idx.msk [tilespmem:v56+s16+$0x0], $0xffff;
	v6 =	vadd.f32 v15, v6  }
0x149: {  	v59 =	vld.idx.msk [tilespmem:v41+s16+$0x0], $0xffff;
	v0 =	vadd.f32 v17, v0;
	v1 =	vadd.f32 v8, v61  }
0x14a: {  	v3 =	vmul.f32 v49, v37;
	v9 =	vmul.f32 v51, v9;
	v6 =	vadd.f32 v10, v6  }
0x14b: {  	v0 =	vadd.f32 v12, v0;
	v8 =	vmul.f32 v52, v25;
	v1 =	vadd.f32 v5, v1  }
0x14c: {  	v3 =	vmul.f32 v58, v3;
	v5 =	vmul.f32 v11, v21;
	v6 =	vadd.f32 v9, v6  }
0x14d: {  	v45 =	vld [tilespmem:$0x1FF50];
	v4 =	vadd.f32 v62, v4;
	v62 =	vmul.f32 v7, v30;
	v1 =	vadd.f32 v2, v1  }
0x14e: {  	v55 =	vld [tilespmem:$0x1FFF0];
	v0 =	vadd.f32 v5, v0;
	v3 =	vadd.f32 v3, v6;
	v6 =	vmul.f32 v59, v8  }
0x14f: {  	v4 =	vadd.f32 v57, v4;
	v7 =	vld [tilespmem:$0x1FFE0];
	v1 =	vadd.f32 v53, v1  }
0x150: {  	s3 =	sadd.s32 $0x1, s3;
	v11 =	vld [tilespmem:$0x1FFD0];
	v0 =	vadd.f32 v62, v0;
	v3 =	vadd.f32 v6, v3  }
0x151: {  	p0 =	sne.s32 s3, $0x8;
	v10 =	vld [tilespmem:$0x1FFB0]  }
.Ltmp1:
0x152: {  	v5 =	vld [tilespmem:$0x1FF70];
	v0 =	vadd.f32 v1, v0;
	v63 =	vadd.f32 v3, v4;
	(pc) =	sbr.rel @p0 .LBB2_2-.Ltmp1, $4  }
0x153: {  	v9 =	vld [tilespmem:$0x1FF90]  }
0x154: {  	v8 =	vld [tilespmem:$0x1FFA0];
	v0 =	vadd.f32 v0, v63  }
0x155: {  	v6 =	vld [tilespmem:$0x1FF80]  }
0x156: {  	v4 =	vld [tilespmem:$0x1FFC0];
	[tilespmem:s19+$0x18600] =	vst v0  }
0x157: {  	_ =	swait.ge [sflag:s23], $0x4000  }
0x158: {  	[sflag:s23] =	ssyncset.done $0x0  }
0x159: {  	[sflag:s23] =	ssyncadd.s32 $0xFFFFC000  }
0x15a: {  	_ =	swait.ge [sflag:s23], $0x4000  }
0x15b: {  	[sflag:s23] =	ssyncset.done $0x0  }
0x15c: {  	[sflag:s23] =	ssyncadd.s32 $0xFFFFC000  }
0x15d: {  	_ =	swait.ge [sflag:s23], $0x4000  }
0x15e: {  	[sflag:s23] =	ssyncset.done $0x0  }
0x15f: {  	s3 =	simm.s32 $0x100;
	[sflag:s23] =	ssyncadd.s32 $0xFFFFC000  }
0x160: {  	[tilespmem:s14], [sflag:$0x1] =	stream.indirect.gather [hbm4b:s1+s13], $0x80, s3, s13, $0xb8;
	[tilespmem:$0x18800] =	vst v63  }
0x161: {  	s25 =	simm.s32 $0x300  }
0x162: {  	[tilespmem:s15], [sflag:$0x1] =	stream.indirect.gather [hbm4b:s2+s13], $0x80, s25, s13, $0xb8;
	[tilespmem:$0x18800] =	vst v63  }
0x163: {  	s19 =	simm.s32 $0x0;
	s3 =	simm.s32 $0x0  }
0x164: {  	[tilespmem:s16], [sflag:$0x1] =	stream.indirect.gather [hbm4b:s1+s13], $0x80, s26, s13, $0xb8;
	[tilespmem:$0x18800] =	vst v63  }
.LBB2_6:
0x165: {  	v1 =	vld [tilespmem:$0x1FE00];
	_ =	sdelay $0x1  }
0x166: {  	s21 =	sshll.u32 s19, $0x4  }
0x167: {  	v0 =	vmov s21  }
0x168: {  	v0 =	vshll.u32 v0, $0x7  }
0x169: {  	v33 =	vor.u32 v1, v0;
	v0 =	vld [tilespmem:$0x1FF00];
	_ =	sdelay $0x4  }
0x16a: {  	v1 =	vor.u32 v0, v33;
	v0 =	vld [tilespmem:$0x1FEC0];
	_ =	sdelay $0x4  }
0x16b: {  	[tilespmem:$0x1FAF0] =	vst v1;
	v2 =	vor.u32 v0, v33;
	v0 =	vor.u32 s3, v1  }
0x16c: {  	[tilespmem:$0x1FB00] =	vst v2;
	v1 =	vor.u32 s3, v2;
	v2 =	vld [tilespmem:$0x1FE80];
	_ =	sdelay $0x3  }
0x16d: {  	v3 =	vld.idx.msk [tilespmem:v0+s22+$0x0], $0xffff  }
0x16e: {  	v2 =	vor.u32 v2, v33;
	v12 =	vld.idx.msk [tilespmem:v1+s22+$0x0], $0xffff  }
0x16f: {  	v47 =	vld.idx.msk [tilespmem:v0+s18+$0x0], $0xffff;
	[tilespmem:$0x1FB10] =	vst v2;
	v2 =	vor.u32 s3, v2  }
0x170: {  	v15 =	vld.idx.msk [tilespmem:v1+s18+$0x0], $0xffff  }
0x171: {  	v17 =	vld.idx.msk [tilespmem:v1+s20+$0x0], $0xffff;
	v1 =	vadd.s32 s3, v6  }
0x172: {  	v1 =	vand.u32 $0x7F, v1;
	[tilespmem:$0x1FBC0] =	vst v3;
	v3 =	vld [tilespmem:$0x1FE40]  }
0x173: {  	v1 =	vor.u32 v33, v1;
	[tilespmem:$0x1FBD0] =	vst v12;
	v12 =	vld.idx.msk [tilespmem:v0+s20+$0x0], $0xffff  }
0x174: {  	v13 =	vld.idx.msk [tilespmem:v2+s22+$0x0], $0xffff  }
0x175: {  	v0 =	vlaneseq.u32;
	v21 =	vld.idx.msk [tilespmem:v2+s18+$0x0], $0xffff  }
0x176: {  	v0 =	vor.u32 v0, v33;
	v57 =	vld.idx.msk [tilespmem:v2+s20+$0x0], $0xffff  }
0x177: {  	v2 =	vld [tilespmem:$0x1FEF0];
	[tilespmem:$0x1FB30] =	vst v0;
	v0 =	vor.u32 s3, v0;
	v3 =	vor.u32 v3, v33  }
0x178: {  	v56 =	vld.idx.msk [tilespmem:v1+s22+$0x0], $0xffff;
	[tilespmem:$0x1FB20] =	vst v3;
	v3 =	vor.u32 s3, v3  }
0x179: {  	v27 =	vld.idx.msk [tilespmem:v1+s18+$0x0], $0xffff  }
0x17a: {  	v60 =	vld.idx.msk [tilespmem:v1+s20+$0x0], $0xffff  }
0x17b: {  	v1 =	vld [tilespmem:$0x1FEB0]  }
0x17c: {  	v5 =	vadd.s32 s3, v5;
	v50 =	vld.idx.msk [tilespmem:v0+s22+$0x0], $0xffff  }
0x17d: {  	v5 =	vand.u32 $0x7F, v5;
	v62 =	vld.idx.msk [tilespmem:v3+s22+$0x0], $0xffff  }
0x17e: {  	v5 =	vor.u32 v33, v5;
	v20 =	vld.idx.msk [tilespmem:v3+s18+$0x0], $0xffff  }
0x17f: {  	v59 =	vld.idx.msk [tilespmem:v3+s20+$0x0], $0xffff;
	v3 =	vadd.s32 s3, v4  }
0x180: {  	v24 =	vld.idx.msk [tilespmem:v0+s18+$0x0], $0xffff;
	v3 =	vand.u32 $0x7F, v3  }
0x181: {  	v2 =	vor.u32 v2, v33;
	v25 =	vld.idx.msk [tilespmem:v0+s20+$0x0], $0xffff;
	v0 =	vor.u32 v33, v3  }
0x182: {  	[tilespmem:$0x1FB40] =	vst v2;
	v3 =	vor.u32 v1, v33;
	v1 =	vor.u32 s3, v2;
	v2 =	vld [tilespmem:$0x1FE70]  }
0x183: {  	v43 =	vld.idx.msk [tilespmem:v5+s22+$0x0], $0xffff  }
0x184: {  	v19 =	vld.idx.msk [tilespmem:v5+s18+$0x0], $0xffff  }
0x185: {  	v6 =	vld.idx.msk [tilespmem:v5+s20+$0x0], $0xffff  }
0x186: {  	v22 =	vld.idx.msk [tilespmem:v0+s22+$0x0], $0xffff  }
0x187: {  	v2 =	vor.u32 v2, v33;
	v34 =	vld.idx.msk [tilespmem:v0+s18+$0x0], $0xffff  }
0x188: {  	v14 =	vld.idx.msk [tilespmem:v0+s20+$0x0], $0xffff;
	v5 =	vor.u32 s3, v2  }
0x189: {  	v36 =	vld.idx.msk [tilespmem:v1+s22+$0x0], $0xffff  }
0x18a: {  	v0 =	vld [tilespmem:$0x1FE30]  }
0x18b: {  	v38 =	vld.idx.msk [tilespmem:v1+s18+$0x0], $0xffff  }
0x18c: {  	v61 =	vld.idx.msk [tilespmem:v1+s20+$0x0], $0xffff  }
0x18d: {  	[tilespmem:$0x1FB50] =	vst v3;
	v3 =	vor.u32 s3, v3;
	v1 =	vld.idx.msk [tilespmem:v5+s22+$0x0], $0xffff;
	_ =	sdelay $0x4  }
0x18e: {  	v37 =	vld.idx.msk [tilespmem:v3+s22+$0x0], $0xffff;
	v0 =	vor.u32 v0, v33;
	[tilespmem:$0x1FC20] =	vst v1;
	v1 =	vadd.s32 s3, v10  }
0x18f: {  	v40 =	vld.idx.msk [tilespmem:v3+s18+$0x0], $0xffff;
	[tilespmem:$0x1FB70] =	vst v0;
	v0 =	vor.u32 s3, v0;
	v1 =	vand.u32 $0x7F, v1  }
0x190: {  	v41 =	vld.idx.msk [tilespmem:v3+s20+$0x0], $0xffff;
	v1 =	vor.u32 v33, v1  }
0x191: {  	[tilespmem:$0x1FB60] =	vst v2;
	v2 =	vld [tilespmem:$0x1FF10]  }
0x192: {  	v48 =	vld.idx.msk [tilespmem:v5+s18+$0x0], $0xffff  }
0x193: {  	v49 =	vld.idx.msk [tilespmem:v5+s20+$0x0], $0xffff  }
0x194: {  	v51 =	vld.idx.msk [tilespmem:v0+s22+$0x0], $0xffff  }
0x195: {  	v54 =	vld.idx.msk [tilespmem:v1+s22+$0x0], $0xffff  }
0x196: {  	v3 =	vadd.s32 s3, v9;
	v35 =	vld.idx.msk [tilespmem:v1+s18+$0x0], $0xffff  }
0x197: {  	v3 =	vand.u32 $0x7F, v3;
	v30 =	vld.idx.msk [tilespmem:v1+s20+$0x0], $0xffff  }
0x198: {  	v3 =	vor.u32 v33, v3;
	v5 =	vadd.s32 s3, v8;
	v1 =	vld [tilespmem:$0x1FEE0]  }
0x199: {  	v5 =	vand.u32 $0x7F, v5;
	v52 =	vld.idx.msk [tilespmem:v0+s18+$0x0], $0xffff  }
0x19a: {  	v53 =	vld.idx.msk [tilespmem:v0+s20+$0x0], $0xffff;
	v0 =	vor.u32 v33, v5;
	_ =	sdelay $0x2  }
0x19b: {  	v42 =	vld.idx.msk [tilespmem:v3+s22+$0x0], $0xffff;
	v5 =	vadd.s32 s3, v2;
	v1 =	vor.u32 v1, v33  }
0x19c: {  	v2 =	vld [tilespmem:$0x1FEA0];
	v5 =	vand.u32 $0x7F, v5;
	[tilespmem:$0x1FB80] =	vst v1;
	v1 =	vor.u32 s3, v1  }
0x19d: {  	v9 =	vor.u32 v33, v5;
	v5 =	vld.idx.msk [tilespmem:v0+s22+$0x0], $0xffff  }
0x19e: {  	v32 =	vld.idx.msk [tilespmem:v0+s18+$0x0], $0xffff  }
0x19f: {  	v39 =	vld.idx.msk [tilespmem:v0+s20+$0x0], $0xffff  }
0x1a0: {  	v0 =	vld [tilespmem:$0x1FE60]  }
0x1a1: {  	v63 =	vld.idx.msk [tilespmem:v1+s22+$0x0], $0xffff  }
0x1a2: {  	v16 =	vld.idx.msk [tilespmem:v1+s18+$0x0], $0xffff  }
0x1a3: {  	v18 =	vld.idx.msk [tilespmem:v1+s20+$0x0], $0xffff  }
0x1a4: {  	v1 =	vld [tilespmem:$0x1FE20]  }
0x1a5: {  	v23 =	vld.idx.msk [tilespmem:v3+s18+$0x0], $0xffff;
	v2 =	vor.u32 v2, v33  }
0x1a6: {  	v26 =	vld.idx.msk [tilespmem:v3+s20+$0x0], $0xffff;
	v3 =	vor.u32 s3, v2  }
0x1a7: {  	v8 =	vld.idx.msk [tilespmem:v9+s22+$0x0], $0xffff  }
0x1a8: {  	[tilespmem:$0x1FBF0] =	vst v13;
	v28 =	vld.idx.msk [tilespmem:v9+s18+$0x0], $0xffff  }
0x1a9: {  	[tilespmem:$0x1FB90] =	vst v2;
	v2 =	vor.u32 v0, v33;
	v0 =	vld [tilespmem:$0x1FBC0];
	v1 =	vor.u32 v1, v33  }
0x1aa: {  	v29 =	vld.idx.msk [tilespmem:v9+s20+$0x0], $0xffff;
	[tilespmem:$0x1FBA0] =	vst v2;
	v13 =	vor.u32 s3, v2;
	v2 =	vor.u32 s3, v1  }
0x1ab: {  	v58 =	vld.idx.msk [tilespmem:v3+s22+$0x0], $0xffff  }
0x1ac: {  	v12 =	vmul.f32 v12, v47;
	v9 =	vld.idx.msk [tilespmem:v3+s18+$0x0], $0xffff;
	[tilespmem:$0x1FBB0] =	vst v1;
	v1 =	vadd.s32 s3, v11  }
0x1ad: {  	v31 =	vmul.f32 v60, v27;
	v10 =	vld.idx.msk [tilespmem:v3+s20+$0x0], $0xffff;
	v3 =	vand.u32 $0x7F, v1  }
0x1ae: {  	v60 =	vmul.f32 v0, v12;
	v0 =	vld [tilespmem:$0x1FBD0];
	v4 =	vor.u32 v33, v3;
	v3 =	vadd.s32 s3, v7  }
0x1af: {  	v15 =	vmul.f32 v17, v15;
	v17 =	vand.u32 $0x7F, v3;
	v3 =	vld.idx.msk [tilespmem:v2+s22+$0x0], $0xffff  }
0x1b0: {  	v44 =	vmul.f32 v59, v20;
	v20 =	vld.idx.msk [tilespmem:v2+s18+$0x0], $0xffff  }
0x1b1: {  	v7 =	vor.u32 v33, v17;
	v17 =	vmul.f32 v57, v21;
	v21 =	vld.idx.msk [tilespmem:v2+s20+$0x0], $0xffff  }
0x1b2: {  	v2 =	vld [tilespmem:$0x1FED0]  }
0x1b3: {  	v12 =	vld.idx.msk [tilespmem:v4+s22+$0x0], $0xffff  }
0x1b4: {  	v24 =	vmul.f32 v25, v24;
	v25 =	vld.idx.msk [tilespmem:v4+s18+$0x0], $0xffff  }
0x1b5: {  	v27 =	vld.idx.msk [tilespmem:v4+s20+$0x0], $0xffff  }
0x1b6: {  	v4 =	vld [tilespmem:$0x1FF20];
	_ =	sdelay $0x2  }
0x1b7: {  	v19 =	vmul.f32 v6, v19  }
0x1b8: {  	v6 =	vmul.f32 v62, v44;
	v59 =	vmul.f32 v0, v15;
	v0 =	vld [tilespmem:$0x1FBF0];
	v2 =	vor.u32 v2, v33  }
0x1b9: {  	v15 =	vmul.f32 v14, v34;
	[tilespmem:$0x1FBE0] =	vst v2;
	v2 =	vor.u32 s3, v2;
	v62 =	vadd.s32 s3, v4  }
0x1ba: {  	v14 =	vmul.f32 v50, v24;
	v57 =	vmul.f32 v56, v31;
	v31 =	vld.idx.msk [tilespmem:v7+s18+$0x0], $0xffff;
	v24 =	vand.u32 $0x7F, v62  }
0x1bb: {  	v56 =	vor.u32 v33, v24;
	v24 =	vadd.s32 s3, v55;
	v55 =	vmul.f32 v22, v15;
	v22 =	vld [tilespmem:$0x1FE90]  }
0x1bc: {  	v34 =	vld.idx.msk [tilespmem:v7+s20+$0x0], $0xffff  }
0x1bd: {  	v4 =	vmul.f32 v0, v17;
	v17 =	vld.idx.msk [tilespmem:v7+s22+$0x0], $0xffff;
	v15 =	vand.u32 $0x7F, v24  }
0x1be: {  	v7 =	vmul.f32 v61, v38;
	v61 =	vor.u32 v33, v15;
	v15 =	vld.idx.msk [tilespmem:v2+s22+$0x0], $0xffff  }
0x1bf: {  	v24 =	vld.idx.msk [tilespmem:v2+s20+$0x0], $0xffff  }
0x1c0: {  	v47 =	vmul.f32 v49, v48;
	v48 =	vor.u32 v22, v33;
	v22 =	vld.idx.msk [tilespmem:v2+s18+$0x0], $0xffff  }
0x1c1: {  	v2 =	vld [tilespmem:$0x1FE50];
	_ =	sdelay $0x3  }
0x1c2: {  	v26 =	vmul.f32 v26, v23;
	v11 =	vld.idx.msk [tilespmem:v13+s18+$0x0], $0xffff  }
0x1c3: {  	v1 =	vld.idx.msk [tilespmem:v13+s22+$0x0], $0xffff;
	v2 =	vor.u32 v2, v33  }
0x1c4: {  	v49 =	vmul.f32 v30, v35;
	[tilespmem:$0x1FC10] =	vst v2;
	v35 =	vor.u32 s3, v2;
	v2 =	vmul.f32 v42, v26;
	v26 =	vld [tilespmem:$0x1FE10]  }
0x1c5: {  	v13 =	vld.idx.msk [tilespmem:v13+s20+$0x0], $0xffff  }
0x1c6: {  	v0 =	vld [tilespmem:$0x1FC20]  }
0x1c7: {  	v62 =	vmul.f32 v43, v19;
	v19 =	vmul.f32 v41, v40;
	v30 =	vld.idx.msk [tilespmem:v56+s18+$0x0], $0xffff;
	v38 =	vor.u32 s3, v48  }
0x1c8: {  	v44 =	vmul.f32 v53, v52;
	v40 =	vmul.f32 v39, v32;
	v32 =	vld.idx.msk [tilespmem:v56+s20+$0x0], $0xffff  }
0x1c9: {  	v52 =	vmul.f32 v54, v49;
	v19 =	vmul.f32 v37, v19;
	v37 =	vld.idx.msk [tilespmem:v61+s18+$0x0], $0xffff;
	v26 =	vor.u32 v26, v33  }
0x1ca: {  	v49 =	vimm.f32 $0.0e+00;
	v7 =	vmul.f32 v36, v7;
	v39 =	vld.idx.msk [tilespmem:v61+s20+$0x0], $0xffff;
	v36 =	vor.u32 s3, v26  }
0x1cb: {  	v50 =	vimm.f32 $0.0e+00;
	v41 =	vmul.f32 v29, v28;
	v28 =	vmul.f32 v51, v44;
	[tilespmem:$0x1FC00] =	vst v48;
	v29 =	vld.idx.msk [tilespmem:v35+s22+$0x0], $0xffff  }
0x1cc: {  	s25 =	simm.s32 $0x20;
	s24 =	simm.s32 $0x0;
	v51 =	vimm.f32 $0.0e+00;
	v23 =	vmul.f32 v0, v47;
	v48 =	vimm.f32 $0.0e+00;
	[tilespmem:$0x1FC30] =	vst v26;
	v26 =	vld.idx.msk [tilespmem:v38+s22+$0x0], $0xffff  }
.LBB2_7:
0x1cd: {  	v42 =	vld.idx.msk [tilespmem:v38+s18+$0x0], $0xffff  }
0x1ce: {  	v47 =	vld [tilespmem:$0x1FF60]  }
0x1cf: {  	v43 =	vld.idx.msk [tilespmem:v36+s18+$0x0], $0xffff  }
0x1d0: {  	v44 =	vld [tilespmem:$0x1FF40]  }
0x1d1: {  	v54 =	vld.idx.msk [tilespmem:v35+s18+$0x0], $0xffff  }
0x1d2: {  	v8 =	vmul.f32 v8, v41;
	v41 =	vld.idx.msk [tilespmem:v36+s22+$0x0], $0xffff  }
0x1d3: {  	v36 =	vld.idx.msk [tilespmem:v36+s20+$0x0], $0xffff  }
0x1d4: {  	v16 =	vmul.f32 v18, v16;
	v18 =	vadd.s32 s24, v45;
	v20 =	vmul.f32 v21, v20;
	v21 =	vld.idx.msk [tilespmem:v35+s20+$0x0], $0xffff  }
0x1d5: {  	v53 =	vadd.s32 s24, v46;
	v11 =	vmul.f32 v13, v11;
	v13 =	vld.idx.msk [tilespmem:v38+s20+$0x0], $0xffff;
	v18 =	vand.u32 $0x7F, v18  }
0x1d6: {  	v9 =	vmul.f32 v10, v9;
	v45 =	vld [tilespmem:$0x1FB00];
	v10 =	vand.u32 $0x7F, v53;
	v18 =	vor.u32 v33, v18  }
0x1d7: {  	v5 =	vmul.f32 v5, v40;
	v40 =	vadd.s32 s24, v47;
	v47 =	vld [tilespmem:$0x1FB10];
	v10 =	vor.u32 v33, v10  }
0x1d8: {  	v0 =	vmul.f32 v63, v16;
	v16 =	vmul.f32 v27, v25;
	v27 =	vld [tilespmem:$0x1FAF0]  }
0x1d9: {  	v44 =	vadd.s32 s24, v44;
	v9 =	vmul.f32 v58, v9;
	v58 =	vld [tilespmem:$0x1FB30]  }
0x1da: {  	v44 =	vand.u32 $0x7F, v44;
	v16 =	vmul.f32 v12, v16;
	v12 =	vld [tilespmem:$0x1FB20]  }
0x1db: {  	v44 =	vor.u32 v33, v44;
	v63 =	vld.idx.msk [tilespmem:v18+s18+$0x0], $0xffff  }
0x1dc: {  	v40 =	vand.u32 $0x7F, v40;
	v3 =	vmul.f32 v3, v20;
	v20 =	vld.idx.msk [tilespmem:v10+s18+$0x0], $0xffff  }
0x1dd: {  	v40 =	vor.u32 v33, v40;
	v21 =	vmul.f32 v21, v54;
	v54 =	vld.idx.msk [tilespmem:v10+s20+$0x0], $0xffff  }
0x1de: {  	v31 =	vmul.f32 v34, v31;
	v10 =	vld.idx.msk [tilespmem:v10+s22+$0x0], $0xffff  }
0x1df: {  	v14 =	vadd.f32 v14, v48;
	v22 =	vmul.f32 v24, v22;
	v36 =	vmul.f32 v36, v43;
	v24 =	vld.idx.msk [tilespmem:v18+s20+$0x0], $0xffff  }
0x1e0: {  	v28 =	vadd.f32 v28, v50;
	v1 =	vmul.f32 v1, v11;
	v3 =	vadd.f32 v3, v49;
	v11 =	vld.idx.msk [tilespmem:v44+s18+$0x0], $0xffff  }
0x1e1: {  	v17 =	vmul.f32 v17, v31;
	v31 =	vld.idx.msk [tilespmem:v44+s20+$0x0], $0xffff;
	v53 =	vor.u32 s25, v12;
	v12 =	vmul.f32 v41, v36  }
0x1e2: {  	v1 =	vadd.f32 v1, v3;
	v3 =	vadd.f32 v23, v28;
	v25 =	vld.idx.msk [tilespmem:v40+s18+$0x0], $0xffff  }
0x1e3: {  	v6 =	vadd.f32 v6, v14;
	v21 =	vmul.f32 v29, v21;
	v14 =	vld.idx.msk [tilespmem:v44+s22+$0x0], $0xffff;
	v12 =	vadd.f32 v12, v51  }
0x1e4: {  	v3 =	vadd.f32 v19, v3;
	v19 =	vld.idx.msk [tilespmem:v56+s22+$0x0], $0xffff  }
0x1e5: {  	v13 =	vmul.f32 v13, v42;
	v12 =	vadd.f32 v21, v12;
	v21 =	vld.idx.msk [tilespmem:v40+s20+$0x0], $0xffff  }
0x1e6: {  	v27 =	vor.u32 s25, v27;
	v1 =	vadd.f32 v9, v1;
	v9 =	vmul.f32 v31, v11;
	v11 =	vld.idx.msk [tilespmem:v61+s22+$0x0], $0xffff  }
0x1e7: {  	v34 =	vor.u32 s25, v45;
	v61 =	vld [tilespmem:$0x1FFE0]  }
0x1e8: {  	v13 =	vmul.f32 v26, v13;
	v31 =	vld.idx.msk [tilespmem:v53+s18+$0x0], $0xffff  }
0x1e9: {  	v30 =	vmul.f32 v32, v30;
	v4 =	vadd.f32 v4, v6;
	v32 =	vld.idx.msk [tilespmem:v53+s20+$0x0], $0xffff  }
0x1ea: {  	v6 =	vadd.f32 v13, v12;
	v13 =	vld.idx.msk [tilespmem:v18+s22+$0x0], $0xffff  }
0x1eb: {  	v18 =	vadd.f32 v59, v4;
	v59 =	vld.idx.msk [tilespmem:v27+s22+$0x0], $0xffff  }
0x1ec: {  	v35 =	vmul.f32 v39, v37;
	v37 =	vor.u32 s25, v47;
	v0 =	vadd.f32 v0, v1;
	v4 =	vld.idx.msk [tilespmem:v34+s22+$0x0], $0xffff  }
0x1ed: {  	v15 =	vmul.f32 v15, v22;
	v1 =	vadd.f32 v7, v3;
	v9 =	vmul.f32 v14, v9;
	v14 =	vld.idx.msk [tilespmem:v27+s20+$0x0], $0xffff  }
0x1ee: {  	v0 =	vadd.f32 v17, v0;
	v12 =	vmul.f32 v54, v20;
	v20 =	vld [tilespmem:$0x1FFD0]  }
0x1ef: {  	v1 =	vadd.f32 v8, v1;
	v6 =	vadd.f32 v15, v6;
	v15 =	vld.idx.msk [tilespmem:v40+s22+$0x0], $0xffff  }
0x1f0: {  	v39 =	vor.u32 s25, v58;
	v10 =	vmul.f32 v10, v12;
	v12 =	vld.idx.msk [tilespmem:v27+s18+$0x0], $0xffff  }
0x1f1: {  	v0 =	vadd.f32 v16, v0;
	v1 =	vadd.f32 v5, v1;
	v8 =	vmul.f32 v21, v25;
	v25 =	vld.idx.msk [tilespmem:v37+s20+$0x0], $0xffff  }
0x1f2: {  	v7 =	vadd.f32 v60, v18;
	v5 =	vmul.f32 v11, v35;
	v10 =	vadd.f32 v10, v6;
	v6 =	vld.idx.msk [tilespmem:v53+s22+$0x0], $0xffff  }
0x1f3: {  	v3 =	vmul.f32 v24, v63;
	[tilespmem:$0x1FA80] =	vst v4;
	v4 =	vld.idx.msk [tilespmem:v37+s22+$0x0], $0xffff  }
0x1f4: {  	v17 =	vadd.f32 v55, v7;
	v0 =	vadd.f32 v5, v0;
	v5 =	vmul.f32 v19, v30;
	v19 =	vld.idx.msk [tilespmem:v34+s20+$0x0], $0xffff  }
0x1f5: {  	v1 =	vadd.f32 v2, v1;
	v3 =	vmul.f32 v13, v3;
	v30 =	vld [tilespmem:$0x1FFF0];
	v9 =	vadd.f32 v9, v10  }
0x1f6: {  	v10 =	vadd.f32 v62, v17;
	v17 =	vld.idx.msk [tilespmem:v34+s18+$0x0], $0xffff;
	v0 =	vadd.f32 v5, v0  }
0x1f7: {  	v34 =	vld.idx.msk [tilespmem:v39+s18+$0x0], $0xffff;
	v3 =	vadd.f32 v3, v9  }
0x1f8: {  	v8 =	vmul.f32 v15, v8;
	v2 =	vadd.f32 v57, v10;
	[tilespmem:$0x1FAE0] =	vst v0;
	v0 =	vadd.f32 v52, v1;
	v1 =	vld [tilespmem:$0x1FF70]  }
0x1f9: {  	v20 =	vadd.s32 s25, v20;
	[tilespmem:$0x1FA90] =	vst v4;
	v4 =	vld.idx.msk [tilespmem:v39+s20+$0x0], $0xffff  }
0x1fa: {  	v20 =	vand.u32 $0x7F, v20;
	v15 =	vld.idx.msk [tilespmem:v39+s22+$0x0], $0xffff;
	[tilespmem:$0x1FAA0] =	vst v2;
	v2 =	vadd.f32 v8, v3;
	v30 =	vadd.s32 s25, v30  }
0x1fb: {  	v55 =	vadd.s32 s25, v61;
	v62 =	vor.u32 v33, v20;
	v57 =	vld.idx.msk [tilespmem:v37+s18+$0x0], $0xffff;
	v30 =	vand.u32 $0x7F, v30  }
0x1fc: {  	[tilespmem:$0x1FAB0] =	vst v2;
	v2 =	vld [tilespmem:$0x1FFC0];
	v61 =	vor.u32 v33, v30;
	v30 =	vand.u32 $0x7F, v55  }
0x1fd: {  	v14 =	vmul.f32 v14, v12;
	[tilespmem:$0x1FAD0] =	vst v0;
	v0 =	vld [tilespmem:$0x1FF80];
	v17 =	vmul.f32 v19, v17;
	v19 =	vor.u32 v33, v30  }
0x1fe: {  	v1 =	vadd.s32 s25, v1;
	v34 =	vmul.f32 v4, v34;
	v4 =	vld [tilespmem:$0x1FA80]  }
0x1ff: {  	v60 =	vmul.f32 v59, v14;
	v14 =	vld [tilespmem:$0x1FBE0];
	v1 =	vand.u32 $0x7F, v1  }
0x200: {  	v31 =	vmul.f32 v32, v31;
	v12 =	vld.idx.msk [tilespmem:v62+s22+$0x0], $0xffff;
	v1 =	vor.u32 v33, v1  }
0x201: {  	v3 =	vadd.s32 s25, v2;
	v2 =	vld [tilespmem:$0x1FB50]  }
0x202: {  	v6 =	vmul.f32 v6, v31;
	v0 =	vadd.s32 s25, v0;
	v31 =	vld.idx.msk [tilespmem:v19+s18+$0x0], $0xffff  }
0x203: {  	v0 =	vand.u32 $0x7F, v0;
	v59 =	vmul.f32 v4, v17;
	v4 =	vld [tilespmem:$0x1FA90]  }
0x204: {  	v0 =	vor.u32 v33, v0;
	v17 =	vld.idx.msk [tilespmem:v19+s22+$0x0], $0xffff  }
0x205: {  	v22 =	vld.idx.msk [tilespmem:v1+s22+$0x0], $0xffff  }
0x206: {  	v39 =	vld.idx.msk [tilespmem:v1+s18+$0x0], $0xffff  }
0x207: {  	v3 =	vand.u32 $0x7F, v3;
	v40 =	vld.idx.msk [tilespmem:v1+s20+$0x0], $0xffff  }
0x208: {  	v3 =	vor.u32 v33, v3;
	v1 =	vld [tilespmem:$0x1FB60]  }
0x209: {  	v26 =	vld.idx.msk [tilespmem:v0+s22+$0x0], $0xffff  }
0x20a: {  	v37 =	vld.idx.msk [tilespmem:v0+s18+$0x0], $0xffff  }
0x20b: {  	v38 =	vld.idx.msk [tilespmem:v0+s20+$0x0], $0xffff  }
0x20c: {  	v0 =	vld [tilespmem:$0x1FB40]  }
0x20d: {  	v5 =	vor.u32 s25, v2;
	v27 =	vld.idx.msk [tilespmem:v3+s22+$0x0], $0xffff  }
0x20e: {  	v25 =	vmul.f32 v25, v57;
	v41 =	vld.idx.msk [tilespmem:v3+s18+$0x0], $0xffff  }
0x20f: {  	v42 =	vld.idx.msk [tilespmem:v3+s20+$0x0], $0xffff  }
0x210: {  	v4 =	vmul.f32 v4, v25;
	v25 =	vld.idx.msk [tilespmem:v62+s18+$0x0], $0xffff  }
0x211: {  	v40 =	vmul.f32 v40, v39;
	v39 =	vld.idx.msk [tilespmem:v61+s20+$0x0], $0xffff  }
0x212: {  	v2 =	vld.idx.msk [tilespmem:v5+s22+$0x0], $0xffff  }
0x213: {  	v1 =	vor.u32 s25, v1;
	v43 =	vld.idx.msk [tilespmem:v5+s18+$0x0], $0xffff  }
0x214: {  	v44 =	vld.idx.msk [tilespmem:v5+s20+$0x0], $0xffff  }
0x215: {  	v55 =	vmul.f32 v38, v37;
	v37 =	vld.idx.msk [tilespmem:v61+s18+$0x0], $0xffff  }
0x216: {  	v41 =	vmul.f32 v42, v41;
	v42 =	vor.u32 s25, v14;
	v14 =	vmul.f32 v15, v34;
	v15 =	vld [tilespmem:$0x1FC00]  }
0x217: {  	v34 =	vld.idx.msk [tilespmem:v19+s20+$0x0], $0xffff  }
0x218: {  	v29 =	vld.idx.msk [tilespmem:v1+s22+$0x0], $0xffff  }
0x219: {  	v0 =	vor.u32 s25, v0;
	v45 =	vld.idx.msk [tilespmem:v1+s18+$0x0], $0xffff  }
0x21a: {  	v46 =	vld.idx.msk [tilespmem:v1+s20+$0x0], $0xffff  }
0x21b: {  	v1 =	vld [tilespmem:$0x1FFA0]  }
0x21c: {  	v57 =	vmul.f32 v26, v55;
	v55 =	vmul.f32 v27, v41;
	v27 =	vld.idx.msk [tilespmem:v62+s20+$0x0], $0xffff  }
0x21d: {  	[tilespmem:$0x1FAC0] =	vst v2;
	v2 =	vld [tilespmem:$0x1FB70]  }
0x21e: {  	v35 =	vld.idx.msk [tilespmem:v0+s18+$0x0], $0xffff  }
0x21f: {  	v36 =	vld.idx.msk [tilespmem:v0+s20+$0x0], $0xffff  }
0x220: {  	v38 =	vor.u32 s25, v15;
	v15 =	vld [tilespmem:$0x1FC10]  }
0x221: {  	v23 =	vld.idx.msk [tilespmem:v0+s22+$0x0], $0xffff  }
0x222: {  	v62 =	vmul.f32 v22, v40;
	v0 =	vld [tilespmem:$0x1FFB0];
	v3 =	vor.u32 s25, v2  }
0x223: {  	v22 =	vmul.f32 v44, v43;
	v44 =	vmul.f32 v46, v45;
	v46 =	vld [tilespmem:$0x1FF30]  }
0x224: {  	v1 =	vadd.s32 s25, v1;
	v2 =	vld [tilespmem:$0x1FF90]  }
0x225: {  	v1 =	vand.u32 $0x7F, v1;
	v40 =	vmul.f32 v36, v35;
	v35 =	vor.u32 s25, v15;
	v15 =	vld.idx.msk [tilespmem:v42+s22+$0x0], $0xffff  }
0x226: {  	v1 =	vor.u32 v33, v1;
	v26 =	vld.idx.msk [tilespmem:v38+s22+$0x0], $0xffff  }
0x227: {  	v28 =	vld.idx.msk [tilespmem:v3+s22+$0x0], $0xffff  }
0x228: {  	v0 =	vadd.s32 s25, v0;
	v47 =	vld.idx.msk [tilespmem:v3+s18+$0x0], $0xffff  }
0x229: {  	v0 =	vand.u32 $0x7F, v0;
	v48 =	vld.idx.msk [tilespmem:v3+s20+$0x0], $0xffff  }
0x22a: {  	v0 =	vor.u32 v33, v0;
	v5 =	vadd.s32 s25, v2;
	v2 =	vld [tilespmem:$0x1FF10]  }
0x22b: {  	v53 =	vld.idx.msk [tilespmem:v1+s18+$0x0], $0xffff  }
0x22c: {  	v5 =	vand.u32 $0x7F, v5;
	v54 =	vld.idx.msk [tilespmem:v1+s20+$0x0], $0xffff  }
0x22d: {  	v8 =	vor.u32 v33, v5;
	v5 =	vld.idx.msk [tilespmem:v1+s22+$0x0], $0xffff  }
0x22e: {  	v1 =	vld [tilespmem:$0x1FBB0]  }
0x22f: {  	v49 =	vld.idx.msk [tilespmem:v0+s22+$0x0], $0xffff  }
0x230: {  	v7 =	vld.idx.msk [tilespmem:v0+s18+$0x0], $0xffff  }
0x231: {  	v3 =	vadd.s32 s25, v2;
	v2 =	vld.idx.msk [tilespmem:v0+s20+$0x0], $0xffff  }
0x232: {  	v0 =	vld [tilespmem:$0x1FB80]  }
0x233: {  	v43 =	vmul.f32 v48, v47;
	v48 =	vld [tilespmem:$0x1FAA0];
	v3 =	vand.u32 $0x7F, v3  }
0x234: {  	v50 =	vld.idx.msk [tilespmem:v8+s22+$0x0], $0xffff;
	v3 =	vor.u32 v33, v3  }
0x235: {  	v51 =	vld.idx.msk [tilespmem:v8+s18+$0x0], $0xffff  }
0x236: {  	v52 =	vld.idx.msk [tilespmem:v8+s20+$0x0], $0xffff;
	v21 =	vor.u32 s25, v1  }
0x237: {  	v28 =	vmul.f32 v28, v43;
	v43 =	vld [tilespmem:$0x1FF40]  }
0x238: {  	v9 =	vor.u32 s25, v0;
	v0 =	vld [tilespmem:$0x1FB90]  }
0x239: {  	v8 =	vld.idx.msk [tilespmem:v3+s22+$0x0], $0xffff  }
0x23a: {  	v24 =	vld.idx.msk [tilespmem:v3+s18+$0x0], $0xffff  }
0x23b: {  	v20 =	vld.idx.msk [tilespmem:v21+s18+$0x0], $0xffff  }
0x23c: {  	v45 =	vmul.f32 v52, v51;
	v51 =	vld [tilespmem:$0x1FAB0]  }
0x23d: {  	v52 =	vmul.f32 v2, v7;
	v2 =	vld [tilespmem:$0x1FC30]  }
0x23e: {  	v7 =	vmul.f32 v23, v40;
	v23 =	vmul.f32 v29, v44;
	v29 =	vld.idx.msk [tilespmem:v35+s22+$0x0], $0xffff  }
0x23f: {  	v52 =	vmul.f32 v49, v52;
	v49 =	vld [tilespmem:$0x1FAE0]  }
0x240: {  	v10 =	vor.u32 s25, v0;
	v0 =	vld [tilespmem:$0x1FBA0]  }
0x241: {  	v63 =	vld.idx.msk [tilespmem:v9+s22+$0x0], $0xffff  }
0x242: {  	v16 =	vld.idx.msk [tilespmem:v9+s18+$0x0], $0xffff  }
0x243: {  	v18 =	vld.idx.msk [tilespmem:v9+s20+$0x0], $0xffff  }
0x244: {  	v36 =	vor.u32 s25, v2;
	v2 =	vld [tilespmem:$0x1FAC0]  }
0x245: {  	v13 =	vor.u32 s25, v0;
	v0 =	vld.idx.msk [tilespmem:v3+s20+$0x0], $0xffff  }
0x246: {  	v58 =	vld.idx.msk [tilespmem:v10+s22+$0x0], $0xffff  }
0x247: {  	v3 =	vld [tilespmem:$0x1FF20]  }
0x248: {  	v9 =	vld.idx.msk [tilespmem:v10+s18+$0x0], $0xffff  }
0x249: {  	v10 =	vld.idx.msk [tilespmem:v10+s20+$0x0], $0xffff  }
0x24a: {  	v19 =	vmul.f32 v2, v22;
	v22 =	vld.idx.msk [tilespmem:v42+s18+$0x0], $0xffff  }
0x24b: {  	v2 =	vmul.f32 v50, v45;
	v50 =	vld [tilespmem:$0x1FAD0]  }
0x24c: {  	v45 =	vld [tilespmem:$0x1FF50];
	v3 =	vadd.s32 s25, v3  }
0x24d: {  	v1 =	vld.idx.msk [tilespmem:v13+s22+$0x0], $0xffff;
	v11 =	vand.u32 $0x7F, v3  }
0x24e: {  	v41 =	vmul.f32 v0, v24;
	v24 =	vld.idx.msk [tilespmem:v42+s20+$0x0], $0xffff;
	v56 =	vor.u32 v33, v11  }
0x24f: {  	p0 =	sne.s32 s25, $0x60;
	v3 =	vld.idx.msk [tilespmem:v21+s22+$0x0], $0xffff  }
.Ltmp2:
0x250: {  	v21 =	vld.idx.msk [tilespmem:v21+s20+$0x0], $0xffff;
	(pc) =	sbr.rel @p0 .LBB2_7-.Ltmp2, $4  }
0x251: {  	v11 =	vld.idx.msk [tilespmem:v13+s18+$0x0], $0xffff  }
0x252: {  	v13 =	vld.idx.msk [tilespmem:v13+s20+$0x0], $0xffff  }
0x253: {  	v30 =	vld.idx.msk [tilespmem:v56+s18+$0x0], $0xffff  }
0x254: {  	s24 =	smov.u32 s25;
	v40 =	vmul.f32 v54, v53;
	s25 =	sadd.s32 $0x20, s25;
	v32 =	vld.idx.msk [tilespmem:v56+s20+$0x0], $0xffff  }
0x255: {  	_ =	sdelay $0x2  }
0x256: {  	v47 =	vld [tilespmem:$0x1FF60]  }
0x257: {  	v54 =	vadd.s32 s24, v45;
	v42 =	vld.idx.msk [tilespmem:v36+s22+$0x0], $0xffff  }
0x258: {  	v16 =	vmul.f32 v18, v16;
	v43 =	vadd.s32 s24, v43;
	v44 =	vld.idx.msk [tilespmem:v36+s18+$0x0], $0xffff;
	v18 =	vand.u32 $0x7F, v54  }
0x259: {  	v0 =	vadd.s32 s24, v46;
	v36 =	vld.idx.msk [tilespmem:v36+s20+$0x0], $0xffff;
	v43 =	vand.u32 $0x7F, v43;
	v18 =	vor.u32 v33, v18  }
0x25a: {  	v9 =	vmul.f32 v10, v9;
	v45 =	vld.idx.msk [tilespmem:v35+s18+$0x0], $0xffff;
	v10 =	vand.u32 $0x7F, v0;
	v43 =	vor.u32 v33, v43  }
0x25b: {  	v8 =	vmul.f32 v8, v41;
	v5 =	vmul.f32 v5, v40;
	v40 =	vld.idx.msk [tilespmem:v38+s18+$0x0], $0xffff;
	v10 =	vor.u32 v33, v10  }
0x25c: {  	v20 =	vmul.f32 v21, v20;
	v21 =	vmul.f32 v39, v37;
	v53 =	vadd.s32 s24, v47;
	v47 =	vld.idx.msk [tilespmem:v35+s20+$0x0], $0xffff  }
0x25d: {  	v22 =	vmul.f32 v24, v22;
	v11 =	vmul.f32 v13, v11;
	v41 =	vand.u32 $0x7F, v53;
	v53 =	vld.idx.msk [tilespmem:v38+s20+$0x0], $0xffff  }
0x25e: {  	v54 =	vmul.f32 v27, v25;
	v0 =	vmul.f32 v63, v16;
	v37 =	vld.idx.msk [tilespmem:v18+s18+$0x0], $0xffff  }
0x25f: {  	v14 =	vadd.f32 v14, v48;
	v9 =	vmul.f32 v58, v9;
	v1 =	vmul.f32 v1, v11;
	v11 =	vld.idx.msk [tilespmem:v43+s18+$0x0], $0xffff  }
0x260: {  	v28 =	vadd.f32 v28, v50;
	v63 =	vmul.f32 v34, v31;
	v38 =	vmul.f32 v36, v44;
	v39 =	vld.idx.msk [tilespmem:v10+s18+$0x0], $0xffff  }
0x261: {  	v3 =	vmul.f32 v3, v20;
	v6 =	vadd.f32 v6, v14;
	v15 =	vmul.f32 v15, v22;
	v44 =	vld.idx.msk [tilespmem:v10+s20+$0x0], $0xffff  }
0x262: {  	v41 =	vor.u32 v33, v41;
	v10 =	vld.idx.msk [tilespmem:v10+s22+$0x0], $0xffff;
	v42 =	vmul.f32 v42, v38;
	v13 =	vmul.f32 v47, v45  }
0x263: {  	v30 =	vmul.f32 v32, v30;
	v3 =	vadd.f32 v3, v49;
	v4 =	vadd.f32 v4, v6;
	v49 =	vld.idx.msk [tilespmem:v18+s20+$0x0], $0xffff  }
0x264: {  	v47 =	vld.idx.msk [tilespmem:v43+s20+$0x0], $0xffff;
	v20 =	vadd.f32 v42, v51;
	v32 =	vmul.f32 v53, v40;
	v13 =	vmul.f32 v29, v13  }
0x265: {  	v12 =	vmul.f32 v12, v54;
	v1 =	vadd.f32 v1, v3;
	v3 =	vadd.f32 v23, v28;
	v58 =	vld.idx.msk [tilespmem:v18+s22+$0x0], $0xffff  }
0x266: {  	v4 =	vadd.f32 v59, v4;
	v51 =	vld.idx.msk [tilespmem:v43+s22+$0x0], $0xffff;
	v50 =	vmul.f32 v26, v32;
	v13 =	vadd.f32 v13, v20  }
0x267: {  	v17 =	vmul.f32 v17, v63;
	v1 =	vadd.f32 v9, v1;
	v3 =	vadd.f32 v19, v3;
	v25 =	vld.idx.msk [tilespmem:v41+s18+$0x0], $0xffff  }
0x268: {  	v4 =	vadd.f32 v60, v4;
	v53 =	vld.idx.msk [tilespmem:v41+s20+$0x0], $0xffff;
	v54 =	vmul.f32 v44, v39;
	v6 =	vadd.f32 v50, v13  }
0x269: {  	v0 =	vadd.f32 v0, v1;
	v9 =	vmul.f32 v47, v11;
	v11 =	vld.idx.msk [tilespmem:v61+s22+$0x0], $0xffff;
	v61 =	vadd.f32 v7, v3  }
0x26a: {  	v4 =	vadd.f32 v55, v4;
	v10 =	vmul.f32 v10, v54;
	v7 =	vld.idx.msk [tilespmem:v56+s22+$0x0], $0xffff;
	v6 =	vadd.f32 v15, v6  }
0x26b: {  	v59 =	vld.idx.msk [tilespmem:v41+s22+$0x0], $0xffff;
	v0 =	vadd.f32 v17, v0;
	v1 =	vadd.f32 v8, v61  }
0x26c: {  	v3 =	vmul.f32 v49, v37;
	v9 =	vmul.f32 v51, v9;
	v6 =	vadd.f32 v10, v6  }
0x26d: {  	v0 =	vadd.f32 v12, v0;
	v8 =	vmul.f32 v53, v25;
	v1 =	vadd.f32 v5, v1  }
0x26e: {  	v3 =	vmul.f32 v58, v3;
	v5 =	vmul.f32 v11, v21;
	v6 =	vadd.f32 v9, v6  }
0x26f: {  	v45 =	vld [tilespmem:$0x1FF50];
	v4 =	vadd.f32 v62, v4;
	v62 =	vmul.f32 v7, v30;
	v1 =	vadd.f32 v2, v1  }
0x270: {  	v55 =	vld [tilespmem:$0x1FFF0];
	v0 =	vadd.f32 v5, v0;
	v3 =	vadd.f32 v3, v6;
	v6 =	vmul.f32 v59, v8  }
0x271: {  	v4 =	vadd.f32 v57, v4;
	v7 =	vld [tilespmem:$0x1FFE0];
	v1 =	vadd.f32 v52, v1  }
0x272: {  	s19 =	sadd.s32 $0x1, s19;
	v11 =	vld [tilespmem:$0x1FFD0];
	v0 =	vadd.f32 v62, v0;
	v3 =	vadd.f32 v6, v3  }
0x273: {  	p0 =	sne.s32 s19, $0x8;
	v10 =	vld [tilespmem:$0x1FFB0]  }
.Ltmp3:
0x274: {  	v5 =	vld [tilespmem:$0x1FF70];
	v0 =	vadd.f32 v1, v0;
	v63 =	vadd.f32 v3, v4;
	(pc) =	sbr.rel @p0 .LBB2_6-.Ltmp3, $4  }
0x275: {  	v9 =	vld [tilespmem:$0x1FF90]  }
0x276: {  	v8 =	vld [tilespmem:$0x1FFA0];
	v0 =	vadd.f32 v0, v63  }
0x277: {  	v6 =	vld [tilespmem:$0x1FF80]  }
0x278: {  	v4 =	vld [tilespmem:$0x1FFC0];
	[tilespmem:s21+$0x18680] =	vst v0  }
0x279: {  	_ =	swait.ge [sflag:s17], $0x4000  }
0x27a: {  	[sflag:s17] =	ssyncset.done $0x0  }
0x27b: {  	[sflag:s17] =	ssyncadd.s32 $0xFFFFC000  }
0x27c: {  	_ =	swait.ge [sflag:s17], $0x4000  }
0x27d: {  	[sflag:s17] =	ssyncset.done $0x0  }
0x27e: {  	[sflag:s17] =	ssyncadd.s32 $0xFFFFC000  }
0x27f: {  	_ =	swait.ge [sflag:s17], $0x4000  }
0x280: {  	[sflag:s17] =	ssyncset.done $0x0  }
0x281: {  	[sflag:s17] =	ssyncadd.s32 $0xFFFFC000  }
0x282: {  	[tilespmem:s18], [sflag:$0x2] =	stream.indirect.gather [hbm4b:s1+s13], $0x80, s28, s13, $0xb8;
	[tilespmem:$0x18800] =	vst v63  }
0x283: {  	_ = 	snop  }
0x284: {  	[tilespmem:s20], [sflag:$0x2] =	stream.indirect.gather [hbm4b:s2+s13], $0x80, s29, s13, $0xb8;
	[tilespmem:$0x18800] =	vst v63  }
0x285: {  	s3 =	simm.s32 $0x0;
	s19 =	simm.s32 $0x0  }
0x286: {  	[tilespmem:s22], [sflag:$0x2] =	stream.indirect.gather [hbm4b:s1+s13], $0x80, s30, s13, $0xb8;
	[tilespmem:$0x18800] =	vst v63  }
.LBB2_10:
0x287: {  	v1 =	vld [tilespmem:$0x1FE00];
	_ =	sdelay $0x1  }
0x288: {  	s21 =	sshll.u32 s19, $0x4  }
0x289: {  	v0 =	vmov s21  }
0x28a: {  	v0 =	vshll.u32 v0, $0x7  }
0x28b: {  	v33 =	vor.u32 v1, v0;
	v0 =	vld [tilespmem:$0x1FF00];
	_ =	sdelay $0x4  }
0x28c: {  	v1 =	vor.u32 v0, v33;
	v0 =	vld [tilespmem:$0x1FEC0];
	_ =	sdelay $0x4  }
0x28d: {  	[tilespmem:$0x1F930] =	vst v1;
	v2 =	vor.u32 v0, v33;
	v0 =	vor.u32 s3, v1  }
0x28e: {  	[tilespmem:$0x1F940] =	vst v2;
	v1 =	vor.u32 s3, v2;
	v2 =	vld [tilespmem:$0x1FE80];
	_ =	sdelay $0x3  }
0x28f: {  	v3 =	vld.idx.msk [tilespmem:v0+s16+$0x0], $0xffff  }
0x290: {  	v2 =	vor.u32 v2, v33;
	v12 =	vld.idx.msk [tilespmem:v1+s16+$0x0], $0xffff  }
0x291: {  	v47 =	vld.idx.msk [tilespmem:v0+s14+$0x0], $0xffff;
	[tilespmem:$0x1F950] =	vst v2;
	v2 =	vor.u32 s3, v2  }
0x292: {  	v15 =	vld.idx.msk [tilespmem:v1+s14+$0x0], $0xffff  }
0x293: {  	v17 =	vld.idx.msk [tilespmem:v1+s15+$0x0], $0xffff;
	v1 =	vadd.s32 s3, v6  }
0x294: {  	v1 =	vand.u32 $0x7F, v1;
	[tilespmem:$0x1FA00] =	vst v3;
	v3 =	vld [tilespmem:$0x1FE40]  }
0x295: {  	v1 =	vor.u32 v33, v1;
	[tilespmem:$0x1FA10] =	vst v12;
	v12 =	vld.idx.msk [tilespmem:v0+s15+$0x0], $0xffff  }
0x296: {  	v13 =	vld.idx.msk [tilespmem:v2+s16+$0x0], $0xffff  }
0x297: {  	v0 =	vlaneseq.u32;
	v21 =	vld.idx.msk [tilespmem:v2+s14+$0x0], $0xffff  }
0x298: {  	v0 =	vor.u32 v0, v33;
	v57 =	vld.idx.msk [tilespmem:v2+s15+$0x0], $0xffff  }
0x299: {  	v2 =	vld [tilespmem:$0x1FEF0];
	[tilespmem:$0x1F970] =	vst v0;
	v0 =	vor.u32 s3, v0;
	v3 =	vor.u32 v3, v33  }
0x29a: {  	v56 =	vld.idx.msk [tilespmem:v1+s16+$0x0], $0xffff;
	[tilespmem:$0x1F960] =	vst v3;
	v3 =	vor.u32 s3, v3  }
0x29b: {  	v27 =	vld.idx.msk [tilespmem:v1+s14+$0x0], $0xffff  }
0x29c: {  	v60 =	vld.idx.msk [tilespmem:v1+s15+$0x0], $0xffff  }
0x29d: {  	v1 =	vld [tilespmem:$0x1FEB0]  }
0x29e: {  	v5 =	vadd.s32 s3, v5;
	v50 =	vld.idx.msk [tilespmem:v0+s16+$0x0], $0xffff  }
0x29f: {  	v5 =	vand.u32 $0x7F, v5;
	v62 =	vld.idx.msk [tilespmem:v3+s16+$0x0], $0xffff  }
0x2a0: {  	v5 =	vor.u32 v33, v5;
	v20 =	vld.idx.msk [tilespmem:v3+s14+$0x0], $0xffff  }
0x2a1: {  	v59 =	vld.idx.msk [tilespmem:v3+s15+$0x0], $0xffff;
	v3 =	vadd.s32 s3, v4  }
0x2a2: {  	v24 =	vld.idx.msk [tilespmem:v0+s14+$0x0], $0xffff;
	v3 =	vand.u32 $0x7F, v3  }
0x2a3: {  	v2 =	vor.u32 v2, v33;
	v25 =	vld.idx.msk [tilespmem:v0+s15+$0x0], $0xffff;
	v0 =	vor.u32 v33, v3  }
0x2a4: {  	[tilespmem:$0x1F980] =	vst v2;
	v3 =	vor.u32 v1, v33;
	v1 =	vor.u32 s3, v2;
	v2 =	vld [tilespmem:$0x1FE70]  }
0x2a5: {  	v43 =	vld.idx.msk [tilespmem:v5+s16+$0x0], $0xffff  }
0x2a6: {  	v19 =	vld.idx.msk [tilespmem:v5+s14+$0x0], $0xffff  }
0x2a7: {  	v6 =	vld.idx.msk [tilespmem:v5+s15+$0x0], $0xffff  }
0x2a8: {  	v22 =	vld.idx.msk [tilespmem:v0+s16+$0x0], $0xffff  }
0x2a9: {  	v2 =	vor.u32 v2, v33;
	v34 =	vld.idx.msk [tilespmem:v0+s14+$0x0], $0xffff  }
0x2aa: {  	v14 =	vld.idx.msk [tilespmem:v0+s15+$0x0], $0xffff;
	v5 =	vor.u32 s3, v2  }
0x2ab: {  	v36 =	vld.idx.msk [tilespmem:v1+s16+$0x0], $0xffff  }
0x2ac: {  	v0 =	vld [tilespmem:$0x1FE30]  }
0x2ad: {  	v38 =	vld.idx.msk [tilespmem:v1+s14+$0x0], $0xffff  }
0x2ae: {  	v61 =	vld.idx.msk [tilespmem:v1+s15+$0x0], $0xffff  }
0x2af: {  	[tilespmem:$0x1F990] =	vst v3;
	v3 =	vor.u32 s3, v3;
	v1 =	vld.idx.msk [tilespmem:v5+s16+$0x0], $0xffff;
	_ =	sdelay $0x4  }
0x2b0: {  	v37 =	vld.idx.msk [tilespmem:v3+s16+$0x0], $0xffff;
	v0 =	vor.u32 v0, v33;
	[tilespmem:$0x1FA60] =	vst v1;
	v1 =	vadd.s32 s3, v10  }
0x2b1: {  	v40 =	vld.idx.msk [tilespmem:v3+s14+$0x0], $0xffff;
	[tilespmem:$0x1F9B0] =	vst v0;
	v0 =	vor.u32 s3, v0;
	v1 =	vand.u32 $0x7F, v1  }
0x2b2: {  	v41 =	vld.idx.msk [tilespmem:v3+s15+$0x0], $0xffff;
	v1 =	vor.u32 v33, v1  }
0x2b3: {  	[tilespmem:$0x1F9A0] =	vst v2;
	v2 =	vld [tilespmem:$0x1FF10]  }
0x2b4: {  	v48 =	vld.idx.msk [tilespmem:v5+s14+$0x0], $0xffff  }
0x2b5: {  	v49 =	vld.idx.msk [tilespmem:v5+s15+$0x0], $0xffff  }
0x2b6: {  	v51 =	vld.idx.msk [tilespmem:v0+s16+$0x0], $0xffff  }
0x2b7: {  	v54 =	vld.idx.msk [tilespmem:v1+s16+$0x0], $0xffff  }
0x2b8: {  	v3 =	vadd.s32 s3, v9;
	v35 =	vld.idx.msk [tilespmem:v1+s14+$0x0], $0xffff  }
0x2b9: {  	v3 =	vand.u32 $0x7F, v3;
	v30 =	vld.idx.msk [tilespmem:v1+s15+$0x0], $0xffff  }
0x2ba: {  	v3 =	vor.u32 v33, v3;
	v5 =	vadd.s32 s3, v8;
	v1 =	vld [tilespmem:$0x1FEE0]  }
0x2bb: {  	v5 =	vand.u32 $0x7F, v5;
	v52 =	vld.idx.msk [tilespmem:v0+s14+$0x0], $0xffff  }
0x2bc: {  	v53 =	vld.idx.msk [tilespmem:v0+s15+$0x0], $0xffff;
	v0 =	vor.u32 v33, v5;
	_ =	sdelay $0x2  }
0x2bd: {  	v42 =	vld.idx.msk [tilespmem:v3+s16+$0x0], $0xffff;
	v5 =	vadd.s32 s3, v2;
	v1 =	vor.u32 v1, v33  }
0x2be: {  	v2 =	vld [tilespmem:$0x1FEA0];
	v5 =	vand.u32 $0x7F, v5;
	[tilespmem:$0x1F9C0] =	vst v1;
	v1 =	vor.u32 s3, v1  }
0x2bf: {  	v9 =	vor.u32 v33, v5;
	v5 =	vld.idx.msk [tilespmem:v0+s16+$0x0], $0xffff  }
0x2c0: {  	v32 =	vld.idx.msk [tilespmem:v0+s14+$0x0], $0xffff  }
0x2c1: {  	v39 =	vld.idx.msk [tilespmem:v0+s15+$0x0], $0xffff  }
0x2c2: {  	v0 =	vld [tilespmem:$0x1FE60]  }
0x2c3: {  	v63 =	vld.idx.msk [tilespmem:v1+s16+$0x0], $0xffff  }
0x2c4: {  	v16 =	vld.idx.msk [tilespmem:v1+s14+$0x0], $0xffff  }
0x2c5: {  	v18 =	vld.idx.msk [tilespmem:v1+s15+$0x0], $0xffff  }
0x2c6: {  	v1 =	vld [tilespmem:$0x1FE20]  }
0x2c7: {  	v23 =	vld.idx.msk [tilespmem:v3+s14+$0x0], $0xffff;
	v2 =	vor.u32 v2, v33  }
0x2c8: {  	v26 =	vld.idx.msk [tilespmem:v3+s15+$0x0], $0xffff;
	v3 =	vor.u32 s3, v2  }
0x2c9: {  	v8 =	vld.idx.msk [tilespmem:v9+s16+$0x0], $0xffff  }
0x2ca: {  	[tilespmem:$0x1FA30] =	vst v13;
	v28 =	vld.idx.msk [tilespmem:v9+s14+$0x0], $0xffff  }
0x2cb: {  	[tilespmem:$0x1F9D0] =	vst v2;
	v2 =	vor.u32 v0, v33;
	v0 =	vld [tilespmem:$0x1FA00];
	v1 =	vor.u32 v1, v33  }
0x2cc: {  	v29 =	vld.idx.msk [tilespmem:v9+s15+$0x0], $0xffff;
	[tilespmem:$0x1F9E0] =	vst v2;
	v13 =	vor.u32 s3, v2;
	v2 =	vor.u32 s3, v1  }
0x2cd: {  	v58 =	vld.idx.msk [tilespmem:v3+s16+$0x0], $0xffff  }
0x2ce: {  	v12 =	vmul.f32 v12, v47;
	v9 =	vld.idx.msk [tilespmem:v3+s14+$0x0], $0xffff;
	[tilespmem:$0x1F9F0] =	vst v1;
	v1 =	vadd.s32 s3, v11  }
0x2cf: {  	v31 =	vmul.f32 v60, v27;
	v10 =	vld.idx.msk [tilespmem:v3+s15+$0x0], $0xffff;
	v3 =	vand.u32 $0x7F, v1  }
0x2d0: {  	v60 =	vmul.f32 v0, v12;
	v0 =	vld [tilespmem:$0x1FA10];
	v4 =	vor.u32 v33, v3;
	v3 =	vadd.s32 s3, v7  }
0x2d1: {  	v15 =	vmul.f32 v17, v15;
	v17 =	vand.u32 $0x7F, v3;
	v3 =	vld.idx.msk [tilespmem:v2+s16+$0x0], $0xffff  }
0x2d2: {  	v44 =	vmul.f32 v59, v20;
	v20 =	vld.idx.msk [tilespmem:v2+s14+$0x0], $0xffff  }
0x2d3: {  	v7 =	vor.u32 v33, v17;
	v17 =	vmul.f32 v57, v21;
	v21 =	vld.idx.msk [tilespmem:v2+s15+$0x0], $0xffff  }
0x2d4: {  	v2 =	vld [tilespmem:$0x1FED0]  }
0x2d5: {  	v12 =	vld.idx.msk [tilespmem:v4+s16+$0x0], $0xffff  }
0x2d6: {  	v24 =	vmul.f32 v25, v24;
	v25 =	vld.idx.msk [tilespmem:v4+s14+$0x0], $0xffff  }
0x2d7: {  	v27 =	vld.idx.msk [tilespmem:v4+s15+$0x0], $0xffff  }
0x2d8: {  	v4 =	vld [tilespmem:$0x1FF20];
	_ =	sdelay $0x2  }
0x2d9: {  	v19 =	vmul.f32 v6, v19  }
0x2da: {  	v6 =	vmul.f32 v62, v44;
	v59 =	vmul.f32 v0, v15;
	v0 =	vld [tilespmem:$0x1FA30];
	v2 =	vor.u32 v2, v33  }
0x2db: {  	v15 =	vmul.f32 v14, v34;
	[tilespmem:$0x1FA20] =	vst v2;
	v2 =	vor.u32 s3, v2;
	v62 =	vadd.s32 s3, v4  }
0x2dc: {  	v14 =	vmul.f32 v50, v24;
	v57 =	vmul.f32 v56, v31;
	v31 =	vld.idx.msk [tilespmem:v7+s14+$0x0], $0xffff;
	v24 =	vand.u32 $0x7F, v62  }
0x2dd: {  	v56 =	vor.u32 v33, v24;
	v24 =	vadd.s32 s3, v55;
	v55 =	vmul.f32 v22, v15;
	v22 =	vld [tilespmem:$0x1FE90]  }
0x2de: {  	v34 =	vld.idx.msk [tilespmem:v7+s15+$0x0], $0xffff  }
0x2df: {  	v4 =	vmul.f32 v0, v17;
	v17 =	vld.idx.msk [tilespmem:v7+s16+$0x0], $0xffff;
	v15 =	vand.u32 $0x7F, v24  }
0x2e0: {  	v7 =	vmul.f32 v61, v38;
	v61 =	vor.u32 v33, v15;
	v15 =	vld.idx.msk [tilespmem:v2+s16+$0x0], $0xffff  }
0x2e1: {  	v24 =	vld.idx.msk [tilespmem:v2+s15+$0x0], $0xffff  }
0x2e2: {  	v47 =	vmul.f32 v49, v48;
	v48 =	vor.u32 v22, v33;
	v22 =	vld.idx.msk [tilespmem:v2+s14+$0x0], $0xffff  }
0x2e3: {  	v2 =	vld [tilespmem:$0x1FE50];
	_ =	sdelay $0x3  }
0x2e4: {  	v26 =	vmul.f32 v26, v23;
	v11 =	vld.idx.msk [tilespmem:v13+s14+$0x0], $0xffff  }
0x2e5: {  	v1 =	vld.idx.msk [tilespmem:v13+s16+$0x0], $0xffff;
	v2 =	vor.u32 v2, v33  }
0x2e6: {  	v49 =	vmul.f32 v30, v35;
	[tilespmem:$0x1FA50] =	vst v2;
	v35 =	vor.u32 s3, v2;
	v2 =	vmul.f32 v42, v26;
	v26 =	vld [tilespmem:$0x1FE10]  }
0x2e7: {  	v13 =	vld.idx.msk [tilespmem:v13+s15+$0x0], $0xffff  }
0x2e8: {  	v0 =	vld [tilespmem:$0x1FA60]  }
0x2e9: {  	v62 =	vmul.f32 v43, v19;
	v19 =	vmul.f32 v41, v40;
	v30 =	vld.idx.msk [tilespmem:v56+s14+$0x0], $0xffff;
	v38 =	vor.u32 s3, v48  }
0x2ea: {  	v44 =	vmul.f32 v53, v52;
	v40 =	vmul.f32 v39, v32;
	v32 =	vld.idx.msk [tilespmem:v56+s15+$0x0], $0xffff  }
0x2eb: {  	v52 =	vmul.f32 v54, v49;
	v19 =	vmul.f32 v37, v19;
	v37 =	vld.idx.msk [tilespmem:v61+s14+$0x0], $0xffff;
	v26 =	vor.u32 v26, v33  }
0x2ec: {  	v49 =	vimm.f32 $0.0e+00;
	v7 =	vmul.f32 v36, v7;
	v39 =	vld.idx.msk [tilespmem:v61+s15+$0x0], $0xffff;
	v36 =	vor.u32 s3, v26  }
0x2ed: {  	v50 =	vimm.f32 $0.0e+00;
	v41 =	vmul.f32 v29, v28;
	v28 =	vmul.f32 v51, v44;
	[tilespmem:$0x1FA40] =	vst v48;
	v29 =	vld.idx.msk [tilespmem:v35+s16+$0x0], $0xffff  }
0x2ee: {  	s25 =	simm.s32 $0x20;
	s24 =	simm.s32 $0x0;
	v51 =	vimm.f32 $0.0e+00;
	v23 =	vmul.f32 v0, v47;
	v48 =	vimm.f32 $0.0e+00;
	[tilespmem:$0x1FA70] =	vst v26;
	v26 =	vld.idx.msk [tilespmem:v38+s16+$0x0], $0xffff  }
.LBB2_11:
0x2ef: {  	v42 =	vld.idx.msk [tilespmem:v38+s14+$0x0], $0xffff  }
0x2f0: {  	v47 =	vld [tilespmem:$0x1FF60]  }
0x2f1: {  	v43 =	vld.idx.msk [tilespmem:v36+s14+$0x0], $0xffff  }
0x2f2: {  	v44 =	vld [tilespmem:$0x1FF40]  }
0x2f3: {  	v54 =	vld.idx.msk [tilespmem:v35+s14+$0x0], $0xffff  }
0x2f4: {  	v8 =	vmul.f32 v8, v41;
	v41 =	vld.idx.msk [tilespmem:v36+s16+$0x0], $0xffff  }
0x2f5: {  	v36 =	vld.idx.msk [tilespmem:v36+s15+$0x0], $0xffff  }
0x2f6: {  	v16 =	vmul.f32 v18, v16;
	v18 =	vadd.s32 s24, v45;
	v20 =	vmul.f32 v21, v20;
	v21 =	vld.idx.msk [tilespmem:v35+s15+$0x0], $0xffff  }
0x2f7: {  	v53 =	vadd.s32 s24, v46;
	v11 =	vmul.f32 v13, v11;
	v13 =	vld.idx.msk [tilespmem:v38+s15+$0x0], $0xffff;
	v18 =	vand.u32 $0x7F, v18  }
0x2f8: {  	v9 =	vmul.f32 v10, v9;
	v45 =	vld [tilespmem:$0x1F940];
	v10 =	vand.u32 $0x7F, v53;
	v18 =	vor.u32 v33, v18  }
0x2f9: {  	v5 =	vmul.f32 v5, v40;
	v40 =	vadd.s32 s24, v47;
	v47 =	vld [tilespmem:$0x1F950];
	v10 =	vor.u32 v33, v10  }
0x2fa: {  	v0 =	vmul.f32 v63, v16;
	v16 =	vmul.f32 v27, v25;
	v27 =	vld [tilespmem:$0x1F930]  }
0x2fb: {  	v44 =	vadd.s32 s24, v44;
	v9 =	vmul.f32 v58, v9;
	v58 =	vld [tilespmem:$0x1F970]  }
0x2fc: {  	v44 =	vand.u32 $0x7F, v44;
	v16 =	vmul.f32 v12, v16;
	v12 =	vld [tilespmem:$0x1F960]  }
0x2fd: {  	v44 =	vor.u32 v33, v44;
	v63 =	vld.idx.msk [tilespmem:v18+s14+$0x0], $0xffff  }
0x2fe: {  	v40 =	vand.u32 $0x7F, v40;
	v3 =	vmul.f32 v3, v20;
	v20 =	vld.idx.msk [tilespmem:v10+s14+$0x0], $0xffff  }
0x2ff: {  	v40 =	vor.u32 v33, v40;
	v21 =	vmul.f32 v21, v54;
	v54 =	vld.idx.msk [tilespmem:v10+s15+$0x0], $0xffff  }
0x300: {  	v31 =	vmul.f32 v34, v31;
	v10 =	vld.idx.msk [tilespmem:v10+s16+$0x0], $0xffff  }
0x301: {  	v14 =	vadd.f32 v14, v48;
	v22 =	vmul.f32 v24, v22;
	v36 =	vmul.f32 v36, v43;
	v24 =	vld.idx.msk [tilespmem:v18+s15+$0x0], $0xffff  }
0x302: {  	v28 =	vadd.f32 v28, v50;
	v1 =	vmul.f32 v1, v11;
	v3 =	vadd.f32 v3, v49;
	v11 =	vld.idx.msk [tilespmem:v44+s14+$0x0], $0xffff  }
0x303: {  	v17 =	vmul.f32 v17, v31;
	v31 =	vld.idx.msk [tilespmem:v44+s15+$0x0], $0xffff;
	v53 =	vor.u32 s25, v12;
	v12 =	vmul.f32 v41, v36  }
0x304: {  	v1 =	vadd.f32 v1, v3;
	v3 =	vadd.f32 v23, v28;
	v25 =	vld.idx.msk [tilespmem:v40+s14+$0x0], $0xffff  }
0x305: {  	v6 =	vadd.f32 v6, v14;
	v21 =	vmul.f32 v29, v21;
	v14 =	vld.idx.msk [tilespmem:v44+s16+$0x0], $0xffff;
	v12 =	vadd.f32 v12, v51  }
0x306: {  	v3 =	vadd.f32 v19, v3;
	v19 =	vld.idx.msk [tilespmem:v56+s16+$0x0], $0xffff  }
0x307: {  	v13 =	vmul.f32 v13, v42;
	v12 =	vadd.f32 v21, v12;
	v21 =	vld.idx.msk [tilespmem:v40+s15+$0x0], $0xffff  }
0x308: {  	v27 =	vor.u32 s25, v27;
	v1 =	vadd.f32 v9, v1;
	v9 =	vmul.f32 v31, v11;
	v11 =	vld.idx.msk [tilespmem:v61+s16+$0x0], $0xffff  }
0x309: {  	v34 =	vor.u32 s25, v45;
	v61 =	vld [tilespmem:$0x1FFE0]  }
0x30a: {  	v13 =	vmul.f32 v26, v13;
	v31 =	vld.idx.msk [tilespmem:v53+s14+$0x0], $0xffff  }
0x30b: {  	v30 =	vmul.f32 v32, v30;
	v4 =	vadd.f32 v4, v6;
	v32 =	vld.idx.msk [tilespmem:v53+s15+$0x0], $0xffff  }
0x30c: {  	v6 =	vadd.f32 v13, v12;
	v13 =	vld.idx.msk [tilespmem:v18+s16+$0x0], $0xffff  }
0x30d: {  	v18 =	vadd.f32 v59, v4;
	v59 =	vld.idx.msk [tilespmem:v27+s16+$0x0], $0xffff  }
0x30e: {  	v35 =	vmul.f32 v39, v37;
	v37 =	vor.u32 s25, v47;
	v0 =	vadd.f32 v0, v1;
	v4 =	vld.idx.msk [tilespmem:v34+s16+$0x0], $0xffff  }
0x30f: {  	v15 =	vmul.f32 v15, v22;
	v1 =	vadd.f32 v7, v3;
	v9 =	vmul.f32 v14, v9;
	v14 =	vld.idx.msk [tilespmem:v27+s15+$0x0], $0xffff  }
0x310: {  	v0 =	vadd.f32 v17, v0;
	v12 =	vmul.f32 v54, v20;
	v20 =	vld [tilespmem:$0x1FFD0]  }
0x311: {  	v1 =	vadd.f32 v8, v1;
	v6 =	vadd.f32 v15, v6;
	v15 =	vld.idx.msk [tilespmem:v40+s16+$0x0], $0xffff  }
0x312: {  	v39 =	vor.u32 s25, v58;
	v10 =	vmul.f32 v10, v12;
	v12 =	vld.idx.msk [tilespmem:v27+s14+$0x0], $0xffff  }
0x313: {  	v0 =	vadd.f32 v16, v0;
	v1 =	vadd.f32 v5, v1;
	v8 =	vmul.f32 v21, v25;
	v25 =	vld.idx.msk [tilespmem:v37+s15+$0x0], $0xffff  }
0x314: {  	v7 =	vadd.f32 v60, v18;
	v5 =	vmul.f32 v11, v35;
	v10 =	vadd.f32 v10, v6;
	v6 =	vld.idx.msk [tilespmem:v53+s16+$0x0], $0xffff  }
0x315: {  	v3 =	vmul.f32 v24, v63;
	[tilespmem:$0x1F8C0] =	vst v4;
	v4 =	vld.idx.msk [tilespmem:v37+s16+$0x0], $0xffff  }
0x316: {  	v17 =	vadd.f32 v55, v7;
	v0 =	vadd.f32 v5, v0;
	v5 =	vmul.f32 v19, v30;
	v19 =	vld.idx.msk [tilespmem:v34+s15+$0x0], $0xffff  }
0x317: {  	v1 =	vadd.f32 v2, v1;
	v3 =	vmul.f32 v13, v3;
	v30 =	vld [tilespmem:$0x1FFF0];
	v9 =	vadd.f32 v9, v10  }
0x318: {  	v10 =	vadd.f32 v62, v17;
	v17 =	vld.idx.msk [tilespmem:v34+s14+$0x0], $0xffff;
	v0 =	vadd.f32 v5, v0  }
0x319: {  	v34 =	vld.idx.msk [tilespmem:v39+s14+$0x0], $0xffff;
	v3 =	vadd.f32 v3, v9  }
0x31a: {  	v8 =	vmul.f32 v15, v8;
	v2 =	vadd.f32 v57, v10;
	[tilespmem:$0x1F920] =	vst v0;
	v0 =	vadd.f32 v52, v1;
	v1 =	vld [tilespmem:$0x1FF70]  }
0x31b: {  	v20 =	vadd.s32 s25, v20;
	[tilespmem:$0x1F8D0] =	vst v4;
	v4 =	vld.idx.msk [tilespmem:v39+s15+$0x0], $0xffff  }
0x31c: {  	v20 =	vand.u32 $0x7F, v20;
	v15 =	vld.idx.msk [tilespmem:v39+s16+$0x0], $0xffff;
	[tilespmem:$0x1F8E0] =	vst v2;
	v2 =	vadd.f32 v8, v3;
	v30 =	vadd.s32 s25, v30  }
0x31d: {  	v55 =	vadd.s32 s25, v61;
	v62 =	vor.u32 v33, v20;
	v57 =	vld.idx.msk [tilespmem:v37+s14+$0x0], $0xffff;
	v30 =	vand.u32 $0x7F, v30  }
0x31e: {  	[tilespmem:$0x1F8F0] =	vst v2;
	v2 =	vld [tilespmem:$0x1FFC0];
	v61 =	vor.u32 v33, v30;
	v30 =	vand.u32 $0x7F, v55  }
0x31f: {  	v14 =	vmul.f32 v14, v12;
	[tilespmem:$0x1F910] =	vst v0;
	v0 =	vld [tilespmem:$0x1FF80];
	v17 =	vmul.f32 v19, v17;
	v19 =	vor.u32 v33, v30  }
0x320: {  	v1 =	vadd.s32 s25, v1;
	v34 =	vmul.f32 v4, v34;
	v4 =	vld [tilespmem:$0x1F8C0]  }
0x321: {  	v60 =	vmul.f32 v59, v14;
	v14 =	vld [tilespmem:$0x1FA20];
	v1 =	vand.u32 $0x7F, v1  }
0x322: {  	v31 =	vmul.f32 v32, v31;
	v12 =	vld.idx.msk [tilespmem:v62+s16+$0x0], $0xffff;
	v1 =	vor.u32 v33, v1  }
0x323: {  	v3 =	vadd.s32 s25, v2;
	v2 =	vld [tilespmem:$0x1F990]  }
0x324: {  	v6 =	vmul.f32 v6, v31;
	v0 =	vadd.s32 s25, v0;
	v31 =	vld.idx.msk [tilespmem:v19+s14+$0x0], $0xffff  }
0x325: {  	v0 =	vand.u32 $0x7F, v0;
	v59 =	vmul.f32 v4, v17;
	v4 =	vld [tilespmem:$0x1F8D0]  }
0x326: {  	v0 =	vor.u32 v33, v0;
	v17 =	vld.idx.msk [tilespmem:v19+s16+$0x0], $0xffff  }
0x327: {  	v22 =	vld.idx.msk [tilespmem:v1+s16+$0x0], $0xffff  }
0x328: {  	v39 =	vld.idx.msk [tilespmem:v1+s14+$0x0], $0xffff  }
0x329: {  	v3 =	vand.u32 $0x7F, v3;
	v40 =	vld.idx.msk [tilespmem:v1+s15+$0x0], $0xffff  }
0x32a: {  	v3 =	vor.u32 v33, v3;
	v1 =	vld [tilespmem:$0x1F9A0]  }
0x32b: {  	v26 =	vld.idx.msk [tilespmem:v0+s16+$0x0], $0xffff  }
0x32c: {  	v37 =	vld.idx.msk [tilespmem:v0+s14+$0x0], $0xffff  }
0x32d: {  	v38 =	vld.idx.msk [tilespmem:v0+s15+$0x0], $0xffff  }
0x32e: {  	v0 =	vld [tilespmem:$0x1F980]  }
0x32f: {  	v5 =	vor.u32 s25, v2;
	v27 =	vld.idx.msk [tilespmem:v3+s16+$0x0], $0xffff  }
0x330: {  	v25 =	vmul.f32 v25, v57;
	v41 =	vld.idx.msk [tilespmem:v3+s14+$0x0], $0xffff  }
0x331: {  	v42 =	vld.idx.msk [tilespmem:v3+s15+$0x0], $0xffff  }
0x332: {  	v4 =	vmul.f32 v4, v25;
	v25 =	vld.idx.msk [tilespmem:v62+s14+$0x0], $0xffff  }
0x333: {  	v40 =	vmul.f32 v40, v39;
	v39 =	vld.idx.msk [tilespmem:v61+s15+$0x0], $0xffff  }
0x334: {  	v2 =	vld.idx.msk [tilespmem:v5+s16+$0x0], $0xffff  }
0x335: {  	v1 =	vor.u32 s25, v1;
	v43 =	vld.idx.msk [tilespmem:v5+s14+$0x0], $0xffff  }
0x336: {  	v44 =	vld.idx.msk [tilespmem:v5+s15+$0x0], $0xffff  }
0x337: {  	v55 =	vmul.f32 v38, v37;
	v37 =	vld.idx.msk [tilespmem:v61+s14+$0x0], $0xffff  }
0x338: {  	v41 =	vmul.f32 v42, v41;
	v42 =	vor.u32 s25, v14;
	v14 =	vmul.f32 v15, v34;
	v15 =	vld [tilespmem:$0x1FA40]  }
0x339: {  	v34 =	vld.idx.msk [tilespmem:v19+s15+$0x0], $0xffff  }
0x33a: {  	v29 =	vld.idx.msk [tilespmem:v1+s16+$0x0], $0xffff  }
0x33b: {  	v0 =	vor.u32 s25, v0;
	v45 =	vld.idx.msk [tilespmem:v1+s14+$0x0], $0xffff  }
0x33c: {  	v46 =	vld.idx.msk [tilespmem:v1+s15+$0x0], $0xffff  }
0x33d: {  	v1 =	vld [tilespmem:$0x1FFA0]  }
0x33e: {  	v57 =	vmul.f32 v26, v55;
	v55 =	vmul.f32 v27, v41;
	v27 =	vld.idx.msk [tilespmem:v62+s15+$0x0], $0xffff  }
0x33f: {  	[tilespmem:$0x1F900] =	vst v2;
	v2 =	vld [tilespmem:$0x1F9B0]  }
0x340: {  	v35 =	vld.idx.msk [tilespmem:v0+s14+$0x0], $0xffff  }
0x341: {  	v36 =	vld.idx.msk [tilespmem:v0+s15+$0x0], $0xffff  }
0x342: {  	v38 =	vor.u32 s25, v15;
	v15 =	vld [tilespmem:$0x1FA50]  }
0x343: {  	v23 =	vld.idx.msk [tilespmem:v0+s16+$0x0], $0xffff  }
0x344: {  	v62 =	vmul.f32 v22, v40;
	v0 =	vld [tilespmem:$0x1FFB0];
	v3 =	vor.u32 s25, v2  }
0x345: {  	v22 =	vmul.f32 v44, v43;
	v44 =	vmul.f32 v46, v45;
	v46 =	vld [tilespmem:$0x1FF30]  }
0x346: {  	v1 =	vadd.s32 s25, v1;
	v2 =	vld [tilespmem:$0x1FF90]  }
0x347: {  	v1 =	vand.u32 $0x7F, v1;
	v40 =	vmul.f32 v36, v35;
	v35 =	vor.u32 s25, v15;
	v15 =	vld.idx.msk [tilespmem:v42+s16+$0x0], $0xffff  }
0x348: {  	v1 =	vor.u32 v33, v1;
	v26 =	vld.idx.msk [tilespmem:v38+s16+$0x0], $0xffff  }
0x349: {  	v28 =	vld.idx.msk [tilespmem:v3+s16+$0x0], $0xffff  }
0x34a: {  	v0 =	vadd.s32 s25, v0;
	v47 =	vld.idx.msk [tilespmem:v3+s14+$0x0], $0xffff  }
0x34b: {  	v0 =	vand.u32 $0x7F, v0;
	v48 =	vld.idx.msk [tilespmem:v3+s15+$0x0], $0xffff  }
0x34c: {  	v0 =	vor.u32 v33, v0;
	v5 =	vadd.s32 s25, v2;
	v2 =	vld [tilespmem:$0x1FF10]  }
0x34d: {  	v53 =	vld.idx.msk [tilespmem:v1+s14+$0x0], $0xffff  }
0x34e: {  	v5 =	vand.u32 $0x7F, v5;
	v54 =	vld.idx.msk [tilespmem:v1+s15+$0x0], $0xffff  }
0x34f: {  	v8 =	vor.u32 v33, v5;
	v5 =	vld.idx.msk [tilespmem:v1+s16+$0x0], $0xffff  }
0x350: {  	v1 =	vld [tilespmem:$0x1F9F0]  }
0x351: {  	v49 =	vld.idx.msk [tilespmem:v0+s16+$0x0], $0xffff  }
0x352: {  	v7 =	vld.idx.msk [tilespmem:v0+s14+$0x0], $0xffff  }
0x353: {  	v3 =	vadd.s32 s25, v2;
	v2 =	vld.idx.msk [tilespmem:v0+s15+$0x0], $0xffff  }
0x354: {  	v0 =	vld [tilespmem:$0x1F9C0]  }
0x355: {  	v43 =	vmul.f32 v48, v47;
	v48 =	vld [tilespmem:$0x1F8E0];
	v3 =	vand.u32 $0x7F, v3  }
0x356: {  	v50 =	vld.idx.msk [tilespmem:v8+s16+$0x0], $0xffff;
	v3 =	vor.u32 v33, v3  }
0x357: {  	v51 =	vld.idx.msk [tilespmem:v8+s14+$0x0], $0xffff  }
0x358: {  	v52 =	vld.idx.msk [tilespmem:v8+s15+$0x0], $0xffff;
	v21 =	vor.u32 s25, v1  }
0x359: {  	v28 =	vmul.f32 v28, v43;
	v43 =	vld [tilespmem:$0x1FF40]  }
0x35a: {  	v9 =	vor.u32 s25, v0;
	v0 =	vld [tilespmem:$0x1F9D0]  }
0x35b: {  	v8 =	vld.idx.msk [tilespmem:v3+s16+$0x0], $0xffff  }
0x35c: {  	v24 =	vld.idx.msk [tilespmem:v3+s14+$0x0], $0xffff  }
0x35d: {  	v20 =	vld.idx.msk [tilespmem:v21+s14+$0x0], $0xffff  }
0x35e: {  	v45 =	vmul.f32 v52, v51;
	v51 =	vld [tilespmem:$0x1F8F0]  }
0x35f: {  	v52 =	vmul.f32 v2, v7;
	v2 =	vld [tilespmem:$0x1FA70]  }
0x360: {  	v7 =	vmul.f32 v23, v40;
	v23 =	vmul.f32 v29, v44;
	v29 =	vld.idx.msk [tilespmem:v35+s16+$0x0], $0xffff  }
0x361: {  	v52 =	vmul.f32 v49, v52;
	v49 =	vld [tilespmem:$0x1F920]  }
0x362: {  	v10 =	vor.u32 s25, v0;
	v0 =	vld [tilespmem:$0x1F9E0]  }
0x363: {  	v63 =	vld.idx.msk [tilespmem:v9+s16+$0x0], $0xffff  }
0x364: {  	v16 =	vld.idx.msk [tilespmem:v9+s14+$0x0], $0xffff  }
0x365: {  	v18 =	vld.idx.msk [tilespmem:v9+s15+$0x0], $0xffff  }
0x366: {  	v36 =	vor.u32 s25, v2;
	v2 =	vld [tilespmem:$0x1F900]  }
0x367: {  	v13 =	vor.u32 s25, v0;
	v0 =	vld.idx.msk [tilespmem:v3+s15+$0x0], $0xffff  }
0x368: {  	v58 =	vld.idx.msk [tilespmem:v10+s16+$0x0], $0xffff  }
0x369: {  	v3 =	vld [tilespmem:$0x1FF20]  }
0x36a: {  	v9 =	vld.idx.msk [tilespmem:v10+s14+$0x0], $0xffff  }
0x36b: {  	v10 =	vld.idx.msk [tilespmem:v10+s15+$0x0], $0xffff  }
0x36c: {  	v19 =	vmul.f32 v2, v22;
	v22 =	vld.idx.msk [tilespmem:v42+s14+$0x0], $0xffff  }
0x36d: {  	v2 =	vmul.f32 v50, v45;
	v50 =	vld [tilespmem:$0x1F910]  }
0x36e: {  	v45 =	vld [tilespmem:$0x1FF50];
	v3 =	vadd.s32 s25, v3  }
0x36f: {  	v1 =	vld.idx.msk [tilespmem:v13+s16+$0x0], $0xffff;
	v11 =	vand.u32 $0x7F, v3  }
0x370: {  	v41 =	vmul.f32 v0, v24;
	v24 =	vld.idx.msk [tilespmem:v42+s15+$0x0], $0xffff;
	v56 =	vor.u32 v33, v11  }
0x371: {  	p0 =	sne.s32 s25, $0x60;
	v3 =	vld.idx.msk [tilespmem:v21+s16+$0x0], $0xffff  }
.Ltmp4:
0x372: {  	v21 =	vld.idx.msk [tilespmem:v21+s15+$0x0], $0xffff;
	(pc) =	sbr.rel @p0 .LBB2_11-.Ltmp4, $4  }
0x373: {  	v11 =	vld.idx.msk [tilespmem:v13+s14+$0x0], $0xffff  }
0x374: {  	v13 =	vld.idx.msk [tilespmem:v13+s15+$0x0], $0xffff  }
0x375: {  	v30 =	vld.idx.msk [tilespmem:v56+s14+$0x0], $0xffff  }
0x376: {  	s24 =	smov.u32 s25;
	v40 =	vmul.f32 v54, v53;
	s25 =	sadd.s32 $0x20, s25;
	v32 =	vld.idx.msk [tilespmem:v56+s15+$0x0], $0xffff  }
0x377: {  	_ =	sdelay $0x2  }
0x378: {  	v47 =	vld [tilespmem:$0x1FF60]  }
0x379: {  	v54 =	vadd.s32 s24, v45;
	v42 =	vld.idx.msk [tilespmem:v36+s16+$0x0], $0xffff  }
0x37a: {  	v16 =	vmul.f32 v18, v16;
	v43 =	vadd.s32 s24, v43;
	v44 =	vld.idx.msk [tilespmem:v36+s14+$0x0], $0xffff;
	v18 =	vand.u32 $0x7F, v54  }
0x37b: {  	v0 =	vadd.s32 s24, v46;
	v36 =	vld.idx.msk [tilespmem:v36+s15+$0x0], $0xffff;
	v43 =	vand.u32 $0x7F, v43;
	v18 =	vor.u32 v33, v18  }
0x37c: {  	v9 =	vmul.f32 v10, v9;
	v45 =	vld.idx.msk [tilespmem:v35+s14+$0x0], $0xffff;
	v10 =	vand.u32 $0x7F, v0;
	v43 =	vor.u32 v33, v43  }
0x37d: {  	v8 =	vmul.f32 v8, v41;
	v5 =	vmul.f32 v5, v40;
	v40 =	vld.idx.msk [tilespmem:v38+s14+$0x0], $0xffff;
	v10 =	vor.u32 v33, v10  }
0x37e: {  	v20 =	vmul.f32 v21, v20;
	v21 =	vmul.f32 v39, v37;
	v53 =	vadd.s32 s24, v47;
	v47 =	vld.idx.msk [tilespmem:v35+s15+$0x0], $0xffff  }
0x37f: {  	v22 =	vmul.f32 v24, v22;
	v11 =	vmul.f32 v13, v11;
	v41 =	vand.u32 $0x7F, v53;
	v53 =	vld.idx.msk [tilespmem:v38+s15+$0x0], $0xffff  }
0x380: {  	v54 =	vmul.f32 v27, v25;
	v0 =	vmul.f32 v63, v16;
	v37 =	vld.idx.msk [tilespmem:v18+s14+$0x0], $0xffff  }
0x381: {  	v14 =	vadd.f32 v14, v48;
	v9 =	vmul.f32 v58, v9;
	v1 =	vmul.f32 v1, v11;
	v11 =	vld.idx.msk [tilespmem:v43+s14+$0x0], $0xffff  }
0x382: {  	v28 =	vadd.f32 v28, v50;
	v63 =	vmul.f32 v34, v31;
	v38 =	vmul.f32 v36, v44;
	v39 =	vld.idx.msk [tilespmem:v10+s14+$0x0], $0xffff  }
0x383: {  	v3 =	vmul.f32 v3, v20;
	v6 =	vadd.f32 v6, v14;
	v15 =	vmul.f32 v15, v22;
	v44 =	vld.idx.msk [tilespmem:v10+s15+$0x0], $0xffff  }
0x384: {  	v41 =	vor.u32 v33, v41;
	v10 =	vld.idx.msk [tilespmem:v10+s16+$0x0], $0xffff;
	v42 =	vmul.f32 v42, v38;
	v13 =	vmul.f32 v47, v45  }
0x385: {  	v30 =	vmul.f32 v32, v30;
	v3 =	vadd.f32 v3, v49;
	v4 =	vadd.f32 v4, v6;
	v49 =	vld.idx.msk [tilespmem:v18+s15+$0x0], $0xffff  }
0x386: {  	v47 =	vld.idx.msk [tilespmem:v43+s15+$0x0], $0xffff;
	v20 =	vadd.f32 v42, v51;
	v32 =	vmul.f32 v53, v40;
	v13 =	vmul.f32 v29, v13  }
0x387: {  	v12 =	vmul.f32 v12, v54;
	v1 =	vadd.f32 v1, v3;
	v3 =	vadd.f32 v23, v28;
	v58 =	vld.idx.msk [tilespmem:v18+s16+$0x0], $0xffff  }
0x388: {  	v4 =	vadd.f32 v59, v4;
	v51 =	vld.idx.msk [tilespmem:v43+s16+$0x0], $0xffff;
	v50 =	vmul.f32 v26, v32;
	v13 =	vadd.f32 v13, v20  }
0x389: {  	v17 =	vmul.f32 v17, v63;
	v1 =	vadd.f32 v9, v1;
	v3 =	vadd.f32 v19, v3;
	v25 =	vld.idx.msk [tilespmem:v41+s14+$0x0], $0xffff  }
0x38a: {  	v4 =	vadd.f32 v60, v4;
	v53 =	vld.idx.msk [tilespmem:v41+s15+$0x0], $0xffff;
	v54 =	vmul.f32 v44, v39;
	v6 =	vadd.f32 v50, v13  }
0x38b: {  	v0 =	vadd.f32 v0, v1;
	v9 =	vmul.f32 v47, v11;
	v11 =	vld.idx.msk [tilespmem:v61+s16+$0x0], $0xffff;
	v61 =	vadd.f32 v7, v3  }
0x38c: {  	v4 =	vadd.f32 v55, v4;
	v10 =	vmul.f32 v10, v54;
	v7 =	vld.idx.msk [tilespmem:v56+s16+$0x0], $0xffff;
	v6 =	vadd.f32 v15, v6  }
0x38d: {  	v59 =	vld.idx.msk [tilespmem:v41+s16+$0x0], $0xffff;
	v0 =	vadd.f32 v17, v0;
	v1 =	vadd.f32 v8, v61  }
0x38e: {  	v3 =	vmul.f32 v49, v37;
	v9 =	vmul.f32 v51, v9;
	v6 =	vadd.f32 v10, v6  }
0x38f: {  	v0 =	vadd.f32 v12, v0;
	v8 =	vmul.f32 v53, v25;
	v1 =	vadd.f32 v5, v1  }
0x390: {  	v3 =	vmul.f32 v58, v3;
	v5 =	vmul.f32 v11, v21;
	v6 =	vadd.f32 v9, v6  }
0x391: {  	v45 =	vld [tilespmem:$0x1FF50];
	v4 =	vadd.f32 v62, v4;
	v62 =	vmul.f32 v7, v30;
	v1 =	vadd.f32 v2, v1  }
0x392: {  	v55 =	vld [tilespmem:$0x1FFF0];
	v0 =	vadd.f32 v5, v0;
	v3 =	vadd.f32 v3, v6;
	v6 =	vmul.f32 v59, v8  }
0x393: {  	v4 =	vadd.f32 v57, v4;
	v7 =	vld [tilespmem:$0x1FFE0];
	v1 =	vadd.f32 v52, v1  }
0x394: {  	s19 =	sadd.s32 $0x1, s19;
	v11 =	vld [tilespmem:$0x1FFD0];
	v0 =	vadd.f32 v62, v0;
	v3 =	vadd.f32 v6, v3  }
0x395: {  	p0 =	sne.s32 s19, $0x8;
	v10 =	vld [tilespmem:$0x1FFB0]  }
.Ltmp5:
0x396: {  	v5 =	vld [tilespmem:$0x1FF70];
	v0 =	vadd.f32 v1, v0;
	v63 =	vadd.f32 v3, v4;
	(pc) =	sbr.rel @p0 .LBB2_10-.Ltmp5, $4  }
0x397: {  	v9 =	vld [tilespmem:$0x1FF90]  }
0x398: {  	v8 =	vld [tilespmem:$0x1FFA0];
	v0 =	vadd.f32 v0, v63  }
0x399: {  	v6 =	vld [tilespmem:$0x1FF80]  }
0x39a: {  	v4 =	vld [tilespmem:$0x1FFC0];
	[tilespmem:s21+$0x18700] =	vst v0  }
0x39b: {  	_ =	swait.ge [sflag:s23], $0x4000  }
0x39c: {  	[sflag:s23] =	ssyncset.done $0x0  }
0x39d: {  	[sflag:s23] =	ssyncadd.s32 $0xFFFFC000  }
0x39e: {  	_ =	swait.ge [sflag:s23], $0x4000  }
0x39f: {  	[sflag:s23] =	ssyncset.done $0x0  }
0x3a0: {  	[sflag:s23] =	ssyncadd.s32 $0xFFFFC000  }
0x3a1: {  	_ =	swait.ge [sflag:s23], $0x4000  }
0x3a2: {  	[sflag:s23] =	ssyncset.done $0x0  }
0x3a3: {  	s3 =	simm.s32 $0x0;
	s19 =	simm.s32 $0x0;
	[sflag:s23] =	ssyncadd.s32 $0xFFFFC000  }
.LBB2_14:
0x3a4: {  	v1 =	vld [tilespmem:$0x1FE00];
	_ =	sdelay $0x1  }
0x3a5: {  	s21 =	sshll.u32 s19, $0x4  }
0x3a6: {  	v0 =	vmov s21  }
0x3a7: {  	v0 =	vshll.u32 v0, $0x7  }
0x3a8: {  	v33 =	vor.u32 v1, v0;
	v0 =	vld [tilespmem:$0x1FF00];
	_ =	sdelay $0x4  }
0x3a9: {  	v1 =	vor.u32 v0, v33;
	v0 =	vld [tilespmem:$0x1FEC0];
	_ =	sdelay $0x4  }
0x3aa: {  	[tilespmem:$0x1F770] =	vst v1;
	v2 =	vor.u32 v0, v33;
	v0 =	vor.u32 s3, v1  }
0x3ab: {  	[tilespmem:$0x1F780] =	vst v2;
	v1 =	vor.u32 s3, v2;
	v2 =	vld [tilespmem:$0x1FE80];
	_ =	sdelay $0x3  }
0x3ac: {  	v3 =	vld.idx.msk [tilespmem:v0+s22+$0x0], $0xffff  }
0x3ad: {  	v2 =	vor.u32 v2, v33;
	v12 =	vld.idx.msk [tilespmem:v1+s22+$0x0], $0xffff  }
0x3ae: {  	v47 =	vld.idx.msk [tilespmem:v0+s18+$0x0], $0xffff;
	[tilespmem:$0x1F790] =	vst v2;
	v2 =	vor.u32 s3, v2  }
0x3af: {  	v15 =	vld.idx.msk [tilespmem:v1+s18+$0x0], $0xffff  }
0x3b0: {  	v17 =	vld.idx.msk [tilespmem:v1+s20+$0x0], $0xffff;
	v1 =	vadd.s32 s3, v6  }
0x3b1: {  	v1 =	vand.u32 $0x7F, v1;
	[tilespmem:$0x1F840] =	vst v3;
	v3 =	vld [tilespmem:$0x1FE40]  }
0x3b2: {  	v1 =	vor.u32 v33, v1;
	[tilespmem:$0x1F850] =	vst v12;
	v12 =	vld.idx.msk [tilespmem:v0+s20+$0x0], $0xffff  }
0x3b3: {  	v13 =	vld.idx.msk [tilespmem:v2+s22+$0x0], $0xffff  }
0x3b4: {  	v0 =	vlaneseq.u32;
	v21 =	vld.idx.msk [tilespmem:v2+s18+$0x0], $0xffff  }
0x3b5: {  	v0 =	vor.u32 v0, v33;
	v57 =	vld.idx.msk [tilespmem:v2+s20+$0x0], $0xffff  }
0x3b6: {  	v2 =	vld [tilespmem:$0x1FEF0];
	[tilespmem:$0x1F7B0] =	vst v0;
	v0 =	vor.u32 s3, v0;
	v3 =	vor.u32 v3, v33  }
0x3b7: {  	v56 =	vld.idx.msk [tilespmem:v1+s22+$0x0], $0xffff;
	[tilespmem:$0x1F7A0] =	vst v3;
	v3 =	vor.u32 s3, v3  }
0x3b8: {  	v27 =	vld.idx.msk [tilespmem:v1+s18+$0x0], $0xffff  }
0x3b9: {  	v60 =	vld.idx.msk [tilespmem:v1+s20+$0x0], $0xffff  }
0x3ba: {  	v1 =	vld [tilespmem:$0x1FEB0]  }
0x3bb: {  	v5 =	vadd.s32 s3, v5;
	v50 =	vld.idx.msk [tilespmem:v0+s22+$0x0], $0xffff  }
0x3bc: {  	v5 =	vand.u32 $0x7F, v5;
	v62 =	vld.idx.msk [tilespmem:v3+s22+$0x0], $0xffff  }
0x3bd: {  	v5 =	vor.u32 v33, v5;
	v20 =	vld.idx.msk [tilespmem:v3+s18+$0x0], $0xffff  }
0x3be: {  	v59 =	vld.idx.msk [tilespmem:v3+s20+$0x0], $0xffff;
	v3 =	vadd.s32 s3, v4  }
0x3bf: {  	v24 =	vld.idx.msk [tilespmem:v0+s18+$0x0], $0xffff;
	v3 =	vand.u32 $0x7F, v3  }
0x3c0: {  	v2 =	vor.u32 v2, v33;
	v25 =	vld.idx.msk [tilespmem:v0+s20+$0x0], $0xffff;
	v0 =	vor.u32 v33, v3  }
0x3c1: {  	[tilespmem:$0x1F7C0] =	vst v2;
	v3 =	vor.u32 v1, v33;
	v1 =	vor.u32 s3, v2;
	v2 =	vld [tilespmem:$0x1FE70]  }
0x3c2: {  	v43 =	vld.idx.msk [tilespmem:v5+s22+$0x0], $0xffff  }
0x3c3: {  	v19 =	vld.idx.msk [tilespmem:v5+s18+$0x0], $0xffff  }
0x3c4: {  	v6 =	vld.idx.msk [tilespmem:v5+s20+$0x0], $0xffff  }
0x3c5: {  	v22 =	vld.idx.msk [tilespmem:v0+s22+$0x0], $0xffff  }
0x3c6: {  	v2 =	vor.u32 v2, v33;
	v34 =	vld.idx.msk [tilespmem:v0+s18+$0x0], $0xffff  }
0x3c7: {  	v14 =	vld.idx.msk [tilespmem:v0+s20+$0x0], $0xffff;
	v5 =	vor.u32 s3, v2  }
0x3c8: {  	v36 =	vld.idx.msk [tilespmem:v1+s22+$0x0], $0xffff  }
0x3c9: {  	v0 =	vld [tilespmem:$0x1FE30]  }
0x3ca: {  	v38 =	vld.idx.msk [tilespmem:v1+s18+$0x0], $0xffff  }
0x3cb: {  	v61 =	vld.idx.msk [tilespmem:v1+s20+$0x0], $0xffff  }
0x3cc: {  	[tilespmem:$0x1F7D0] =	vst v3;
	v3 =	vor.u32 s3, v3;
	v1 =	vld.idx.msk [tilespmem:v5+s22+$0x0], $0xffff;
	_ =	sdelay $0x4  }
0x3cd: {  	v37 =	vld.idx.msk [tilespmem:v3+s22+$0x0], $0xffff;
	v0 =	vor.u32 v0, v33;
	[tilespmem:$0x1F8A0] =	vst v1;
	v1 =	vadd.s32 s3, v10  }
0x3ce: {  	v40 =	vld.idx.msk [tilespmem:v3+s18+$0x0], $0xffff;
	[tilespmem:$0x1F7F0] =	vst v0;
	v0 =	vor.u32 s3, v0;
	v1 =	vand.u32 $0x7F, v1  }
0x3cf: {  	v41 =	vld.idx.msk [tilespmem:v3+s20+$0x0], $0xffff;
	v1 =	vor.u32 v33, v1  }
0x3d0: {  	[tilespmem:$0x1F7E0] =	vst v2;
	v2 =	vld [tilespmem:$0x1FF10]  }
0x3d1: {  	v48 =	vld.idx.msk [tilespmem:v5+s18+$0x0], $0xffff  }
0x3d2: {  	v49 =	vld.idx.msk [tilespmem:v5+s20+$0x0], $0xffff  }
0x3d3: {  	v51 =	vld.idx.msk [tilespmem:v0+s22+$0x0], $0xffff  }
0x3d4: {  	v54 =	vld.idx.msk [tilespmem:v1+s22+$0x0], $0xffff  }
0x3d5: {  	v3 =	vadd.s32 s3, v9;
	v35 =	vld.idx.msk [tilespmem:v1+s18+$0x0], $0xffff  }
0x3d6: {  	v3 =	vand.u32 $0x7F, v3;
	v30 =	vld.idx.msk [tilespmem:v1+s20+$0x0], $0xffff  }
0x3d7: {  	v3 =	vor.u32 v33, v3;
	v5 =	vadd.s32 s3, v8;
	v1 =	vld [tilespmem:$0x1FEE0]  }
0x3d8: {  	v5 =	vand.u32 $0x7F, v5;
	v52 =	vld.idx.msk [tilespmem:v0+s18+$0x0], $0xffff  }
0x3d9: {  	v53 =	vld.idx.msk [tilespmem:v0+s20+$0x0], $0xffff;
	v0 =	vor.u32 v33, v5;
	_ =	sdelay $0x2  }
0x3da: {  	v42 =	vld.idx.msk [tilespmem:v3+s22+$0x0], $0xffff;
	v5 =	vadd.s32 s3, v2;
	v1 =	vor.u32 v1, v33  }
0x3db: {  	v2 =	vld [tilespmem:$0x1FEA0];
	v5 =	vand.u32 $0x7F, v5;
	[tilespmem:$0x1F800] =	vst v1;
	v1 =	vor.u32 s3, v1  }
0x3dc: {  	v9 =	vor.u32 v33, v5;
	v5 =	vld.idx.msk [tilespmem:v0+s22+$0x0], $0xffff  }
0x3dd: {  	v32 =	vld.idx.msk [tilespmem:v0+s18+$0x0], $0xffff  }
0x3de: {  	v39 =	vld.idx.msk [tilespmem:v0+s20+$0x0], $0xffff  }
0x3df: {  	v0 =	vld [tilespmem:$0x1FE60]  }
0x3e0: {  	v63 =	vld.idx.msk [tilespmem:v1+s22+$0x0], $0xffff  }
0x3e1: {  	v16 =	vld.idx.msk [tilespmem:v1+s18+$0x0], $0xffff  }
0x3e2: {  	v18 =	vld.idx.msk [tilespmem:v1+s20+$0x0], $0xffff  }
0x3e3: {  	v1 =	vld [tilespmem:$0x1FE20]  }
0x3e4: {  	v23 =	vld.idx.msk [tilespmem:v3+s18+$0x0], $0xffff;
	v2 =	vor.u32 v2, v33  }
0x3e5: {  	v26 =	vld.idx.msk [tilespmem:v3+s20+$0x0], $0xffff;
	v3 =	vor.u32 s3, v2  }
0x3e6: {  	v8 =	vld.idx.msk [tilespmem:v9+s22+$0x0], $0xffff  }
0x3e7: {  	[tilespmem:$0x1F870] =	vst v13;
	v28 =	vld.idx.msk [tilespmem:v9+s18+$0x0], $0xffff  }
0x3e8: {  	[tilespmem:$0x1F810] =	vst v2;
	v2 =	vor.u32 v0, v33;
	v0 =	vld [tilespmem:$0x1F840];
	v1 =	vor.u32 v1, v33  }
0x3e9: {  	v29 =	vld.idx.msk [tilespmem:v9+s20+$0x0], $0xffff;
	[tilespmem:$0x1F820] =	vst v2;
	v13 =	vor.u32 s3, v2;
	v2 =	vor.u32 s3, v1  }
0x3ea: {  	v58 =	vld.idx.msk [tilespmem:v3+s22+$0x0], $0xffff  }
0x3eb: {  	v12 =	vmul.f32 v12, v47;
	v9 =	vld.idx.msk [tilespmem:v3+s18+$0x0], $0xffff;
	[tilespmem:$0x1F830] =	vst v1;
	v1 =	vadd.s32 s3, v11  }
0x3ec: {  	v31 =	vmul.f32 v60, v27;
	v10 =	vld.idx.msk [tilespmem:v3+s20+$0x0], $0xffff;
	v3 =	vand.u32 $0x7F, v1  }
0x3ed: {  	v60 =	vmul.f32 v0, v12;
	v0 =	vld [tilespmem:$0x1F850];
	v4 =	vor.u32 v33, v3;
	v3 =	vadd.s32 s3, v7  }
0x3ee: {  	v15 =	vmul.f32 v17, v15;
	v17 =	vand.u32 $0x7F, v3;
	v3 =	vld.idx.msk [tilespmem:v2+s22+$0x0], $0xffff  }
0x3ef: {  	v44 =	vmul.f32 v59, v20;
	v20 =	vld.idx.msk [tilespmem:v2+s18+$0x0], $0xffff  }
0x3f0: {  	v7 =	vor.u32 v33, v17;
	v17 =	vmul.f32 v57, v21;
	v21 =	vld.idx.msk [tilespmem:v2+s20+$0x0], $0xffff  }
0x3f1: {  	v2 =	vld [tilespmem:$0x1FED0]  }
0x3f2: {  	v12 =	vld.idx.msk [tilespmem:v4+s22+$0x0], $0xffff  }
0x3f3: {  	v24 =	vmul.f32 v25, v24;
	v25 =	vld.idx.msk [tilespmem:v4+s18+$0x0], $0xffff  }
0x3f4: {  	v27 =	vld.idx.msk [tilespmem:v4+s20+$0x0], $0xffff  }
0x3f5: {  	v4 =	vld [tilespmem:$0x1FF20];
	_ =	sdelay $0x2  }
0x3f6: {  	v19 =	vmul.f32 v6, v19  }
0x3f7: {  	v6 =	vmul.f32 v62, v44;
	v59 =	vmul.f32 v0, v15;
	v0 =	vld [tilespmem:$0x1F870];
	v2 =	vor.u32 v2, v33  }
0x3f8: {  	v15 =	vmul.f32 v14, v34;
	[tilespmem:$0x1F860] =	vst v2;
	v2 =	vor.u32 s3, v2;
	v62 =	vadd.s32 s3, v4  }
0x3f9: {  	v14 =	vmul.f32 v50, v24;
	v57 =	vmul.f32 v56, v31;
	v31 =	vld.idx.msk [tilespmem:v7+s18+$0x0], $0xffff;
	v24 =	vand.u32 $0x7F, v62  }
0x3fa: {  	v56 =	vor.u32 v33, v24;
	v24 =	vadd.s32 s3, v55;
	v55 =	vmul.f32 v22, v15;
	v22 =	vld [tilespmem:$0x1FE90]  }
0x3fb: {  	v34 =	vld.idx.msk [tilespmem:v7+s20+$0x0], $0xffff  }
0x3fc: {  	v4 =	vmul.f32 v0, v17;
	v17 =	vld.idx.msk [tilespmem:v7+s22+$0x0], $0xffff;
	v15 =	vand.u32 $0x7F, v24  }
0x3fd: {  	v7 =	vmul.f32 v61, v38;
	v61 =	vor.u32 v33, v15;
	v15 =	vld.idx.msk [tilespmem:v2+s22+$0x0], $0xffff  }
0x3fe: {  	v24 =	vld.idx.msk [tilespmem:v2+s20+$0x0], $0xffff  }
0x3ff: {  	v47 =	vmul.f32 v49, v48;
	v48 =	vor.u32 v22, v33;
	v22 =	vld.idx.msk [tilespmem:v2+s18+$0x0], $0xffff  }
0x400: {  	v2 =	vld [tilespmem:$0x1FE50];
	_ =	sdelay $0x3  }
0x401: {  	v26 =	vmul.f32 v26, v23;
	v11 =	vld.idx.msk [tilespmem:v13+s18+$0x0], $0xffff  }
0x402: {  	v1 =	vld.idx.msk [tilespmem:v13+s22+$0x0], $0xffff;
	v2 =	vor.u32 v2, v33  }
0x403: {  	v49 =	vmul.f32 v30, v35;
	[tilespmem:$0x1F890] =	vst v2;
	v35 =	vor.u32 s3, v2;
	v2 =	vmul.f32 v42, v26;
	v26 =	vld [tilespmem:$0x1FE10]  }
0x404: {  	v13 =	vld.idx.msk [tilespmem:v13+s20+$0x0], $0xffff  }
0x405: {  	v0 =	vld [tilespmem:$0x1F8A0]  }
0x406: {  	v62 =	vmul.f32 v43, v19;
	v19 =	vmul.f32 v41, v40;
	v30 =	vld.idx.msk [tilespmem:v56+s18+$0x0], $0xffff;
	v38 =	vor.u32 s3, v48  }
0x407: {  	v44 =	vmul.f32 v53, v52;
	v40 =	vmul.f32 v39, v32;
	v32 =	vld.idx.msk [tilespmem:v56+s20+$0x0], $0xffff  }
0x408: {  	v52 =	vmul.f32 v54, v49;
	v19 =	vmul.f32 v37, v19;
	v37 =	vld.idx.msk [tilespmem:v61+s18+$0x0], $0xffff;
	v26 =	vor.u32 v26, v33  }
0x409: {  	v49 =	vimm.f32 $0.0e+00;
	v7 =	vmul.f32 v36, v7;
	v39 =	vld.idx.msk [tilespmem:v61+s20+$0x0], $0xffff;
	v36 =	vor.u32 s3, v26  }
0x40a: {  	v50 =	vimm.f32 $0.0e+00;
	v41 =	vmul.f32 v29, v28;
	v28 =	vmul.f32 v51, v44;
	[tilespmem:$0x1F880] =	vst v48;
	v29 =	vld.idx.msk [tilespmem:v35+s22+$0x0], $0xffff  }
0x40b: {  	s25 =	simm.s32 $0x20;
	s24 =	simm.s32 $0x0;
	v51 =	vimm.f32 $0.0e+00;
	v23 =	vmul.f32 v0, v47;
	v48 =	vimm.f32 $0.0e+00;
	[tilespmem:$0x1F8B0] =	vst v26;
	v26 =	vld.idx.msk [tilespmem:v38+s22+$0x0], $0xffff  }
.LBB2_15:
0x40c: {  	v42 =	vld.idx.msk [tilespmem:v38+s18+$0x0], $0xffff  }
0x40d: {  	v47 =	vld [tilespmem:$0x1FF60]  }
0x40e: {  	v43 =	vld.idx.msk [tilespmem:v36+s18+$0x0], $0xffff  }
0x40f: {  	v44 =	vld [tilespmem:$0x1FF40]  }
0x410: {  	v54 =	vld.idx.msk [tilespmem:v35+s18+$0x0], $0xffff  }
0x411: {  	v8 =	vmul.f32 v8, v41;
	v41 =	vld.idx.msk [tilespmem:v36+s22+$0x0], $0xffff  }
0x412: {  	v36 =	vld.idx.msk [tilespmem:v36+s20+$0x0], $0xffff  }
0x413: {  	v16 =	vmul.f32 v18, v16;
	v18 =	vadd.s32 s24, v45;
	v20 =	vmul.f32 v21, v20;
	v21 =	vld.idx.msk [tilespmem:v35+s20+$0x0], $0xffff  }
0x414: {  	v53 =	vadd.s32 s24, v46;
	v11 =	vmul.f32 v13, v11;
	v13 =	vld.idx.msk [tilespmem:v38+s20+$0x0], $0xffff;
	v18 =	vand.u32 $0x7F, v18  }
0x415: {  	v9 =	vmul.f32 v10, v9;
	v45 =	vld [tilespmem:$0x1F780];
	v10 =	vand.u32 $0x7F, v53;
	v18 =	vor.u32 v33, v18  }
0x416: {  	v5 =	vmul.f32 v5, v40;
	v40 =	vadd.s32 s24, v47;
	v47 =	vld [tilespmem:$0x1F790];
	v10 =	vor.u32 v33, v10  }
0x417: {  	v0 =	vmul.f32 v63, v16;
	v16 =	vmul.f32 v27, v25;
	v27 =	vld [tilespmem:$0x1F770]  }
0x418: {  	v44 =	vadd.s32 s24, v44;
	v9 =	vmul.f32 v58, v9;
	v58 =	vld [tilespmem:$0x1F7B0]  }
0x419: {  	v44 =	vand.u32 $0x7F, v44;
	v16 =	vmul.f32 v12, v16;
	v12 =	vld [tilespmem:$0x1F7A0]  }
0x41a: {  	v44 =	vor.u32 v33, v44;
	v63 =	vld.idx.msk [tilespmem:v18+s18+$0x0], $0xffff  }
0x41b: {  	v40 =	vand.u32 $0x7F, v40;
	v3 =	vmul.f32 v3, v20;
	v20 =	vld.idx.msk [tilespmem:v10+s18+$0x0], $0xffff  }
0x41c: {  	v40 =	vor.u32 v33, v40;
	v21 =	vmul.f32 v21, v54;
	v54 =	vld.idx.msk [tilespmem:v10+s20+$0x0], $0xffff  }
0x41d: {  	v31 =	vmul.f32 v34, v31;
	v10 =	vld.idx.msk [tilespmem:v10+s22+$0x0], $0xffff  }
0x41e: {  	v14 =	vadd.f32 v14, v48;
	v22 =	vmul.f32 v24, v22;
	v36 =	vmul.f32 v36, v43;
	v24 =	vld.idx.msk [tilespmem:v18+s20+$0x0], $0xffff  }
0x41f: {  	v28 =	vadd.f32 v28, v50;
	v1 =	vmul.f32 v1, v11;
	v3 =	vadd.f32 v3, v49;
	v11 =	vld.idx.msk [tilespmem:v44+s18+$0x0], $0xffff  }
0x420: {  	v17 =	vmul.f32 v17, v31;
	v31 =	vld.idx.msk [tilespmem:v44+s20+$0x0], $0xffff;
	v53 =	vor.u32 s25, v12;
	v12 =	vmul.f32 v41, v36  }
0x421: {  	v1 =	vadd.f32 v1, v3;
	v3 =	vadd.f32 v23, v28;
	v25 =	vld.idx.msk [tilespmem:v40+s18+$0x0], $0xffff  }
0x422: {  	v6 =	vadd.f32 v6, v14;
	v21 =	vmul.f32 v29, v21;
	v14 =	vld.idx.msk [tilespmem:v44+s22+$0x0], $0xffff;
	v12 =	vadd.f32 v12, v51  }
0x423: {  	v3 =	vadd.f32 v19, v3;
	v19 =	vld.idx.msk [tilespmem:v56+s22+$0x0], $0xffff  }
0x424: {  	v13 =	vmul.f32 v13, v42;
	v12 =	vadd.f32 v21, v12;
	v21 =	vld.idx.msk [tilespmem:v40+s20+$0x0], $0xffff  }
0x425: {  	v27 =	vor.u32 s25, v27;
	v1 =	vadd.f32 v9, v1;
	v9 =	vmul.f32 v31, v11;
	v11 =	vld.idx.msk [tilespmem:v61+s22+$0x0], $0xffff  }
0x426: {  	v34 =	vor.u32 s25, v45;
	v61 =	vld [tilespmem:$0x1FFE0]  }
0x427: {  	v13 =	vmul.f32 v26, v13;
	v31 =	vld.idx.msk [tilespmem:v53+s18+$0x0], $0xffff  }
0x428: {  	v30 =	vmul.f32 v32, v30;
	v4 =	vadd.f32 v4, v6;
	v32 =	vld.idx.msk [tilespmem:v53+s20+$0x0], $0xffff  }
0x429: {  	v6 =	vadd.f32 v13, v12;
	v13 =	vld.idx.msk [tilespmem:v18+s22+$0x0], $0xffff  }
0x42a: {  	v18 =	vadd.f32 v59, v4;
	v59 =	vld.idx.msk [tilespmem:v27+s22+$0x0], $0xffff  }
0x42b: {  	v35 =	vmul.f32 v39, v37;
	v37 =	vor.u32 s25, v47;
	v0 =	vadd.f32 v0, v1;
	v4 =	vld.idx.msk [tilespmem:v34+s22+$0x0], $0xffff  }
0x42c: {  	v15 =	vmul.f32 v15, v22;
	v1 =	vadd.f32 v7, v3;
	v9 =	vmul.f32 v14, v9;
	v14 =	vld.idx.msk [tilespmem:v27+s20+$0x0], $0xffff  }
0x42d: {  	v0 =	vadd.f32 v17, v0;
	v12 =	vmul.f32 v54, v20;
	v20 =	vld [tilespmem:$0x1FFD0]  }
0x42e: {  	v1 =	vadd.f32 v8, v1;
	v6 =	vadd.f32 v15, v6;
	v15 =	vld.idx.msk [tilespmem:v40+s22+$0x0], $0xffff  }
0x42f: {  	v39 =	vor.u32 s25, v58;
	v10 =	vmul.f32 v10, v12;
	v12 =	vld.idx.msk [tilespmem:v27+s18+$0x0], $0xffff  }
0x430: {  	v0 =	vadd.f32 v16, v0;
	v1 =	vadd.f32 v5, v1;
	v8 =	vmul.f32 v21, v25;
	v25 =	vld.idx.msk [tilespmem:v37+s20+$0x0], $0xffff  }
0x431: {  	v7 =	vadd.f32 v60, v18;
	v5 =	vmul.f32 v11, v35;
	v10 =	vadd.f32 v10, v6;
	v6 =	vld.idx.msk [tilespmem:v53+s22+$0x0], $0xffff  }
0x432: {  	v3 =	vmul.f32 v24, v63;
	[tilespmem:$0x1F700] =	vst v4;
	v4 =	vld.idx.msk [tilespmem:v37+s22+$0x0], $0xffff  }
0x433: {  	v17 =	vadd.f32 v55, v7;
	v0 =	vadd.f32 v5, v0;
	v5 =	vmul.f32 v19, v30;
	v19 =	vld.idx.msk [tilespmem:v34+s20+$0x0], $0xffff  }
0x434: {  	v1 =	vadd.f32 v2, v1;
	v3 =	vmul.f32 v13, v3;
	v30 =	vld [tilespmem:$0x1FFF0];
	v9 =	vadd.f32 v9, v10  }
0x435: {  	v10 =	vadd.f32 v62, v17;
	v17 =	vld.idx.msk [tilespmem:v34+s18+$0x0], $0xffff;
	v0 =	vadd.f32 v5, v0  }
0x436: {  	v34 =	vld.idx.msk [tilespmem:v39+s18+$0x0], $0xffff;
	v3 =	vadd.f32 v3, v9  }
0x437: {  	v8 =	vmul.f32 v15, v8;
	v2 =	vadd.f32 v57, v10;
	[tilespmem:$0x1F760] =	vst v0;
	v0 =	vadd.f32 v52, v1;
	v1 =	vld [tilespmem:$0x1FF70]  }
0x438: {  	v20 =	vadd.s32 s25, v20;
	[tilespmem:$0x1F710] =	vst v4;
	v4 =	vld.idx.msk [tilespmem:v39+s20+$0x0], $0xffff  }
0x439: {  	v20 =	vand.u32 $0x7F, v20;
	v15 =	vld.idx.msk [tilespmem:v39+s22+$0x0], $0xffff;
	[tilespmem:$0x1F720] =	vst v2;
	v2 =	vadd.f32 v8, v3;
	v30 =	vadd.s32 s25, v30  }
0x43a: {  	v55 =	vadd.s32 s25, v61;
	v62 =	vor.u32 v33, v20;
	v57 =	vld.idx.msk [tilespmem:v37+s18+$0x0], $0xffff;
	v30 =	vand.u32 $0x7F, v30  }
0x43b: {  	[tilespmem:$0x1F730] =	vst v2;
	v2 =	vld [tilespmem:$0x1FFC0];
	v61 =	vor.u32 v33, v30;
	v30 =	vand.u32 $0x7F, v55  }
0x43c: {  	v14 =	vmul.f32 v14, v12;
	[tilespmem:$0x1F750] =	vst v0;
	v0 =	vld [tilespmem:$0x1FF80];
	v17 =	vmul.f32 v19, v17;
	v19 =	vor.u32 v33, v30  }
0x43d: {  	v1 =	vadd.s32 s25, v1;
	v34 =	vmul.f32 v4, v34;
	v4 =	vld [tilespmem:$0x1F700]  }
0x43e: {  	v60 =	vmul.f32 v59, v14;
	v14 =	vld [tilespmem:$0x1F860];
	v1 =	vand.u32 $0x7F, v1  }
0x43f: {  	v31 =	vmul.f32 v32, v31;
	v12 =	vld.idx.msk [tilespmem:v62+s22+$0x0], $0xffff;
	v1 =	vor.u32 v33, v1  }
0x440: {  	v3 =	vadd.s32 s25, v2;
	v2 =	vld [tilespmem:$0x1F7D0]  }
0x441: {  	v6 =	vmul.f32 v6, v31;
	v0 =	vadd.s32 s25, v0;
	v31 =	vld.idx.msk [tilespmem:v19+s18+$0x0], $0xffff  }
0x442: {  	v0 =	vand.u32 $0x7F, v0;
	v59 =	vmul.f32 v4, v17;
	v4 =	vld [tilespmem:$0x1F710]  }
0x443: {  	v0 =	vor.u32 v33, v0;
	v17 =	vld.idx.msk [tilespmem:v19+s22+$0x0], $0xffff  }
0x444: {  	v22 =	vld.idx.msk [tilespmem:v1+s22+$0x0], $0xffff  }
0x445: {  	v39 =	vld.idx.msk [tilespmem:v1+s18+$0x0], $0xffff  }
0x446: {  	v3 =	vand.u32 $0x7F, v3;
	v40 =	vld.idx.msk [tilespmem:v1+s20+$0x0], $0xffff  }
0x447: {  	v3 =	vor.u32 v33, v3;
	v1 =	vld [tilespmem:$0x1F7E0]  }
0x448: {  	v26 =	vld.idx.msk [tilespmem:v0+s22+$0x0], $0xffff  }
0x449: {  	v37 =	vld.idx.msk [tilespmem:v0+s18+$0x0], $0xffff  }
0x44a: {  	v38 =	vld.idx.msk [tilespmem:v0+s20+$0x0], $0xffff  }
0x44b: {  	v0 =	vld [tilespmem:$0x1F7C0]  }
0x44c: {  	v5 =	vor.u32 s25, v2;
	v27 =	vld.idx.msk [tilespmem:v3+s22+$0x0], $0xffff  }
0x44d: {  	v25 =	vmul.f32 v25, v57;
	v41 =	vld.idx.msk [tilespmem:v3+s18+$0x0], $0xffff  }
0x44e: {  	v42 =	vld.idx.msk [tilespmem:v3+s20+$0x0], $0xffff  }
0x44f: {  	v4 =	vmul.f32 v4, v25;
	v25 =	vld.idx.msk [tilespmem:v62+s18+$0x0], $0xffff  }
0x450: {  	v40 =	vmul.f32 v40, v39;
	v39 =	vld.idx.msk [tilespmem:v61+s20+$0x0], $0xffff  }
0x451: {  	v2 =	vld.idx.msk [tilespmem:v5+s22+$0x0], $0xffff  }
0x452: {  	v1 =	vor.u32 s25, v1;
	v43 =	vld.idx.msk [tilespmem:v5+s18+$0x0], $0xffff  }
0x453: {  	v44 =	vld.idx.msk [tilespmem:v5+s20+$0x0], $0xffff  }
0x454: {  	v55 =	vmul.f32 v38, v37;
	v37 =	vld.idx.msk [tilespmem:v61+s18+$0x0], $0xffff  }
0x455: {  	v41 =	vmul.f32 v42, v41;
	v42 =	vor.u32 s25, v14;
	v14 =	vmul.f32 v15, v34;
	v15 =	vld [tilespmem:$0x1F880]  }
0x456: {  	v34 =	vld.idx.msk [tilespmem:v19+s20+$0x0], $0xffff  }
0x457: {  	v29 =	vld.idx.msk [tilespmem:v1+s22+$0x0], $0xffff  }
0x458: {  	v0 =	vor.u32 s25, v0;
	v45 =	vld.idx.msk [tilespmem:v1+s18+$0x0], $0xffff  }
0x459: {  	v46 =	vld.idx.msk [tilespmem:v1+s20+$0x0], $0xffff  }
0x45a: {  	v1 =	vld [tilespmem:$0x1FFA0]  }
0x45b: {  	v57 =	vmul.f32 v26, v55;
	v55 =	vmul.f32 v27, v41;
	v27 =	vld.idx.msk [tilespmem:v62+s20+$0x0], $0xffff  }
0x45c: {  	[tilespmem:$0x1F740] =	vst v2;
	v2 =	vld [tilespmem:$0x1F7F0]  }
0x45d: {  	v35 =	vld.idx.msk [tilespmem:v0+s18+$0x0], $0xffff  }
0x45e: {  	v36 =	vld.idx.msk [tilespmem:v0+s20+$0x0], $0xffff  }
0x45f: {  	v38 =	vor.u32 s25, v15;
	v15 =	vld [tilespmem:$0x1F890]  }
0x460: {  	v23 =	vld.idx.msk [tilespmem:v0+s22+$0x0], $0xffff  }
0x461: {  	v62 =	vmul.f32 v22, v40;
	v0 =	vld [tilespmem:$0x1FFB0];
	v3 =	vor.u32 s25, v2  }
0x462: {  	v22 =	vmul.f32 v44, v43;
	v44 =	vmul.f32 v46, v45;
	v46 =	vld [tilespmem:$0x1FF30]  }
0x463: {  	v1 =	vadd.s32 s25, v1;
	v2 =	vld [tilespmem:$0x1FF90]  }
0x464: {  	v1 =	vand.u32 $0x7F, v1;
	v40 =	vmul.f32 v36, v35;
	v35 =	vor.u32 s25, v15;
	v15 =	vld.idx.msk [tilespmem:v42+s22+$0x0], $0xffff  }
0x465: {  	v1 =	vor.u32 v33, v1;
	v26 =	vld.idx.msk [tilespmem:v38+s22+$0x0], $0xffff  }
0x466: {  	v28 =	vld.idx.msk [tilespmem:v3+s22+$0x0], $0xffff  }
0x467: {  	v0 =	vadd.s32 s25, v0;
	v47 =	vld.idx.msk [tilespmem:v3+s18+$0x0], $0xffff  }
0x468: {  	v0 =	vand.u32 $0x7F, v0;
	v48 =	vld.idx.msk [tilespmem:v3+s20+$0x0], $0xffff  }
0x469: {  	v0 =	vor.u32 v33, v0;
	v5 =	vadd.s32 s25, v2;
	v2 =	vld [tilespmem:$0x1FF10]  }
0x46a: {  	v53 =	vld.idx.msk [tilespmem:v1+s18+$0x0], $0xffff  }
0x46b: {  	v5 =	vand.u32 $0x7F, v5;
	v54 =	vld.idx.msk [tilespmem:v1+s20+$0x0], $0xffff  }
0x46c: {  	v8 =	vor.u32 v33, v5;
	v5 =	vld.idx.msk [tilespmem:v1+s22+$0x0], $0xffff  }
0x46d: {  	v1 =	vld [tilespmem:$0x1F830]  }
0x46e: {  	v49 =	vld.idx.msk [tilespmem:v0+s22+$0x0], $0xffff  }
0x46f: {  	v7 =	vld.idx.msk [tilespmem:v0+s18+$0x0], $0xffff  }
0x470: {  	v3 =	vadd.s32 s25, v2;
	v2 =	vld.idx.msk [tilespmem:v0+s20+$0x0], $0xffff  }
0x471: {  	v0 =	vld [tilespmem:$0x1F800]  }
0x472: {  	v43 =	vmul.f32 v48, v47;
	v48 =	vld [tilespmem:$0x1F720];
	v3 =	vand.u32 $0x7F, v3  }
0x473: {  	v50 =	vld.idx.msk [tilespmem:v8+s22+$0x0], $0xffff;
	v3 =	vor.u32 v33, v3  }
0x474: {  	v51 =	vld.idx.msk [tilespmem:v8+s18+$0x0], $0xffff  }
0x475: {  	v52 =	vld.idx.msk [tilespmem:v8+s20+$0x0], $0xffff;
	v21 =	vor.u32 s25, v1  }
0x476: {  	v28 =	vmul.f32 v28, v43;
	v43 =	vld [tilespmem:$0x1FF40]  }
0x477: {  	v9 =	vor.u32 s25, v0;
	v0 =	vld [tilespmem:$0x1F810]  }
0x478: {  	v8 =	vld.idx.msk [tilespmem:v3+s22+$0x0], $0xffff  }
0x479: {  	v24 =	vld.idx.msk [tilespmem:v3+s18+$0x0], $0xffff  }
0x47a: {  	v20 =	vld.idx.msk [tilespmem:v21+s18+$0x0], $0xffff  }
0x47b: {  	v45 =	vmul.f32 v52, v51;
	v51 =	vld [tilespmem:$0x1F730]  }
0x47c: {  	v52 =	vmul.f32 v2, v7;
	v2 =	vld [tilespmem:$0x1F8B0]  }
0x47d: {  	v7 =	vmul.f32 v23, v40;
	v23 =	vmul.f32 v29, v44;
	v29 =	vld.idx.msk [tilespmem:v35+s22+$0x0], $0xffff  }
0x47e: {  	v52 =	vmul.f32 v49, v52;
	v49 =	vld [tilespmem:$0x1F760]  }
0x47f: {  	v10 =	vor.u32 s25, v0;
	v0 =	vld [tilespmem:$0x1F820]  }
0x480: {  	v63 =	vld.idx.msk [tilespmem:v9+s22+$0x0], $0xffff  }
0x481: {  	v16 =	vld.idx.msk [tilespmem:v9+s18+$0x0], $0xffff  }
0x482: {  	v18 =	vld.idx.msk [tilespmem:v9+s20+$0x0], $0xffff  }
0x483: {  	v36 =	vor.u32 s25, v2;
	v2 =	vld [tilespmem:$0x1F740]  }
0x484: {  	v13 =	vor.u32 s25, v0;
	v0 =	vld.idx.msk [tilespmem:v3+s20+$0x0], $0xffff  }
0x485: {  	v58 =	vld.idx.msk [tilespmem:v10+s22+$0x0], $0xffff  }
0x486: {  	v3 =	vld [tilespmem:$0x1FF20]  }
0x487: {  	v9 =	vld.idx.msk [tilespmem:v10+s18+$0x0], $0xffff  }
0x488: {  	v10 =	vld.idx.msk [tilespmem:v10+s20+$0x0], $0xffff  }
0x489: {  	v19 =	vmul.f32 v2, v22;
	v22 =	vld.idx.msk [tilespmem:v42+s18+$0x0], $0xffff  }
0x48a: {  	v2 =	vmul.f32 v50, v45;
	v50 =	vld [tilespmem:$0x1F750]  }
0x48b: {  	v45 =	vld [tilespmem:$0x1FF50];
	v3 =	vadd.s32 s25, v3  }
0x48c: {  	v1 =	vld.idx.msk [tilespmem:v13+s22+$0x0], $0xffff;
	v11 =	vand.u32 $0x7F, v3  }
0x48d: {  	v41 =	vmul.f32 v0, v24;
	v24 =	vld.idx.msk [tilespmem:v42+s20+$0x0], $0xffff;
	v56 =	vor.u32 v33, v11  }
0x48e: {  	p0 =	sne.s32 s25, $0x60;
	v3 =	vld.idx.msk [tilespmem:v21+s22+$0x0], $0xffff  }
.Ltmp6:
0x48f: {  	v21 =	vld.idx.msk [tilespmem:v21+s20+$0x0], $0xffff;
	(pc) =	sbr.rel @p0 .LBB2_15-.Ltmp6, $4  }
0x490: {  	v11 =	vld.idx.msk [tilespmem:v13+s18+$0x0], $0xffff  }
0x491: {  	v13 =	vld.idx.msk [tilespmem:v13+s20+$0x0], $0xffff  }
0x492: {  	v30 =	vld.idx.msk [tilespmem:v56+s18+$0x0], $0xffff  }
0x493: {  	s24 =	smov.u32 s25;
	v40 =	vmul.f32 v54, v53;
	s25 =	sadd.s32 $0x20, s25;
	v32 =	vld.idx.msk [tilespmem:v56+s20+$0x0], $0xffff  }
0x494: {  	_ =	sdelay $0x2  }
0x495: {  	v47 =	vld [tilespmem:$0x1FF60]  }
0x496: {  	v54 =	vadd.s32 s24, v45;
	v42 =	vld.idx.msk [tilespmem:v36+s22+$0x0], $0xffff  }
0x497: {  	v16 =	vmul.f32 v18, v16;
	v43 =	vadd.s32 s24, v43;
	v44 =	vld.idx.msk [tilespmem:v36+s18+$0x0], $0xffff;
	v18 =	vand.u32 $0x7F, v54  }
0x498: {  	v0 =	vadd.s32 s24, v46;
	v36 =	vld.idx.msk [tilespmem:v36+s20+$0x0], $0xffff;
	v43 =	vand.u32 $0x7F, v43;
	v18 =	vor.u32 v33, v18  }
0x499: {  	v9 =	vmul.f32 v10, v9;
	v45 =	vld.idx.msk [tilespmem:v35+s18+$0x0], $0xffff;
	v10 =	vand.u32 $0x7F, v0;
	v43 =	vor.u32 v33, v43  }
0x49a: {  	v8 =	vmul.f32 v8, v41;
	v5 =	vmul.f32 v5, v40;
	v40 =	vld.idx.msk [tilespmem:v38+s18+$0x0], $0xffff;
	v10 =	vor.u32 v33, v10  }
0x49b: {  	v20 =	vmul.f32 v21, v20;
	v21 =	vmul.f32 v39, v37;
	v53 =	vadd.s32 s24, v47;
	v47 =	vld.idx.msk [tilespmem:v35+s20+$0x0], $0xffff  }
0x49c: {  	v22 =	vmul.f32 v24, v22;
	v11 =	vmul.f32 v13, v11;
	v41 =	vand.u32 $0x7F, v53;
	v53 =	vld.idx.msk [tilespmem:v38+s20+$0x0], $0xffff  }
0x49d: {  	v54 =	vmul.f32 v27, v25;
	v0 =	vmul.f32 v63, v16;
	v37 =	vld.idx.msk [tilespmem:v18+s18+$0x0], $0xffff  }
0x49e: {  	v14 =	vadd.f32 v14, v48;
	v9 =	vmul.f32 v58, v9;
	v1 =	vmul.f32 v1, v11;
	v11 =	vld.idx.msk [tilespmem:v43+s18+$0x0], $0xffff  }
0x49f: {  	v28 =	vadd.f32 v28, v50;
	v63 =	vmul.f32 v34, v31;
	v38 =	vmul.f32 v36, v44;
	v39 =	vld.idx.msk [tilespmem:v10+s18+$0x0], $0xffff  }
0x4a0: {  	v3 =	vmul.f32 v3, v20;
	v6 =	vadd.f32 v6, v14;
	v15 =	vmul.f32 v15, v22;
	v44 =	vld.idx.msk [tilespmem:v10+s20+$0x0], $0xffff  }
0x4a1: {  	v41 =	vor.u32 v33, v41;
	v10 =	vld.idx.msk [tilespmem:v10+s22+$0x0], $0xffff;
	v42 =	vmul.f32 v42, v38;
	v13 =	vmul.f32 v47, v45  }
0x4a2: {  	v30 =	vmul.f32 v32, v30;
	v3 =	vadd.f32 v3, v49;
	v4 =	vadd.f32 v4, v6;
	v49 =	vld.idx.msk [tilespmem:v18+s20+$0x0], $0xffff  }
0x4a3: {  	v47 =	vld.idx.msk [tilespmem:v43+s20+$0x0], $0xffff;
	v20 =	vadd.f32 v42, v51;
	v32 =	vmul.f32 v53, v40;
	v13 =	vmul.f32 v29, v13  }
0x4a4: {  	v12 =	vmul.f32 v12, v54;
	v1 =	vadd.f32 v1, v3;
	v3 =	vadd.f32 v23, v28;
	v58 =	vld.idx.msk [tilespmem:v18+s22+$0x0], $0xffff  }
0x4a5: {  	v4 =	vadd.f32 v59, v4;
	v51 =	vld.idx.msk [tilespmem:v43+s22+$0x0], $0xffff;
	v50 =	vmul.f32 v26, v32;
	v13 =	vadd.f32 v13, v20  }
0x4a6: {  	v17 =	vmul.f32 v17, v63;
	v1 =	vadd.f32 v9, v1;
	v3 =	vadd.f32 v19, v3;
	v25 =	vld.idx.msk [tilespmem:v41+s18+$0x0], $0xffff  }
0x4a7: {  	v4 =	vadd.f32 v60, v4;
	v53 =	vld.idx.msk [tilespmem:v41+s20+$0x0], $0xffff;
	v54 =	vmul.f32 v44, v39;
	v6 =	vadd.f32 v50, v13  }
0x4a8: {  	v0 =	vadd.f32 v0, v1;
	v9 =	vmul.f32 v47, v11;
	v11 =	vld.idx.msk [tilespmem:v61+s22+$0x0], $0xffff;
	v61 =	vadd.f32 v7, v3  }
0x4a9: {  	v4 =	vadd.f32 v55, v4;
	v10 =	vmul.f32 v10, v54;
	v7 =	vld.idx.msk [tilespmem:v56+s22+$0x0], $0xffff;
	v6 =	vadd.f32 v15, v6  }
0x4aa: {  	v59 =	vld.idx.msk [tilespmem:v41+s22+$0x0], $0xffff;
	v0 =	vadd.f32 v17, v0;
	v1 =	vadd.f32 v8, v61  }
0x4ab: {  	v3 =	vmul.f32 v49, v37;
	v9 =	vmul.f32 v51, v9;
	v6 =	vadd.f32 v10, v6  }
0x4ac: {  	v0 =	vadd.f32 v12, v0;
	v8 =	vmul.f32 v53, v25;
	v1 =	vadd.f32 v5, v1  }
0x4ad: {  	v3 =	vmul.f32 v58, v3;
	v5 =	vmul.f32 v11, v21;
	v6 =	vadd.f32 v9, v6  }
0x4ae: {  	v45 =	vld [tilespmem:$0x1FF50];
	v4 =	vadd.f32 v62, v4;
	v62 =	vmul.f32 v7, v30;
	v1 =	vadd.f32 v2, v1  }
0x4af: {  	v55 =	vld [tilespmem:$0x1FFF0];
	v0 =	vadd.f32 v5, v0;
	v3 =	vadd.f32 v3, v6;
	v6 =	vmul.f32 v59, v8  }
0x4b0: {  	v4 =	vadd.f32 v57, v4;
	v7 =	vld [tilespmem:$0x1FFE0];
	v1 =	vadd.f32 v52, v1  }
0x4b1: {  	s19 =	sadd.s32 $0x1, s19;
	v11 =	vld [tilespmem:$0x1FFD0];
	v0 =	vadd.f32 v62, v0;
	v3 =	vadd.f32 v6, v3  }
0x4b2: {  	p0 =	sne.s32 s19, $0x8;
	v10 =	vld [tilespmem:$0x1FFB0]  }
.Ltmp7:
0x4b3: {  	v5 =	vld [tilespmem:$0x1FF70];
	v0 =	vadd.f32 v1, v0;
	v63 =	vadd.f32 v3, v4;
	(pc) =	sbr.rel @p0 .LBB2_14-.Ltmp7, $4  }
0x4b4: {  	v9 =	vld [tilespmem:$0x1FF90]  }
0x4b5: {  	v8 =	vld [tilespmem:$0x1FFA0];
	v0 =	vadd.f32 v0, v63  }
0x4b6: {  	v6 =	vld [tilespmem:$0x1FF80]  }
0x4b7: {  	v4 =	vld [tilespmem:$0x1FFC0];
	[tilespmem:s21+$0x18780] =	vst v0  }
0x4b8: {  	s0 =	sadd.s32 $0x1, s0  }
0x4b9: {  	p0 =	sne.s32 s0, s9  }
.Ltmp8:
0x4ba: {  	_ = 	snop;
	(pc) =	sbr.rel @p0 .LBB2_1-.Ltmp8, $4  }
0x4bb: {  	[hbm4b:s8+s4] =	stream.linear.scatter [tilespmem:s31], [sflag:$0x3], $0x200, $0x38;
	[tilespmem:$0x18800] =	vst v63  }
0x4bc: {  	_ =	swait.ge [sflag:s10], $0x200  }
0x4bd: {  	[sflag:s10] =	ssyncset.done $0x0  }
0x4be: {  	[sflag:s10] =	ssyncadd.s32 $0xFFFFFE00  }
0x4bf: {  	_ =	sfence.sel $0x180000  }
0x4c0: {  	[bflag:$0x0] =	sbarrier.arrive $0xFFFF  }
0x4c1: {  	_ =	strace $0x90000047  }
0x4c2: {  	s0 =	stileid.u32;
	[bflag:$0x2] =	sbarrier.arrive $0xFFFF  }
0x4c3: {  	p0 =	sne.s32 s0, $0x0;
	s0 =	rddreg [dreg:$0x4]  }
0x4c4: {  	s0 =	sadd.s32 @!p0 $0x100000, s0  }
0x4c5: {  	[sflag:s0] =	ssyncadd.tile.s32 @!p0 $0x1;
	_ =	shalt  }
.Lfunc_end2:
_tile_overlayer_lowered:
.L_overlay_start_2:
0x4c6: {  	(tag) =	ssettag $0x2  }
0x4c7: {  	s0 =	rddreg [dreg:$0x0];
	s2 =	stileid.u32  }
0x4c8: {  	s1 =	rddreg [dreg:$0x1];
	p0 =	sne.s32 s2, $0x0  }
0x4c9: {  	s3 =	rddreg [dreg:$0x2];
	[bflag:$0x3] =	sbarrier.arrive $0xFFFF;
	s2 =	simm.s32 @!p0 $0x1C03  }
0x4ca: {  	[timem:s3], [sflag:s2] =	dma.local @!p0 [hbm:s0], s1  }
0x4cb: {  	s0 =	simm.s32 @!p0 $0x3  }
0x4cc: {  	_ =	swait.ge @!p0 [sflag:s0], s1  }
0x4cd: {  	s1 =	ssub.s32 @!p0 $0x0, s1;
	[sflag:s0] =	ssyncset.done @!p0 $0x0  }
0x4ce: {  	[sflag:s0] =	ssyncadd.s32 @!p0 s1  }
0x4cf: {  	[bflag:$0x3] =	sbarrier.arrive $0xFFFF  }
0x4d0: {  	_ =	shalt  }

</sc_bundles>
